<compile_context>
chip_gen: v7x
topology: tpu7x:2x2x1
jax: 0.10.2.dev20260603
libtpu: 0.0.44.dev20260713+nightly
codegen_flags: <defaults>
</compile_context>

<pallas_src>
import functools

import jax
import jax.numpy as jnp
from jax import lax
from jax.experimental import pallas as pl
from jax.experimental.pallas import tpu as pltpu
from jax.experimental.pallas import tpu_sc as plsc

B, L, V, D, C = 4096, 200, 100000, 128, 2


_BV = 20480
_N_BLOCKS = -(-V // _BV)


def _proj_body(emb_ref, w_ref, out0_ref, out1_ref):
    r = lax.dot_general(
        w_ref[...], emb_ref[...],
        dimension_numbers=(((1,), (1,)), ((), ())),
        preferred_element_type=jnp.float32,
    )
    out0_ref[...] = r[0]
    out1_ref[...] = r[1]


def _project(emb, W):
    return pl.pallas_call(
        _proj_body,
        grid=(_N_BLOCKS,),
        in_specs=[
            pl.BlockSpec((_BV, D), lambda i: (i, 0)),
            pl.BlockSpec((C, D), lambda i: (0, 0)),
        ],
        out_specs=[
            pl.BlockSpec((_BV,), lambda i: (i,)),
            pl.BlockSpec((_BV,), lambda i: (i,)),
        ],
        out_shape=[
            jax.ShapeDtypeStruct((V,), jnp.float32),
            jax.ShapeDtypeStruct((V,), jnp.float32),
        ],
    )(emb, W)



_LANES = 16
_ROWS_PER_SUB = B // 16
_GROUPS = _ROWS_PER_SUB // _LANES
_T_FULL = (L - 8) // _LANES


@functools.partial(
    pl.kernel,
    out_type=jax.ShapeDtypeStruct((C * B,), jnp.float32),
    mesh=plsc.VectorSubcoreMesh(core_axis_name="c", subcore_axis_name="s"),
    compiler_params=pltpu.CompilerParams(needs_layout_passes=False),
    scratch_types=[
        pltpu.VMEM((V,), jnp.float32),
        pltpu.VMEM((_LANES, L), jnp.int32),
        pltpu.VMEM((_LANES, L), jnp.int32),
        pltpu.VMEM((_ROWS_PER_SUB,), jnp.float32),
        pltpu.SemaphoreType.DMA,
        pltpu.SemaphoreType.DMA,
        pltpu.SemaphoreType.DMA,
    ],
)
def _gather_sum(p0_hbm, p1_hbm, x_hbm, z_hbm, p_v, x0_v, x1_v, z_v,
                psem, xsem0, xsem1):
    c = lax.axis_index("c")
    s = lax.axis_index("s")
    r0 = s * _ROWS_PER_SUB

    @pl.when(c == 0)
    def _():
        pltpu.async_copy(p0_hbm, p_v, psem)

    @pl.when(c == 1)
    def _():
        pltpu.async_copy(p1_hbm, p_v, psem)

    iota = lax.iota(jnp.int32, _LANES)
    tail_keep = jnp.where(iota < 8, 0.0, 1.0).astype(jnp.float32)

    def dma_group(g, buf, sem):
        return pltpu.async_copy(
            x_hbm.at[pl.ds(r0 + g * _LANES, _LANES), :], buf, sem)

    dma_group(0, x0_v, xsem0)
    dma_group(1, x1_v, xsem1)
    pltpu.make_async_copy(p0_hbm, p_v, psem).wait()

    def compute_group(g, xb):
        z_grp = jnp.zeros((_LANES,), jnp.float32)
        for r in range(_LANES):
            accs = [jnp.zeros((_LANES,), jnp.float32) for _ in range(4)]
            for t in range(_T_FULL):
                v = xb[r, pl.ds(t * _LANES, _LANES)]
                accs[t % 4] = accs[t % 4] + plsc.load_gather(p_v, [v])
            vtail = xb[r, pl.ds(L - _LANES, _LANES)]
            gt = plsc.load_gather(p_v, [vtail]) * tail_keep
            tot = (accs[0] + accs[1]) + (accs[2] + accs[3]) + gt
            s_vec = jnp.full((_LANES,), jnp.sum(tot), jnp.float32)
            z_grp = jnp.where(iota == r, s_vec, z_grp)
        plsc.store_scatter(z_v, [iota + g * _LANES], z_grp)

    def body(i, carry):
        g_even = i * 2
        pltpu.make_async_copy(
            x_hbm.at[pl.ds(r0 + g_even * _LANES, _LANES), :],
            x0_v, xsem0).wait()
        compute_group(g_even, x0_v)

        @pl.when(g_even + 2 < _GROUPS)
        def _():
            dma_group(g_even + 2, x0_v, xsem0)

        g_odd = g_even + 1
        pltpu.make_async_copy(
            x_hbm.at[pl.ds(r0 + g_odd * _LANES, _LANES), :],
            x1_v, xsem1).wait()
        compute_group(g_odd, x1_v)

        @pl.when(g_odd + 2 < _GROUPS)
        def _():
            dma_group(g_odd + 2, x1_v, xsem1)

        return carry

    lax.fori_loop(0, _GROUPS // 2, body, 0)
    pltpu.sync_copy(
        z_v, z_hbm.at[pl.ds(c * B + r0, _ROWS_PER_SUB)])



def _loss_body(z_ref, b_ref, out_ref):
    z0 = z_ref[pl.ds(0, B)] + b_ref[0]
    z1 = z_ref[pl.ds(B, B)] + b_ref[1]
    m = jnp.maximum(z0, z1)
    lse = m + jnp.log(jnp.exp(z0 - m) + jnp.exp(z1 - m))
    out_ref[0, 0] = jnp.sum(lse - z0) / B


def _loss(z1d, b):
    out = pl.pallas_call(
        _loss_body,
        in_specs=[
            pl.BlockSpec(memory_space=pltpu.VMEM),
            pl.BlockSpec(memory_space=pltpu.SMEM),
        ],
        out_specs=pl.BlockSpec(memory_space=pltpu.SMEM),
        out_shape=jax.ShapeDtypeStruct((1, 1), jnp.float32),
    )(z1d, b)
    return out[0, 0]



def kernel(x, emb, W, b):
    xi = x.astype(jnp.int32)
    p0, p1 = _project(emb, W)
    z1d = _gather_sum(p0, p1, xi)
    return _loss(z1d, b)

# --- scband reference (transcript-rebuilt; emitter-appended) ---
"""Pipeline reference for scband-mymodel-87978110091421 (READ-ONLY COPY).

The authoritative reference and input builder live on the scoring server;
editing this copy changes nothing except your own understanding.
"""

import jax, jax.numpy as jnp
import numpy as np

B, L, V, D, C = 4096, 200, 100000, 128, 2

def setup_inputs(seed: int = 0) -> dict:
    key = jax.random.key(seed)
    k1, k2, k3 = jax.random.split(key, 3)
    x = jax.random.randint(k1, (B, L), 0, V, dtype=jnp.int64)
    emb = jax.random.normal(k2, (V, D), dtype=jnp.float32)
    bound = 1.0 / np.sqrt(D)
    W = jax.random.uniform(k3, (C, D), minval=-bound, maxval=bound, dtype=jnp.float32)
    b = jnp.zeros((C,), dtype=jnp.float32)
    return {"x": x, "emb": emb, "W": W, "b": b}

def reference(x, emb, W, b):
    # embedding lookup (gather)
    emb_x = jnp.take(emb, x, axis=0)            # [B, L, D]
    # sum-pool over the sequence dim (dim=-2 in torch)
    pooled = jnp.sum(emb_x, axis=-2)            # [B, D]
    # linear
    out = pooled @ W.T + b                      # [B, C]
    # cross entropy vs class-0 targets (torch.tensor([0]) broadcast to batch)
    target = jnp.zeros((out.shape[0],), dtype=jnp.int32)
    logp = jax.nn.log_softmax(out, axis=-1)
    nll = -jnp.take_along_axis(logp, target[:, None], axis=-1)[:, 0]
    loss = jnp.mean(nll)
    return loss

if __name__ == "__main__":
    import jax
    _d = setup_inputs()
    print(jax.jit(kernel)(*tuple(_d.values())))

</pallas_src>

<mosaic_0001>
#map = affine_map<(d0, d1) -> (0)>
#map1 = affine_map<(d0, d1) -> (0, 0)>
module attributes {stable_mosaic.version = 14 : i64} {
  func.func @_gather_sum(%arg0: i32, %arg1: i32, %arg2: memref<100000xf32, #tpu.memory_space<hbm>>, %arg3: memref<100000xf32, #tpu.memory_space<hbm>>, %arg4: memref<4096x200xi32, #tpu.memory_space<hbm>>, %arg5: memref<8192xf32, #tpu.memory_space<hbm>>, %arg6: memref<100000xf32, #tpu.memory_space<vmem>>, %arg7: memref<16x200xi32, #tpu.memory_space<vmem>>, %arg8: memref<16x200xi32, #tpu.memory_space<vmem>>, %arg9: memref<256xf32, #tpu.memory_space<vmem>>, %arg10: memref<!tpu.dma_semaphore, #tpu.memory_space<semaphore_mem>>, %arg11: memref<!tpu.dma_semaphore, #tpu.memory_space<semaphore_mem>>, %arg12: memref<!tpu.dma_semaphore, #tpu.memory_space<semaphore_mem>>) attributes {dimension_semantics = [#tpu.dimension_semantics<core_parallel>, #tpu.dimension_semantics<subcore_parallel>], iteration_bounds = array<i64: 2, 16>, scalar_prefetch = 0 : i64, scratch_operands = 7 : i64, tpu.core_type = #tpu.core_type<sc_vector_subcore>, window_params = [{transform_indices = #map}, {transform_indices = #map}, {transform_indices = #map1}, {transform_indices = #map}]} {
    %mul3A = arith.constant 256 : i32
    %mul3A_0 = arith.muli %arg1, %mul3A : i32
    %eq3A = arith.constant 0 : i32
    %eq3A_1 = arith.cmpi eq, %arg0, %eq3A : i32
    %convert_element_type3A = arith.extui %eq3A_1 : i1 to i32
    %cond3A = arith.constant 0 : i32
    %cond3A_2 = arith.cmpi ne, %convert_element_type3A, %cond3A : i32
    scf.if %cond3A_2 {
      tpu.enqueue_dma source(%arg2 : memref<100000xf32, #tpu.memory_space<hbm>>) target(%arg6 : memref<100000xf32, #tpu.memory_space<vmem>>) target_semaphore(%arg10 : memref<!tpu.dma_semaphore, #tpu.memory_space<semaphore_mem>>)
    } else {
    }
    %eq3A_3 = arith.constant 1 : i32
    %eq3A_4 = arith.cmpi eq, %arg0, %eq3A_3 : i32
    %convert_element_type3A_5 = arith.extui %eq3A_4 : i1 to i32
    %cond3A_6 = arith.constant 0 : i32
    %cond3A_7 = arith.cmpi ne, %convert_element_type3A_5, %cond3A_6 : i32
    scf.if %cond3A_7 {
      tpu.enqueue_dma source(%arg3 : memref<100000xf32, #tpu.memory_space<hbm>>) target(%arg6 : memref<100000xf32, #tpu.memory_space<vmem>>) target_semaphore(%arg10 : memref<!tpu.dma_semaphore, #tpu.memory_space<semaphore_mem>>)
    } else {
    }
    %iota3A = tpu.iota {dimensions = array<i32: 0>} : vector<16xi32>
    %lt3A = arith.constant 8 : i32
    %lt3A_8 = vector.broadcast %lt3A : i32 to vector<16xi32>
    %lt3A_9 = arith.cmpi slt, %iota3A, %lt3A_8 : vector<16xi32>
    %jit3A = arith.constant 0.000000e+00 : f32
    %jit3A_10 = arith.constant 1.000000e+00 : f32
    %broadcast_in_dim3A = vector.broadcast %jit3A : f32 to vector<16xf32>
    %broadcast_in_dim3A_11 = vector.broadcast %jit3A_10 : f32 to vector<16xf32>
    %select_n3A = arith.select %lt3A_9, %broadcast_in_dim3A, %broadcast_in_dim3A_11 : vector<16xi1>, vector<16xf32>
    %add3A = arith.constant 0 : i32
    %add3A_12 = arith.addi %mul3A_0, %add3A : i32
    %dma_start3A = arith.constant 0 : i32
    %dma_start3A_13 = tpu.memref_slice %arg4[%add3A_12, %dma_start3A] : memref<4096x200xi32, #tpu.memory_space<hbm>> -> memref<16x200xi32, #tpu.memory_space<hbm>>
    %dma_start3A_14 = arith.constant 0 : i32
    %dma_start3A_15 = tpu.memref_slice %arg4[%add3A_12, %dma_start3A_14] : memref<4096x200xi32, #tpu.memory_space<hbm>> -> memref<16x200xi32, #tpu.memory_space<hbm>>
    tpu.enqueue_dma source(%dma_start3A_15 : memref<16x200xi32, #tpu.memory_space<hbm>>) target(%arg7 : memref<16x200xi32, #tpu.memory_space<vmem>>) target_semaphore(%arg11 : memref<!tpu.dma_semaphore, #tpu.memory_space<semaphore_mem>>)
    %add3A_16 = arith.constant 16 : i32
    %add3A_17 = arith.addi %mul3A_0, %add3A_16 : i32
    %dma_start3A_18 = arith.constant 0 : i32
    %dma_start3A_19 = tpu.memref_slice %arg4[%add3A_17, %dma_start3A_18] : memref<4096x200xi32, #tpu.memory_space<hbm>> -> memref<16x200xi32, #tpu.memory_space<hbm>>
    %dma_start3A_20 = arith.constant 0 : i32
    %dma_start3A_21 = tpu.memref_slice %arg4[%add3A_17, %dma_start3A_20] : memref<4096x200xi32, #tpu.memory_space<hbm>> -> memref<16x200xi32, #tpu.memory_space<hbm>>
    tpu.enqueue_dma source(%dma_start3A_21 : memref<16x200xi32, #tpu.memory_space<hbm>>) target(%arg8 : memref<16x200xi32, #tpu.memory_space<vmem>>) target_semaphore(%arg12 : memref<!tpu.dma_semaphore, #tpu.memory_space<semaphore_mem>>)
    tpu.wait_dma2 semaphore(%arg10 : memref<!tpu.dma_semaphore, #tpu.memory_space<semaphore_mem>>) src(%arg2 : memref<100000xf32, #tpu.memory_space<hbm>>) dst(%arg6 : memref<100000xf32, #tpu.memory_space<vmem>>)
    %scan3A = arith.constant 0 : i32
    %scan3A_22 = arith.constant 0 : i32
    %scan3A_23 = arith.constant 8 : i32
    %scan3A_24 = arith.addi %scan3A_22, %scan3A_23 : i32
    %scan3A_25 = arith.constant 1 : i32
    scf.for %scan3A_30 = %scan3A_22 to %scan3A_24 step %scan3A_25  : i32 {
      %mul3A_31 = arith.constant 2 : i32
      %mul3A_32 = arith.muli %scan3A_30, %mul3A_31 : i32
      %mul3A_33 = arith.constant 16 : i32
      %mul3A_34 = arith.muli %mul3A_32, %mul3A_33 : i32
      %add3A_35 = arith.addi %mul3A_0, %mul3A_34 : i32
      %dma_wait3A = arith.constant 0 : i32
      %dma_wait3A_36 = tpu.memref_slice %arg4[%add3A_35, %dma_wait3A] : memref<4096x200xi32, #tpu.memory_space<hbm>> -> memref<16x200xi32, #tpu.memory_space<hbm>>
      %dma_wait3A_37 = arith.constant 0 : i32
      %dma_wait3A_38 = tpu.memref_slice %arg4[%add3A_35, %dma_wait3A_37] : memref<4096x200xi32, #tpu.memory_space<hbm>> -> memref<16x200xi32, #tpu.memory_space<hbm>>
      tpu.wait_dma2 semaphore(%arg11 : memref<!tpu.dma_semaphore, #tpu.memory_space<semaphore_mem>>) src(%dma_wait3A_38 : memref<16x200xi32, #tpu.memory_space<hbm>>) dst(%arg7 : memref<16x200xi32, #tpu.memory_space<vmem>>)
      %broadcast_in_dim3A_39 = arith.constant 0.000000e+00 : f32
      %broadcast_in_dim3A_40 = vector.broadcast %broadcast_in_dim3A_39 : f32 to vector<16xf32>
      %broadcast_in_dim3A_41 = arith.constant 0.000000e+00 : f32
      %broadcast_in_dim3A_42 = vector.broadcast %broadcast_in_dim3A_41 : f32 to vector<16xf32>
      %broadcast_in_dim3A_43 = arith.constant 0.000000e+00 : f32
      %broadcast_in_dim3A_44 = vector.broadcast %broadcast_in_dim3A_43 : f32 to vector<16xf32>
      %broadcast_in_dim3A_45 = arith.constant 0.000000e+00 : f32
      %broadcast_in_dim3A_46 = vector.broadcast %broadcast_in_dim3A_45 : f32 to vector<16xf32>
      %broadcast_in_dim3A_47 = arith.constant 0.000000e+00 : f32
      %broadcast_in_dim3A_48 = vector.broadcast %broadcast_in_dim3A_47 : f32 to vector<16xf32>
      %get3A = arith.constant 0 : i32
      %get3A_49 = arith.index_cast %get3A : i32 to index
      %get3A_50 = arith.constant 0 : index
      %get3A_51 = tpu.vector_load %arg7[%get3A_49, %get3A_50] {strides = array<i32>} : memref<16x200xi32, #tpu.memory_space<vmem>>, vector<16xi32>,
      %gather3A = tpu.vector_load_idx %arg6[%get3A_51] : memref<100000xf32, #tpu.memory_space<vmem>>[vector<16xi32>], vector<16xf32>,
      %add3A_52 = arith.addf %broadcast_in_dim3A_42, %gather3A : vector<16xf32>
      %get3A_53 = arith.constant 0 : i32
      %get3A_54 = arith.index_cast %get3A_53 : i32 to index
      %get3A_55 = arith.constant 16 : index
      %get3A_56 = tpu.vector_load %arg7[%get3A_54, %get3A_55] {strides = array<i32>} : memref<16x200xi32, #tpu.memory_space<vmem>>, vector<16xi32>,
      %gather3A_57 = tpu.vector_load_idx %arg6[%get3A_56] : memref<100000xf32, #tpu.memory_space<vmem>>[vector<16xi32>], vector<16xf32>,
      %add3A_58 = arith.addf %broadcast_in_dim3A_44, %gather3A_57 : vector<16xf32>
      %get3A_59 = arith.constant 0 : i32
      %get3A_60 = arith.index_cast %get3A_59 : i32 to index
      %get3A_61 = arith.constant 32 : index
      %get3A_62 = tpu.vector_load %arg7[%get3A_60, %get3A_61] {strides = array<i32>} : memref<16x200xi32, #tpu.memory_space<vmem>>, vector<16xi32>,
      %gather3A_63 = tpu.vector_load_idx %arg6[%get3A_62] : memref<100000xf32, #tpu.memory_space<vmem>>[vector<16xi32>], vector<16xf32>,
      %add3A_64 = arith.addf %broadcast_in_dim3A_46, %gather3A_63 : vector<16xf32>
      %get3A_65 = arith.constant 0 : i32
      %get3A_66 = arith.index_cast %get3A_65 : i32 to index
      %get3A_67 = arith.constant 48 : index
      %get3A_68 = tpu.vector_load %arg7[%get3A_66, %get3A_67] {strides = array<i32>} : memref<16x200xi32, #tpu.memory_space<vmem>>, vector<16xi32>,
      %gather3A_69 = tpu.vector_load_idx %arg6[%get3A_68] : memref<100000xf32, #tpu.memory_space<vmem>>[vector<16xi32>], vector<16xf32>,
      %add3A_70 = arith.addf %broadcast_in_dim3A_48, %gather3A_69 : vector<16xf32>
      %get3A_71 = arith.constant 0 : i32
      %get3A_72 = arith.index_cast %get3A_71 : i32 to index
      %get3A_73 = arith.constant 64 : index
      %get3A_74 = tpu.vector_load %arg7[%get3A_72, %get3A_73] {strides = array<i32>} : memref<16x200xi32, #tpu.memory_space<vmem>>, vector<16xi32>,
      %gather3A_75 = tpu.vector_load_idx %arg6[%get3A_74] : memref<100000xf32, #tpu.memory_space<vmem>>[vector<16xi32>], vector<16xf32>,
      %add3A_76 = arith.addf %add3A_52, %gather3A_75 : vector<16xf32>
      %get3A_77 = arith.constant 0 : i32
      %get3A_78 = arith.index_cast %get3A_77 : i32 to index
      %get3A_79 = arith.constant 80 : index
      %get3A_80 = tpu.vector_load %arg7[%get3A_78, %get3A_79] {strides = array<i32>} : memref<16x200xi32, #tpu.memory_space<vmem>>, vector<16xi32>,
      %gather3A_81 = tpu.vector_load_idx %arg6[%get3A_80] : memref<100000xf32, #tpu.memory_space<vmem>>[vector<16xi32>], vector<16xf32>,
      %add3A_82 = arith.addf %add3A_58, %gather3A_81 : vector<16xf32>
      %get3A_83 = arith.constant 0 : i32
      %get3A_84 = arith.index_cast %get3A_83 : i32 to index
      %get3A_85 = arith.constant 96 : index
      %get3A_86 = tpu.vector_load %arg7[%get3A_84, %get3A_85] {strides = array<i32>} : memref<16x200xi32, #tpu.memory_space<vmem>>, vector<16xi32>,
      %gather3A_87 = tpu.vector_load_idx %arg6[%get3A_86] : memref<100000xf32, #tpu.memory_space<vmem>>[vector<16xi32>], vector<16xf32>,
      %add3A_88 = arith.addf %add3A_64, %gather3A_87 : vector<16xf32>
      %get3A_89 = arith.constant 0 : i32
      %get3A_90 = arith.index_cast %get3A_89 : i32 to index
      %get3A_91 = arith.constant 112 : index
      %get3A_92 = tpu.vector_load %arg7[%get3A_90, %get3A_91] {strides = array<i32>} : memref<16x200xi32, #tpu.memory_space<vmem>>, vector<16xi32>,
      %gather3A_93 = tpu.vector_load_idx %arg6[%get3A_92] : memref<100000xf32, #tpu.memory_space<vmem>>[vector<16xi32>], vector<16xf32>,
      %add3A_94 = arith.addf %add3A_70, %gather3A_93 : vector<16xf32>
      %get3A_95 = arith.constant 0 : i32
      %get3A_96 = arith.index_cast %get3A_95 : i32 to index
      %get3A_97 = arith.constant 128 : index
      %get3A_98 = tpu.vector_load %arg7[%get3A_96, %get3A_97] {strides = array<i32>} : memref<16x200xi32, #tpu.memory_space<vmem>>, vector<16xi32>,
      %gather3A_99 = tpu.vector_load_idx %arg6[%get3A_98] : memref<100000xf32, #tpu.memory_space<vmem>>[vector<16xi32>], vector<16xf32>,
      %add3A_100 = arith.addf %add3A_76, %gather3A_99 : vector<16xf32>
      %get3A_101 = arith.constant 0 : i32
      %get3A_102 = arith.index_cast %get3A_101 : i32 to index
      %get3A_103 = arith.constant 144 : index
      %get3A_104 = tpu.vector_load %arg7[%get3A_102, %get3A_103] {strides = array<i32>} : memref<16x200xi32, #tpu.memory_space<vmem>>, vector<16xi32>,
      %gather3A_105 = tpu.vector_load_idx %arg6[%get3A_104] : memref<100000xf32, #tpu.memory_space<vmem>>[vector<16xi32>], vector<16xf32>,
      %add3A_106 = arith.addf %add3A_82, %gather3A_105 : vector<16xf32>
      %get3A_107 = arith.constant 0 : i32
      %get3A_108 = arith.index_cast %get3A_107 : i32 to index
      %get3A_109 = arith.constant 160 : index
      %get3A_110 = tpu.vector_load %arg7[%get3A_108, %get3A_109] {strides = array<i32>} : memref<16x200xi32, #tpu.memory_space<vmem>>, vector<16xi32>,
      %gather3A_111 = tpu.vector_load_idx %arg6[%get3A_110] : memref<100000xf32, #tpu.memory_space<vmem>>[vector<16xi32>], vector<16xf32>,
      %add3A_112 = arith.addf %add3A_88, %gather3A_111 : vector<16xf32>
      %get3A_113 = arith.constant 0 : i32
      %get3A_114 = arith.index_cast %get3A_113 : i32 to index
      %get3A_115 = arith.constant 176 : index
      %get3A_116 = tpu.vector_load %arg7[%get3A_114, %get3A_115] {strides = array<i32>} : memref<16x200xi32, #tpu.memory_space<vmem>>, vector<16xi32>,
      %gather3A_117 = tpu.vector_load_idx %arg6[%get3A_116] : memref<100000xf32, #tpu.memory_space<vmem>>[vector<16xi32>], vector<16xf32>,
      %add3A_118 = arith.addf %add3A_94, %gather3A_117 : vector<16xf32>
      %get3A_119 = arith.constant 0 : i32
      %get3A_120 = arith.index_cast %get3A_119 : i32 to index
      %get3A_121 = arith.constant 184 : index
      %get3A_122 = tpu.vector_load %arg7[%get3A_120, %get3A_121] {strides = array<i32>} : memref<16x200xi32, #tpu.memory_space<vmem>>, vector<16xi32>,
      %gather3A_123 = tpu.vector_load_idx %arg6[%get3A_122] : memref<100000xf32, #tpu.memory_space<vmem>>[vector<16xi32>], vector<16xf32>,
      %mul3A_124 = arith.mulf %gather3A_123, %select_n3A : vector<16xf32>
      %add3A_125 = arith.addf %add3A_100, %add3A_106 : vector<16xf32>
      %add3A_126 = arith.addf %add3A_112, %add3A_118 : vector<16xf32>
      %add3A_127 = arith.addf %add3A_125, %add3A_126 : vector<16xf32>
      %add3A_128 = arith.addf %add3A_127, %mul3A_124 : vector<16xf32>
      %reduce_sum3A = arith.constant true
      %reduce_sum3A_129 = vector.broadcast %reduce_sum3A : i1 to vector<16xi1>
      %reduce_sum3A_130 = tpu.scan <sum>, %add3A_128 masked %reduce_sum3A_129 : vector<16xf32>, vector<16xi1> -> vector<16xf32>
      %reduce_sum3A_131 = vector.extract %reduce_sum3A_130[15] : f32 from vector<16xf32>
      %broadcast_in_dim3A_132 = vector.broadcast %reduce_sum3A_131 : f32 to vector<16xf32>
      %eq3A_133 = arith.constant 0 : i32
      %eq3A_134 = vector.broadcast %eq3A_133 : i32 to vector<16xi32>
      %eq3A_135 = arith.cmpi eq, %iota3A, %eq3A_134 : vector<16xi32>
      %select_n3A_136 = arith.select %eq3A_135, %broadcast_in_dim3A_132, %broadcast_in_dim3A_40 : vector<16xi1>, vector<16xf32>
      %broadcast_in_dim3A_137 = arith.constant 0.000000e+00 : f32
      %broadcast_in_dim3A_138 = vector.broadcast %broadcast_in_dim3A_137 : f32 to vector<16xf32>
      %broadcast_in_dim3A_139 = arith.constant 0.000000e+00 : f32
      %broadcast_in_dim3A_140 = vector.broadcast %broadcast_in_dim3A_139 : f32 to vector<16xf32>
      %broadcast_in_dim3A_141 = arith.constant 0.000000e+00 : f32
      %broadcast_in_dim3A_142 = vector.broadcast %broadcast_in_dim3A_141 : f32 to vector<16xf32>
      %broadcast_in_dim3A_143 = arith.constant 0.000000e+00 : f32
      %broadcast_in_dim3A_144 = vector.broadcast %broadcast_in_dim3A_143 : f32 to vector<16xf32>
      %get3A_145 = arith.constant 1 : i32
      %get3A_146 = arith.index_cast %get3A_145 : i32 to index
      %get3A_147 = arith.constant 0 : index
      %get3A_148 = tpu.vector_load %arg7[%get3A_146, %get3A_147] {strides = array<i32>} : memref<16x200xi32, #tpu.memory_space<vmem>>, vector<16xi32>,
      %gather3A_149 = tpu.vector_load_idx %arg6[%get3A_148] : memref<100000xf32, #tpu.memory_space<vmem>>[vector<16xi32>], vector<16xf32>,
      %add3A_150 = arith.addf %broadcast_in_dim3A_138, %gather3A_149 : vector<16xf32>
      %get3A_151 = arith.constant 1 : i32
      %get3A_152 = arith.index_cast %get3A_151 : i32 to index
      %get3A_153 = arith.constant 16 : index
      %get3A_154 = tpu.vector_load %arg7[%get3A_152, %get3A_153] {strides = array<i32>} : memref<16x200xi32, #tpu.memory_space<vmem>>, vector<16xi32>,
      %gather3A_155 = tpu.vector_load_idx %arg6[%get3A_154] : memref<100000xf32, #tpu.memory_space<vmem>>[vector<16xi32>], vector<16xf32>,
      %add3A_156 = arith.addf %broadcast_in_dim3A_140, %gather3A_155 : vector<16xf32>
      %get3A_157 = arith.constant 1 : i32
      %get3A_158 = arith.index_cast %get3A_157 : i32 to index
      %get3A_159 = arith.constant 32 : index
      %get3A_160 = tpu.vector_load %arg7[%get3A_158, %get3A_159] {strides = array<i32>} : memref<16x200xi32, #tpu.memory_space<vmem>>, vector<16xi32>,
      %gather3A_161 = tpu.vector_load_idx %arg6[%get3A_160] : memref<100000xf32, #tpu.memory_space<vmem>>[vector<16xi32>], vector<16xf32>,
      %add3A_162 = arith.addf %broadcast_in_dim3A_142, %gather3A_161 : vector<16xf32>
      %get3A_163 = arith.constant 1 : i32
      %get3A_164 = arith.index_cast %get3A_163 : i32 to index
      %get3A_165 = arith.constant 48 : index
      %get3A_166 = tpu.vector_load %arg7[%get3A_164, %get3A_165] {strides = array<i32>} : memref<16x200xi32, #tpu.memory_space<vmem>>, vector<16xi32>,
      %gather3A_167 = tpu.vector_load_idx %arg6[%get3A_166] : memref<100000xf32, #tpu.memory_space<vmem>>[vector<16xi32>], vector<16xf32>,
      %add3A_168 = arith.addf %broadcast_in_dim3A_144, %gather3A_167 : vector<16xf32>
      %get3A_169 = arith.constant 1 : i32
      %get3A_170 = arith.index_cast %get3A_169 : i32 to index
      %get3A_171 = arith.constant 64 : index
      %get3A_172 = tpu.vector_load %arg7[%get3A_170, %get3A_171] {strides = array<i32>} : memref<16x200xi32, #tpu.memory_space<vmem>>, vector<16xi32>,
      %gather3A_173 = tpu.vector_load_idx %arg6[%get3A_172] : memref<100000xf32, #tpu.memory_space<vmem>>[vector<16xi32>], vector<16xf32>,
      %add3A_174 = arith.addf %add3A_150, %gather3A_173 : vector<16xf32>
      %get3A_175 = arith.constant 1 : i32
      %get3A_176 = arith.index_cast %get3A_175 : i32 to index
      %get3A_177 = arith.constant 80 : index
      %get3A_178 = tpu.vector_load %arg7[%get3A_176, %get3A_177] {strides = array<i32>} : memref<16x200xi32, #tpu.memory_space<vmem>>, vector<16xi32>,
      %gather3A_179 = tpu.vector_load_idx %arg6[%get3A_178] : memref<100000xf32, #tpu.memory_space<vmem>>[vector<16xi32>], vector<16xf32>,
      %add3A_180 = arith.addf %add3A_156, %gather3A_179 : vector<16xf32>
      %get3A_181 = arith.constant 1 : i32
      %get3A_182 = arith.index_cast %get3A_181 : i32 to index
      %get3A_183 = arith.constant 96 : index
      %get3A_184 = tpu.vector_load %arg7[%get3A_182, %get3A_183] {strides = array<i32>} : memref<16x200xi32, #tpu.memory_space<vmem>>, vector<16xi32>,
      %gather3A_185 = tpu.vector_load_idx %arg6[%get3A_184] : memref<100000xf32, #tpu.memory_space<vmem>>[vector<16xi32>], vector<16xf32>,
      %add3A_186 = arith.addf %add3A_162, %gather3A_185 : vector<16xf32>
      %get3A_187 = arith.constant 1 : i32
      %get3A_188 = arith.index_cast %get3A_187 : i32 to index
      %get3A_189 = arith.constant 112 : index
      %get3A_190 = tpu.vector_load %arg7[%get3A_188, %get3A_189] {strides = array<i32>} : memref<16x200xi32, #tpu.memory_space<vmem>>, vector<16xi32>,
      %gather3A_191 = tpu.vector_load_idx %arg6[%get3A_190] : memref<100000xf32, #tpu.memory_space<vmem>>[vector<16xi32>], vector<16xf32>,
      %add3A_192 = arith.addf %add3A_168, %gather3A_191 : vector<16xf32>
      %get3A_193 = arith.constant 1 : i32
      %get3A_194 = arith.index_cast %get3A_193 : i32 to index
      %get3A_195 = arith.constant 128 : index
      %get3A_196 = tpu.vector_load %arg7[%get3A_194, %get3A_195] {strides = array<i32>} : memref<16x200xi32, #tpu.memory_space<vmem>>, vector<16xi32>,
      %gather3A_197 = tpu.vector_load_idx %arg6[%get3A_196] : memref<100000xf32, #tpu.memory_space<vmem>>[vector<16xi32>], vector<16xf32>,
      %add3A_198 = arith.addf %add3A_174, %gather3A_197 : vector<16xf32>
      %get3A_199 = arith.constant 1 : i32
      %get3A_200 = arith.index_cast %get3A_199 : i32 to index
      %get3A_201 = arith.constant 144 : index
      %get3A_202 = tpu.vector_load %arg7[%get3A_200, %get3A_201] {strides = array<i32>} : memref<16x200xi32, #tpu.memory_space<vmem>>, vector<16xi32>,
      %gather3A_203 = tpu.vector_load_idx %arg6[%get3A_202] : memref<100000xf32, #tpu.memory_space<vmem>>[vector<16xi32>], vector<16xf32>,
      %add3A_204 = arith.addf %add3A_180, %gather3A_203 : vector<16xf32>
      %get3A_205 = arith.constant 1 : i32
      %get3A_206 = arith.index_cast %get3A_205 : i32 to index
      %get3A_207 = arith.constant 160 : index
      %get3A_208 = tpu.vector_load %arg7[%get3A_206, %get3A_207] {strides = array<i32>} : memref<16x200xi32, #tpu.memory_space<vmem>>, vector<16xi32>,
      %gather3A_209 = tpu.vector_load_idx %arg6[%get3A_208] : memref<100000xf32, #tpu.memory_space<vmem>>[vector<16xi32>], vector<16xf32>,
      %add3A_210 = arith.addf %add3A_186, %gather3A_209 : vector<16xf32>
      %get3A_211 = arith.constant 1 : i32
      %get3A_212 = arith.index_cast %get3A_211 : i32 to index
      %get3A_213 = arith.constant 176 : index
      %get3A_214 = tpu.vector_load %arg7[%get3A_212, %get3A_213] {strides = array<i32>} : memref<16x200xi32, #tpu.memory_space<vmem>>, vector<16xi32>,
      %gather3A_215 = tpu.vector_load_idx %arg6[%get3A_214] : memref<100000xf32, #tpu.memory_space<vmem>>[vector<16xi32>], vector<16xf32>,
      %add3A_216 = arith.addf %add3A_192, %gather3A_215 : vector<16xf32>
      %get3A_217 = arith.constant 1 : i32
      %get3A_218 = arith.index_cast %get3A_217 : i32 to index
      %get3A_219 = arith.constant 184 : index
      %get3A_220 = tpu.vector_load %arg7[%get3A_218, %get3A_219] {strides = array<i32>} : memref<16x200xi32, #tpu.memory_space<vmem>>, vector<16xi32>,
      %gather3A_221 = tpu.vector_load_idx %arg6[%get3A_220] : memref<100000xf32, #tpu.memory_space<vmem>>[vector<16xi32>], vector<16xf32>,
      %mul3A_222 = arith.mulf %gather3A_221, %select_n3A : vector<16xf32>
      %add3A_223 = arith.addf %add3A_198, %add3A_204 : vector<16xf32>
      %add3A_224 = arith.addf %add3A_210, %add3A_216 : vector<16xf32>
      %add3A_225 = arith.addf %add3A_223, %add3A_224 : vector<16xf32>
      %add3A_226 = arith.addf %add3A_225, %mul3A_222 : vector<16xf32>
      %reduce_sum3A_227 = arith.constant true
      %reduce_sum3A_228 = vector.broadcast %reduce_sum3A_227 : i1 to vector<16xi1>
      %reduce_sum3A_229 = tpu.scan <sum>, %add3A_226 masked %reduce_sum3A_228 : vector<16xf32>, vector<16xi1> -> vector<16xf32>
      %reduce_sum3A_230 = vector.extract %reduce_sum3A_229[15] : f32 from vector<16xf32>
      %broadcast_in_dim3A_231 = vector.broadcast %reduce_sum3A_230 : f32 to vector<16xf32>
      %eq3A_232 = arith.constant 1 : i32
      %eq3A_233 = vector.broadcast %eq3A_232 : i32 to vector<16xi32>
      %eq3A_234 = arith.cmpi eq, %iota3A, %eq3A_233 : vector<16xi32>
      %select_n3A_235 = arith.select %eq3A_234, %broadcast_in_dim3A_231, %select_n3A_136 : vector<16xi1>, vector<16xf32>
      %broadcast_in_dim3A_236 = arith.constant 0.000000e+00 : f32
      %broadcast_in_dim3A_237 = vector.broadcast %broadcast_in_dim3A_236 : f32 to vector<16xf32>
      %broadcast_in_dim3A_238 = arith.constant 0.000000e+00 : f32
      %broadcast_in_dim3A_239 = vector.broadcast %broadcast_in_dim3A_238 : f32 to vector<16xf32>
      %broadcast_in_dim3A_240 = arith.constant 0.000000e+00 : f32
      %broadcast_in_dim3A_241 = vector.broadcast %broadcast_in_dim3A_240 : f32 to vector<16xf32>
      %broadcast_in_dim3A_242 = arith.constant 0.000000e+00 : f32
      %broadcast_in_dim3A_243 = vector.broadcast %broadcast_in_dim3A_242 : f32 to vector<16xf32>
      %get3A_244 = arith.constant 2 : i32
      %get3A_245 = arith.index_cast %get3A_244 : i32 to index
      %get3A_246 = arith.constant 0 : index
      %get3A_247 = tpu.vector_load %arg7[%get3A_245, %get3A_246] {strides = array<i32>} : memref<16x200xi32, #tpu.memory_space<vmem>>, vector<16xi32>,
      %gather3A_248 = tpu.vector_load_idx %arg6[%get3A_247] : memref<100000xf32, #tpu.memory_space<vmem>>[vector<16xi32>], vector<16xf32>,
      %add3A_249 = arith.addf %broadcast_in_dim3A_237, %gather3A_248 : vector<16xf32>
      %get3A_250 = arith.constant 2 : i32
      %get3A_251 = arith.index_cast %get3A_250 : i32 to index
      %get3A_252 = arith.constant 16 : index
      %get3A_253 = tpu.vector_load %arg7[%get3A_251, %get3A_252] {strides = array<i32>} : memref<16x200xi32, #tpu.memory_space<vmem>>, vector<16xi32>,
      %gather3A_254 = tpu.vector_load_idx %arg6[%get3A_253] : memref<100000xf32, #tpu.memory_space<vmem>>[vector<16xi32>], vector<16xf32>,
      %add3A_255 = arith.addf %broadcast_in_dim3A_239, %gather3A_254 : vector<16xf32>
      %get3A_256 = arith.constant 2 : i32
      %get3A_257 = arith.index_cast %get3A_256 : i32 to index
      %get3A_258 = arith.constant 32 : index
      %get3A_259 = tpu.vector_load %arg7[%get3A_257, %get3A_258] {strides = array<i32>} : memref<16x200xi32, #tpu.memory_space<vmem>>, vector<16xi32>,
      %gather3A_260 = tpu.vector_load_idx %arg6[%get3A_259] : memref<100000xf32, #tpu.memory_space<vmem>>[vector<16xi32>], vector<16xf32>,
      %add3A_261 = arith.addf %broadcast_in_dim3A_241, %gather3A_260 : vector<16xf32>
      %get3A_262 = arith.constant 2 : i32
      %get3A_263 = arith.index_cast %get3A_262 : i32 to index
      %get3A_264 = arith.constant 48 : index
      %get3A_265 = tpu.vector_load %arg7[%get3A_263, %get3A_264] {strides = array<i32>} : memref<16x200xi32, #tpu.memory_space<vmem>>, vector<16xi32>,
      %gather3A_266 = tpu.vector_load_idx %arg6[%get3A_265] : memref<100000xf32, #tpu.memory_space<vmem>>[vector<16xi32>], vector<16xf32>,
      %add3A_267 = arith.addf %broadcast_in_dim3A_243, %gather3A_266 : vector<16xf32>
      %get3A_268 = arith.constant 2 : i32
      %get3A_269 = arith.index_cast %get3A_268 : i32 to index
      %get3A_270 = arith.constant 64 : index
      %get3A_271 = tpu.vector_load %arg7[%get3A_269, %get3A_270] {strides = array<i32>} : memref<16x200xi32, #tpu.memory_space<vmem>>, vector<16xi32>,
      %gather3A_272 = tpu.vector_load_idx %arg6[%get3A_271] : memref<100000xf32, #tpu.memory_space<vmem>>[vector<16xi32>], vector<16xf32>,
      %add3A_273 = arith.addf %add3A_249, %gather3A_272 : vector<16xf32>
      %get3A_274 = arith.constant 2 : i32
      %get3A_275 = arith.index_cast %get3A_274 : i32 to index
      %get3A_276 = arith.constant 80 : index
      %get3A_277 = tpu.vector_load %arg7[%get3A_275, %get3A_276] {strides = array<i32>} : memref<16x200xi32, #tpu.memory_space<vmem>>, vector<16xi32>,
      %gather3A_278 = tpu.vector_load_idx %arg6[%get3A_277] : memref<100000xf32, #tpu.memory_space<vmem>>[vector<16xi32>], vector<16xf32>,
      %add3A_279 = arith.addf %add3A_255, %gather3A_278 : vector<16xf32>
      %get3A_280 = arith.constant 2 : i32
      %get3A_281 = arith.index_cast %get3A_280 : i32 to index
      %get3A_282 = arith.constant 96 : index
      %get3A_283 = tpu.vector_load %arg7[%get3A_281, %get3A_282] {strides = array<i32>} : memref<16x200xi32, #tpu.memory_space<vmem>>, vector<16xi32>,
      %gather3A_284 = tpu.vector_load_idx %arg6[%get3A_283] : memref<100000xf32, #tpu.memory_space<vmem>>[vector<16xi32>], vector<16xf32>,
      %add3A_285 = arith.addf %add3A_261, %gather3A_284 : vector<16xf32>
      %get3A_286 = arith.constant 2 : i32
      %get3A_287 = arith.index_cast %get3A_286 : i32 to index
      %get3A_288 = arith.constant 112 : index
      %get3A_289 = tpu.vector_load %arg7[%get3A_287, %get3A_288] {strides = array<i32>} : memref<16x200xi32, #tpu.memory_space<vmem>>, vector<16xi32>,
      %gather3A_290 = tpu.vector_load_idx %arg6[%get3A_289] : memref<100000xf32, #tpu.memory_space<vmem>>[vector<16xi32>], vector<16xf32>,
      %add3A_291 = arith.addf %add3A_267, %gather3A_290 : vector<16xf32>
      %get3A_292 = arith.constant 2 : i32
      %get3A_293 = arith.index_cast %get3A_292 : i32 to index
      %get3A_294 = arith.constant 128 : index
      %get3A_295 = tpu.vector_load %arg7[%get3A_293, %get3A_294] {strides = array<i32>} : memref<16x200xi32, #tpu.memory_space<vmem>>, vector<16xi32>,
      %gather3A_296 = tpu.vector_load_idx %arg6[%get3A_295] : memref<100000xf32, #tpu.memory_space<vmem>>[vector<16xi32>], vector<16xf32>,
      %add3A_297 = arith.addf %add3A_273, %gather3A_296 : vector<16xf32>
      %get3A_298 = arith.constant 2 : i32
      %get3A_299 = arith.index_cast %get3A_298 : i32 to index
      %get3A_300 = arith.constant 144 : index
      %get3A_301 = tpu.vector_load %arg7[%get3A_299, %get3A_300] {strides = array<i32>} : memref<16x200xi32, #tpu.memory_space<vmem>>, vector<16xi32>,
      %gather3A_302 = tpu.vector_load_idx %arg6[%get3A_301] : memref<100000xf32, #tpu.memory_space<vmem>>[vector<16xi32>], vector<16xf32>,
      %add3A_303 = arith.addf %add3A_279, %gather3A_302 : vector<16xf32>
      %get3A_304 = arith.constant 2 : i32
      %get3A_305 = arith.index_cast %get3A_304 : i32 to index
      %get3A_306 = arith.constant 160 : index
      %get3A_307 = tpu.vector_load %arg7[%get3A_305, %get3A_306] {strides = array<i32>} : memref<16x200xi32, #tpu.memory_space<vmem>>, vector<16xi32>,
      %gather3A_308 = tpu.vector_load_idx %arg6[%get3A_307] : memref<100000xf32, #tpu.memory_space<vmem>>[vector<16xi32>], vector<16xf32>,
      %add3A_309 = arith.addf %add3A_285, %gather3A_308 : vector<16xf32>
      %get3A_310 = arith.constant 2 : i32
      %get3A_311 = arith.index_cast %get3A_310 : i32 to index
      %get3A_312 = arith.constant 176 : index
      %get3A_313 = tpu.vector_load %arg7[%get3A_311, %get3A_312] {strides = array<i32>} : memref<16x200xi32, #tpu.memory_space<vmem>>, vector<16xi32>,
      %gather3A_314 = tpu.vector_load_idx %arg6[%get3A_313] : memref<100000xf32, #tpu.memory_space<vmem>>[vector<16xi32>], vector<16xf32>,
      %add3A_315 = arith.addf %add3A_291, %gather3A_314 : vector<16xf32>
      %get3A_316 = arith.constant 2 : i32
      %get3A_317 = arith.index_cast %get3A_316 : i32 to index
      %get3A_318 = arith.constant 184 : index
      %get3A_319 = tpu.vector_load %arg7[%get3A_317, %get3A_318] {strides = array<i32>} : memref<16x200xi32, #tpu.memory_space<vmem>>, vector<16xi32>,
      %gather3A_320 = tpu.vector_load_idx %arg6[%get3A_319] : memref<100000xf32, #tpu.memory_space<vmem>>[vector<16xi32>], vector<16xf32>,
      %mul3A_321 = arith.mulf %gather3A_320, %select_n3A : vector<16xf32>
      %add3A_322 = arith.addf %add3A_297, %add3A_303 : vector<16xf32>
      %add3A_323 = arith.addf %add3A_309, %add3A_315 : vector<16xf32>
      %add3A_324 = arith.addf %add3A_322, %add3A_323 : vector<16xf32>
      %add3A_325 = arith.addf %add3A_324, %mul3A_321 : vector<16xf32>
      %reduce_sum3A_326 = arith.constant true
      %reduce_sum3A_327 = vector.broadcast %reduce_sum3A_326 : i1 to vector<16xi1>
      %reduce_sum3A_328 = tpu.scan <sum>, %add3A_325 masked %reduce_sum3A_327 : vector<16xf32>, vector<16xi1> -> vector<16xf32>
      %reduce_sum3A_329 = vector.extract %reduce_sum3A_328[15] : f32 from vector<16xf32>
      %broadcast_in_dim3A_330 = vector.broadcast %reduce_sum3A_329 : f32 to vector<16xf32>
      %eq3A_331 = arith.constant 2 : i32
      %eq3A_332 = vector.broadcast %eq3A_331 : i32 to vector<16xi32>
      %eq3A_333 = arith.cmpi eq, %iota3A, %eq3A_332 : vector<16xi32>
      %select_n3A_334 = arith.select %eq3A_333, %broadcast_in_dim3A_330, %select_n3A_235 : vector<16xi1>, vector<16xf32>
      %broadcast_in_dim3A_335 = arith.constant 0.000000e+00 : f32
      %broadcast_in_dim3A_336 = vector.broadcast %broadcast_in_dim3A_335 : f32 to vector<16xf32>
      %broadcast_in_dim3A_337 = arith.constant 0.000000e+00 : f32
      %broadcast_in_dim3A_338 = vector.broadcast %broadcast_in_dim3A_337 : f32 to vector<16xf32>
      %broadcast_in_dim3A_339 = arith.constant 0.000000e+00 : f32
      %broadcast_in_dim3A_340 = vector.broadcast %broadcast_in_dim3A_339 : f32 to vector<16xf32>
      %broadcast_in_dim3A_341 = arith.constant 0.000000e+00 : f32
      %broadcast_in_dim3A_342 = vector.broadcast %broadcast_in_dim3A_341 : f32 to vector<16xf32>
      %get3A_343 = arith.constant 3 : i32
      %get3A_344 = arith.index_cast %get3A_343 : i32 to index
      %get3A_345 = arith.constant 0 : index
      %get3A_346 = tpu.vector_load %arg7[%get3A_344, %get3A_345] {strides = array<i32>} : memref<16x200xi32, #tpu.memory_space<vmem>>, vector<16xi32>,
      %gather3A_347 = tpu.vector_load_idx %arg6[%get3A_346] : memref<100000xf32, #tpu.memory_space<vmem>>[vector<16xi32>], vector<16xf32>,
      %add3A_348 = arith.addf %broadcast_in_dim3A_336, %gather3A_347 : vector<16xf32>
      %get3A_349 = arith.constant 3 : i32
      %get3A_350 = arith.index_cast %get3A_349 : i32 to index
      %get3A_351 = arith.constant 16 : index
      %get3A_352 = tpu.vector_load %arg7[%get3A_350, %get3A_351] {strides = array<i32>} : memref<16x200xi32, #tpu.memory_space<vmem>>, vector<16xi32>,
      %gather3A_353 = tpu.vector_load_idx %arg6[%get3A_352] : memref<100000xf32, #tpu.memory_space<vmem>>[vector<16xi32>], vector<16xf32>,
      %add3A_354 = arith.addf %broadcast_in_dim3A_338, %gather3A_353 : vector<16xf32>
      %get3A_355 = arith.constant 3 : i32
      %get3A_356 = arith.index_cast %get3A_355 : i32 to index
      %get3A_357 = arith.constant 32 : index
      %get3A_358 = tpu.vector_load %arg7[%get3A_356, %get3A_357] {strides = array<i32>} : memref<16x200xi32, #tpu.memory_space<vmem>>, vector<16xi32>,
      %gather3A_359 = tpu.vector_load_idx %arg6[%get3A_358] : memref<100000xf32, #tpu.memory_space<vmem>>[vector<16xi32>], vector<16xf32>,
      %add3A_360 = arith.addf %broadcast_in_dim3A_340, %gather3A_359 : vector<16xf32>
      %get3A_361 = arith.constant 3 : i32
      %get3A_362 = arith.index_cast %get3A_361 : i32 to index
      %get3A_363 = arith.constant 48 : index
      %get3A_364 = tpu.vector_load %arg7[%get3A_362, %get3A_363] {strides = array<i32>} : memref<16x200xi32, #tpu.memory_space<vmem>>, vector<16xi32>,
      %gather3A_365 = tpu.vector_load_idx %arg6[%get3A_364] : memref<100000xf32, #tpu.memory_space<vmem>>[vector<16xi32>], vector<16xf32>,
      %add3A_366 = arith.addf %broadcast_in_dim3A_342, %gather3A_365 : vector<16xf32>
      %get3A_367 = arith.constant 3 : i32
      %get3A_368 = arith.index_cast %get3A_367 : i32 to index
      %get3A_369 = arith.constant 64 : index
      %get3A_370 = tpu.vector_load %arg7[%get3A_368, %get3A_369] {strides = array<i32>} : memref<16x200xi32, #tpu.memory_space<vmem>>, vector<16xi32>,
      %gather3A_371 = tpu.vector_load_idx %arg6[%get3A_370] : memref<100000xf32, #tpu.memory_space<vmem>>[vector<16xi32>], vector<16xf32>,
      %add3A_372 = arith.addf %add3A_348, %gather3A_371 : vector<16xf32>
      %get3A_373 = arith.constant 3 : i32
      %get3A_374 = arith.index_cast %get3A_373 : i32 to index
      %get3A_375 = arith.constant 80 : index
      %get3A_376 = tpu.vector_load %arg7[%get3A_374, %get3A_375] {strides = array<i32>} : memref<16x200xi32, #tpu.memory_space<vmem>>, vector<16xi32>,
      %gather3A_377 = tpu.vector_load_idx %arg6[%get3A_376] : memref<100000xf32, #tpu.memory_space<vmem>>[vector<16xi32>], vector<16xf32>,
      %add3A_378 = arith.addf %add3A_354, %gather3A_377 : vector<16xf32>
      %get3A_379 = arith.constant 3 : i32
      %get3A_380 = arith.index_cast %get3A_379 : i32 to index
      %get3A_381 = arith.constant 96 : index
      %get3A_382 = tpu.vector_load %arg7[%get3A_380, %get3A_381] {strides = array<i32>} : memref<16x200xi32, #tpu.memory_space<vmem>>, vector<16xi32>,
      %gather3A_383 = tpu.vector_load_idx %arg6[%get3A_382] : memref<100000xf32, #tpu.memory_space<vmem>>[vector<16xi32>], vector<16xf32>,
      %add3A_384 = arith.addf %add3A_360, %gather3A_383 : vector<16xf32>
      %get3A_385 = arith.constant 3 : i32
      %get3A_386 = arith.index_cast %get3A_385 : i32 to index
      %get3A_387 = arith.constant 112 : index
      %get3A_388 = tpu.vector_load %arg7[%get3A_386, %get3A_387] {strides = array<i32>} : memref<16x200xi32, #tpu.memory_space<vmem>>, vector<16xi32>,
      %gather3A_389 = tpu.vector_load_idx %arg6[%get3A_388] : memref<100000xf32, #tpu.memory_space<vmem>>[vector<16xi32>], vector<16xf32>,
      %add3A_390 = arith.addf %add3A_366, %gather3A_389 : vector<16xf32>
      %get3A_391 = arith.constant 3 : i32
      %get3A_392 = arith.index_cast %get3A_391 : i32 to index
      %get3A_393 = arith.constant 128 : index
      %get3A_394 = tpu.vector_load %arg7[%get3A_392, %get3A_393] {strides = array<i32>} : memref<16x200xi32, #tpu.memory_space<vmem>>, vector<16xi32>,
      %gather3A_395 = tpu.vector_load_idx %arg6[%get3A_394] : memref<100000xf32, #tpu.memory_space<vmem>>[vector<16xi32>], vector<16xf32>,
      %add3A_396 = arith.addf %add3A_372, %gather3A_395 : vector<16xf32>
      %get3A_397 = arith.constant 3 : i32
      %get3A_398 = arith.index_cast %get3A_397 : i32 to index
      %get3A_399 = arith.constant 144 : index
      %get3A_400 = tpu.vector_load %arg7[%get3A_398, %get3A_399] {strides = array<i32>} : memref<16x200xi32, #tpu.memory_space<vmem>>, vector<16xi32>,
      %gather3A_401 = tpu.vector_load_idx %arg6[%get3A_400] : memref<100000xf32, #tpu.memory_space<vmem>>[vector<16xi32>], vector<16xf32>,
      %add3A_402 = arith.addf %add3A_378, %gather3A_401 : vector<16xf32>
      %get3A_403 = arith.constant 3 : i32
      %get3A_404 = arith.index_cast %get3A_403 : i32 to index
      %get3A_405 = arith.constant 160 : index
      %get3A_406 = tpu.vector_load %arg7[%get3A_404, %get3A_405] {strides = array<i32>} : memref<16x200xi32, #tpu.memory_space<vmem>>, vector<16xi32>,
      %gather3A_407 = tpu.vector_load_idx %arg6[%get3A_406] : memref<100000xf32, #tpu.memory_space<vmem>>[vector<16xi32>], vector<16xf32>,
      %add3A_408 = arith.addf %add3A_384, %gather3A_407 : vector<16xf32>
      %get3A_409 = arith.constant 3 : i32
      %get3A_410 = arith.index_cast %get3A_409 : i32 to index
      %get3A_411 = arith.constant 176 : index
      %get3A_412 = tpu.vector_load %arg7[%get3A_410, %get3A_411] {strides = array<i32>} : memref<16x200xi32, #tpu.memory_space<vmem>>, vector<16xi32>,
      %gather3A_413 = tpu.vector_load_idx %arg6[%get3A_412] : memref<100000xf32, #tpu.memory_space<vmem>>[vector<16xi32>], vector<16xf32>,
      %add3A_414 = arith.addf %add3A_390, %gather3A_413 : vector<16xf32>
      %get3A_415 = arith.constant 3 : i32
      %get3A_416 = arith.index_cast %get3A_415 : i32 to index
      %get3A_417 = arith.constant 184 : index
      %get3A_418 = tpu.vector_load %arg7[%get3A_416, %get3A_417] {strides = array<i32>} : memref<16x200xi32, #tpu.memory_space<vmem>>, vector<16xi32>,
      %gather3A_419 = tpu.vector_load_idx %arg6[%get3A_418] : memref<100000xf32, #tpu.memory_space<vmem>>[vector<16xi32>], vector<16xf32>,
      %mul3A_420 = arith.mulf %gather3A_419, %select_n3A : vector<16xf32>
      %add3A_421 = arith.addf %add3A_396, %add3A_402 : vector<16xf32>
      %add3A_422 = arith.addf %add3A_408, %add3A_414 : vector<16xf32>
      %add3A_423 = arith.addf %add3A_421, %add3A_422 : vector<16xf32>
      %add3A_424 = arith.addf %add3A_423, %mul3A_420 : vector<16xf32>
      %reduce_sum3A_425 = arith.constant true
      %reduce_sum3A_426 = vector.broadcast %reduce_sum3A_425 : i1 to vector<16xi1>
      %reduce_sum3A_427 = tpu.scan <sum>, %add3A_424 masked %reduce_sum3A_426 : vector<16xf32>, vector<16xi1> -> vector<16xf32>
      %reduce_sum3A_428 = vector.extract %reduce_sum3A_427[15] : f32 from vector<16xf32>
      %broadcast_in_dim3A_429 = vector.broadcast %reduce_sum3A_428 : f32 to vector<16xf32>
      %eq3A_430 = arith.constant 3 : i32
      %eq3A_431 = vector.broadcast %eq3A_430 : i32 to vector<16xi32>
      %eq3A_432 = arith.cmpi eq, %iota3A, %eq3A_431 : vector<16xi32>
      %select_n3A_433 = arith.select %eq3A_432, %broadcast_in_dim3A_429, %select_n3A_334 : vector<16xi1>, vector<16xf32>
      %broadcast_in_dim3A_434 = arith.constant 0.000000e+00 : f32
      %broadcast_in_dim3A_435 = vector.broadcast %broadcast_in_dim3A_434 : f32 to vector<16xf32>
      %broadcast_in_dim3A_436 = arith.constant 0.000000e+00 : f32
      %broadcast_in_dim3A_437 = vector.broadcast %broadcast_in_dim3A_436 : f32 to vector<16xf32>
      %broadcast_in_dim3A_438 = arith.constant 0.000000e+00 : f32
      %broadcast_in_dim3A_439 = vector.broadcast %broadcast_in_dim3A_438 : f32 to vector<16xf32>
      %broadcast_in_dim3A_440 = arith.constant 0.000000e+00 : f32
      %broadcast_in_dim3A_441 = vector.broadcast %broadcast_in_dim3A_440 : f32 to vector<16xf32>
      %get3A_442 = arith.constant 4 : i32
      %get3A_443 = arith.index_cast %get3A_442 : i32 to index
      %get3A_444 = arith.constant 0 : index
      %get3A_445 = tpu.vector_load %arg7[%get3A_443, %get3A_444] {strides = array<i32>} : memref<16x200xi32, #tpu.memory_space<vmem>>, vector<16xi32>,
      %gather3A_446 = tpu.vector_load_idx %arg6[%get3A_445] : memref<100000xf32, #tpu.memory_space<vmem>>[vector<16xi32>], vector<16xf32>,
      %add3A_447 = arith.addf %broadcast_in_dim3A_435, %gather3A_446 : vector<16xf32>
      %get3A_448 = arith.constant 4 : i32
      %get3A_449 = arith.index_cast %get3A_448 : i32 to index
      %get3A_450 = arith.constant 16 : index
      %get3A_451 = tpu.vector_load %arg7[%get3A_449, %get3A_450] {strides = array<i32>} : memref<16x200xi32, #tpu.memory_space<vmem>>, vector<16xi32>,
      %gather3A_452 = tpu.vector_load_idx %arg6[%get3A_451] : memref<100000xf32, #tpu.memory_space<vmem>>[vector<16xi32>], vector<16xf32>,
      %add3A_453 = arith.addf %broadcast_in_dim3A_437, %gather3A_452 : vector<16xf32>
      %get3A_454 = arith.constant 4 : i32
      %get3A_455 = arith.index_cast %get3A_454 : i32 to index
      %get3A_456 = arith.constant 32 : index
      %get3A_457 = tpu.vector_load %arg7[%get3A_455, %get3A_456] {strides = array<i32>} : memref<16x200xi32, #tpu.memory_space<vmem>>, vector<16xi32>,
      %gather3A_458 = tpu.vector_load_idx %arg6[%get3A_457] : memref<100000xf32, #tpu.memory_space<vmem>>[vector<16xi32>], vector<16xf32>,
      %add3A_459 = arith.addf %broadcast_in_dim3A_439, %gather3A_458 : vector<16xf32>
      %get3A_460 = arith.constant 4 : i32
      %get3A_461 = arith.index_cast %get3A_460 : i32 to index
      %get3A_462 = arith.constant 48 : index
      %get3A_463 = tpu.vector_load %arg7[%get3A_461, %get3A_462] {strides = array<i32>} : memref<16x200xi32, #tpu.memory_space<vmem>>, vector<16xi32>,
      %gather3A_464 = tpu.vector_load_idx %arg6[%get3A_463] : memref<100000xf32, #tpu.memory_space<vmem>>[vector<16xi32>], vector<16xf32>,
      %add3A_465 = arith.addf %broadcast_in_dim3A_441, %gather3A_464 : vector<16xf32>
      %get3A_466 = arith.constant 4 : i32
      %get3A_467 = arith.index_cast %get3A_466 : i32 to index
      %get3A_468 = arith.constant 64 : index
      %get3A_469 = tpu.vector_load %arg7[%get3A_467, %get3A_468] {strides = array<i32>} : memref<16x200xi32, #tpu.memory_space<vmem>>, vector<16xi32>,
      %gather3A_470 = tpu.vector_load_idx %arg6[%get3A_469] : memref<100000xf32, #tpu.memory_space<vmem>>[vector<16xi32>], vector<16xf32>,
      %add3A_471 = arith.addf %add3A_447, %gather3A_470 : vector<16xf32>
      %get3A_472 = arith.constant 4 : i32
      %get3A_473 = arith.index_cast %get3A_472 : i32 to index
      %get3A_474 = arith.constant 80 : index
      %get3A_475 = tpu.vector_load %arg7[%get3A_473, %get3A_474] {strides = array<i32>} : memref<16x200xi32, #tpu.memory_space<vmem>>, vector<16xi32>,
      %gather3A_476 = tpu.vector_load_idx %arg6[%get3A_475] : memref<100000xf32, #tpu.memory_space<vmem>>[vector<16xi32>], vector<16xf32>,
      %add3A_477 = arith.addf %add3A_453, %gather3A_476 : vector<16xf32>
      %get3A_478 = arith.constant 4 : i32
      %get3A_479 = arith.index_cast %get3A_478 : i32 to index
      %get3A_480 = arith.constant 96 : index
      %get3A_481 = tpu.vector_load %arg7[%get3A_479, %get3A_480] {strides = array<i32>} : memref<16x200xi32, #tpu.memory_space<vmem>>, vector<16xi32>,
      %gather3A_482 = tpu.vector_load_idx %arg6[%get3A_481] : memref<100000xf32, #tpu.memory_space<vmem>>[vector<16xi32>], vector<16xf32>,
      %add3A_483 = arith.addf %add3A_459, %gather3A_482 : vector<16xf32>
      %get3A_484 = arith.constant 4 : i32
      %get3A_485 = arith.index_cast %get3A_484 : i32 to index
      %get3A_486 = arith.constant 112 : index
      %get3A_487 = tpu.vector_load %arg7[%get3A_485, %get3A_486] {strides = array<i32>} : memref<16x200xi32, #tpu.memory_space<vmem>>, vector<16xi32>,
      %gather3A_488 = tpu.vector_load_idx %arg6[%get3A_487] : memref<100000xf32, #tpu.memory_space<vmem>>[vector<16xi32>], vector<16xf32>,
      %add3A_489 = arith.addf %add3A_465, %gather3A_488 : vector<16xf32>
      %get3A_490 = arith.constant 4 : i32
      %get3A_491 = arith.index_cast %get3A_490 : i32 to index
      %get3A_492 = arith.constant 128 : index
      %get3A_493 = tpu.vector_load %arg7[%get3A_491, %get3A_492] {strides = array<i32>} : memref<16x200xi32, #tpu.memory_space<vmem>>, vector<16xi32>,
      %gather3A_494 = tpu.vector_load_idx %arg6[%get3A_493] : memref<100000xf32, #tpu.memory_space<vmem>>[vector<16xi32>], vector<16xf32>,
      %add3A_495 = arith.addf %add3A_471, %gather3A_494 : vector<16xf32>
      %get3A_496 = arith.constant 4 : i32
      %get3A_497 = arith.index_cast %get3A_496 : i32 to index
      %get3A_498 = arith.constant 144 : index
      %get3A_499 = tpu.vector_load %arg7[%get3A_497, %get3A_498] {strides = array<i32>} : memref<16x200xi32, #tpu.memory_space<vmem>>, vector<16xi32>,
      %gather3A_500 = tpu.vector_load_idx %arg6[%get3A_499] : memref<100000xf32, #tpu.memory_space<vmem>>[vector<16xi32>], vector<16xf32>,
      %add3A_501 = arith.addf %add3A_477, %gather3A_500 : vector<16xf32>
      %get3A_502 = arith.constant 4 : i32
      %get3A_503 = arith.index_cast %get3A_502 : i32 to index
      %get3A_504 = arith.constant 160 : index
      %get3A_505 = tpu.vector_load %arg7[%get3A_503, %get3A_504] {strides = array<i32>} : memref<16x200xi32, #tpu.memory_space<vmem>>, vector<16xi32>,
      %gather3A_506 = tpu.vector_load_idx %arg6[%get3A_505] : memref<100000xf32, #tpu.memory_space<vmem>>[vector<16xi32>], vector<16xf32>,
      %add3A_507 = arith.addf %add3A_483, %gather3A_506 : vector<16xf32>
      %get3A_508 = arith.constant 4 : i32
      %get3A_509 = arith.index_cast %get3A_508 : i32 to index
      %get3A_510 = arith.constant 176 : index
      %get3A_511 = tpu.vector_load %arg7[%get3A_509, %get3A_510] {strides = array<i32>} : memref<16x200xi32, #tpu.memory_space<vmem>>, vector<16xi32>,
      %gather3A_512 = tpu.vector_load_idx %arg6[%get3A_511] : memref<100000xf32, #tpu.memory_space<vmem>>[vector<16xi32>], vector<16xf32>,
      %add3A_513 = arith.addf %add3A_489, %gather3A_512 : vector<16xf32>
      %get3A_514 = arith.constant 4 : i32
      %get3A_515 = arith.index_cast %get3A_514 : i32 to index
      %get3A_516 = arith.constant 184 : index
      %get3A_517 = tpu.vector_load %arg7[%get3A_515, %get3A_516] {strides = array<i32>} : memref<16x200xi32, #tpu.memory_space<vmem>>, vector<16xi32>,
      %gather3A_518 = tpu.vector_load_idx %arg6[%get3A_517] : memref<100000xf32, #tpu.memory_space<vmem>>[vector<16xi32>], vector<16xf32>,
      %mul3A_519 = arith.mulf %gather3A_518, %select_n3A : vector<16xf32>
      %add3A_520 = arith.addf %add3A_495, %add3A_501 : vector<16xf32>
      %add3A_521 = arith.addf %add3A_507, %add3A_513 : vector<16xf32>
      %add3A_522 = arith.addf %add3A_520, %add3A_521 : vector<16xf32>
      %add3A_523 = arith.addf %add3A_522, %mul3A_519 : vector<16xf32>
      %reduce_sum3A_524 = arith.constant true
      %reduce_sum3A_525 = vector.broadcast %reduce_sum3A_524 : i1 to vector<16xi1>
      %reduce_sum3A_526 = tpu.scan <sum>, %add3A_523 masked %reduce_sum3A_525 : vector<16xf32>, vector<16xi1> -> vector<16xf32>
      %reduce_sum3A_527 = vector.extract %reduce_sum3A_526[15] : f32 from vector<16xf32>
      %broadcast_in_dim3A_528 = vector.broadcast %reduce_sum3A_527 : f32 to vector<16xf32>
      %eq3A_529 = arith.constant 4 : i32
      %eq3A_530 = vector.broadcast %eq3A_529 : i32 to vector<16xi32>
      %eq3A_531 = arith.cmpi eq, %iota3A, %eq3A_530 : vector<16xi32>
      %select_n3A_532 = arith.select %eq3A_531, %broadcast_in_dim3A_528, %select_n3A_433 : vector<16xi1>, vector<16xf32>
      %broadcast_in_dim3A_533 = arith.constant 0.000000e+00 : f32
      %broadcast_in_dim3A_534 = vector.broadcast %broadcast_in_dim3A_533 : f32 to vector<16xf32>
      %broadcast_in_dim3A_535 = arith.constant 0.000000e+00 : f32
      %broadcast_in_dim3A_536 = vector.broadcast %broadcast_in_dim3A_535 : f32 to vector<16xf32>
      %broadcast_in_dim3A_537 = arith.constant 0.000000e+00 : f32
      %broadcast_in_dim3A_538 = vector.broadcast %broadcast_in_dim3A_537 : f32 to vector<16xf32>
      %broadcast_in_dim3A_539 = arith.constant 0.000000e+00 : f32
      %broadcast_in_dim3A_540 = vector.broadcast %broadcast_in_dim3A_539 : f32 to vector<16xf32>
      %get3A_541 = arith.constant 5 : i32
      %get3A_542 = arith.index_cast %get3A_541 : i32 to index
      %get3A_543 = arith.constant 0 : index
      %get3A_544 = tpu.vector_load %arg7[%get3A_542, %get3A_543] {strides = array<i32>} : memref<16x200xi32, #tpu.memory_space<vmem>>, vector<16xi32>,
      %gather3A_545 = tpu.vector_load_idx %arg6[%get3A_544] : memref<100000xf32, #tpu.memory_space<vmem>>[vector<16xi32>], vector<16xf32>,
      %add3A_546 = arith.addf %broadcast_in_dim3A_534, %gather3A_545 : vector<16xf32>
      %get3A_547 = arith.constant 5 : i32
      %get3A_548 = arith.index_cast %get3A_547 : i32 to index
      %get3A_549 = arith.constant 16 : index
      %get3A_550 = tpu.vector_load %arg7[%get3A_548, %get3A_549] {strides = array<i32>} : memref<16x200xi32, #tpu.memory_space<vmem>>, vector<16xi32>,
      %gather3A_551 = tpu.vector_load_idx %arg6[%get3A_550] : memref<100000xf32, #tpu.memory_space<vmem>>[vector<16xi32>], vector<16xf32>,
      %add3A_552 = arith.addf %broadcast_in_dim3A_536, %gather3A_551 : vector<16xf32>
      %get3A_553 = arith.constant 5 : i32
      %get3A_554 = arith.index_cast %get3A_553 : i32 to index
      %get3A_555 = arith.constant 32 : index
      %get3A_556 = tpu.vector_load %arg7[%get3A_554, %get3A_555] {strides = array<i32>} : memref<16x200xi32, #tpu.memory_space<vmem>>, vector<16xi32>,
      %gather3A_557 = tpu.vector_load_idx %arg6[%get3A_556] : memref<100000xf32, #tpu.memory_space<vmem>>[vector<16xi32>], vector<16xf32>,
      %add3A_558 = arith.addf %broadcast_in_dim3A_538, %gather3A_557 : vector<16xf32>
      %get3A_559 = arith.constant 5 : i32
      %get3A_560 = arith.index_cast %get3A_559 : i32 to index
      %get3A_561 = arith.constant 48 : index
      %get3A_562 = tpu.vector_load %arg7[%get3A_560, %get3A_561] {strides = array<i32>} : memref<16x200xi32, #tpu.memory_space<vmem>>, vector<16xi32>,
      %gather3A_563 = tpu.vector_load_idx %arg6[%get3A_562] : memref<100000xf32, #tpu.memory_space<vmem>>[vector<16xi32>], vector<16xf32>,
      %add3A_564 = arith.addf %broadcast_in_dim3A_540, %gather3A_563 : vector<16xf32>
      %get3A_565 = arith.constant 5 : i32
      %get3A_566 = arith.index_cast %get3A_565 : i32 to index
      %get3A_567 = arith.constant 64 : index
      %get3A_568 = tpu.vector_load %arg7[%get3A_566, %get3A_567] {strides = array<i32>} : memref<16x200xi32, #tpu.memory_space<vmem>>, vector<16xi32>,
      %gather3A_569 = tpu.vector_load_idx %arg6[%get3A_568] : memref<100000xf32, #tpu.memory_space<vmem>>[vector<16xi32>], vector<16xf32>,
      %add3A_570 = arith.addf %add3A_546, %gather3A_569 : vector<16xf32>
      %get3A_571 = arith.constant 5 : i32
      %get3A_572 = arith.index_cast %get3A_571 : i32 to index
      %get3A_573 = arith.constant 80 : index
      %get3A_574 = tpu.vector_load %arg7[%get3A_572, %get3A_573] {strides = array<i32>} : memref<16x200xi32, #tpu.memory_space<vmem>>, vector<16xi32>,
      %gather3A_575 = tpu.vector_load_idx %arg6[%get3A_574] : memref<100000xf32, #tpu.memory_space<vmem>>[vector<16xi32>], vector<16xf32>,
      %add3A_576 = arith.addf %add3A_552, %gather3A_575 : vector<16xf32>
      %get3A_577 = arith.constant 5 : i32
      %get3A_578 = arith.index_cast %get3A_577 : i32 to index
      %get3A_579 = arith.constant 96 : index
      %get3A_580 = tpu.vector_load %arg7[%get3A_578, %get3A_579] {strides = array<i32>} : memref<16x200xi32, #tpu.memory_space<vmem>>, vector<16xi32>,
      %gather3A_581 = tpu.vector_load_idx %arg6[%get3A_580] : memref<100000xf32, #tpu.memory_space<vmem>>[vector<16xi32>], vector<16xf32>,
      %add3A_582 = arith.addf %add3A_558, %gather3A_581 : vector<16xf32>
      %get3A_583 = arith.constant 5 : i32
      %get3A_584 = arith.index_cast %get3A_583 : i32 to index
      %get3A_585 = arith.constant 112 : index
      %get3A_586 = tpu.vector_load %arg7[%get3A_584, %get3A_585] {strides = array<i32>} : memref<16x200xi32, #tpu.memory_space<vmem>>, vector<16xi32>,
      %gather3A_587 = tpu.vector_load_idx %arg6[%get3A_586] : memref<100000xf32, #tpu.memory_space<vmem>>[vector<16xi32>], vector<16xf32>,
      %add3A_588 = arith.addf %add3A_564, %gather3A_587 : vector<16xf32>
      %get3A_589 = arith.constant 5 : i32
      %get3A_590 = arith.index_cast %get3A_589 : i32 to index
      %get3A_591 = arith.constant 128 : index
      %get3A_592 = tpu.vector_load %arg7[%get3A_590, %get3A_591] {strides = array<i32>} : memref<16x200xi32, #tpu.memory_space<vmem>>, vector<16xi32>,
      %gather3A_593 = tpu.vector_load_idx %arg6[%get3A_592] : memref<100000xf32, #tpu.memory_space<vmem>>[vector<16xi32>], vector<16xf32>,
      %add3A_594 = arith.addf %add3A_570, %gather3A_593 : vector<16xf32>
      %get3A_595 = arith.constant 5 : i32
      %get3A_596 = arith.index_cast %get3A_595 : i32 to index
      %get3A_597 = arith.constant 144 : index
      %get3A_598 = tpu.vector_load %arg7[%get3A_596, %get3A_597] {strides = array<i32>} : memref<16x200xi32, #tpu.memory_space<vmem>>, vector<16xi32>,
      %gather3A_599 = tpu.vector_load_idx %arg6[%get3A_598] : memref<100000xf32, #tpu.memory_space<vmem>>[vector<16xi32>], vector<16xf32>,
      %add3A_600 = arith.addf %add3A_576, %gather3A_599 : vector<16xf32>
      %get3A_601 = arith.constant 5 : i32
      %get3A_602 = arith.index_cast %get3A_601 : i32 to index
      %get3A_603 = arith.constant 160 : index
      %get3A_604 = tpu.vector_load %arg7[%get3A_602, %get3A_603] {strides = array<i32>} : memref<16x200xi32, #tpu.memory_space<vmem>>, vector<16xi32>,
      %gather3A_605 = tpu.vector_load_idx %arg6[%get3A_604] : memref<100000xf32, #tpu.memory_space<vmem>>[vector<16xi32>], vector<16xf32>,
      %add3A_606 = arith.addf %add3A_582, %gather3A_605 : vector<16xf32>
      %get3A_607 = arith.constant 5 : i32
      %get3A_608 = arith.index_cast %get3A_607 : i32 to index
      %get3A_609 = arith.constant 176 : index
      %get3A_610 = tpu.vector_load %arg7[%get3A_608, %get3A_609] {strides = array<i32>} : memref<16x200xi32, #tpu.memory_space<vmem>>, vector<16xi32>,
      %gather3A_611 = tpu.vector_load_idx %arg6[%get3A_610] : memref<100000xf32, #tpu.memory_space<vmem>>[vector<16xi32>], vector<16xf32>,
      %add3A_612 = arith.addf %add3A_588, %gather3A_611 : vector<16xf32>
      %get3A_613 = arith.constant 5 : i32
      %get3A_614 = arith.index_cast %get3A_613 : i32 to index
      %get3A_615 = arith.constant 184 : index
      %get3A_616 = tpu.vector_load %arg7[%get3A_614, %get3A_615] {strides = array<i32>} : memref<16x200xi32, #tpu.memory_space<vmem>>, vector<16xi32>,
      %gather3A_617 = tpu.vector_load_idx %arg6[%get3A_616] : memref<100000xf32, #tpu.memory_space<vmem>>[vector<16xi32>], vector<16xf32>,
      %mul3A_618 = arith.mulf %gather3A_617, %select_n3A : vector<16xf32>
      %add3A_619 = arith.addf %add3A_594, %add3A_600 : vector<16xf32>
      %add3A_620 = arith.addf %add3A_606, %add3A_612 : vector<16xf32>
      %add3A_621 = arith.addf %add3A_619, %add3A_620 : vector<16xf32>
      %add3A_622 = arith.addf %add3A_621, %mul3A_618 : vector<16xf32>
      %reduce_sum3A_623 = arith.constant true
      %reduce_sum3A_624 = vector.broadcast %reduce_sum3A_623 : i1 to vector<16xi1>
      %reduce_sum3A_625 = tpu.scan <sum>, %add3A_622 masked %reduce_sum3A_624 : vector<16xf32>, vector<16xi1> -> vector<16xf32>
      %reduce_sum3A_626 = vector.extract %reduce_sum3A_625[15] : f32 from vector<16xf32>
      %broadcast_in_dim3A_627 = vector.broadcast %reduce_sum3A_626 : f32 to vector<16xf32>
      %eq3A_628 = arith.constant 5 : i32
      %eq3A_629 = vector.broadcast %eq3A_628 : i32 to vector<16xi32>
      %eq3A_630 = arith.cmpi eq, %iota3A, %eq3A_629 : vector<16xi32>
      %select_n3A_631 = arith.select %eq3A_630, %broadcast_in_dim3A_627, %select_n3A_532 : vector<16xi1>, vector<16xf32>
      %broadcast_in_dim3A_632 = arith.constant 0.000000e+00 : f32
      %broadcast_in_dim3A_633 = vector.broadcast %broadcast_in_dim3A_632 : f32 to vector<16xf32>
      %broadcast_in_dim3A_634 = arith.constant 0.000000e+00 : f32
      %broadcast_in_dim3A_635 = vector.broadcast %broadcast_in_dim3A_634 : f32 to vector<16xf32>
      %broadcast_in_dim3A_636 = arith.constant 0.000000e+00 : f32
      %broadcast_in_dim3A_637 = vector.broadcast %broadcast_in_dim3A_636 : f32 to vector<16xf32>
      %broadcast_in_dim3A_638 = arith.constant 0.000000e+00 : f32
      %broadcast_in_dim3A_639 = vector.broadcast %broadcast_in_dim3A_638 : f32 to vector<16xf32>
      %get3A_640 = arith.constant 6 : i32
      %get3A_641 = arith.index_cast %get3A_640 : i32 to index
      %get3A_642 = arith.constant 0 : index
      %get3A_643 = tpu.vector_load %arg7[%get3A_641, %get3A_642] {strides = array<i32>} : memref<16x200xi32, #tpu.memory_space<vmem>>, vector<16xi32>,
      %gather3A_644 = tpu.vector_load_idx %arg6[%get3A_643] : memref<100000xf32, #tpu.memory_space<vmem>>[vector<16xi32>], vector<16xf32>,
      %add3A_645 = arith.addf %broadcast_in_dim3A_633, %gather3A_644 : vector<16xf32>
      %get3A_646 = arith.constant 6 : i32
      %get3A_647 = arith.index_cast %get3A_646 : i32 to index
      %get3A_648 = arith.constant 16 : index
      %get3A_649 = tpu.vector_load %arg7[%get3A_647, %get3A_648] {strides = array<i32>} : memref<16x200xi32, #tpu.memory_space<vmem>>, vector<16xi32>,
      %gather3A_650 = tpu.vector_load_idx %arg6[%get3A_649] : memref<100000xf32, #tpu.memory_space<vmem>>[vector<16xi32>], vector<16xf32>,
      %add3A_651 = arith.addf %broadcast_in_dim3A_635, %gather3A_650 : vector<16xf32>
      %get3A_652 = arith.constant 6 : i32
      %get3A_653 = arith.index_cast %get3A_652 : i32 to index
      %get3A_654 = arith.constant 32 : index
      %get3A_655 = tpu.vector_load %arg7[%get3A_653, %get3A_654] {strides = array<i32>} : memref<16x200xi32, #tpu.memory_space<vmem>>, vector<16xi32>,
      %gather3A_656 = tpu.vector_load_idx %arg6[%get3A_655] : memref<100000xf32, #tpu.memory_space<vmem>>[vector<16xi32>], vector<16xf32>,
      %add3A_657 = arith.addf %broadcast_in_dim3A_637, %gather3A_656 : vector<16xf32>
      %get3A_658 = arith.constant 6 : i32
      %get3A_659 = arith.index_cast %get3A_658 : i32 to index
      %get3A_660 = arith.constant 48 : index
      %get3A_661 = tpu.vector_load %arg7[%get3A_659, %get3A_660] {strides = array<i32>} : memref<16x200xi32, #tpu.memory_space<vmem>>, vector<16xi32>,
      %gather3A_662 = tpu.vector_load_idx %arg6[%get3A_661] : memref<100000xf32, #tpu.memory_space<vmem>>[vector<16xi32>], vector<16xf32>,
      %add3A_663 = arith.addf %broadcast_in_dim3A_639, %gather3A_662 : vector<16xf32>
      %get3A_664 = arith.constant 6 : i32
      %get3A_665 = arith.index_cast %get3A_664 : i32 to index
      %get3A_666 = arith.constant 64 : index
      %get3A_667 = tpu.vector_load %arg7[%get3A_665, %get3A_666] {strides = array<i32>} : memref<16x200xi32, #tpu.memory_space<vmem>>, vector<16xi32>,
      %gather3A_668 = tpu.vector_load_idx %arg6[%get3A_667] : memref<100000xf32, #tpu.memory_space<vmem>>[vector<16xi32>], vector<16xf32>,
      %add3A_669 = arith.addf %add3A_645, %gather3A_668 : vector<16xf32>
      %get3A_670 = arith.constant 6 : i32
      %get3A_671 = arith.index_cast %get3A_670 : i32 to index
      %get3A_672 = arith.constant 80 : index
      %get3A_673 = tpu.vector_load %arg7[%get3A_671, %get3A_672] {strides = array<i32>} : memref<16x200xi32, #tpu.memory_space<vmem>>, vector<16xi32>,
      %gather3A_674 = tpu.vector_load_idx %arg6[%get3A_673] : memref<100000xf32, #tpu.memory_space<vmem>>[vector<16xi32>], vector<16xf32>,
      %add3A_675 = arith.addf %add3A_651, %gather3A_674 : vector<16xf32>
      %get3A_676 = arith.constant 6 : i32
      %get3A_677 = arith.index_cast %get3A_676 : i32 to index
      %get3A_678 = arith.constant 96 : index
      %get3A_679 = tpu.vector_load %arg7[%get3A_677, %get3A_678] {strides = array<i32>} : memref<16x200xi32, #tpu.memory_space<vmem>>, vector<16xi32>,
      %gather3A_680 = tpu.vector_load_idx %arg6[%get3A_679] : memref<100000xf32, #tpu.memory_space<vmem>>[vector<16xi32>], vector<16xf32>,
      %add3A_681 = arith.addf %add3A_657, %gather3A_680 : vector<16xf32>
      %get3A_682 = arith.constant 6 : i32
      %get3A_683 = arith.index_cast %get3A_682 : i32 to index
      %get3A_684 = arith.constant 112 : index
      %get3A_685 = tpu.vector_load %arg7[%get3A_683, %get3A_684] {strides = array<i32>} : memref<16x200xi32, #tpu.memory_space<vmem>>, vector<16xi32>,
      %gather3A_686 = tpu.vector_load_idx %arg6[%get3A_685] : memref<100000xf32, #tpu.memory_space<vmem>>[vector<16xi32>], vector<16xf32>,
      %add3A_687 = arith.addf %add3A_663, %gather3A_686 : vector<16xf32>
      %get3A_688 = arith.constant 6 : i32
      %get3A_689 = arith.index_cast %get3A_688 : i32 to index
      %get3A_690 = arith.constant 128 : index
      %get3A_691 = tpu.vector_load %arg7[%get3A_689, %get3A_690] {strides = array<i32>} : memref<16x200xi32, #tpu.memory_space<vmem>>, vector<16xi32>,
      %gather3A_692 = tpu.vector_load_idx %arg6[%get3A_691] : memref<100000xf32, #tpu.memory_space<vmem>>[vector<16xi32>], vector<16xf32>,
      %add3A_693 = arith.addf %add3A_669, %gather3A_692 : vector<16xf32>
      %get3A_694 = arith.constant 6 : i32
      %get3A_695 = arith.index_cast %get3A_694 : i32 to index
      %get3A_696 = arith.constant 144 : index
      %get3A_697 = tpu.vector_load %arg7[%get3A_695, %get3A_696] {strides = array<i32>} : memref<16x200xi32, #tpu.memory_space<vmem>>, vector<16xi32>,
      %gather3A_698 = tpu.vector_load_idx %arg6[%get3A_697] : memref<100000xf32, #tpu.memory_space<vmem>>[vector<16xi32>], vector<16xf32>,
      %add3A_699 = arith.addf %add3A_675, %gather3A_698 : vector<16xf32>
      %get3A_700 = arith.constant 6 : i32
      %get3A_701 = arith.index_cast %get3A_700 : i32 to index
      %get3A_702 = arith.constant 160 : index
      %get3A_703 = tpu.vector_load %arg7[%get3A_701, %get3A_702] {strides = array<i32>} : memref<16x200xi32, #tpu.memory_space<vmem>>, vector<16xi32>,
      %gather3A_704 = tpu.vector_load_idx %arg6[%get3A_703] : memref<100000xf32, #tpu.memory_space<vmem>>[vector<16xi32>], vector<16xf32>,
      %add3A_705 = arith.addf %add3A_681, %gather3A_704 : vector<16xf32>
      %get3A_706 = arith.constant 6 : i32
      %get3A_707 = arith.index_cast %get3A_706 : i32 to index
      %get3A_708 = arith.constant 176 : index
      %get3A_709 = tpu.vector_load %arg7[%get3A_707, %get3A_708] {strides = array<i32>} : memref<16x200xi32, #tpu.memory_space<vmem>>, vector<16xi32>,
      %gather3A_710 = tpu.vector_load_idx %arg6[%get3A_709] : memref<100000xf32, #tpu.memory_space<vmem>>[vector<16xi32>], vector<16xf32>,
      %add3A_711 = arith.addf %add3A_687, %gather3A_710 : vector<16xf32>
      %get3A_712 = arith.constant 6 : i32
      %get3A_713 = arith.index_cast %get3A_712 : i32 to index
      %get3A_714 = arith.constant 184 : index
      %get3A_715 = tpu.vector_load %arg7[%get3A_713, %get3A_714] {strides = array<i32>} : memref<16x200xi32, #tpu.memory_space<vmem>>, vector<16xi32>,
      %gather3A_716 = tpu.vector_load_idx %arg6[%get3A_715] : memref<100000xf32, #tpu.memory_space<vmem>>[vector<16xi32>], vector<16xf32>,
      %mul3A_717 = arith.mulf %gather3A_716, %select_n3A : vector<16xf32>
      %add3A_718 = arith.addf %add3A_693, %add3A_699 : vector<16xf32>
      %add3A_719 = arith.addf %add3A_705, %add3A_711 : vector<16xf32>
      %add3A_720 = arith.addf %add3A_718, %add3A_719 : vector<16xf32>
      %add3A_721 = arith.addf %add3A_720, %mul3A_717 : vector<16xf32>
      %reduce_sum3A_722 = arith.constant true
      %reduce_sum3A_723 = vector.broadcast %reduce_sum3A_722 : i1 to vector<16xi1>
      %reduce_sum3A_724 = tpu.scan <sum>, %add3A_721 masked %reduce_sum3A_723 : vector<16xf32>, vector<16xi1> -> vector<16xf32>
      %reduce_sum3A_725 = vector.extract %reduce_sum3A_724[15] : f32 from vector<16xf32>
      %broadcast_in_dim3A_726 = vector.broadcast %reduce_sum3A_725 : f32 to vector<16xf32>
      %eq3A_727 = arith.constant 6 : i32
      %eq3A_728 = vector.broadcast %eq3A_727 : i32 to vector<16xi32>
      %eq3A_729 = arith.cmpi eq, %iota3A, %eq3A_728 : vector<16xi32>
      %select_n3A_730 = arith.select %eq3A_729, %broadcast_in_dim3A_726, %select_n3A_631 : vector<16xi1>, vector<16xf32>
      %broadcast_in_dim3A_731 = arith.constant 0.000000e+00 : f32
      %broadcast_in_dim3A_732 = vector.broadcast %broadcast_in_dim3A_731 : f32 to vector<16xf32>
      %broadcast_in_dim3A_733 = arith.constant 0.000000e+00 : f32
      %broadcast_in_dim3A_734 = vector.broadcast %broadcast_in_dim3A_733 : f32 to vector<16xf32>
      %broadcast_in_dim3A_735 = arith.constant 0.000000e+00 : f32
      %broadcast_in_dim3A_736 = vector.broadcast %broadcast_in_dim3A_735 : f32 to vector<16xf32>
      %broadcast_in_dim3A_737 = arith.constant 0.000000e+00 : f32
      %broadcast_in_dim3A_738 = vector.broadcast %broadcast_in_dim3A_737 : f32 to vector<16xf32>
      %get3A_739 = arith.constant 7 : i32
      %get3A_740 = arith.index_cast %get3A_739 : i32 to index
      %get3A_741 = arith.constant 0 : index
      %get3A_742 = tpu.vector_load %arg7[%get3A_740, %get3A_741] {strides = array<i32>} : memref<16x200xi32, #tpu.memory_space<vmem>>, vector<16xi32>,
      %gather3A_743 = tpu.vector_load_idx %arg6[%get3A_742] : memref<100000xf32, #tpu.memory_space<vmem>>[vector<16xi32>], vector<16xf32>,
      %add3A_744 = arith.addf %broadcast_in_dim3A_732, %gather3A_743 : vector<16xf32>
      %get3A_745 = arith.constant 7 : i32
      %get3A_746 = arith.index_cast %get3A_745 : i32 to index
      %get3A_747 = arith.constant 16 : index
      %get3A_748 = tpu.vector_load %arg7[%get3A_746, %get3A_747] {strides = array<i32>} : memref<16x200xi32, #tpu.memory_space<vmem>>, vector<16xi32>,
      %gather3A_749 = tpu.vector_load_idx %arg6[%get3A_748] : memref<100000xf32, #tpu.memory_space<vmem>>[vector<16xi32>], vector<16xf32>,
      %add3A_750 = arith.addf %broadcast_in_dim3A_734, %gather3A_749 : vector<16xf32>
      %get3A_751 = arith.constant 7 : i32
      %get3A_752 = arith.index_cast %get3A_751 : i32 to index
      %get3A_753 = arith.constant 32 : index
      %get3A_754 = tpu.vector_load %arg7[%get3A_752, %get3A_753] {strides = array<i32>} : memref<16x200xi32, #tpu.memory_space<vmem>>, vector<16xi32>,
      %gather3A_755 = tpu.vector_load_idx %arg6[%get3A_754] : memref<100000xf32, #tpu.memory_space<vmem>>[vector<16xi32>], vector<16xf32>,
      %add3A_756 = arith.addf %broadcast_in_dim3A_736, %gather3A_755 : vector<16xf32>
      %get3A_757 = arith.constant 7 : i32
      %get3A_758 = arith.index_cast %get3A_757 : i32 to index
      %get3A_759 = arith.constant 48 : index
      %get3A_760 = tpu.vector_load %arg7[%get3A_758, %get3A_759] {strides = array<i32>} : memref<16x200xi32, #tpu.memory_space<vmem>>, vector<16xi32>,
      %gather3A_761 = tpu.vector_load_idx %arg6[%get3A_760] : memref<100000xf32, #tpu.memory_space<vmem>>[vector<16xi32>], vector<16xf32>,
      %add3A_762 = arith.addf %broadcast_in_dim3A_738, %gather3A_761 : vector<16xf32>
      %get3A_763 = arith.constant 7 : i32
      %get3A_764 = arith.index_cast %get3A_763 : i32 to index
      %get3A_765 = arith.constant 64 : index
      %get3A_766 = tpu.vector_load %arg7[%get3A_764, %get3A_765] {strides = array<i32>} : memref<16x200xi32, #tpu.memory_space<vmem>>, vector<16xi32>,
      %gather3A_767 = tpu.vector_load_idx %arg6[%get3A_766] : memref<100000xf32, #tpu.memory_space<vmem>>[vector<16xi32>], vector<16xf32>,
      %add3A_768 = arith.addf %add3A_744, %gather3A_767 : vector<16xf32>
      %get3A_769 = arith.constant 7 : i32
      %get3A_770 = arith.index_cast %get3A_769 : i32 to index
      %get3A_771 = arith.constant 80 : index
      %get3A_772 = tpu.vector_load %arg7[%get3A_770, %get3A_771] {strides = array<i32>} : memref<16x200xi32, #tpu.memory_space<vmem>>, vector<16xi32>,
      %gather3A_773 = tpu.vector_load_idx %arg6[%get3A_772] : memref<100000xf32, #tpu.memory_space<vmem>>[vector<16xi32>], vector<16xf32>,
      %add3A_774 = arith.addf %add3A_750, %gather3A_773 : vector<16xf32>
      %get3A_775 = arith.constant 7 : i32
      %get3A_776 = arith.index_cast %get3A_775 : i32 to index
      %get3A_777 = arith.constant 96 : index
      %get3A_778 = tpu.vector_load %arg7[%get3A_776, %get3A_777] {strides = array<i32>} : memref<16x200xi32, #tpu.memory_space<vmem>>, vector<16xi32>,
      %gather3A_779 = tpu.vector_load_idx %arg6[%get3A_778] : memref<100000xf32, #tpu.memory_space<vmem>>[vector<16xi32>], vector<16xf32>,
      %add3A_780 = arith.addf %add3A_756, %gather3A_779 : vector<16xf32>
      %get3A_781 = arith.constant 7 : i32
      %get3A_782 = arith.index_cast %get3A_781 : i32 to index
      %get3A_783 = arith.constant 112 : index
      %get3A_784 = tpu.vector_load %arg7[%get3A_782, %get3A_783] {strides = array<i32>} : memref<16x200xi32, #tpu.memory_space<vmem>>, vector<16xi32>,
      %gather3A_785 = tpu.vector_load_idx %arg6[%get3A_784] : memref<100000xf32, #tpu.memory_space<vmem>>[vector<16xi32>], vector<16xf32>,
      %add3A_786 = arith.addf %add3A_762, %gather3A_785 : vector<16xf32>
      %get3A_787 = arith.constant 7 : i32
      %get3A_788 = arith.index_cast %get3A_787 : i32 to index
      %get3A_789 = arith.constant 128 : index
      %get3A_790 = tpu.vector_load %arg7[%get3A_788, %get3A_789] {strides = array<i32>} : memref<16x200xi32, #tpu.memory_space<vmem>>, vector<16xi32>,
      %gather3A_791 = tpu.vector_load_idx %arg6[%get3A_790] : memref<100000xf32, #tpu.memory_space<vmem>>[vector<16xi32>], vector<16xf32>,
      %add3A_792 = arith.addf %add3A_768, %gather3A_791 : vector<16xf32>
      %get3A_793 = arith.constant 7 : i32
      %get3A_794 = arith.index_cast %get3A_793 : i32 to index
      %get3A_795 = arith.constant 144 : index
      %get3A_796 = tpu.vector_load %arg7[%get3A_794, %get3A_795] {strides = array<i32>} : memref<16x200xi32, #tpu.memory_space<vmem>>, vector<16xi32>,
      %gather3A_797 = tpu.vector_load_idx %arg6[%get3A_796] : memref<100000xf32, #tpu.memory_space<vmem>>[vector<16xi32>], vector<16xf32>,
      %add3A_798 = arith.addf %add3A_774, %gather3A_797 : vector<16xf32>
      %get3A_799 = arith.constant 7 : i32
      %get3A_800 = arith.index_cast %get3A_799 : i32 to index
      %get3A_801 = arith.constant 160 : index
      %get3A_802 = tpu.vector_load %arg7[%get3A_800, %get3A_801] {strides = array<i32>} : memref<16x200xi32, #tpu.memory_space<vmem>>, vector<16xi32>,
      %gather3A_803 = tpu.vector_load_idx %arg6[%get3A_802] : memref<100000xf32, #tpu.memory_space<vmem>>[vector<16xi32>], vector<16xf32>,
      %add3A_804 = arith.addf %add3A_780, %gather3A_803 : vector<16xf32>
      %get3A_805 = arith.constant 7 : i32
      %get3A_806 = arith.index_cast %get3A_805 : i32 to index
      %get3A_807 = arith.constant 176 : index
      %get3A_808 = tpu.vector_load %arg7[%get3A_806, %get3A_807] {strides = array<i32>} : memref<16x200xi32, #tpu.memory_space<vmem>>, vector<16xi32>,
      %gather3A_809 = tpu.vector_load_idx %arg6[%get3A_808] : memref<100000xf32, #tpu.memory_space<vmem>>[vector<16xi32>], vector<16xf32>,
      %add3A_810 = arith.addf %add3A_786, %gather3A_809 : vector<16xf32>
      %get3A_811 = arith.constant 7 : i32
      %get3A_812 = arith.index_cast %get3A_811 : i32 to index
      %get3A_813 = arith.constant 184 : index
      %get3A_814 = tpu.vector_load %arg7[%get3A_812, %get3A_813] {strides = array<i32>} : memref<16x200xi32, #tpu.memory_space<vmem>>, vector<16xi32>,
      %gather3A_815 = tpu.vector_load_idx %arg6[%get3A_814] : memref<100000xf32, #tpu.memory_space<vmem>>[vector<16xi32>], vector<16xf32>,
      %mul3A_816 = arith.mulf %gather3A_815, %select_n3A : vector<16xf32>
      %add3A_817 = arith.addf %add3A_792, %add3A_798 : vector<16xf32>
      %add3A_818 = arith.addf %add3A_804, %add3A_810 : vector<16xf32>
      %add3A_819 = arith.addf %add3A_817, %add3A_818 : vector<16xf32>
      %add3A_820 = arith.addf %add3A_819, %mul3A_816 : vector<16xf32>
      %reduce_sum3A_821 = arith.constant true
      %reduce_sum3A_822 = vector.broadcast %reduce_sum3A_821 : i1 to vector<16xi1>
      %reduce_sum3A_823 = tpu.scan <sum>, %add3A_820 masked %reduce_sum3A_822 : vector<16xf32>, vector<16xi1> -> vector<16xf32>
      %reduce_sum3A_824 = vector.extract %reduce_sum3A_823[15] : f32 from vector<16xf32>
      %broadcast_in_dim3A_825 = vector.broadcast %reduce_sum3A_824 : f32 to vector<16xf32>
      %eq3A_826 = arith.constant 7 : i32
      %eq3A_827 = vector.broadcast %eq3A_826 : i32 to vector<16xi32>
      %eq3A_828 = arith.cmpi eq, %iota3A, %eq3A_827 : vector<16xi32>
      %select_n3A_829 = arith.select %eq3A_828, %broadcast_in_dim3A_825, %select_n3A_730 : vector<16xi1>, vector<16xf32>
      %broadcast_in_dim3A_830 = arith.constant 0.000000e+00 : f32
      %broadcast_in_dim3A_831 = vector.broadcast %broadcast_in_dim3A_830 : f32 to vector<16xf32>
      %broadcast_in_dim3A_832 = arith.constant 0.000000e+00 : f32
      %broadcast_in_dim3A_833 = vector.broadcast %broadcast_in_dim3A_832 : f32 to vector<16xf32>
      %broadcast_in_dim3A_834 = arith.constant 0.000000e+00 : f32
      %broadcast_in_dim3A_835 = vector.broadcast %broadcast_in_dim3A_834 : f32 to vector<16xf32>
      %broadcast_in_dim3A_836 = arith.constant 0.000000e+00 : f32
      %broadcast_in_dim3A_837 = vector.broadcast %broadcast_in_dim3A_836 : f32 to vector<16xf32>
      %get3A_838 = arith.constant 8 : i32
      %get3A_839 = arith.index_cast %get3A_838 : i32 to index
      %get3A_840 = arith.constant 0 : index
      %get3A_841 = tpu.vector_load %arg7[%get3A_839, %get3A_840] {strides = array<i32>} : memref<16x200xi32, #tpu.memory_space<vmem>>, vector<16xi32>,
      %gather3A_842 = tpu.vector_load_idx %arg6[%get3A_841] : memref<100000xf32, #tpu.memory_space<vmem>>[vector<16xi32>], vector<16xf32>,
      %add3A_843 = arith.addf %broadcast_in_dim3A_831, %gather3A_842 : vector<16xf32>
      %get3A_844 = arith.constant 8 : i32
      %get3A_845 = arith.index_cast %get3A_844 : i32 to index
      %get3A_846 = arith.constant 16 : index
      %get3A_847 = tpu.vector_load %arg7[%get3A_845, %get3A_846] {strides = array<i32>} : memref<16x200xi32, #tpu.memory_space<vmem>>, vector<16xi32>,
      %gather3A_848 = tpu.vector_load_idx %arg6[%get3A_847] : memref<100000xf32, #tpu.memory_space<vmem>>[vector<16xi32>], vector<16xf32>,
      %add3A_849 = arith.addf %broadcast_in_dim3A_833, %gather3A_848 : vector<16xf32>
      %get3A_850 = arith.constant 8 : i32
      %get3A_851 = arith.index_cast %get3A_850 : i32 to index
      %get3A_852 = arith.constant 32 : index
      %get3A_853 = tpu.vector_load %arg7[%get3A_851, %get3A_852] {strides = array<i32>} : memref<16x200xi32, #tpu.memory_space<vmem>>, vector<16xi32>,
      %gather3A_854 = tpu.vector_load_idx %arg6[%get3A_853] : memref<100000xf32, #tpu.memory_space<vmem>>[vector<16xi32>], vector<16xf32>,
      %add3A_855 = arith.addf %broadcast_in_dim3A_835, %gather3A_854 : vector<16xf32>
      %get3A_856 = arith.constant 8 : i32
      %get3A_857 = arith.index_cast %get3A_856 : i32 to index
      %get3A_858 = arith.constant 48 : index
      %get3A_859 = tpu.vector_load %arg7[%get3A_857, %get3A_858] {strides = array<i32>} : memref<16x200xi32, #tpu.memory_space<vmem>>, vector<16xi32>,
      %gather3A_860 = tpu.vector_load_idx %arg6[%get3A_859] : memref<100000xf32, #tpu.memory_space<vmem>>[vector<16xi32>], vector<16xf32>,
      %add3A_861 = arith.addf %broadcast_in_dim3A_837, %gather3A_860 : vector<16xf32>
      %get3A_862 = arith.constant 8 : i32
      %get3A_863 = arith.index_cast %get3A_862 : i32 to index
      %get3A_864 = arith.constant 64 : index
      %get3A_865 = tpu.vector_load %arg7[%get3A_863, %get3A_864] {strides = array<i32>} : memref<16x200xi32, #tpu.memory_space<vmem>>, vector<16xi32>,
      %gather3A_866 = tpu.vector_load_idx %arg6[%get3A_865] : memref<100000xf32, #tpu.memory_space<vmem>>[vector<16xi32>], vector<16xf32>,
      %add3A_867 = arith.addf %add3A_843, %gather3A_866 : vector<16xf32>
      %get3A_868 = arith.constant 8 : i32
      %get3A_869 = arith.index_cast %get3A_868 : i32 to index
      %get3A_870 = arith.constant 80 : index
      %get3A_871 = tpu.vector_load %arg7[%get3A_869, %get3A_870] {strides = array<i32>} : memref<16x200xi32, #tpu.memory_space<vmem>>, vector<16xi32>,
      %gather3A_872 = tpu.vector_load_idx %arg6[%get3A_871] : memref<100000xf32, #tpu.memory_space<vmem>>[vector<16xi32>], vector<16xf32>,
      %add3A_873 = arith.addf %add3A_849, %gather3A_872 : vector<16xf32>
      %get3A_874 = arith.constant 8 : i32
      %get3A_875 = arith.index_cast %get3A_874 : i32 to index
      %get3A_876 = arith.constant 96 : index
      %get3A_877 = tpu.vector_load %arg7[%get3A_875, %get3A_876] {strides = array<i32>} : memref<16x200xi32, #tpu.memory_space<vmem>>, vector<16xi32>,
      %gather3A_878 = tpu.vector_load_idx %arg6[%get3A_877] : memref<100000xf32, #tpu.memory_space<vmem>>[vector<16xi32>], vector<16xf32>,
      %add3A_879 = arith.addf %add3A_855, %gather3A_878 : vector<16xf32>
      %get3A_880 = arith.constant 8 : i32
      %get3A_881 = arith.index_cast %get3A_880 : i32 to index
      %get3A_882 = arith.constant 112 : index
      %get3A_883 = tpu.vector_load %arg7[%get3A_881, %get3A_882] {strides = array<i32>} : memref<16x200xi32, #tpu.memory_space<vmem>>, vector<16xi32>,
      %gather3A_884 = tpu.vector_load_idx %arg6[%get3A_883] : memref<100000xf32, #tpu.memory_space<vmem>>[vector<16xi32>], vector<16xf32>,
      %add3A_885 = arith.addf %add3A_861, %gather3A_884 : vector<16xf32>
      %get3A_886 = arith.constant 8 : i32
      %get3A_887 = arith.index_cast %get3A_886 : i32 to index
      %get3A_888 = arith.constant 128 : index
      %get3A_889 = tpu.vector_load %arg7[%get3A_887, %get3A_888] {strides = array<i32>} : memref<16x200xi32, #tpu.memory_space<vmem>>, vector<16xi32>,
      %gather3A_890 = tpu.vector_load_idx %arg6[%get3A_889] : memref<100000xf32, #tpu.memory_space<vmem>>[vector<16xi32>], vector<16xf32>,
      %add3A_891 = arith.addf %add3A_867, %gather3A_890 : vector<16xf32>
      %get3A_892 = arith.constant 8 : i32
      %get3A_893 = arith.index_cast %get3A_892 : i32 to index
      %get3A_894 = arith.constant 144 : index
      %get3A_895 = tpu.vector_load %arg7[%get3A_893, %get3A_894] {strides = array<i32>} : memref<16x200xi32, #tpu.memory_space<vmem>>, vector<16xi32>,
      %gather3A_896 = tpu.vector_load_idx %arg6[%get3A_895] : memref<100000xf32, #tpu.memory_space<vmem>>[vector<16xi32>], vector<16xf32>,
      %add3A_897 = arith.addf %add3A_873, %gather3A_896 : vector<16xf32>
      %get3A_898 = arith.constant 8 : i32
      %get3A_899 = arith.index_cast %get3A_898 : i32 to index
      %get3A_900 = arith.constant 160 : index
      %get3A_901 = tpu.vector_load %arg7[%get3A_899, %get3A_900] {strides = array<i32>} : memref<16x200xi32, #tpu.memory_space<vmem>>, vector<16xi32>,
      %gather3A_902 = tpu.vector_load_idx %arg6[%get3A_901] : memref<100000xf32, #tpu.memory_space<vmem>>[vector<16xi32>], vector<16xf32>,
      %add3A_903 = arith.addf %add3A_879, %gather3A_902 : vector<16xf32>
      %get3A_904 = arith.constant 8 : i32
      %get3A_905 = arith.index_cast %get3A_904 : i32 to index
      %get3A_906 = arith.constant 176 : index
      %get3A_907 = tpu.vector_load %arg7[%get3A_905, %get3A_906] {strides = array<i32>} : memref<16x200xi32, #tpu.memory_space<vmem>>, vector<16xi32>,
      %gather3A_908 = tpu.vector_load_idx %arg6[%get3A_907] : memref<100000xf32, #tpu.memory_space<vmem>>[vector<16xi32>], vector<16xf32>,
      %add3A_909 = arith.addf %add3A_885, %gather3A_908 : vector<16xf32>
      %get3A_910 = arith.constant 8 : i32
      %get3A_911 = arith.index_cast %get3A_910 : i32 to index
      %get3A_912 = arith.constant 184 : index
      %get3A_913 = tpu.vector_load %arg7[%get3A_911, %get3A_912] {strides = array<i32>} : memref<16x200xi32, #tpu.memory_space<vmem>>, vector<16xi32>,
      %gather3A_914 = tpu.vector_load_idx %arg6[%get3A_913] : memref<100000xf32, #tpu.memory_space<vmem>>[vector<16xi32>], vector<16xf32>,
      %mul3A_915 = arith.mulf %gather3A_914, %select_n3A : vector<16xf32>
      %add3A_916 = arith.addf %add3A_891, %add3A_897 : vector<16xf32>
      %add3A_917 = arith.addf %add3A_903, %add3A_909 : vector<16xf32>
      %add3A_918 = arith.addf %add3A_916, %add3A_917 : vector<16xf32>
      %add3A_919 = arith.addf %add3A_918, %mul3A_915 : vector<16xf32>
      %reduce_sum3A_920 = arith.constant true
      %reduce_sum3A_921 = vector.broadcast %reduce_sum3A_920 : i1 to vector<16xi1>
      %reduce_sum3A_922 = tpu.scan <sum>, %add3A_919 masked %reduce_sum3A_921 : vector<16xf32>, vector<16xi1> -> vector<16xf32>
      %reduce_sum3A_923 = vector.extract %reduce_sum3A_922[15] : f32 from vector<16xf32>
      %broadcast_in_dim3A_924 = vector.broadcast %reduce_sum3A_923 : f32 to vector<16xf32>
      %eq3A_925 = arith.constant 8 : i32
      %eq3A_926 = vector.broadcast %eq3A_925 : i32 to vector<16xi32>
      %eq3A_927 = arith.cmpi eq, %iota3A, %eq3A_926 : vector<16xi32>
      %select_n3A_928 = arith.select %eq3A_927, %broadcast_in_dim3A_924, %select_n3A_829 : vector<16xi1>, vector<16xf32>
      %broadcast_in_dim3A_929 = arith.constant 0.000000e+00 : f32
      %broadcast_in_dim3A_930 = vector.broadcast %broadcast_in_dim3A_929 : f32 to vector<16xf32>
      %broadcast_in_dim3A_931 = arith.constant 0.000000e+00 : f32
      %broadcast_in_dim3A_932 = vector.broadcast %broadcast_in_dim3A_931 : f32 to vector<16xf32>
      %broadcast_in_dim3A_933 = arith.constant 0.000000e+00 : f32
      %broadcast_in_dim3A_934 = vector.broadcast %broadcast_in_dim3A_933 : f32 to vector<16xf32>
      %broadcast_in_dim3A_935 = arith.constant 0.000000e+00 : f32
      %broadcast_in_dim3A_936 = vector.broadcast %broadcast_in_dim3A_935 : f32 to vector<16xf32>
      %get3A_937 = arith.constant 9 : i32
      %get3A_938 = arith.index_cast %get3A_937 : i32 to index
      %get3A_939 = arith.constant 0 : index
      %get3A_940 = tpu.vector_load %arg7[%get3A_938, %get3A_939] {strides = array<i32>} : memref<16x200xi32, #tpu.memory_space<vmem>>, vector<16xi32>,
      %gather3A_941 = tpu.vector_load_idx %arg6[%get3A_940] : memref<100000xf32, #tpu.memory_space<vmem>>[vector<16xi32>], vector<16xf32>,
      %add3A_942 = arith.addf %broadcast_in_dim3A_930, %gather3A_941 : vector<16xf32>
      %get3A_943 = arith.constant 9 : i32
      %get3A_944 = arith.index_cast %get3A_943 : i32 to index
      %get3A_945 = arith.constant 16 : index
      %get3A_946 = tpu.vector_load %arg7[%get3A_944, %get3A_945] {strides = array<i32>} : memref<16x200xi32, #tpu.memory_space<vmem>>, vector<16xi32>,
      %gather3A_947 = tpu.vector_load_idx %arg6[%get3A_946] : memref<100000xf32, #tpu.memory_space<vmem>>[vector<16xi32>], vector<16xf32>,
      %add3A_948 = arith.addf %broadcast_in_dim3A_932, %gather3A_947 : vector<16xf32>
      %get3A_949 = arith.constant 9 : i32
      %get3A_950 = arith.index_cast %get3A_949 : i32 to index
      %get3A_951 = arith.constant 32 : index
      %get3A_952 = tpu.vector_load %arg7[%get3A_950, %get3A_951] {strides = array<i32>} : memref<16x200xi32, #tpu.memory_space<vmem>>, vector<16xi32>,
      %gather3A_953 = tpu.vector_load_idx %arg6[%get3A_952] : memref<100000xf32, #tpu.memory_space<vmem>>[vector<16xi32>], vector<16xf32>,
      %add3A_954 = arith.addf %broadcast_in_dim3A_934, %gather3A_953 : vector<16xf32>
      %get3A_955 = arith.constant 9 : i32
      %get3A_956 = arith.index_cast %get3A_955 : i32 to index
      %get3A_957 = arith.constant 48 : index
      %get3A_958 = tpu.vector_load %arg7[%get3A_956, %get3A_957] {strides = array<i32>} : memref<16x200xi32, #tpu.memory_space<vmem>>, vector<16xi32>,
      %gather3A_959 = tpu.vector_load_idx %arg6[%get3A_958] : memref<100000xf32, #tpu.memory_space<vmem>>[vector<16xi32>], vector<16xf32>,
      %add3A_960 = arith.addf %broadcast_in_dim3A_936, %gather3A_959 : vector<16xf32>
      %get3A_961 = arith.constant 9 : i32
      %get3A_962 = arith.index_cast %get3A_961 : i32 to index
      %get3A_963 = arith.constant 64 : index
      %get3A_964 = tpu.vector_load %arg7[%get3A_962, %get3A_963] {strides = array<i32>} : memref<16x200xi32, #tpu.memory_space<vmem>>, vector<16xi32>,
      %gather3A_965 = tpu.vector_load_idx %arg6[%get3A_964] : memref<100000xf32, #tpu.memory_space<vmem>>[vector<16xi32>], vector<16xf32>,
      %add3A_966 = arith.addf %add3A_942, %gather3A_965 : vector<16xf32>
      %get3A_967 = arith.constant 9 : i32
      %get3A_968 = arith.index_cast %get3A_967 : i32 to index
      %get3A_969 = arith.constant 80 : index
      %get3A_970 = tpu.vector_load %arg7[%get3A_968, %get3A_969] {strides = array<i32>} : memref<16x200xi32, #tpu.memory_space<vmem>>, vector<16xi32>,
      %gather3A_971 = tpu.vector_load_idx %arg6[%get3A_970] : memref<100000xf32, #tpu.memory_space<vmem>>[vector<16xi32>], vector<16xf32>,
      %add3A_972 = arith.addf %add3A_948, %gather3A_971 : vector<16xf32>
      %get3A_973 = arith.constant 9 : i32
      %get3A_974 = arith.index_cast %get3A_973 : i32 to index
      %get3A_975 = arith.constant 96 : index
      %get3A_976 = tpu.vector_load %arg7[%get3A_974, %get3A_975] {strides = array<i32>} : memref<16x200xi32, #tpu.memory_space<vmem>>, vector<16xi32>,
      %gather3A_977 = tpu.vector_load_idx %arg6[%get3A_976] : memref<100000xf32, #tpu.memory_space<vmem>>[vector<16xi32>], vector<16xf32>,
      %add3A_978 = arith.addf %add3A_954, %gather3A_977 : vector<16xf32>
      %get3A_979 = arith.constant 9 : i32
      %get3A_980 = arith.index_cast %get3A_979 : i32 to index
      %get3A_981 = arith.constant 112 : index
      %get3A_982 = tpu.vector_load %arg7[%get3A_980, %get3A_981] {strides = array<i32>} : memref<16x200xi32, #tpu.memory_space<vmem>>, vector<16xi32>,
      %gather3A_983 = tpu.vector_load_idx %arg6[%get3A_982] : memref<100000xf32, #tpu.memory_space<vmem>>[vector<16xi32>], vector<16xf32>,
      %add3A_984 = arith.addf %add3A_960, %gather3A_983 : vector<16xf32>
      %get3A_985 = arith.constant 9 : i32
      %get3A_986 = arith.index_cast %get3A_985 : i32 to index
      %get3A_987 = arith.constant 128 : index
      %get3A_988 = tpu.vector_load %arg7[%get3A_986, %get3A_987] {strides = array<i32>} : memref<16x200xi32, #tpu.memory_space<vmem>>, vector<16xi32>,
      %gather3A_989 = tpu.vector_load_idx %arg6[%get3A_988] : memref<100000xf32, #tpu.memory_space<vmem>>[vector<16xi32>], vector<16xf32>,
      %add3A_990 = arith.addf %add3A_966, %gather3A_989 : vector<16xf32>
      %get3A_991 = arith.constant 9 : i32
      %get3A_992 = arith.index_cast %get3A_991 : i32 to index
      %get3A_993 = arith.constant 144 : index
      %get3A_994 = tpu.vector_load %arg7[%get3A_992, %get3A_993] {strides = array<i32>} : memref<16x200xi32, #tpu.memory_space<vmem>>, vector<16xi32>,
      %gather3A_995 = tpu.vector_load_idx %arg6[%get3A_994] : memref<100000xf32, #tpu.memory_space<vmem>>[vector<16xi32>], vector<16xf32>,
      %add3A_996 = arith.addf %add3A_972, %gather3A_995 : vector<16xf32>
      %get3A_997 = arith.constant 9 : i32
      %get3A_998 = arith.index_cast %get3A_997 : i32 to index
      %get3A_999 = arith.constant 160 : index
      %get3A_1000 = tpu.vector_load %arg7[%get3A_998, %get3A_999] {strides = array<i32>} : memref<16x200xi32, #tpu.memory_space<vmem>>, vector<16xi32>,
      %gather3A_1001 = tpu.vector_load_idx %arg6[%get3A_1000] : memref<100000xf32, #tpu.memory_space<vmem>>[vector<16xi32>], vector<16xf32>,
      %add3A_1002 = arith.addf %add3A_978, %gather3A_1001 : vector<16xf32>
      %get3A_1003 = arith.constant 9 : i32
      %get3A_1004 = arith.index_cast %get3A_1003 : i32 to index
      %get3A_1005 = arith.constant 176 : index
      %get3A_1006 = tpu.vector_load %arg7[%get3A_1004, %get3A_1005] {strides = array<i32>} : memref<16x200xi32, #tpu.memory_space<vmem>>, vector<16xi32>,
      %gather3A_1007 = tpu.vector_load_idx %arg6[%get3A_1006] : memref<100000xf32, #tpu.memory_space<vmem>>[vector<16xi32>], vector<16xf32>,
      %add3A_1008 = arith.addf %add3A_984, %gather3A_1007 : vector<16xf32>
      %get3A_1009 = arith.constant 9 : i32
      %get3A_1010 = arith.index_cast %get3A_1009 : i32 to index
      %get3A_1011 = arith.constant 184 : index
      %get3A_1012 = tpu.vector_load %arg7[%get3A_1010, %get3A_1011] {strides = array<i32>} : memref<16x200xi32, #tpu.memory_space<vmem>>, vector<16xi32>,
      %gather3A_1013 = tpu.vector_load_idx %arg6[%get3A_1012] : memref<100000xf32, #tpu.memory_space<vmem>>[vector<16xi32>], vector<16xf32>,
      %mul3A_1014 = arith.mulf %gather3A_1013, %select_n3A : vector<16xf32>
      %add3A_1015 = arith.addf %add3A_990, %add3A_996 : vector<16xf32>
      %add3A_1016 = arith.addf %add3A_1002, %add3A_1008 : vector<16xf32>
      %add3A_1017 = arith.addf %add3A_1015, %add3A_1016 : vector<16xf32>
      %add3A_1018 = arith.addf %add3A_1017, %mul3A_1014 : vector<16xf32>
      %reduce_sum3A_1019 = arith.constant true
      %reduce_sum3A_1020 = vector.broadcast %reduce_sum3A_1019 : i1 to vector<16xi1>
      %reduce_sum3A_1021 = tpu.scan <sum>, %add3A_1018 masked %reduce_sum3A_1020 : vector<16xf32>, vector<16xi1> -> vector<16xf32>
      %reduce_sum3A_1022 = vector.extract %reduce_sum3A_1021[15] : f32 from vector<16xf32>
      %broadcast_in_dim3A_1023 = vector.broadcast %reduce_sum3A_1022 : f32 to vector<16xf32>
      %eq3A_1024 = arith.constant 9 : i32
      %eq3A_1025 = vector.broadcast %eq3A_1024 : i32 to vector<16xi32>
      %eq3A_1026 = arith.cmpi eq, %iota3A, %eq3A_1025 : vector<16xi32>
      %select_n3A_1027 = arith.select %eq3A_1026, %broadcast_in_dim3A_1023, %select_n3A_928 : vector<16xi1>, vector<16xf32>
      %broadcast_in_dim3A_1028 = arith.constant 0.000000e+00 : f32
      %broadcast_in_dim3A_1029 = vector.broadcast %broadcast_in_dim3A_1028 : f32 to vector<16xf32>
      %broadcast_in_dim3A_1030 = arith.constant 0.000000e+00 : f32
      %broadcast_in_dim3A_1031 = vector.broadcast %broadcast_in_dim3A_1030 : f32 to vector<16xf32>
      %broadcast_in_dim3A_1032 = arith.constant 0.000000e+00 : f32
      %broadcast_in_dim3A_1033 = vector.broadcast %broadcast_in_dim3A_1032 : f32 to vector<16xf32>
      %broadcast_in_dim3A_1034 = arith.constant 0.000000e+00 : f32
      %broadcast_in_dim3A_1035 = vector.broadcast %broadcast_in_dim3A_1034 : f32 to vector<16xf32>
      %get3A_1036 = arith.constant 10 : i32
      %get3A_1037 = arith.index_cast %get3A_1036 : i32 to index
      %get3A_1038 = arith.constant 0 : index
      %get3A_1039 = tpu.vector_load %arg7[%get3A_1037, %get3A_1038] {strides = array<i32>} : memref<16x200xi32, #tpu.memory_space<vmem>>, vector<16xi32>,
      %gather3A_1040 = tpu.vector_load_idx %arg6[%get3A_1039] : memref<100000xf32, #tpu.memory_space<vmem>>[vector<16xi32>], vector<16xf32>,
      %add3A_1041 = arith.addf %broadcast_in_dim3A_1029, %gather3A_1040 : vector<16xf32>
      %get3A_1042 = arith.constant 10 : i32
      %get3A_1043 = arith.index_cast %get3A_1042 : i32 to index
      %get3A_1044 = arith.constant 16 : index
      %get3A_1045 = tpu.vector_load %arg7[%get3A_1043, %get3A_1044] {strides = array<i32>} : memref<16x200xi32, #tpu.memory_space<vmem>>, vector<16xi32>,
      %gather3A_1046 = tpu.vector_load_idx %arg6[%get3A_1045] : memref<100000xf32, #tpu.memory_space<vmem>>[vector<16xi32>], vector<16xf32>,
      %add3A_1047 = arith.addf %broadcast_in_dim3A_1031, %gather3A_1046 : vector<16xf32>
      %get3A_1048 = arith.constant 10 : i32
      %get3A_1049 = arith.index_cast %get3A_1048 : i32 to index
      %get3A_1050 = arith.constant 32 : index
      %get3A_1051 = tpu.vector_load %arg7[%get3A_1049, %get3A_1050] {strides = array<i32>} : memref<16x200xi32, #tpu.memory_space<vmem>>, vector<16xi32>,
      %gather3A_1052 = tpu.vector_load_idx %arg6[%get3A_1051] : memref<100000xf32, #tpu.memory_space<vmem>>[vector<16xi32>], vector<16xf32>,
      %add3A_1053 = arith.addf %broadcast_in_dim3A_1033, %gather3A_1052 : vector<16xf32>
      %get3A_1054 = arith.constant 10 : i32
      %get3A_1055 = arith.index_cast %get3A_1054 : i32 to index
      %get3A_1056 = arith.constant 48 : index
      %get3A_1057 = tpu.vector_load %arg7[%get3A_1055, %get3A_1056] {strides = array<i32>} : memref<16x200xi32, #tpu.memory_space<vmem>>, vector<16xi32>,
      %gather3A_1058 = tpu.vector_load_idx %arg6[%get3A_1057] : memref<100000xf32, #tpu.memory_space<vmem>>[vector<16xi32>], vector<16xf32>,
      %add3A_1059 = arith.addf %broadcast_in_dim3A_1035, %gather3A_1058 : vector<16xf32>
      %get3A_1060 = arith.constant 10 : i32
      %get3A_1061 = arith.index_cast %get3A_1060 : i32 to index
      %get3A_1062 = arith.constant 64 : index
      %get3A_1063 = tpu.vector_load %arg7[%get3A_1061, %get3A_1062] {strides = array<i32>} : memref<16x200xi32, #tpu.memory_space<vmem>>, vector<16xi32>,
      %gather3A_1064 = tpu.vector_load_idx %arg6[%get3A_1063] : memref<100000xf32, #tpu.memory_space<vmem>>[vector<16xi32>], vector<16xf32>,
      %add3A_1065 = arith.addf %add3A_1041, %gather3A_1064 : vector<16xf32>
      %get3A_1066 = arith.constant 10 : i32
      %get3A_1067 = arith.index_cast %get3A_1066 : i32 to index
      %get3A_1068 = arith.constant 80 : index
      %get3A_1069 = tpu.vector_load %arg7[%get3A_1067, %get3A_1068] {strides = array<i32>} : memref<16x200xi32, #tpu.memory_space<vmem>>, vector<16xi32>,
      %gather3A_1070 = tpu.vector_load_idx %arg6[%get3A_1069] : memref<100000xf32, #tpu.memory_space<vmem>>[vector<16xi32>], vector<16xf32>,
      %add3A_1071 = arith.addf %add3A_1047, %gather3A_1070 : vector<16xf32>
      %get3A_1072 = arith.constant 10 : i32
      %get3A_1073 = arith.index_cast %get3A_1072 : i32 to index
      %get3A_1074 = arith.constant 96 : index
      %get3A_1075 = tpu.vector_load %arg7[%get3A_1073, %get3A_1074] {strides = array<i32>} : memref<16x200xi32, #tpu.memory_space<vmem>>, vector<16xi32>,
      %gather3A_1076 = tpu.vector_load_idx %arg6[%get3A_1075] : memref<100000xf32, #tpu.memory_space<vmem>>[vector<16xi32>], vector<16xf32>,
      %add3A_1077 = arith.addf %add3A_1053, %gather3A_1076 : vector<16xf32>
      %get3A_1078 = arith.constant 10 : i32
      %get3A_1079 = arith.index_cast %get3A_1078 : i32 to index
      %get3A_1080 = arith.constant 112 : index
      %get3A_1081 = tpu.vector_load %arg7[%get3A_1079, %get3A_1080] {strides = array<i32>} : memref<16x200xi32, #tpu.memory_space<vmem>>, vector<16xi32>,
      %gather3A_1082 = tpu.vector_load_idx %arg6[%get3A_1081] : memref<100000xf32, #tpu.memory_space<vmem>>[vector<16xi32>], vector<16xf32>,
      %add3A_1083 = arith.addf %add3A_1059, %gather3A_1082 : vector<16xf32>
      %get3A_1084 = arith.constant 10 : i32
      %get3A_1085 = arith.index_cast %get3A_1084 : i32 to index
      %get3A_1086 = arith.constant 128 : index
      %get3A_1087 = tpu.vector_load %arg7[%get3A_1085, %get3A_1086] {strides = array<i32>} : memref<16x200xi32, #tpu.memory_space<vmem>>, vector<16xi32>,
      %gather3A_1088 = tpu.vector_load_idx %arg6[%get3A_1087] : memref<100000xf32, #tpu.memory_space<vmem>>[vector<16xi32>], vector<16xf32>,
      %add3A_1089 = arith.addf %add3A_1065, %gather3A_1088 : vector<16xf32>
      %get3A_1090 = arith.constant 10 : i32
      %get3A_1091 = arith.index_cast %get3A_1090 : i32 to index
      %get3A_1092 = arith.constant 144 : index
      %get3A_1093 = tpu.vector_load %arg7[%get3A_1091, %get3A_1092] {strides = array<i32>} : memref<16x200xi32, #tpu.memory_space<vmem>>, vector<16xi32>,
      %gather3A_1094 = tpu.vector_load_idx %arg6[%get3A_1093] : memref<100000xf32, #tpu.memory_space<vmem>>[vector<16xi32>], vector<16xf32>,
      %add3A_1095 = arith.addf %add3A_1071, %gather3A_1094 : vector<16xf32>
      %get3A_1096 = arith.constant 10 : i32
      %get3A_1097 = arith.index_cast %get3A_1096 : i32 to index
      %get3A_1098 = arith.constant 160 : index
      %get3A_1099 = tpu.vector_load %arg7[%get3A_1097, %get3A_1098] {strides = array<i32>} : memref<16x200xi32, #tpu.memory_space<vmem>>, vector<16xi32>,
      %gather3A_1100 = tpu.vector_load_idx %arg6[%get3A_1099] : memref<100000xf32, #tpu.memory_space<vmem>>[vector<16xi32>], vector<16xf32>,
      %add3A_1101 = arith.addf %add3A_1077, %gather3A_1100 : vector<16xf32>
      %get3A_1102 = arith.constant 10 : i32
      %get3A_1103 = arith.index_cast %get3A_1102 : i32 to index
      %get3A_1104 = arith.constant 176 : index
      %get3A_1105 = tpu.vector_load %arg7[%get3A_1103, %get3A_1104] {strides = array<i32>} : memref<16x200xi32, #tpu.memory_space<vmem>>, vector<16xi32>,
      %gather3A_1106 = tpu.vector_load_idx %arg6[%get3A_1105] : memref<100000xf32, #tpu.memory_space<vmem>>[vector<16xi32>], vector<16xf32>,
      %add3A_1107 = arith.addf %add3A_1083, %gather3A_1106 : vector<16xf32>
      %get3A_1108 = arith.constant 10 : i32
      %get3A_1109 = arith.index_cast %get3A_1108 : i32 to index
      %get3A_1110 = arith.constant 184 : index
      %get3A_1111 = tpu.vector_load %arg7[%get3A_1109, %get3A_1110] {strides = array<i32>} : memref<16x200xi32, #tpu.memory_space<vmem>>, vector<16xi32>,
      %gather3A_1112 = tpu.vector_load_idx %arg6[%get3A_1111] : memref<100000xf32, #tpu.memory_space<vmem>>[vector<16xi32>], vector<16xf32>,
      %mul3A_1113 = arith.mulf %gather3A_1112, %select_n3A : vector<16xf32>
      %add3A_1114 = arith.addf %add3A_1089, %add3A_1095 : vector<16xf32>
      %add3A_1115 = arith.addf %add3A_1101, %add3A_1107 : vector<16xf32>
      %add3A_1116 = arith.addf %add3A_1114, %add3A_1115 : vector<16xf32>
      %add3A_1117 = arith.addf %add3A_1116, %mul3A_1113 : vector<16xf32>
      %reduce_sum3A_1118 = arith.constant true
      %reduce_sum3A_1119 = vector.broadcast %reduce_sum3A_1118 : i1 to vector<16xi1>
      %reduce_sum3A_1120 = tpu.scan <sum>, %add3A_1117 masked %reduce_sum3A_1119 : vector<16xf32>, vector<16xi1> -> vector<16xf32>
      %reduce_sum3A_1121 = vector.extract %reduce_sum3A_1120[15] : f32 from vector<16xf32>
      %broadcast_in_dim3A_1122 = vector.broadcast %reduce_sum3A_1121 : f32 to vector<16xf32>
      %eq3A_1123 = arith.constant 10 : i32
      %eq3A_1124 = vector.broadcast %eq3A_1123 : i32 to vector<16xi32>
      %eq3A_1125 = arith.cmpi eq, %iota3A, %eq3A_1124 : vector<16xi32>
      %select_n3A_1126 = arith.select %eq3A_1125, %broadcast_in_dim3A_1122, %select_n3A_1027 : vector<16xi1>, vector<16xf32>
      %broadcast_in_dim3A_1127 = arith.constant 0.000000e+00 : f32
      %broadcast_in_dim3A_1128 = vector.broadcast %broadcast_in_dim3A_1127 : f32 to vector<16xf32>
      %broadcast_in_dim3A_1129 = arith.constant 0.000000e+00 : f32
      %broadcast_in_dim3A_1130 = vector.broadcast %broadcast_in_dim3A_1129 : f32 to vector<16xf32>
      %broadcast_in_dim3A_1131 = arith.constant 0.000000e+00 : f32
      %broadcast_in_dim3A_1132 = vector.broadcast %broadcast_in_dim3A_1131 : f32 to vector<16xf32>
      %broadcast_in_dim3A_1133 = arith.constant 0.000000e+00 : f32
      %broadcast_in_dim3A_1134 = vector.broadcast %broadcast_in_dim3A_1133 : f32 to vector<16xf32>
      %get3A_1135 = arith.constant 11 : i32
      %get3A_1136 = arith.index_cast %get3A_1135 : i32 to index
      %get3A_1137 = arith.constant 0 : index
      %get3A_1138 = tpu.vector_load %arg7[%get3A_1136, %get3A_1137] {strides = array<i32>} : memref<16x200xi32, #tpu.memory_space<vmem>>, vector<16xi32>,
      %gather3A_1139 = tpu.vector_load_idx %arg6[%get3A_1138] : memref<100000xf32, #tpu.memory_space<vmem>>[vector<16xi32>], vector<16xf32>,
      %add3A_1140 = arith.addf %broadcast_in_dim3A_1128, %gather3A_1139 : vector<16xf32>
      %get3A_1141 = arith.constant 11 : i32
      %get3A_1142 = arith.index_cast %get3A_1141 : i32 to index
      %get3A_1143 = arith.constant 16 : index
      %get3A_1144 = tpu.vector_load %arg7[%get3A_1142, %get3A_1143] {strides = array<i32>} : memref<16x200xi32, #tpu.memory_space<vmem>>, vector<16xi32>,
      %gather3A_1145 = tpu.vector_load_idx %arg6[%get3A_1144] : memref<100000xf32, #tpu.memory_space<vmem>>[vector<16xi32>], vector<16xf32>,
      %add3A_1146 = arith.addf %broadcast_in_dim3A_1130, %gather3A_1145 : vector<16xf32>
      %get3A_1147 = arith.constant 11 : i32
      %get3A_1148 = arith.index_cast %get3A_1147 : i32 to index
      %get3A_1149 = arith.constant 32 : index
      %get3A_1150 = tpu.vector_load %arg7[%get3A_1148, %get3A_1149] {strides = array<i32>} : memref<16x200xi32, #tpu.memory_space<vmem>>, vector<16xi32>,
      %gather3A_1151 = tpu.vector_load_idx %arg6[%get3A_1150] : memref<100000xf32, #tpu.memory_space<vmem>>[vector<16xi32>], vector<16xf32>,
      %add3A_1152 = arith.addf %broadcast_in_dim3A_1132, %gather3A_1151 : vector<16xf32>
      %get3A_1153 = arith.constant 11 : i32
      %get3A_1154 = arith.index_cast %get3A_1153 : i32 to index
      %get3A_1155 = arith.constant 48 : index
      %get3A_1156 = tpu.vector_load %arg7[%get3A_1154, %get3A_1155] {strides = array<i32>} : memref<16x200xi32, #tpu.memory_space<vmem>>, vector<16xi32>,
      %gather3A_1157 = tpu.vector_load_idx %arg6[%get3A_1156] : memref<100000xf32, #tpu.memory_space<vmem>>[vector<16xi32>], vector<16xf32>,
      %add3A_1158 = arith.addf %broadcast_in_dim3A_1134, %gather3A_1157 : vector<16xf32>
      %get3A_1159 = arith.constant 11 : i32
      %get3A_1160 = arith.index_cast %get3A_1159 : i32 to index
      %get3A_1161 = arith.constant 64 : index
      %get3A_1162 = tpu.vector_load %arg7[%get3A_1160, %get3A_1161] {strides = array<i32>} : memref<16x200xi32, #tpu.memory_space<vmem>>, vector<16xi32>,
      %gather3A_1163 = tpu.vector_load_idx %arg6[%get3A_1162] : memref<100000xf32, #tpu.memory_space<vmem>>[vector<16xi32>], vector<16xf32>,
      %add3A_1164 = arith.addf %add3A_1140, %gather3A_1163 : vector<16xf32>
      %get3A_1165 = arith.constant 11 : i32
      %get3A_1166 = arith.index_cast %get3A_1165 : i32 to index
      %get3A_1167 = arith.constant 80 : index
      %get3A_1168 = tpu.vector_load %arg7[%get3A_1166, %get3A_1167] {strides = array<i32>} : memref<16x200xi32, #tpu.memory_space<vmem>>, vector<16xi32>,
      %gather3A_1169 = tpu.vector_load_idx %arg6[%get3A_1168] : memref<100000xf32, #tpu.memory_space<vmem>>[vector<16xi32>], vector<16xf32>,
      %add3A_1170 = arith.addf %add3A_1146, %gather3A_1169 : vector<16xf32>
      %get3A_1171 = arith.constant 11 : i32
      %get3A_1172 = arith.index_cast %get3A_1171 : i32 to index
      %get3A_1173 = arith.constant 96 : index
      %get3A_1174 = tpu.vector_load %arg7[%get3A_1172, %get3A_1173] {strides = array<i32>} : memref<16x200xi32, #tpu.memory_space<vmem>>, vector<16xi32>,
      %gather3A_1175 = tpu.vector_load_idx %arg6[%get3A_1174] : memref<100000xf32, #tpu.memory_space<vmem>>[vector<16xi32>], vector<16xf32>,
      %add3A_1176 = arith.addf %add3A_1152, %gather3A_1175 : vector<16xf32>
      %get3A_1177 = arith.constant 11 : i32
      %get3A_1178 = arith.index_cast %get3A_1177 : i32 to index
      %get3A_1179 = arith.constant 112 : index
      %get3A_1180 = tpu.vector_load %arg7[%get3A_1178, %get3A_1179] {strides = array<i32>} : memref<16x200xi32, #tpu.memory_space<vmem>>, vector<16xi32>,
      %gather3A_1181 = tpu.vector_load_idx %arg6[%get3A_1180] : memref<100000xf32, #tpu.memory_space<vmem>>[vector<16xi32>], vector<16xf32>,
      %add3A_1182 = arith.addf %add3A_1158, %gather3A_1181 : vector<16xf32>
      %get3A_1183 = arith.constant 11 : i32
      %get3A_1184 = arith.index_cast %get3A_1183 : i32 to index
      %get3A_1185 = arith.constant 128 : index
      %get3A_1186 = tpu.vector_load %arg7[%get3A_1184, %get3A_1185] {strides = array<i32>} : memref<16x200xi32, #tpu.memory_space<vmem>>, vector<16xi32>,
      %gather3A_1187 = tpu.vector_load_idx %arg6[%get3A_1186] : memref<100000xf32, #tpu.memory_space<vmem>>[vector<16xi32>], vector<16xf32>,
      %add3A_1188 = arith.addf %add3A_1164, %gather3A_1187 : vector<16xf32>
      %get3A_1189 = arith.constant 11 : i32
      %get3A_1190 = arith.index_cast %get3A_1189 : i32 to index
      %get3A_1191 = arith.constant 144 : index
      %get3A_1192 = tpu.vector_load %arg7[%get3A_1190, %get3A_1191] {strides = array<i32>} : memref<16x200xi32, #tpu.memory_space<vmem>>, vector<16xi32>,
      %gather3A_1193 = tpu.vector_load_idx %arg6[%get3A_1192] : memref<100000xf32, #tpu.memory_space<vmem>>[vector<16xi32>], vector<16xf32>,
      %add3A_1194 = arith.addf %add3A_1170, %gather3A_1193 : vector<16xf32>
      %get3A_1195 = arith.constant 11 : i32
      %get3A_1196 = arith.index_cast %get3A_1195 : i32 to index
      %get3A_1197 = arith.constant 160 : index
      %get3A_1198 = tpu.vector_load %arg7[%get3A_1196, %get3A_1197] {strides = array<i32>} : memref<16x200xi32, #tpu.memory_space<vmem>>, vector<16xi32>,
      %gather3A_1199 = tpu.vector_load_idx %arg6[%get3A_1198] : memref<100000xf32, #tpu.memory_space<vmem>>[vector<16xi32>], vector<16xf32>,
      %add3A_1200 = arith.addf %add3A_1176, %gather3A_1199 : vector<16xf32>
      %get3A_1201 = arith.constant 11 : i32
      %get3A_1202 = arith.index_cast %get3A_1201 : i32 to index
      %get3A_1203 = arith.constant 176 : index
      %get3A_1204 = tpu.vector_load %arg7[%get3A_1202, %get3A_1203] {strides = array<i32>} : memref<16x200xi32, #tpu.memory_space<vmem>>, vector<16xi32>,
      %gather3A_1205 = tpu.vector_load_idx %arg6[%get3A_1204] : memref<100000xf32, #tpu.memory_space<vmem>>[vector<16xi32>], vector<16xf32>,
      %add3A_1206 = arith.addf %add3A_1182, %gather3A_1205 : vector<16xf32>
      %get3A_1207 = arith.constant 11 : i32
      %get3A_1208 = arith.index_cast %get3A_1207 : i32 to index
      %get3A_1209 = arith.constant 184 : index
      %get3A_1210 = tpu.vector_load %arg7[%get3A_1208, %get3A_1209] {strides = array<i32>} : memref<16x200xi32, #tpu.memory_space<vmem>>, vector<16xi32>,
      %gather3A_1211 = tpu.vector_load_idx %arg6[%get3A_1210] : memref<100000xf32, #tpu.memory_space<vmem>>[vector<16xi32>], vector<16xf32>,
      %mul3A_1212 = arith.mulf %gather3A_1211, %select_n3A : vector<16xf32>
      %add3A_1213 = arith.addf %add3A_1188, %add3A_1194 : vector<16xf32>
      %add3A_1214 = arith.addf %add3A_1200, %add3A_1206 : vector<16xf32>
      %add3A_1215 = arith.addf %add3A_1213, %add3A_1214 : vector<16xf32>
      %add3A_1216 = arith.addf %add3A_1215, %mul3A_1212 : vector<16xf32>
      %reduce_sum3A_1217 = arith.constant true
      %reduce_sum3A_1218 = vector.broadcast %reduce_sum3A_1217 : i1 to vector<16xi1>
      %reduce_sum3A_1219 = tpu.scan <sum>, %add3A_1216 masked %reduce_sum3A_1218 : vector<16xf32>, vector<16xi1> -> vector<16xf32>
      %reduce_sum3A_1220 = vector.extract %reduce_sum3A_1219[15] : f32 from vector<16xf32>
      %broadcast_in_dim3A_1221 = vector.broadcast %reduce_sum3A_1220 : f32 to vector<16xf32>
      %eq3A_1222 = arith.constant 11 : i32
      %eq3A_1223 = vector.broadcast %eq3A_1222 : i32 to vector<16xi32>
      %eq3A_1224 = arith.cmpi eq, %iota3A, %eq3A_1223 : vector<16xi32>
      %select_n3A_1225 = arith.select %eq3A_1224, %broadcast_in_dim3A_1221, %select_n3A_1126 : vector<16xi1>, vector<16xf32>
      %broadcast_in_dim3A_1226 = arith.constant 0.000000e+00 : f32
      %broadcast_in_dim3A_1227 = vector.broadcast %broadcast_in_dim3A_1226 : f32 to vector<16xf32>
      %broadcast_in_dim3A_1228 = arith.constant 0.000000e+00 : f32
      %broadcast_in_dim3A_1229 = vector.broadcast %broadcast_in_dim3A_1228 : f32 to vector<16xf32>
      %broadcast_in_dim3A_1230 = arith.constant 0.000000e+00 : f32
      %broadcast_in_dim3A_1231 = vector.broadcast %broadcast_in_dim3A_1230 : f32 to vector<16xf32>
      %broadcast_in_dim3A_1232 = arith.constant 0.000000e+00 : f32
      %broadcast_in_dim3A_1233 = vector.broadcast %broadcast_in_dim3A_1232 : f32 to vector<16xf32>
      %get3A_1234 = arith.constant 12 : i32
      %get3A_1235 = arith.index_cast %get3A_1234 : i32 to index
      %get3A_1236 = arith.constant 0 : index
      %get3A_1237 = tpu.vector_load %arg7[%get3A_1235, %get3A_1236] {strides = array<i32>} : memref<16x200xi32, #tpu.memory_space<vmem>>, vector<16xi32>,
      %gather3A_1238 = tpu.vector_load_idx %arg6[%get3A_1237] : memref<100000xf32, #tpu.memory_space<vmem>>[vector<16xi32>], vector<16xf32>,
      %add3A_1239 = arith.addf %broadcast_in_dim3A_1227, %gather3A_1238 : vector<16xf32>
      %get3A_1240 = arith.constant 12 : i32
      %get3A_1241 = arith.index_cast %get3A_1240 : i32 to index
      %get3A_1242 = arith.constant 16 : index
      %get3A_1243 = tpu.vector_load %arg7[%get3A_1241, %get3A_1242] {strides = array<i32>} : memref<16x200xi32, #tpu.memory_space<vmem>>, vector<16xi32>,
      %gather3A_1244 = tpu.vector_load_idx %arg6[%get3A_1243] : memref<100000xf32, #tpu.memory_space<vmem>>[vector<16xi32>], vector<16xf32>,
      %add3A_1245 = arith.addf %broadcast_in_dim3A_1229, %gather3A_1244 : vector<16xf32>
      %get3A_1246 = arith.constant 12 : i32
      %get3A_1247 = arith.index_cast %get3A_1246 : i32 to index
      %get3A_1248 = arith.constant 32 : index
      %get3A_1249 = tpu.vector_load %arg7[%get3A_1247, %get3A_1248] {strides = array<i32>} : memref<16x200xi32, #tpu.memory_space<vmem>>, vector<16xi32>,
      %gather3A_1250 = tpu.vector_load_idx %arg6[%get3A_1249] : memref<100000xf32, #tpu.memory_space<vmem>>[vector<16xi32>], vector<16xf32>,
      %add3A_1251 = arith.addf %broadcast_in_dim3A_1231, %gather3A_1250 : vector<16xf32>
      %get3A_1252 = arith.constant 12 : i32
      %get3A_1253 = arith.index_cast %get3A_1252 : i32 to index
      %get3A_1254 = arith.constant 48 : index
      %get3A_1255 = tpu.vector_load %arg7[%get3A_1253, %get3A_1254] {strides = array<i32>} : memref<16x200xi32, #tpu.memory_space<vmem>>, vector<16xi32>,
      %gather3A_1256 = tpu.vector_load_idx %arg6[%get3A_1255] : memref<100000xf32, #tpu.memory_space<vmem>>[vector<16xi32>], vector<16xf32>,
      %add3A_1257 = arith.addf %broadcast_in_dim3A_1233, %gather3A_1256 : vector<16xf32>
      %get3A_1258 = arith.constant 12 : i32
      %get3A_1259 = arith.index_cast %get3A_1258 : i32 to index
      %get3A_1260 = arith.constant 64 : index
      %get3A_1261 = tpu.vector_load %arg7[%get3A_1259, %get3A_1260] {strides = array<i32>} : memref<16x200xi32, #tpu.memory_space<vmem>>, vector<16xi32>,
      %gather3A_1262 = tpu.vector_load_idx %arg6[%get3A_1261] : memref<100000xf32, #tpu.memory_space<vmem>>[vector<16xi32>], vector<16xf32>,
      %add3A_1263 = arith.addf %add3A_1239, %gather3A_1262 : vector<16xf32>
      %get3A_1264 = arith.constant 12 : i32
      %get3A_1265 = arith.index_cast %get3A_1264 : i32 to index
      %get3A_1266 = arith.constant 80 : index
      %get3A_1267 = tpu.vector_load %arg7[%get3A_1265, %get3A_1266] {strides = array<i32>} : memref<16x200xi32, #tpu.memory_space<vmem>>, vector<16xi32>,
      %gather3A_1268 = tpu.vector_load_idx %arg6[%get3A_1267] : memref<100000xf32, #tpu.memory_space<vmem>>[vector<16xi32>], vector<16xf32>,
      %add3A_1269 = arith.addf %add3A_1245, %gather3A_1268 : vector<16xf32>
      %get3A_1270 = arith.constant 12 : i32
      %get3A_1271 = arith.index_cast %get3A_1270 : i32 to index
      %get3A_1272 = arith.constant 96 : index
      %get3A_1273 = tpu.vector_load %arg7[%get3A_1271, %get3A_1272] {strides = array<i32>} : memref<16x200xi32, #tpu.memory_space<vmem>>, vector<16xi32>,
      %gather3A_1274 = tpu.vector_load_idx %arg6[%get3A_1273] : memref<100000xf32, #tpu.memory_space<vmem>>[vector<16xi32>], vector<16xf32>,
      %add3A_1275 = arith.addf %add3A_1251, %gather3A_1274 : vector<16xf32>
      %get3A_1276 = arith.constant 12 : i32
      %get3A_1277 = arith.index_cast %get3A_1276 : i32 to index
      %get3A_1278 = arith.constant 112 : index
      %get3A_1279 = tpu.vector_load %arg7[%get3A_1277, %get3A_1278] {strides = array<i32>} : memref<16x200xi32, #tpu.memory_space<vmem>>, vector<16xi32>,
      %gather3A_1280 = tpu.vector_load_idx %arg6[%get3A_1279] : memref<100000xf32, #tpu.memory_space<vmem>>[vector<16xi32>], vector<16xf32>,
      %add3A_1281 = arith.addf %add3A_1257, %gather3A_1280 : vector<16xf32>
      %get3A_1282 = arith.constant 12 : i32
      %get3A_1283 = arith.index_cast %get3A_1282 : i32 to index
      %get3A_1284 = arith.constant 128 : index
      %get3A_1285 = tpu.vector_load %arg7[%get3A_1283, %get3A_1284] {strides = array<i32>} : memref<16x200xi32, #tpu.memory_space<vmem>>, vector<16xi32>,
      %gather3A_1286 = tpu.vector_load_idx %arg6[%get3A_1285] : memref<100000xf32, #tpu.memory_space<vmem>>[vector<16xi32>], vector<16xf32>,
      %add3A_1287 = arith.addf %add3A_1263, %gather3A_1286 : vector<16xf32>
      %get3A_1288 = arith.constant 12 : i32
      %get3A_1289 = arith.index_cast %get3A_1288 : i32 to index
      %get3A_1290 = arith.constant 144 : index
      %get3A_1291 = tpu.vector_load %arg7[%get3A_1289, %get3A_1290] {strides = array<i32>} : memref<16x200xi32, #tpu.memory_space<vmem>>, vector<16xi32>,
      %gather3A_1292 = tpu.vector_load_idx %arg6[%get3A_1291] : memref<100000xf32, #tpu.memory_space<vmem>>[vector<16xi32>], vector<16xf32>,
      %add3A_1293 = arith.addf %add3A_1269, %gather3A_1292 : vector<16xf32>
      %get3A_1294 = arith.constant 12 : i32
      %get3A_1295 = arith.index_cast %get3A_1294 : i32 to index
      %get3A_1296 = arith.constant 160 : index
      %get3A_1297 = tpu.vector_load %arg7[%get3A_1295, %get3A_1296] {strides = array<i32>} : memref<16x200xi32, #tpu.memory_space<vmem>>, vector<16xi32>,
      %gather3A_1298 = tpu.vector_load_idx %arg6[%get3A_1297] : memref<100000xf32, #tpu.memory_space<vmem>>[vector<16xi32>], vector<16xf32>,
      %add3A_1299 = arith.addf %add3A_1275, %gather3A_1298 : vector<16xf32>
      %get3A_1300 = arith.constant 12 : i32
      %get3A_1301 = arith.index_cast %get3A_1300 : i32 to index
      %get3A_1302 = arith.constant 176 : index
      %get3A_1303 = tpu.vector_load %arg7[%get3A_1301, %get3A_1302] {strides = array<i32>} : memref<16x200xi32, #tpu.memory_space<vmem>>, vector<16xi32>,
      %gather3A_1304 = tpu.vector_load_idx %arg6[%get3A_1303] : memref<100000xf32, #tpu.memory_space<vmem>>[vector<16xi32>], vector<16xf32>,
      %add3A_1305 = arith.addf %add3A_1281, %gather3A_1304 : vector<16xf32>
      %get3A_1306 = arith.constant 12 : i32
      %get3A_1307 = arith.index_cast %get3A_1306 : i32 to index
      %get3A_1308 = arith.constant 184 : index
      %get3A_1309 = tpu.vector_load %arg7[%get3A_1307, %get3A_1308] {strides = array<i32>} : memref<16x200xi32, #tpu.memory_space<vmem>>, vector<16xi32>,
      %gather3A_1310 = tpu.vector_load_idx %arg6[%get3A_1309] : memref<100000xf32, #tpu.memory_space<vmem>>[vector<16xi32>], vector<16xf32>,
      %mul3A_1311 = arith.mulf %gather3A_1310, %select_n3A : vector<16xf32>
      %add3A_1312 = arith.addf %add3A_1287, %add3A_1293 : vector<16xf32>
      %add3A_1313 = arith.addf %add3A_1299, %add3A_1305 : vector<16xf32>
      %add3A_1314 = arith.addf %add3A_1312, %add3A_1313 : vector<16xf32>
      %add3A_1315 = arith.addf %add3A_1314, %mul3A_1311 : vector<16xf32>
      %reduce_sum3A_1316 = arith.constant true
      %reduce_sum3A_1317 = vector.broadcast %reduce_sum3A_1316 : i1 to vector<16xi1>
      %reduce_sum3A_1318 = tpu.scan <sum>, %add3A_1315 masked %reduce_sum3A_1317 : vector<16xf32>, vector<16xi1> -> vector<16xf32>
      %reduce_sum3A_1319 = vector.extract %reduce_sum3A_1318[15] : f32 from vector<16xf32>
      %broadcast_in_dim3A_1320 = vector.broadcast %reduce_sum3A_1319 : f32 to vector<16xf32>
      %eq3A_1321 = arith.constant 12 : i32
      %eq3A_1322 = vector.broadcast %eq3A_1321 : i32 to vector<16xi32>
      %eq3A_1323 = arith.cmpi eq, %iota3A, %eq3A_1322 : vector<16xi32>
      %select_n3A_1324 = arith.select %eq3A_1323, %broadcast_in_dim3A_1320, %select_n3A_1225 : vector<16xi1>, vector<16xf32>
      %broadcast_in_dim3A_1325 = arith.constant 0.000000e+00 : f32
      %broadcast_in_dim3A_1326 = vector.broadcast %broadcast_in_dim3A_1325 : f32 to vector<16xf32>
      %broadcast_in_dim3A_1327 = arith.constant 0.000000e+00 : f32
      %broadcast_in_dim3A_1328 = vector.broadcast %broadcast_in_dim3A_1327 : f32 to vector<16xf32>
      %broadcast_in_dim3A_1329 = arith.constant 0.000000e+00 : f32
      %broadcast_in_dim3A_1330 = vector.broadcast %broadcast_in_dim3A_1329 : f32 to vector<16xf32>
      %broadcast_in_dim3A_1331 = arith.constant 0.000000e+00 : f32
      %broadcast_in_dim3A_1332 = vector.broadcast %broadcast_in_dim3A_1331 : f32 to vector<16xf32>
      %get3A_1333 = arith.constant 13 : i32
      %get3A_1334 = arith.index_cast %get3A_1333 : i32 to index
      %get3A_1335 = arith.constant 0 : index
      %get3A_1336 = tpu.vector_load %arg7[%get3A_1334, %get3A_1335] {strides = array<i32>} : memref<16x200xi32, #tpu.memory_space<vmem>>, vector<16xi32>,
      %gather3A_1337 = tpu.vector_load_idx %arg6[%get3A_1336] : memref<100000xf32, #tpu.memory_space<vmem>>[vector<16xi32>], vector<16xf32>,
      %add3A_1338 = arith.addf %broadcast_in_dim3A_1326, %gather3A_1337 : vector<16xf32>
      %get3A_1339 = arith.constant 13 : i32
      %get3A_1340 = arith.index_cast %get3A_1339 : i32 to index
      %get3A_1341 = arith.constant 16 : index
      %get3A_1342 = tpu.vector_load %arg7[%get3A_1340, %get3A_1341] {strides = array<i32>} : memref<16x200xi32, #tpu.memory_space<vmem>>, vector<16xi32>,
      %gather3A_1343 = tpu.vector_load_idx %arg6[%get3A_1342] : memref<100000xf32, #tpu.memory_space<vmem>>[vector<16xi32>], vector<16xf32>,
      %add3A_1344 = arith.addf %broadcast_in_dim3A_1328, %gather3A_1343 : vector<16xf32>
      %get3A_1345 = arith.constant 13 : i32
      %get3A_1346 = arith.index_cast %get3A_1345 : i32 to index
      %get3A_1347 = arith.constant 32 : index
      %get3A_1348 = tpu.vector_load %arg7[%get3A_1346, %get3A_1347] {strides = array<i32>} : memref<16x200xi32, #tpu.memory_space<vmem>>, vector<16xi32>,
      %gather3A_1349 = tpu.vector_load_idx %arg6[%get3A_1348] : memref<100000xf32, #tpu.memory_space<vmem>>[vector<16xi32>], vector<16xf32>,
      %add3A_1350 = arith.addf %broadcast_in_dim3A_1330, %gather3A_1349 : vector<16xf32>
      %get3A_1351 = arith.constant 13 : i32
      %get3A_1352 = arith.index_cast %get3A_1351 : i32 to index
      %get3A_1353 = arith.constant 48 : index
      %get3A_1354 = tpu.vector_load %arg7[%get3A_1352, %get3A_1353] {strides = array<i32>} : memref<16x200xi32, #tpu.memory_space<vmem>>, vector<16xi32>,
      %gather3A_1355 = tpu.vector_load_idx %arg6[%get3A_1354] : memref<100000xf32, #tpu.memory_space<vmem>>[vector<16xi32>], vector<16xf32>,
      %add3A_1356 = arith.addf %broadcast_in_dim3A_1332, %gather3A_1355 : vector<16xf32>
      %get3A_1357 = arith.constant 13 : i32
      %get3A_1358 = arith.index_cast %get3A_1357 : i32 to index
      %get3A_1359 = arith.constant 64 : index
      %get3A_1360 = tpu.vector_load %arg7[%get3A_1358, %get3A_1359] {strides = array<i32>} : memref<16x200xi32, #tpu.memory_space<vmem>>, vector<16xi32>,
      %gather3A_1361 = tpu.vector_load_idx %arg6[%get3A_1360] : memref<100000xf32, #tpu.memory_space<vmem>>[vector<16xi32>], vector<16xf32>,
      %add3A_1362 = arith.addf %add3A_1338, %gather3A_1361 : vector<16xf32>
      %get3A_1363 = arith.constant 13 : i32
      %get3A_1364 = arith.index_cast %get3A_1363 : i32 to index
      %get3A_1365 = arith.constant 80 : index
      %get3A_1366 = tpu.vector_load %arg7[%get3A_1364, %get3A_1365] {strides = array<i32>} : memref<16x200xi32, #tpu.memory_space<vmem>>, vector<16xi32>,
      %gather3A_1367 = tpu.vector_load_idx %arg6[%get3A_1366] : memref<100000xf32, #tpu.memory_space<vmem>>[vector<16xi32>], vector<16xf32>,
      %add3A_1368 = arith.addf %add3A_1344, %gather3A_1367 : vector<16xf32>
      %get3A_1369 = arith.constant 13 : i32
      %get3A_1370 = arith.index_cast %get3A_1369 : i32 to index
      %get3A_1371 = arith.constant 96 : index
      %get3A_1372 = tpu.vector_load %arg7[%get3A_1370, %get3A_1371] {strides = array<i32>} : memref<16x200xi32, #tpu.memory_space<vmem>>, vector<16xi32>,
      %gather3A_1373 = tpu.vector_load_idx %arg6[%get3A_1372] : memref<100000xf32, #tpu.memory_space<vmem>>[vector<16xi32>], vector<16xf32>,
      %add3A_1374 = arith.addf %add3A_1350, %gather3A_1373 : vector<16xf32>
      %get3A_1375 = arith.constant 13 : i32
      %get3A_1376 = arith.index_cast %get3A_1375 : i32 to index
      %get3A_1377 = arith.constant 112 : index
      %get3A_1378 = tpu.vector_load %arg7[%get3A_1376, %get3A_1377] {strides = array<i32>} : memref<16x200xi32, #tpu.memory_space<vmem>>, vector<16xi32>,
      %gather3A_1379 = tpu.vector_load_idx %arg6[%get3A_1378] : memref<100000xf32, #tpu.memory_space<vmem>>[vector<16xi32>], vector<16xf32>,
      %add3A_1380 = arith.addf %add3A_1356, %gather3A_1379 : vector<16xf32>
      %get3A_1381 = arith.constant 13 : i32
      %get3A_1382 = arith.index_cast %get3A_1381 : i32 to index
      %get3A_1383 = arith.constant 128 : index
      %get3A_1384 = tpu.vector_load %arg7[%get3A_1382, %get3A_1383] {strides = array<i32>} : memref<16x200xi32, #tpu.memory_space<vmem>>, vector<16xi32>,
      %gather3A_1385 = tpu.vector_load_idx %arg6[%get3A_1384] : memref<100000xf32, #tpu.memory_space<vmem>>[vector<16xi32>], vector<16xf32>,
      %add3A_1386 = arith.addf %add3A_1362, %gather3A_1385 : vector<16xf32>
      %get3A_1387 = arith.constant 13 : i32
      %get3A_1388 = arith.index_cast %get3A_1387 : i32 to index
      %get3A_1389 = arith.constant 144 : index
      %get3A_1390 = tpu.vector_load %arg7[%get3A_1388, %get3A_1389] {strides = array<i32>} : memref<16x200xi32, #tpu.memory_space<vmem>>, vector<16xi32>,
      %gather3A_1391 = tpu.vector_load_idx %arg6[%get3A_1390] : memref<100000xf32, #tpu.memory_space<vmem>>[vector<16xi32>], vector<16xf32>,
      %add3A_1392 = arith.addf %add3A_1368, %gather3A_1391 : vector<16xf32>
      %get3A_1393 = arith.constant 13 : i32
      %get3A_1394 = arith.index_cast %get3A_1393 : i32 to index
      %get3A_1395 = arith.constant 160 : index
      %get3A_1396 = tpu.vector_load %arg7[%get3A_1394, %get3A_1395] {strides = array<i32>} : memref<16x200xi32, #tpu.memory_space<vmem>>, vector<16xi32>,
      %gather3A_1397 = tpu.vector_load_idx %arg6[%get3A_1396] : memref<100000xf32, #tpu.memory_space<vmem>>[vector<16xi32>], vector<16xf32>,
      %add3A_1398 = arith.addf %add3A_1374, %gather3A_1397 : vector<16xf32>
      %get3A_1399 = arith.constant 13 : i32
      %get3A_1400 = arith.index_cast %get3A_1399 : i32 to index
      %get3A_1401 = arith.constant 176 : index
      %get3A_1402 = tpu.vector_load %arg7[%get3A_1400, %get3A_1401] {strides = array<i32>} : memref<16x200xi32, #tpu.memory_space<vmem>>, vector<16xi32>,
      %gather3A_1403 = tpu.vector_load_idx %arg6[%get3A_1402] : memref<100000xf32, #tpu.memory_space<vmem>>[vector<16xi32>], vector<16xf32>,
      %add3A_1404 = arith.addf %add3A_1380, %gather3A_1403 : vector<16xf32>
      %get3A_1405 = arith.constant 13 : i32
      %get3A_1406 = arith.index_cast %get3A_1405 : i32 to index
      %get3A_1407 = arith.constant 184 : index
      %get3A_1408 = tpu.vector_load %arg7[%get3A_1406, %get3A_1407] {strides = array<i32>} : memref<16x200xi32, #tpu.memory_space<vmem>>, vector<16xi32>,
      %gather3A_1409 = tpu.vector_load_idx %arg6[%get3A_1408] : memref<100000xf32, #tpu.memory_space<vmem>>[vector<16xi32>], vector<16xf32>,
      %mul3A_1410 = arith.mulf %gather3A_1409, %select_n3A : vector<16xf32>
      %add3A_1411 = arith.addf %add3A_1386, %add3A_1392 : vector<16xf32>
      %add3A_1412 = arith.addf %add3A_1398, %add3A_1404 : vector<16xf32>
      %add3A_1413 = arith.addf %add3A_1411, %add3A_1412 : vector<16xf32>
      %add3A_1414 = arith.addf %add3A_1413, %mul3A_1410 : vector<16xf32>
      %reduce_sum3A_1415 = arith.constant true
      %reduce_sum3A_1416 = vector.broadcast %reduce_sum3A_1415 : i1 to vector<16xi1>
      %reduce_sum3A_1417 = tpu.scan <sum>, %add3A_1414 masked %reduce_sum3A_1416 : vector<16xf32>, vector<16xi1> -> vector<16xf32>
      %reduce_sum3A_1418 = vector.extract %reduce_sum3A_1417[15] : f32 from vector<16xf32>
      %broadcast_in_dim3A_1419 = vector.broadcast %reduce_sum3A_1418 : f32 to vector<16xf32>
      %eq3A_1420 = arith.constant 13 : i32
      %eq3A_1421 = vector.broadcast %eq3A_1420 : i32 to vector<16xi32>
      %eq3A_1422 = arith.cmpi eq, %iota3A, %eq3A_1421 : vector<16xi32>
      %select_n3A_1423 = arith.select %eq3A_1422, %broadcast_in_dim3A_1419, %select_n3A_1324 : vector<16xi1>, vector<16xf32>
      %broadcast_in_dim3A_1424 = arith.constant 0.000000e+00 : f32
      %broadcast_in_dim3A_1425 = vector.broadcast %broadcast_in_dim3A_1424 : f32 to vector<16xf32>
      %broadcast_in_dim3A_1426 = arith.constant 0.000000e+00 : f32
      %broadcast_in_dim3A_1427 = vector.broadcast %broadcast_in_dim3A_1426 : f32 to vector<16xf32>
      %broadcast_in_dim3A_1428 = arith.constant 0.000000e+00 : f32
      %broadcast_in_dim3A_1429 = vector.broadcast %broadcast_in_dim3A_1428 : f32 to vector<16xf32>
      %broadcast_in_dim3A_1430 = arith.constant 0.000000e+00 : f32
      %broadcast_in_dim3A_1431 = vector.broadcast %broadcast_in_dim3A_1430 : f32 to vector<16xf32>
      %get3A_1432 = arith.constant 14 : i32
      %get3A_1433 = arith.index_cast %get3A_1432 : i32 to index
      %get3A_1434 = arith.constant 0 : index
      %get3A_1435 = tpu.vector_load %arg7[%get3A_1433, %get3A_1434] {strides = array<i32>} : memref<16x200xi32, #tpu.memory_space<vmem>>, vector<16xi32>,
      %gather3A_1436 = tpu.vector_load_idx %arg6[%get3A_1435] : memref<100000xf32, #tpu.memory_space<vmem>>[vector<16xi32>], vector<16xf32>,
      %add3A_1437 = arith.addf %broadcast_in_dim3A_1425, %gather3A_1436 : vector<16xf32>
      %get3A_1438 = arith.constant 14 : i32
      %get3A_1439 = arith.index_cast %get3A_1438 : i32 to index
      %get3A_1440 = arith.constant 16 : index
      %get3A_1441 = tpu.vector_load %arg7[%get3A_1439, %get3A_1440] {strides = array<i32>} : memref<16x200xi32, #tpu.memory_space<vmem>>, vector<16xi32>,
      %gather3A_1442 = tpu.vector_load_idx %arg6[%get3A_1441] : memref<100000xf32, #tpu.memory_space<vmem>>[vector<16xi32>], vector<16xf32>,
      %add3A_1443 = arith.addf %broadcast_in_dim3A_1427, %gather3A_1442 : vector<16xf32>
      %get3A_1444 = arith.constant 14 : i32
      %get3A_1445 = arith.index_cast %get3A_1444 : i32 to index
      %get3A_1446 = arith.constant 32 : index
      %get3A_1447 = tpu.vector_load %arg7[%get3A_1445, %get3A_1446] {strides = array<i32>} : memref<16x200xi32, #tpu.memory_space<vmem>>, vector<16xi32>,
      %gather3A_1448 = tpu.vector_load_idx %arg6[%get3A_1447] : memref<100000xf32, #tpu.memory_space<vmem>>[vector<16xi32>], vector<16xf32>,
      %add3A_1449 = arith.addf %broadcast_in_dim3A_1429, %gather3A_1448 : vector<16xf32>
      %get3A_1450 = arith.constant 14 : i32
      %get3A_1451 = arith.index_cast %get3A_1450 : i32 to index
      %get3A_1452 = arith.constant 48 : index
      %get3A_1453 = tpu.vector_load %arg7[%get3A_1451, %get3A_1452] {strides = array<i32>} : memref<16x200xi32, #tpu.memory_space<vmem>>, vector<16xi32>,
      %gather3A_1454 = tpu.vector_load_idx %arg6[%get3A_1453] : memref<100000xf32, #tpu.memory_space<vmem>>[vector<16xi32>], vector<16xf32>,
      %add3A_1455 = arith.addf %broadcast_in_dim3A_1431, %gather3A_1454 : vector<16xf32>
      %get3A_1456 = arith.constant 14 : i32
      %get3A_1457 = arith.index_cast %get3A_1456 : i32 to index
      %get3A_1458 = arith.constant 64 : index
      %get3A_1459 = tpu.vector_load %arg7[%get3A_1457, %get3A_1458] {strides = array<i32>} : memref<16x200xi32, #tpu.memory_space<vmem>>, vector<16xi32>,
      %gather3A_1460 = tpu.vector_load_idx %arg6[%get3A_1459] : memref<100000xf32, #tpu.memory_space<vmem>>[vector<16xi32>], vector<16xf32>,
      %add3A_1461 = arith.addf %add3A_1437, %gather3A_1460 : vector<16xf32>
      %get3A_1462 = arith.constant 14 : i32
      %get3A_1463 = arith.index_cast %get3A_1462 : i32 to index
      %get3A_1464 = arith.constant 80 : index
      %get3A_1465 = tpu.vector_load %arg7[%get3A_1463, %get3A_1464] {strides = array<i32>} : memref<16x200xi32, #tpu.memory_space<vmem>>, vector<16xi32>,
      %gather3A_1466 = tpu.vector_load_idx %arg6[%get3A_1465] : memref<100000xf32, #tpu.memory_space<vmem>>[vector<16xi32>], vector<16xf32>,
      %add3A_1467 = arith.addf %add3A_1443, %gather3A_1466 : vector<16xf32>
      %get3A_1468 = arith.constant 14 : i32
      %get3A_1469 = arith.index_cast %get3A_1468 : i32 to index
      %get3A_1470 = arith.constant 96 : index
      %get3A_1471 = tpu.vector_load %arg7[%get3A_1469, %get3A_1470] {strides = array<i32>} : memref<16x200xi32, #tpu.memory_space<vmem>>, vector<16xi32>,
      %gather3A_1472 = tpu.vector_load_idx %arg6[%get3A_1471] : memref<100000xf32, #tpu.memory_space<vmem>>[vector<16xi32>], vector<16xf32>,
      %add3A_1473 = arith.addf %add3A_1449, %gather3A_1472 : vector<16xf32>
      %get3A_1474 = arith.constant 14 : i32
      %get3A_1475 = arith.index_cast %get3A_1474 : i32 to index
      %get3A_1476 = arith.constant 112 : index
      %get3A_1477 = tpu.vector_load %arg7[%get3A_1475, %get3A_1476] {strides = array<i32>} : memref<16x200xi32, #tpu.memory_space<vmem>>, vector<16xi32>,
      %gather3A_1478 = tpu.vector_load_idx %arg6[%get3A_1477] : memref<100000xf32, #tpu.memory_space<vmem>>[vector<16xi32>], vector<16xf32>,
      %add3A_1479 = arith.addf %add3A_1455, %gather3A_1478 : vector<16xf32>
      %get3A_1480 = arith.constant 14 : i32
      %get3A_1481 = arith.index_cast %get3A_1480 : i32 to index
      %get3A_1482 = arith.constant 128 : index
      %get3A_1483 = tpu.vector_load %arg7[%get3A_1481, %get3A_1482] {strides = array<i32>} : memref<16x200xi32, #tpu.memory_space<vmem>>, vector<16xi32>,
      %gather3A_1484 = tpu.vector_load_idx %arg6[%get3A_1483] : memref<100000xf32, #tpu.memory_space<vmem>>[vector<16xi32>], vector<16xf32>,
      %add3A_1485 = arith.addf %add3A_1461, %gather3A_1484 : vector<16xf32>
      %get3A_1486 = arith.constant 14 : i32
      %get3A_1487 = arith.index_cast %get3A_1486 : i32 to index
      %get3A_1488 = arith.constant 144 : index
      %get3A_1489 = tpu.vector_load %arg7[%get3A_1487, %get3A_1488] {strides = array<i32>} : memref<16x200xi32, #tpu.memory_space<vmem>>, vector<16xi32>,
      %gather3A_1490 = tpu.vector_load_idx %arg6[%get3A_1489] : memref<100000xf32, #tpu.memory_space<vmem>>[vector<16xi32>], vector<16xf32>,
      %add3A_1491 = arith.addf %add3A_1467, %gather3A_1490 : vector<16xf32>
      %get3A_1492 = arith.constant 14 : i32
      %get3A_1493 = arith.index_cast %get3A_1492 : i32 to index
      %get3A_1494 = arith.constant 160 : index
      %get3A_1495 = tpu.vector_load %arg7[%get3A_1493, %get3A_1494] {strides = array<i32>} : memref<16x200xi32, #tpu.memory_space<vmem>>, vector<16xi32>,
      %gather3A_1496 = tpu.vector_load_idx %arg6[%get3A_1495] : memref<100000xf32, #tpu.memory_space<vmem>>[vector<16xi32>], vector<16xf32>,
      %add3A_1497 = arith.addf %add3A_1473, %gather3A_1496 : vector<16xf32>
      %get3A_1498 = arith.constant 14 : i32
      %get3A_1499 = arith.index_cast %get3A_1498 : i32 to index
      %get3A_1500 = arith.constant 176 : index
      %get3A_1501 = tpu.vector_load %arg7[%get3A_1499, %get3A_1500] {strides = array<i32>} : memref<16x200xi32, #tpu.memory_space<vmem>>, vector<16xi32>,
      %gather3A_1502 = tpu.vector_load_idx %arg6[%get3A_1501] : memref<100000xf32, #tpu.memory_space<vmem>>[vector<16xi32>], vector<16xf32>,
      %add3A_1503 = arith.addf %add3A_1479, %gather3A_1502 : vector<16xf32>
      %get3A_1504 = arith.constant 14 : i32
      %get3A_1505 = arith.index_cast %get3A_1504 : i32 to index
      %get3A_1506 = arith.constant 184 : index
      %get3A_1507 = tpu.vector_load %arg7[%get3A_1505, %get3A_1506] {strides = array<i32>} : memref<16x200xi32, #tpu.memory_space<vmem>>, vector<16xi32>,
      %gather3A_1508 = tpu.vector_load_idx %arg6[%get3A_1507] : memref<100000xf32, #tpu.memory_space<vmem>>[vector<16xi32>], vector<16xf32>,
      %mul3A_1509 = arith.mulf %gather3A_1508, %select_n3A : vector<16xf32>
      %add3A_1510 = arith.addf %add3A_1485, %add3A_1491 : vector<16xf32>
      %add3A_1511 = arith.addf %add3A_1497, %add3A_1503 : vector<16xf32>
      %add3A_1512 = arith.addf %add3A_1510, %add3A_1511 : vector<16xf32>
      %add3A_1513 = arith.addf %add3A_1512, %mul3A_1509 : vector<16xf32>
      %reduce_sum3A_1514 = arith.constant true
      %reduce_sum3A_1515 = vector.broadcast %reduce_sum3A_1514 : i1 to vector<16xi1>
      %reduce_sum3A_1516 = tpu.scan <sum>, %add3A_1513 masked %reduce_sum3A_1515 : vector<16xf32>, vector<16xi1> -> vector<16xf32>
      %reduce_sum3A_1517 = vector.extract %reduce_sum3A_1516[15] : f32 from vector<16xf32>
      %broadcast_in_dim3A_1518 = vector.broadcast %reduce_sum3A_1517 : f32 to vector<16xf32>
      %eq3A_1519 = arith.constant 14 : i32
      %eq3A_1520 = vector.broadcast %eq3A_1519 : i32 to vector<16xi32>
      %eq3A_1521 = arith.cmpi eq, %iota3A, %eq3A_1520 : vector<16xi32>
      %select_n3A_1522 = arith.select %eq3A_1521, %broadcast_in_dim3A_1518, %select_n3A_1423 : vector<16xi1>, vector<16xf32>
      %broadcast_in_dim3A_1523 = arith.constant 0.000000e+00 : f32
      %broadcast_in_dim3A_1524 = vector.broadcast %broadcast_in_dim3A_1523 : f32 to vector<16xf32>
      %broadcast_in_dim3A_1525 = arith.constant 0.000000e+00 : f32
      %broadcast_in_dim3A_1526 = vector.broadcast %broadcast_in_dim3A_1525 : f32 to vector<16xf32>
      %broadcast_in_dim3A_1527 = arith.constant 0.000000e+00 : f32
      %broadcast_in_dim3A_1528 = vector.broadcast %broadcast_in_dim3A_1527 : f32 to vector<16xf32>
      %broadcast_in_dim3A_1529 = arith.constant 0.000000e+00 : f32
      %broadcast_in_dim3A_1530 = vector.broadcast %broadcast_in_dim3A_1529 : f32 to vector<16xf32>
      %get3A_1531 = arith.constant 15 : i32
      %get3A_1532 = arith.index_cast %get3A_1531 : i32 to index
      %get3A_1533 = arith.constant 0 : index
      %get3A_1534 = tpu.vector_load %arg7[%get3A_1532, %get3A_1533] {strides = array<i32>} : memref<16x200xi32, #tpu.memory_space<vmem>>, vector<16xi32>,
      %gather3A_1535 = tpu.vector_load_idx %arg6[%get3A_1534] : memref<100000xf32, #tpu.memory_space<vmem>>[vector<16xi32>], vector<16xf32>,
      %add3A_1536 = arith.addf %broadcast_in_dim3A_1524, %gather3A_1535 : vector<16xf32>
      %get3A_1537 = arith.constant 15 : i32
      %get3A_1538 = arith.index_cast %get3A_1537 : i32 to index
      %get3A_1539 = arith.constant 16 : index
      %get3A_1540 = tpu.vector_load %arg7[%get3A_1538, %get3A_1539] {strides = array<i32>} : memref<16x200xi32, #tpu.memory_space<vmem>>, vector<16xi32>,
      %gather3A_1541 = tpu.vector_load_idx %arg6[%get3A_1540] : memref<100000xf32, #tpu.memory_space<vmem>>[vector<16xi32>], vector<16xf32>,
      %add3A_1542 = arith.addf %broadcast_in_dim3A_1526, %gather3A_1541 : vector<16xf32>
      %get3A_1543 = arith.constant 15 : i32
      %get3A_1544 = arith.index_cast %get3A_1543 : i32 to index
      %get3A_1545 = arith.constant 32 : index
      %get3A_1546 = tpu.vector_load %arg7[%get3A_1544, %get3A_1545] {strides = array<i32>} : memref<16x200xi32, #tpu.memory_space<vmem>>, vector<16xi32>,
      %gather3A_1547 = tpu.vector_load_idx %arg6[%get3A_1546] : memref<100000xf32, #tpu.memory_space<vmem>>[vector<16xi32>], vector<16xf32>,
      %add3A_1548 = arith.addf %broadcast_in_dim3A_1528, %gather3A_1547 : vector<16xf32>
      %get3A_1549 = arith.constant 15 : i32
      %get3A_1550 = arith.index_cast %get3A_1549 : i32 to index
      %get3A_1551 = arith.constant 48 : index
      %get3A_1552 = tpu.vector_load %arg7[%get3A_1550, %get3A_1551] {strides = array<i32>} : memref<16x200xi32, #tpu.memory_space<vmem>>, vector<16xi32>,
      %gather3A_1553 = tpu.vector_load_idx %arg6[%get3A_1552] : memref<100000xf32, #tpu.memory_space<vmem>>[vector<16xi32>], vector<16xf32>,
      %add3A_1554 = arith.addf %broadcast_in_dim3A_1530, %gather3A_1553 : vector<16xf32>
      %get3A_1555 = arith.constant 15 : i32
      %get3A_1556 = arith.index_cast %get3A_1555 : i32 to index
      %get3A_1557 = arith.constant 64 : index
      %get3A_1558 = tpu.vector_load %arg7[%get3A_1556, %get3A_1557] {strides = array<i32>} : memref<16x200xi32, #tpu.memory_space<vmem>>, vector<16xi32>,
      %gather3A_1559 = tpu.vector_load_idx %arg6[%get3A_1558] : memref<100000xf32, #tpu.memory_space<vmem>>[vector<16xi32>], vector<16xf32>,
      %add3A_1560 = arith.addf %add3A_1536, %gather3A_1559 : vector<16xf32>
      %get3A_1561 = arith.constant 15 : i32
      %get3A_1562 = arith.index_cast %get3A_1561 : i32 to index
      %get3A_1563 = arith.constant 80 : index
      %get3A_1564 = tpu.vector_load %arg7[%get3A_1562, %get3A_1563] {strides = array<i32>} : memref<16x200xi32, #tpu.memory_space<vmem>>, vector<16xi32>,
      %gather3A_1565 = tpu.vector_load_idx %arg6[%get3A_1564] : memref<100000xf32, #tpu.memory_space<vmem>>[vector<16xi32>], vector<16xf32>,
      %add3A_1566 = arith.addf %add3A_1542, %gather3A_1565 : vector<16xf32>
      %get3A_1567 = arith.constant 15 : i32
      %get3A_1568 = arith.index_cast %get3A_1567 : i32 to index
      %get3A_1569 = arith.constant 96 : index
      %get3A_1570 = tpu.vector_load %arg7[%get3A_1568, %get3A_1569] {strides = array<i32>} : memref<16x200xi32, #tpu.memory_space<vmem>>, vector<16xi32>,
      %gather3A_1571 = tpu.vector_load_idx %arg6[%get3A_1570] : memref<100000xf32, #tpu.memory_space<vmem>>[vector<16xi32>], vector<16xf32>,
      %add3A_1572 = arith.addf %add3A_1548, %gather3A_1571 : vector<16xf32>
      %get3A_1573 = arith.constant 15 : i32
      %get3A_1574 = arith.index_cast %get3A_1573 : i32 to index
      %get3A_1575 = arith.constant 112 : index
      %get3A_1576 = tpu.vector_load %arg7[%get3A_1574, %get3A_1575] {strides = array<i32>} : memref<16x200xi32, #tpu.memory_space<vmem>>, vector<16xi32>,
      %gather3A_1577 = tpu.vector_load_idx %arg6[%get3A_1576] : memref<100000xf32, #tpu.memory_space<vmem>>[vector<16xi32>], vector<16xf32>,
      %add3A_1578 = arith.addf %add3A_1554, %gather3A_1577 : vector<16xf32>
      %get3A_1579 = arith.constant 15 : i32
      %get3A_1580 = arith.index_cast %get3A_1579 : i32 to index
      %get3A_1581 = arith.constant 128 : index
      %get3A_1582 = tpu.vector_load %arg7[%get3A_1580, %get3A_1581] {strides = array<i32>} : memref<16x200xi32, #tpu.memory_space<vmem>>, vector<16xi32>,
      %gather3A_1583 = tpu.vector_load_idx %arg6[%get3A_1582] : memref<100000xf32, #tpu.memory_space<vmem>>[vector<16xi32>], vector<16xf32>,
      %add3A_1584 = arith.addf %add3A_1560, %gather3A_1583 : vector<16xf32>
      %get3A_1585 = arith.constant 15 : i32
      %get3A_1586 = arith.index_cast %get3A_1585 : i32 to index
      %get3A_1587 = arith.constant 144 : index
      %get3A_1588 = tpu.vector_load %arg7[%get3A_1586, %get3A_1587] {strides = array<i32>} : memref<16x200xi32, #tpu.memory_space<vmem>>, vector<16xi32>,
      %gather3A_1589 = tpu.vector_load_idx %arg6[%get3A_1588] : memref<100000xf32, #tpu.memory_space<vmem>>[vector<16xi32>], vector<16xf32>,
      %add3A_1590 = arith.addf %add3A_1566, %gather3A_1589 : vector<16xf32>
      %get3A_1591 = arith.constant 15 : i32
      %get3A_1592 = arith.index_cast %get3A_1591 : i32 to index
      %get3A_1593 = arith.constant 160 : index
      %get3A_1594 = tpu.vector_load %arg7[%get3A_1592, %get3A_1593] {strides = array<i32>} : memref<16x200xi32, #tpu.memory_space<vmem>>, vector<16xi32>,
      %gather3A_1595 = tpu.vector_load_idx %arg6[%get3A_1594] : memref<100000xf32, #tpu.memory_space<vmem>>[vector<16xi32>], vector<16xf32>,
      %add3A_1596 = arith.addf %add3A_1572, %gather3A_1595 : vector<16xf32>
      %get3A_1597 = arith.constant 15 : i32
      %get3A_1598 = arith.index_cast %get3A_1597 : i32 to index
      %get3A_1599 = arith.constant 176 : index
      %get3A_1600 = tpu.vector_load %arg7[%get3A_1598, %get3A_1599] {strides = array<i32>} : memref<16x200xi32, #tpu.memory_space<vmem>>, vector<16xi32>,
      %gather3A_1601 = tpu.vector_load_idx %arg6[%get3A_1600] : memref<100000xf32, #tpu.memory_space<vmem>>[vector<16xi32>], vector<16xf32>,
      %add3A_1602 = arith.addf %add3A_1578, %gather3A_1601 : vector<16xf32>
      %get3A_1603 = arith.constant 15 : i32
      %get3A_1604 = arith.index_cast %get3A_1603 : i32 to index
      %get3A_1605 = arith.constant 184 : index
      %get3A_1606 = tpu.vector_load %arg7[%get3A_1604, %get3A_1605] {strides = array<i32>} : memref<16x200xi32, #tpu.memory_space<vmem>>, vector<16xi32>,
      %gather3A_1607 = tpu.vector_load_idx %arg6[%get3A_1606] : memref<100000xf32, #tpu.memory_space<vmem>>[vector<16xi32>], vector<16xf32>,
      %mul3A_1608 = arith.mulf %gather3A_1607, %select_n3A : vector<16xf32>
      %add3A_1609 = arith.addf %add3A_1584, %add3A_1590 : vector<16xf32>
      %add3A_1610 = arith.addf %add3A_1596, %add3A_1602 : vector<16xf32>
      %add3A_1611 = arith.addf %add3A_1609, %add3A_1610 : vector<16xf32>
      %add3A_1612 = arith.addf %add3A_1611, %mul3A_1608 : vector<16xf32>
      %reduce_sum3A_1613 = arith.constant true
      %reduce_sum3A_1614 = vector.broadcast %reduce_sum3A_1613 : i1 to vector<16xi1>
      %reduce_sum3A_1615 = tpu.scan <sum>, %add3A_1612 masked %reduce_sum3A_1614 : vector<16xf32>, vector<16xi1> -> vector<16xf32>
      %reduce_sum3A_1616 = vector.extract %reduce_sum3A_1615[15] : f32 from vector<16xf32>
      %broadcast_in_dim3A_1617 = vector.broadcast %reduce_sum3A_1616 : f32 to vector<16xf32>
      %eq3A_1618 = arith.constant 15 : i32
      %eq3A_1619 = vector.broadcast %eq3A_1618 : i32 to vector<16xi32>
      %eq3A_1620 = arith.cmpi eq, %iota3A, %eq3A_1619 : vector<16xi32>
      %select_n3A_1621 = arith.select %eq3A_1620, %broadcast_in_dim3A_1617, %select_n3A_1522 : vector<16xi1>, vector<16xf32>
      %mul3A_1622 = arith.constant 16 : i32
      %mul3A_1623 = arith.muli %mul3A_32, %mul3A_1622 : i32
      %add3A_1624 = vector.broadcast %mul3A_1623 : i32 to vector<16xi32>
      %add3A_1625 = arith.addi %iota3A, %add3A_1624 : vector<16xi32>
      tpu.vector_store_idx %arg9[%add3A_1625], %select_n3A_1621 : memref<256xf32, #tpu.memory_space<vmem>>[vector<16xi32>], vector<16xf32>,
      %add3A_1626 = arith.constant 2 : i32
      %add3A_1627 = arith.addi %mul3A_32, %add3A_1626 : i32
      %lt3A_1628 = arith.constant 16 : i32
      %lt3A_1629 = arith.cmpi slt, %add3A_1627, %lt3A_1628 : i32
      %convert_element_type3A_1630 = arith.extui %lt3A_1629 : i1 to i32
      %cond3A_1631 = arith.constant 0 : i32
      %cond3A_1632 = arith.cmpi ne, %convert_element_type3A_1630, %cond3A_1631 : i32
      scf.if %cond3A_1632 {
        %add3A_3239 = arith.constant 2 : i32
        %add3A_3240 = arith.addi %mul3A_32, %add3A_3239 : i32
        %mul3A_3241 = arith.constant 16 : i32
        %mul3A_3242 = arith.muli %add3A_3240, %mul3A_3241 : i32
        %add3A_3243 = arith.addi %mul3A_0, %mul3A_3242 : i32
        %dma_start3A_3244 = arith.constant 0 : i32
        %dma_start3A_3245 = tpu.memref_slice %arg4[%add3A_3243, %dma_start3A_3244] : memref<4096x200xi32, #tpu.memory_space<hbm>> -> memref<16x200xi32, #tpu.memory_space<hbm>>
        %dma_start3A_3246 = arith.constant 0 : i32
        %dma_start3A_3247 = tpu.memref_slice %arg4[%add3A_3243, %dma_start3A_3246] : memref<4096x200xi32, #tpu.memory_space<hbm>> -> memref<16x200xi32, #tpu.memory_space<hbm>>
        tpu.enqueue_dma source(%dma_start3A_3247 : memref<16x200xi32, #tpu.memory_space<hbm>>) target(%arg7 : memref<16x200xi32, #tpu.memory_space<vmem>>) target_semaphore(%arg11 : memref<!tpu.dma_semaphore, #tpu.memory_space<semaphore_mem>>)
      } else {
      }
      %add3A_1633 = arith.constant 1 : i32
      %add3A_1634 = arith.addi %mul3A_32, %add3A_1633 : i32
      %mul3A_1635 = arith.constant 16 : i32
      %mul3A_1636 = arith.muli %add3A_1634, %mul3A_1635 : i32
      %add3A_1637 = arith.addi %mul3A_0, %mul3A_1636 : i32
      %dma_wait3A_1638 = arith.constant 0 : i32
      %dma_wait3A_1639 = tpu.memref_slice %arg4[%add3A_1637, %dma_wait3A_1638] : memref<4096x200xi32, #tpu.memory_space<hbm>> -> memref<16x200xi32, #tpu.memory_space<hbm>>
      %dma_wait3A_1640 = arith.constant 0 : i32
      %dma_wait3A_1641 = tpu.memref_slice %arg4[%add3A_1637, %dma_wait3A_1640] : memref<4096x200xi32, #tpu.memory_space<hbm>> -> memref<16x200xi32, #tpu.memory_space<hbm>>
      tpu.wait_dma2 semaphore(%arg12 : memref<!tpu.dma_semaphore, #tpu.memory_space<semaphore_mem>>) src(%dma_wait3A_1641 : memref<16x200xi32, #tpu.memory_space<hbm>>) dst(%arg8 : memref<16x200xi32, #tpu.memory_space<vmem>>)
      %broadcast_in_dim3A_1642 = arith.constant 0.000000e+00 : f32
      %broadcast_in_dim3A_1643 = vector.broadcast %broadcast_in_dim3A_1642 : f32 to vector<16xf32>
      %broadcast_in_dim3A_1644 = arith.constant 0.000000e+00 : f32
      %broadcast_in_dim3A_1645 = vector.broadcast %broadcast_in_dim3A_1644 : f32 to vector<16xf32>
      %broadcast_in_dim3A_1646 = arith.constant 0.000000e+00 : f32
      %broadcast_in_dim3A_1647 = vector.broadcast %broadcast_in_dim3A_1646 : f32 to vector<16xf32>
      %broadcast_in_dim3A_1648 = arith.constant 0.000000e+00 : f32
      %broadcast_in_dim3A_1649 = vector.broadcast %broadcast_in_dim3A_1648 : f32 to vector<16xf32>
      %broadcast_in_dim3A_1650 = arith.constant 0.000000e+00 : f32
      %broadcast_in_dim3A_1651 = vector.broadcast %broadcast_in_dim3A_1650 : f32 to vector<16xf32>
      %get3A_1652 = arith.constant 0 : i32
      %get3A_1653 = arith.index_cast %get3A_1652 : i32 to index
      %get3A_1654 = arith.constant 0 : index
      %get3A_1655 = tpu.vector_load %arg8[%get3A_1653, %get3A_1654] {strides = array<i32>} : memref<16x200xi32, #tpu.memory_space<vmem>>, vector<16xi32>,
      %gather3A_1656 = tpu.vector_load_idx %arg6[%get3A_1655] : memref<100000xf32, #tpu.memory_space<vmem>>[vector<16xi32>], vector<16xf32>,
      %add3A_1657 = arith.addf %broadcast_in_dim3A_1645, %gather3A_1656 : vector<16xf32>
      %get3A_1658 = arith.constant 0 : i32
      %get3A_1659 = arith.index_cast %get3A_1658 : i32 to index
      %get3A_1660 = arith.constant 16 : index
      %get3A_1661 = tpu.vector_load %arg8[%get3A_1659, %get3A_1660] {strides = array<i32>} : memref<16x200xi32, #tpu.memory_space<vmem>>, vector<16xi32>,
      %gather3A_1662 = tpu.vector_load_idx %arg6[%get3A_1661] : memref<100000xf32, #tpu.memory_space<vmem>>[vector<16xi32>], vector<16xf32>,
      %add3A_1663 = arith.addf %broadcast_in_dim3A_1647, %gather3A_1662 : vector<16xf32>
      %get3A_1664 = arith.constant 0 : i32
      %get3A_1665 = arith.index_cast %get3A_1664 : i32 to index
      %get3A_1666 = arith.constant 32 : index
      %get3A_1667 = tpu.vector_load %arg8[%get3A_1665, %get3A_1666] {strides = array<i32>} : memref<16x200xi32, #tpu.memory_space<vmem>>, vector<16xi32>,
      %gather3A_1668 = tpu.vector_load_idx %arg6[%get3A_1667] : memref<100000xf32, #tpu.memory_space<vmem>>[vector<16xi32>], vector<16xf32>,
      %add3A_1669 = arith.addf %broadcast_in_dim3A_1649, %gather3A_1668 : vector<16xf32>
      %get3A_1670 = arith.constant 0 : i32
      %get3A_1671 = arith.index_cast %get3A_1670 : i32 to index
      %get3A_1672 = arith.constant 48 : index
      %get3A_1673 = tpu.vector_load %arg8[%get3A_1671, %get3A_1672] {strides = array<i32>} : memref<16x200xi32, #tpu.memory_space<vmem>>, vector<16xi32>,
      %gather3A_1674 = tpu.vector_load_idx %arg6[%get3A_1673] : memref<100000xf32, #tpu.memory_space<vmem>>[vector<16xi32>], vector<16xf32>,
      %add3A_1675 = arith.addf %broadcast_in_dim3A_1651, %gather3A_1674 : vector<16xf32>
      %get3A_1676 = arith.constant 0 : i32
      %get3A_1677 = arith.index_cast %get3A_1676 : i32 to index
      %get3A_1678 = arith.constant 64 : index
      %get3A_1679 = tpu.vector_load %arg8[%get3A_1677, %get3A_1678] {strides = array<i32>} : memref<16x200xi32, #tpu.memory_space<vmem>>, vector<16xi32>,
      %gather3A_1680 = tpu.vector_load_idx %arg6[%get3A_1679] : memref<100000xf32, #tpu.memory_space<vmem>>[vector<16xi32>], vector<16xf32>,
      %add3A_1681 = arith.addf %add3A_1657, %gather3A_1680 : vector<16xf32>
      %get3A_1682 = arith.constant 0 : i32
      %get3A_1683 = arith.index_cast %get3A_1682 : i32 to index
      %get3A_1684 = arith.constant 80 : index
      %get3A_1685 = tpu.vector_load %arg8[%get3A_1683, %get3A_1684] {strides = array<i32>} : memref<16x200xi32, #tpu.memory_space<vmem>>, vector<16xi32>,
      %gather3A_1686 = tpu.vector_load_idx %arg6[%get3A_1685] : memref<100000xf32, #tpu.memory_space<vmem>>[vector<16xi32>], vector<16xf32>,
      %add3A_1687 = arith.addf %add3A_1663, %gather3A_1686 : vector<16xf32>
      %get3A_1688 = arith.constant 0 : i32
      %get3A_1689 = arith.index_cast %get3A_1688 : i32 to index
      %get3A_1690 = arith.constant 96 : index
      %get3A_1691 = tpu.vector_load %arg8[%get3A_1689, %get3A_1690] {strides = array<i32>} : memref<16x200xi32, #tpu.memory_space<vmem>>, vector<16xi32>,
      %gather3A_1692 = tpu.vector_load_idx %arg6[%get3A_1691] : memref<100000xf32, #tpu.memory_space<vmem>>[vector<16xi32>], vector<16xf32>,
      %add3A_1693 = arith.addf %add3A_1669, %gather3A_1692 : vector<16xf32>
      %get3A_1694 = arith.constant 0 : i32
      %get3A_1695 = arith.index_cast %get3A_1694 : i32 to index
      %get3A_1696 = arith.constant 112 : index
      %get3A_1697 = tpu.vector_load %arg8[%get3A_1695, %get3A_1696] {strides = array<i32>} : memref<16x200xi32, #tpu.memory_space<vmem>>, vector<16xi32>,
      %gather3A_1698 = tpu.vector_load_idx %arg6[%get3A_1697] : memref<100000xf32, #tpu.memory_space<vmem>>[vector<16xi32>], vector<16xf32>,
      %add3A_1699 = arith.addf %add3A_1675, %gather3A_1698 : vector<16xf32>
      %get3A_1700 = arith.constant 0 : i32
      %get3A_1701 = arith.index_cast %get3A_1700 : i32 to index
      %get3A_1702 = arith.constant 128 : index
      %get3A_1703 = tpu.vector_load %arg8[%get3A_1701, %get3A_1702] {strides = array<i32>} : memref<16x200xi32, #tpu.memory_space<vmem>>, vector<16xi32>,
      %gather3A_1704 = tpu.vector_load_idx %arg6[%get3A_1703] : memref<100000xf32, #tpu.memory_space<vmem>>[vector<16xi32>], vector<16xf32>,
      %add3A_1705 = arith.addf %add3A_1681, %gather3A_1704 : vector<16xf32>
      %get3A_1706 = arith.constant 0 : i32
      %get3A_1707 = arith.index_cast %get3A_1706 : i32 to index
      %get3A_1708 = arith.constant 144 : index
      %get3A_1709 = tpu.vector_load %arg8[%get3A_1707, %get3A_1708] {strides = array<i32>} : memref<16x200xi32, #tpu.memory_space<vmem>>, vector<16xi32>,
      %gather3A_1710 = tpu.vector_load_idx %arg6[%get3A_1709] : memref<100000xf32, #tpu.memory_space<vmem>>[vector<16xi32>], vector<16xf32>,
      %add3A_1711 = arith.addf %add3A_1687, %gather3A_1710 : vector<16xf32>
      %get3A_1712 = arith.constant 0 : i32
      %get3A_1713 = arith.index_cast %get3A_1712 : i32 to index
      %get3A_1714 = arith.constant 160 : index
      %get3A_1715 = tpu.vector_load %arg8[%get3A_1713, %get3A_1714] {strides = array<i32>} : memref<16x200xi32, #tpu.memory_space<vmem>>, vector<16xi32>,
      %gather3A_1716 = tpu.vector_load_idx %arg6[%get3A_1715] : memref<100000xf32, #tpu.memory_space<vmem>>[vector<16xi32>], vector<16xf32>,
      %add3A_1717 = arith.addf %add3A_1693, %gather3A_1716 : vector<16xf32>
      %get3A_1718 = arith.constant 0 : i32
      %get3A_1719 = arith.index_cast %get3A_1718 : i32 to index
      %get3A_1720 = arith.constant 176 : index
      %get3A_1721 = tpu.vector_load %arg8[%get3A_1719, %get3A_1720] {strides = array<i32>} : memref<16x200xi32, #tpu.memory_space<vmem>>, vector<16xi32>,
      %gather3A_1722 = tpu.vector_load_idx %arg6[%get3A_1721] : memref<100000xf32, #tpu.memory_space<vmem>>[vector<16xi32>], vector<16xf32>,
      %add3A_1723 = arith.addf %add3A_1699, %gather3A_1722 : vector<16xf32>
      %get3A_1724 = arith.constant 0 : i32
      %get3A_1725 = arith.index_cast %get3A_1724 : i32 to index
      %get3A_1726 = arith.constant 184 : index
      %get3A_1727 = tpu.vector_load %arg8[%get3A_1725, %get3A_1726] {strides = array<i32>} : memref<16x200xi32, #tpu.memory_space<vmem>>, vector<16xi32>,
      %gather3A_1728 = tpu.vector_load_idx %arg6[%get3A_1727] : memref<100000xf32, #tpu.memory_space<vmem>>[vector<16xi32>], vector<16xf32>,
      %mul3A_1729 = arith.mulf %gather3A_1728, %select_n3A : vector<16xf32>
      %add3A_1730 = arith.addf %add3A_1705, %add3A_1711 : vector<16xf32>
      %add3A_1731 = arith.addf %add3A_1717, %add3A_1723 : vector<16xf32>
      %add3A_1732 = arith.addf %add3A_1730, %add3A_1731 : vector<16xf32>
      %add3A_1733 = arith.addf %add3A_1732, %mul3A_1729 : vector<16xf32>
      %reduce_sum3A_1734 = arith.constant true
      %reduce_sum3A_1735 = vector.broadcast %reduce_sum3A_1734 : i1 to vector<16xi1>
      %reduce_sum3A_1736 = tpu.scan <sum>, %add3A_1733 masked %reduce_sum3A_1735 : vector<16xf32>, vector<16xi1> -> vector<16xf32>
      %reduce_sum3A_1737 = vector.extract %reduce_sum3A_1736[15] : f32 from vector<16xf32>
      %broadcast_in_dim3A_1738 = vector.broadcast %reduce_sum3A_1737 : f32 to vector<16xf32>
      %eq3A_1739 = arith.constant 0 : i32
      %eq3A_1740 = vector.broadcast %eq3A_1739 : i32 to vector<16xi32>
      %eq3A_1741 = arith.cmpi eq, %iota3A, %eq3A_1740 : vector<16xi32>
      %select_n3A_1742 = arith.select %eq3A_1741, %broadcast_in_dim3A_1738, %broadcast_in_dim3A_1643 : vector<16xi1>, vector<16xf32>
      %broadcast_in_dim3A_1743 = arith.constant 0.000000e+00 : f32
      %broadcast_in_dim3A_1744 = vector.broadcast %broadcast_in_dim3A_1743 : f32 to vector<16xf32>
      %broadcast_in_dim3A_1745 = arith.constant 0.000000e+00 : f32
      %broadcast_in_dim3A_1746 = vector.broadcast %broadcast_in_dim3A_1745 : f32 to vector<16xf32>
      %broadcast_in_dim3A_1747 = arith.constant 0.000000e+00 : f32
      %broadcast_in_dim3A_1748 = vector.broadcast %broadcast_in_dim3A_1747 : f32 to vector<16xf32>
      %broadcast_in_dim3A_1749 = arith.constant 0.000000e+00 : f32
      %broadcast_in_dim3A_1750 = vector.broadcast %broadcast_in_dim3A_1749 : f32 to vector<16xf32>
      %get3A_1751 = arith.constant 1 : i32
      %get3A_1752 = arith.index_cast %get3A_1751 : i32 to index
      %get3A_1753 = arith.constant 0 : index
      %get3A_1754 = tpu.vector_load %arg8[%get3A_1752, %get3A_1753] {strides = array<i32>} : memref<16x200xi32, #tpu.memory_space<vmem>>, vector<16xi32>,
      %gather3A_1755 = tpu.vector_load_idx %arg6[%get3A_1754] : memref<100000xf32, #tpu.memory_space<vmem>>[vector<16xi32>], vector<16xf32>,
      %add3A_1756 = arith.addf %broadcast_in_dim3A_1744, %gather3A_1755 : vector<16xf32>
      %get3A_1757 = arith.constant 1 : i32
      %get3A_1758 = arith.index_cast %get3A_1757 : i32 to index
      %get3A_1759 = arith.constant 16 : index
      %get3A_1760 = tpu.vector_load %arg8[%get3A_1758, %get3A_1759] {strides = array<i32>} : memref<16x200xi32, #tpu.memory_space<vmem>>, vector<16xi32>,
      %gather3A_1761 = tpu.vector_load_idx %arg6[%get3A_1760] : memref<100000xf32, #tpu.memory_space<vmem>>[vector<16xi32>], vector<16xf32>,
      %add3A_1762 = arith.addf %broadcast_in_dim3A_1746, %gather3A_1761 : vector<16xf32>
      %get3A_1763 = arith.constant 1 : i32
      %get3A_1764 = arith.index_cast %get3A_1763 : i32 to index
      %get3A_1765 = arith.constant 32 : index
      %get3A_1766 = tpu.vector_load %arg8[%get3A_1764, %get3A_1765] {strides = array<i32>} : memref<16x200xi32, #tpu.memory_space<vmem>>, vector<16xi32>,
      %gather3A_1767 = tpu.vector_load_idx %arg6[%get3A_1766] : memref<100000xf32, #tpu.memory_space<vmem>>[vector<16xi32>], vector<16xf32>,
      %add3A_1768 = arith.addf %broadcast_in_dim3A_1748, %gather3A_1767 : vector<16xf32>
      %get3A_1769 = arith.constant 1 : i32
      %get3A_1770 = arith.index_cast %get3A_1769 : i32 to index
      %get3A_1771 = arith.constant 48 : index
      %get3A_1772 = tpu.vector_load %arg8[%get3A_1770, %get3A_1771] {strides = array<i32>} : memref<16x200xi32, #tpu.memory_space<vmem>>, vector<16xi32>,
      %gather3A_1773 = tpu.vector_load_idx %arg6[%get3A_1772] : memref<100000xf32, #tpu.memory_space<vmem>>[vector<16xi32>], vector<16xf32>,
      %add3A_1774 = arith.addf %broadcast_in_dim3A_1750, %gather3A_1773 : vector<16xf32>
      %get3A_1775 = arith.constant 1 : i32
      %get3A_1776 = arith.index_cast %get3A_1775 : i32 to index
      %get3A_1777 = arith.constant 64 : index
      %get3A_1778 = tpu.vector_load %arg8[%get3A_1776, %get3A_1777] {strides = array<i32>} : memref<16x200xi32, #tpu.memory_space<vmem>>, vector<16xi32>,
      %gather3A_1779 = tpu.vector_load_idx %arg6[%get3A_1778] : memref<100000xf32, #tpu.memory_space<vmem>>[vector<16xi32>], vector<16xf32>,
      %add3A_1780 = arith.addf %add3A_1756, %gather3A_1779 : vector<16xf32>
      %get3A_1781 = arith.constant 1 : i32
      %get3A_1782 = arith.index_cast %get3A_1781 : i32 to index
      %get3A_1783 = arith.constant 80 : index
      %get3A_1784 = tpu.vector_load %arg8[%get3A_1782, %get3A_1783] {strides = array<i32>} : memref<16x200xi32, #tpu.memory_space<vmem>>, vector<16xi32>,
      %gather3A_1785 = tpu.vector_load_idx %arg6[%get3A_1784] : memref<100000xf32, #tpu.memory_space<vmem>>[vector<16xi32>], vector<16xf32>,
      %add3A_1786 = arith.addf %add3A_1762, %gather3A_1785 : vector<16xf32>
      %get3A_1787 = arith.constant 1 : i32
      %get3A_1788 = arith.index_cast %get3A_1787 : i32 to index
      %get3A_1789 = arith.constant 96 : index
      %get3A_1790 = tpu.vector_load %arg8[%get3A_1788, %get3A_1789] {strides = array<i32>} : memref<16x200xi32, #tpu.memory_space<vmem>>, vector<16xi32>,
      %gather3A_1791 = tpu.vector_load_idx %arg6[%get3A_1790] : memref<100000xf32, #tpu.memory_space<vmem>>[vector<16xi32>], vector<16xf32>,
      %add3A_1792 = arith.addf %add3A_1768, %gather3A_1791 : vector<16xf32>
      %get3A_1793 = arith.constant 1 : i32
      %get3A_1794 = arith.index_cast %get3A_1793 : i32 to index
      %get3A_1795 = arith.constant 112 : index
      %get3A_1796 = tpu.vector_load %arg8[%get3A_1794, %get3A_1795] {strides = array<i32>} : memref<16x200xi32, #tpu.memory_space<vmem>>, vector<16xi32>,
      %gather3A_1797 = tpu.vector_load_idx %arg6[%get3A_1796] : memref<100000xf32, #tpu.memory_space<vmem>>[vector<16xi32>], vector<16xf32>,
      %add3A_1798 = arith.addf %add3A_1774, %gather3A_1797 : vector<16xf32>
      %get3A_1799 = arith.constant 1 : i32
      %get3A_1800 = arith.index_cast %get3A_1799 : i32 to index
      %get3A_1801 = arith.constant 128 : index
      %get3A_1802 = tpu.vector_load %arg8[%get3A_1800, %get3A_1801] {strides = array<i32>} : memref<16x200xi32, #tpu.memory_space<vmem>>, vector<16xi32>,
      %gather3A_1803 = tpu.vector_load_idx %arg6[%get3A_1802] : memref<100000xf32, #tpu.memory_space<vmem>>[vector<16xi32>], vector<16xf32>,
      %add3A_1804 = arith.addf %add3A_1780, %gather3A_1803 : vector<16xf32>
      %get3A_1805 = arith.constant 1 : i32
      %get3A_1806 = arith.index_cast %get3A_1805 : i32 to index
      %get3A_1807 = arith.constant 144 : index
      %get3A_1808 = tpu.vector_load %arg8[%get3A_1806, %get3A_1807] {strides = array<i32>} : memref<16x200xi32, #tpu.memory_space<vmem>>, vector<16xi32>,
      %gather3A_1809 = tpu.vector_load_idx %arg6[%get3A_1808] : memref<100000xf32, #tpu.memory_space<vmem>>[vector<16xi32>], vector<16xf32>,
      %add3A_1810 = arith.addf %add3A_1786, %gather3A_1809 : vector<16xf32>
      %get3A_1811 = arith.constant 1 : i32
      %get3A_1812 = arith.index_cast %get3A_1811 : i32 to index
      %get3A_1813 = arith.constant 160 : index
      %get3A_1814 = tpu.vector_load %arg8[%get3A_1812, %get3A_1813] {strides = array<i32>} : memref<16x200xi32, #tpu.memory_space<vmem>>, vector<16xi32>,
      %gather3A_1815 = tpu.vector_load_idx %arg6[%get3A_1814] : memref<100000xf32, #tpu.memory_space<vmem>>[vector<16xi32>], vector<16xf32>,
      %add3A_1816 = arith.addf %add3A_1792, %gather3A_1815 : vector<16xf32>
      %get3A_1817 = arith.constant 1 : i32
      %get3A_1818 = arith.index_cast %get3A_1817 : i32 to index
      %get3A_1819 = arith.constant 176 : index
      %get3A_1820 = tpu.vector_load %arg8[%get3A_1818, %get3A_1819] {strides = array<i32>} : memref<16x200xi32, #tpu.memory_space<vmem>>, vector<16xi32>,
      %gather3A_1821 = tpu.vector_load_idx %arg6[%get3A_1820] : memref<100000xf32, #tpu.memory_space<vmem>>[vector<16xi32>], vector<16xf32>,
      %add3A_1822 = arith.addf %add3A_1798, %gather3A_1821 : vector<16xf32>
      %get3A_1823 = arith.constant 1 : i32
      %get3A_1824 = arith.index_cast %get3A_1823 : i32 to index
      %get3A_1825 = arith.constant 184 : index
      %get3A_1826 = tpu.vector_load %arg8[%get3A_1824, %get3A_1825] {strides = array<i32>} : memref<16x200xi32, #tpu.memory_space<vmem>>, vector<16xi32>,
      %gather3A_1827 = tpu.vector_load_idx %arg6[%get3A_1826] : memref<100000xf32, #tpu.memory_space<vmem>>[vector<16xi32>], vector<16xf32>,
      %mul3A_1828 = arith.mulf %gather3A_1827, %select_n3A : vector<16xf32>
      %add3A_1829 = arith.addf %add3A_1804, %add3A_1810 : vector<16xf32>
      %add3A_1830 = arith.addf %add3A_1816, %add3A_1822 : vector<16xf32>
      %add3A_1831 = arith.addf %add3A_1829, %add3A_1830 : vector<16xf32>
      %add3A_1832 = arith.addf %add3A_1831, %mul3A_1828 : vector<16xf32>
      %reduce_sum3A_1833 = arith.constant true
      %reduce_sum3A_1834 = vector.broadcast %reduce_sum3A_1833 : i1 to vector<16xi1>
      %reduce_sum3A_1835 = tpu.scan <sum>, %add3A_1832 masked %reduce_sum3A_1834 : vector<16xf32>, vector<16xi1> -> vector<16xf32>
      %reduce_sum3A_1836 = vector.extract %reduce_sum3A_1835[15] : f32 from vector<16xf32>
      %broadcast_in_dim3A_1837 = vector.broadcast %reduce_sum3A_1836 : f32 to vector<16xf32>
      %eq3A_1838 = arith.constant 1 : i32
      %eq3A_1839 = vector.broadcast %eq3A_1838 : i32 to vector<16xi32>
      %eq3A_1840 = arith.cmpi eq, %iota3A, %eq3A_1839 : vector<16xi32>
      %select_n3A_1841 = arith.select %eq3A_1840, %broadcast_in_dim3A_1837, %select_n3A_1742 : vector<16xi1>, vector<16xf32>
      %broadcast_in_dim3A_1842 = arith.constant 0.000000e+00 : f32
      %broadcast_in_dim3A_1843 = vector.broadcast %broadcast_in_dim3A_1842 : f32 to vector<16xf32>
      %broadcast_in_dim3A_1844 = arith.constant 0.000000e+00 : f32
      %broadcast_in_dim3A_1845 = vector.broadcast %broadcast_in_dim3A_1844 : f32 to vector<16xf32>
      %broadcast_in_dim3A_1846 = arith.constant 0.000000e+00 : f32
      %broadcast_in_dim3A_1847 = vector.broadcast %broadcast_in_dim3A_1846 : f32 to vector<16xf32>
      %broadcast_in_dim3A_1848 = arith.constant 0.000000e+00 : f32
      %broadcast_in_dim3A_1849 = vector.broadcast %broadcast_in_dim3A_1848 : f32 to vector<16xf32>
      %get3A_1850 = arith.constant 2 : i32
      %get3A_1851 = arith.index_cast %get3A_1850 : i32 to index
      %get3A_1852 = arith.constant 0 : index
      %get3A_1853 = tpu.vector_load %arg8[%get3A_1851, %get3A_1852] {strides = array<i32>} : memref<16x200xi32, #tpu.memory_space<vmem>>, vector<16xi32>,
      %gather3A_1854 = tpu.vector_load_idx %arg6[%get3A_1853] : memref<100000xf32, #tpu.memory_space<vmem>>[vector<16xi32>], vector<16xf32>,
      %add3A_1855 = arith.addf %broadcast_in_dim3A_1843, %gather3A_1854 : vector<16xf32>
      %get3A_1856 = arith.constant 2 : i32
      %get3A_1857 = arith.index_cast %get3A_1856 : i32 to index
      %get3A_1858 = arith.constant 16 : index
      %get3A_1859 = tpu.vector_load %arg8[%get3A_1857, %get3A_1858] {strides = array<i32>} : memref<16x200xi32, #tpu.memory_space<vmem>>, vector<16xi32>,
      %gather3A_1860 = tpu.vector_load_idx %arg6[%get3A_1859] : memref<100000xf32, #tpu.memory_space<vmem>>[vector<16xi32>], vector<16xf32>,
      %add3A_1861 = arith.addf %broadcast_in_dim3A_1845, %gather3A_1860 : vector<16xf32>
      %get3A_1862 = arith.constant 2 : i32
      %get3A_1863 = arith.index_cast %get3A_1862 : i32 to index
      %get3A_1864 = arith.constant 32 : index
      %get3A_1865 = tpu.vector_load %arg8[%get3A_1863, %get3A_1864] {strides = array<i32>} : memref<16x200xi32, #tpu.memory_space<vmem>>, vector<16xi32>,
      %gather3A_1866 = tpu.vector_load_idx %arg6[%get3A_1865] : memref<100000xf32, #tpu.memory_space<vmem>>[vector<16xi32>], vector<16xf32>,
      %add3A_1867 = arith.addf %broadcast_in_dim3A_1847, %gather3A_1866 : vector<16xf32>
      %get3A_1868 = arith.constant 2 : i32
      %get3A_1869 = arith.index_cast %get3A_1868 : i32 to index
      %get3A_1870 = arith.constant 48 : index
      %get3A_1871 = tpu.vector_load %arg8[%get3A_1869, %get3A_1870] {strides = array<i32>} : memref<16x200xi32, #tpu.memory_space<vmem>>, vector<16xi32>,
      %gather3A_1872 = tpu.vector_load_idx %arg6[%get3A_1871] : memref<100000xf32, #tpu.memory_space<vmem>>[vector<16xi32>], vector<16xf32>,
      %add3A_1873 = arith.addf %broadcast_in_dim3A_1849, %gather3A_1872 : vector<16xf32>
      %get3A_1874 = arith.constant 2 : i32
      %get3A_1875 = arith.index_cast %get3A_1874 : i32 to index
      %get3A_1876 = arith.constant 64 : index
      %get3A_1877 = tpu.vector_load %arg8[%get3A_1875, %get3A_1876] {strides = array<i32>} : memref<16x200xi32, #tpu.memory_space<vmem>>, vector<16xi32>,
      %gather3A_1878 = tpu.vector_load_idx %arg6[%get3A_1877] : memref<100000xf32, #tpu.memory_space<vmem>>[vector<16xi32>], vector<16xf32>,
      %add3A_1879 = arith.addf %add3A_1855, %gather3A_1878 : vector<16xf32>
      %get3A_1880 = arith.constant 2 : i32
      %get3A_1881 = arith.index_cast %get3A_1880 : i32 to index
      %get3A_1882 = arith.constant 80 : index
      %get3A_1883 = tpu.vector_load %arg8[%get3A_1881, %get3A_1882] {strides = array<i32>} : memref<16x200xi32, #tpu.memory_space<vmem>>, vector<16xi32>,
      %gather3A_1884 = tpu.vector_load_idx %arg6[%get3A_1883] : memref<100000xf32, #tpu.memory_space<vmem>>[vector<16xi32>], vector<16xf32>,
      %add3A_1885 = arith.addf %add3A_1861, %gather3A_1884 : vector<16xf32>
      %get3A_1886 = arith.constant 2 : i32
      %get3A_1887 = arith.index_cast %get3A_1886 : i32 to index
      %get3A_1888 = arith.constant 96 : index
      %get3A_1889 = tpu.vector_load %arg8[%get3A_1887, %get3A_1888] {strides = array<i32>} : memref<16x200xi32, #tpu.memory_space<vmem>>, vector<16xi32>,
      %gather3A_1890 = tpu.vector_load_idx %arg6[%get3A_1889] : memref<100000xf32, #tpu.memory_space<vmem>>[vector<16xi32>], vector<16xf32>,
      %add3A_1891 = arith.addf %add3A_1867, %gather3A_1890 : vector<16xf32>
      %get3A_1892 = arith.constant 2 : i32
      %get3A_1893 = arith.index_cast %get3A_1892 : i32 to index
      %get3A_1894 = arith.constant 112 : index
      %get3A_1895 = tpu.vector_load %arg8[%get3A_1893, %get3A_1894] {strides = array<i32>} : memref<16x200xi32, #tpu.memory_space<vmem>>, vector<16xi32>,
      %gather3A_1896 = tpu.vector_load_idx %arg6[%get3A_1895] : memref<100000xf32, #tpu.memory_space<vmem>>[vector<16xi32>], vector<16xf32>,
      %add3A_1897 = arith.addf %add3A_1873, %gather3A_1896 : vector<16xf32>
      %get3A_1898 = arith.constant 2 : i32
      %get3A_1899 = arith.index_cast %get3A_1898 : i32 to index
      %get3A_1900 = arith.constant 128 : index
      %get3A_1901 = tpu.vector_load %arg8[%get3A_1899, %get3A_1900] {strides = array<i32>} : memref<16x200xi32, #tpu.memory_space<vmem>>, vector<16xi32>,
      %gather3A_1902 = tpu.vector_load_idx %arg6[%get3A_1901] : memref<100000xf32, #tpu.memory_space<vmem>>[vector<16xi32>], vector<16xf32>,
      %add3A_1903 = arith.addf %add3A_1879, %gather3A_1902 : vector<16xf32>
      %get3A_1904 = arith.constant 2 : i32
      %get3A_1905 = arith.index_cast %get3A_1904 : i32 to index
      %get3A_1906 = arith.constant 144 : index
      %get3A_1907 = tpu.vector_load %arg8[%get3A_1905, %get3A_1906] {strides = array<i32>} : memref<16x200xi32, #tpu.memory_space<vmem>>, vector<16xi32>,
      %gather3A_1908 = tpu.vector_load_idx %arg6[%get3A_1907] : memref<100000xf32, #tpu.memory_space<vmem>>[vector<16xi32>], vector<16xf32>,
      %add3A_1909 = arith.addf %add3A_1885, %gather3A_1908 : vector<16xf32>
      %get3A_1910 = arith.constant 2 : i32
      %get3A_1911 = arith.index_cast %get3A_1910 : i32 to index
      %get3A_1912 = arith.constant 160 : index
      %get3A_1913 = tpu.vector_load %arg8[%get3A_1911, %get3A_1912] {strides = array<i32>} : memref<16x200xi32, #tpu.memory_space<vmem>>, vector<16xi32>,
      %gather3A_1914 = tpu.vector_load_idx %arg6[%get3A_1913] : memref<100000xf32, #tpu.memory_space<vmem>>[vector<16xi32>], vector<16xf32>,
      %add3A_1915 = arith.addf %add3A_1891, %gather3A_1914 : vector<16xf32>
      %get3A_1916 = arith.constant 2 : i32
      %get3A_1917 = arith.index_cast %get3A_1916 : i32 to index
      %get3A_1918 = arith.constant 176 : index
      %get3A_1919 = tpu.vector_load %arg8[%get3A_1917, %get3A_1918] {strides = array<i32>} : memref<16x200xi32, #tpu.memory_space<vmem>>, vector<16xi32>,
      %gather3A_1920 = tpu.vector_load_idx %arg6[%get3A_1919] : memref<100000xf32, #tpu.memory_space<vmem>>[vector<16xi32>], vector<16xf32>,
      %add3A_1921 = arith.addf %add3A_1897, %gather3A_1920 : vector<16xf32>
      %get3A_1922 = arith.constant 2 : i32
      %get3A_1923 = arith.index_cast %get3A_1922 : i32 to index
      %get3A_1924 = arith.constant 184 : index
      %get3A_1925 = tpu.vector_load %arg8[%get3A_1923, %get3A_1924] {strides = array<i32>} : memref<16x200xi32, #tpu.memory_space<vmem>>, vector<16xi32>,
      %gather3A_1926 = tpu.vector_load_idx %arg6[%get3A_1925] : memref<100000xf32, #tpu.memory_space<vmem>>[vector<16xi32>], vector<16xf32>,
      %mul3A_1927 = arith.mulf %gather3A_1926, %select_n3A : vector<16xf32>
      %add3A_1928 = arith.addf %add3A_1903, %add3A_1909 : vector<16xf32>
      %add3A_1929 = arith.addf %add3A_1915, %add3A_1921 : vector<16xf32>
      %add3A_1930 = arith.addf %add3A_1928, %add3A_1929 : vector<16xf32>
      %add3A_1931 = arith.addf %add3A_1930, %mul3A_1927 : vector<16xf32>
      %reduce_sum3A_1932 = arith.constant true
      %reduce_sum3A_1933 = vector.broadcast %reduce_sum3A_1932 : i1 to vector<16xi1>
      %reduce_sum3A_1934 = tpu.scan <sum>, %add3A_1931 masked %reduce_sum3A_1933 : vector<16xf32>, vector<16xi1> -> vector<16xf32>
      %reduce_sum3A_1935 = vector.extract %reduce_sum3A_1934[15] : f32 from vector<16xf32>
      %broadcast_in_dim3A_1936 = vector.broadcast %reduce_sum3A_1935 : f32 to vector<16xf32>
      %eq3A_1937 = arith.constant 2 : i32
      %eq3A_1938 = vector.broadcast %eq3A_1937 : i32 to vector<16xi32>
      %eq3A_1939 = arith.cmpi eq, %iota3A, %eq3A_1938 : vector<16xi32>
      %select_n3A_1940 = arith.select %eq3A_1939, %broadcast_in_dim3A_1936, %select_n3A_1841 : vector<16xi1>, vector<16xf32>
      %broadcast_in_dim3A_1941 = arith.constant 0.000000e+00 : f32
      %broadcast_in_dim3A_1942 = vector.broadcast %broadcast_in_dim3A_1941 : f32 to vector<16xf32>
      %broadcast_in_dim3A_1943 = arith.constant 0.000000e+00 : f32
      %broadcast_in_dim3A_1944 = vector.broadcast %broadcast_in_dim3A_1943 : f32 to vector<16xf32>
      %broadcast_in_dim3A_1945 = arith.constant 0.000000e+00 : f32
      %broadcast_in_dim3A_1946 = vector.broadcast %broadcast_in_dim3A_1945 : f32 to vector<16xf32>
      %broadcast_in_dim3A_1947 = arith.constant 0.000000e+00 : f32
      %broadcast_in_dim3A_1948 = vector.broadcast %broadcast_in_dim3A_1947 : f32 to vector<16xf32>
      %get3A_1949 = arith.constant 3 : i32
      %get3A_1950 = arith.index_cast %get3A_1949 : i32 to index
      %get3A_1951 = arith.constant 0 : index
      %get3A_1952 = tpu.vector_load %arg8[%get3A_1950, %get3A_1951] {strides = array<i32>} : memref<16x200xi32, #tpu.memory_space<vmem>>, vector<16xi32>,
      %gather3A_1953 = tpu.vector_load_idx %arg6[%get3A_1952] : memref<100000xf32, #tpu.memory_space<vmem>>[vector<16xi32>], vector<16xf32>,
      %add3A_1954 = arith.addf %broadcast_in_dim3A_1942, %gather3A_1953 : vector<16xf32>
      %get3A_1955 = arith.constant 3 : i32
      %get3A_1956 = arith.index_cast %get3A_1955 : i32 to index
      %get3A_1957 = arith.constant 16 : index
      %get3A_1958 = tpu.vector_load %arg8[%get3A_1956, %get3A_1957] {strides = array<i32>} : memref<16x200xi32, #tpu.memory_space<vmem>>, vector<16xi32>,
      %gather3A_1959 = tpu.vector_load_idx %arg6[%get3A_1958] : memref<100000xf32, #tpu.memory_space<vmem>>[vector<16xi32>], vector<16xf32>,
      %add3A_1960 = arith.addf %broadcast_in_dim3A_1944, %gather3A_1959 : vector<16xf32>
      %get3A_1961 = arith.constant 3 : i32
      %get3A_1962 = arith.index_cast %get3A_1961 : i32 to index
      %get3A_1963 = arith.constant 32 : index
      %get3A_1964 = tpu.vector_load %arg8[%get3A_1962, %get3A_1963] {strides = array<i32>} : memref<16x200xi32, #tpu.memory_space<vmem>>, vector<16xi32>,
      %gather3A_1965 = tpu.vector_load_idx %arg6[%get3A_1964] : memref<100000xf32, #tpu.memory_space<vmem>>[vector<16xi32>], vector<16xf32>,
      %add3A_1966 = arith.addf %broadcast_in_dim3A_1946, %gather3A_1965 : vector<16xf32>
      %get3A_1967 = arith.constant 3 : i32
      %get3A_1968 = arith.index_cast %get3A_1967 : i32 to index
      %get3A_1969 = arith.constant 48 : index
      %get3A_1970 = tpu.vector_load %arg8[%get3A_1968, %get3A_1969] {strides = array<i32>} : memref<16x200xi32, #tpu.memory_space<vmem>>, vector<16xi32>,
      %gather3A_1971 = tpu.vector_load_idx %arg6[%get3A_1970] : memref<100000xf32, #tpu.memory_space<vmem>>[vector<16xi32>], vector<16xf32>,
      %add3A_1972 = arith.addf %broadcast_in_dim3A_1948, %gather3A_1971 : vector<16xf32>
      %get3A_1973 = arith.constant 3 : i32
      %get3A_1974 = arith.index_cast %get3A_1973 : i32 to index
      %get3A_1975 = arith.constant 64 : index
      %get3A_1976 = tpu.vector_load %arg8[%get3A_1974, %get3A_1975] {strides = array<i32>} : memref<16x200xi32, #tpu.memory_space<vmem>>, vector<16xi32>,
      %gather3A_1977 = tpu.vector_load_idx %arg6[%get3A_1976] : memref<100000xf32, #tpu.memory_space<vmem>>[vector<16xi32>], vector<16xf32>,
      %add3A_1978 = arith.addf %add3A_1954, %gather3A_1977 : vector<16xf32>
      %get3A_1979 = arith.constant 3 : i32
      %get3A_1980 = arith.index_cast %get3A_1979 : i32 to index
      %get3A_1981 = arith.constant 80 : index
      %get3A_1982 = tpu.vector_load %arg8[%get3A_1980, %get3A_1981] {strides = array<i32>} : memref<16x200xi32, #tpu.memory_space<vmem>>, vector<16xi32>,
      %gather3A_1983 = tpu.vector_load_idx %arg6[%get3A_1982] : memref<100000xf32, #tpu.memory_space<vmem>>[vector<16xi32>], vector<16xf32>,
      %add3A_1984 = arith.addf %add3A_1960, %gather3A_1983 : vector<16xf32>
      %get3A_1985 = arith.constant 3 : i32
      %get3A_1986 = arith.index_cast %get3A_1985 : i32 to index
      %get3A_1987 = arith.constant 96 : index
      %get3A_1988 = tpu.vector_load %arg8[%get3A_1986, %get3A_1987] {strides = array<i32>} : memref<16x200xi32, #tpu.memory_space<vmem>>, vector<16xi32>,
      %gather3A_1989 = tpu.vector_load_idx %arg6[%get3A_1988] : memref<100000xf32, #tpu.memory_space<vmem>>[vector<16xi32>], vector<16xf32>,
      %add3A_1990 = arith.addf %add3A_1966, %gather3A_1989 : vector<16xf32>
      %get3A_1991 = arith.constant 3 : i32
      %get3A_1992 = arith.index_cast %get3A_1991 : i32 to index
      %get3A_1993 = arith.constant 112 : index
      %get3A_1994 = tpu.vector_load %arg8[%get3A_1992, %get3A_1993] {strides = array<i32>} : memref<16x200xi32, #tpu.memory_space<vmem>>, vector<16xi32>,
      %gather3A_1995 = tpu.vector_load_idx %arg6[%get3A_1994] : memref<100000xf32, #tpu.memory_space<vmem>>[vector<16xi32>], vector<16xf32>,
      %add3A_1996 = arith.addf %add3A_1972, %gather3A_1995 : vector<16xf32>
      %get3A_1997 = arith.constant 3 : i32
      %get3A_1998 = arith.index_cast %get3A_1997 : i32 to index
      %get3A_1999 = arith.constant 128 : index
      %get3A_2000 = tpu.vector_load %arg8[%get3A_1998, %get3A_1999] {strides = array<i32>} : memref<16x200xi32, #tpu.memory_space<vmem>>, vector<16xi32>,
      %gather3A_2001 = tpu.vector_load_idx %arg6[%get3A_2000] : memref<100000xf32, #tpu.memory_space<vmem>>[vector<16xi32>], vector<16xf32>,
      %add3A_2002 = arith.addf %add3A_1978, %gather3A_2001 : vector<16xf32>
      %get3A_2003 = arith.constant 3 : i32
      %get3A_2004 = arith.index_cast %get3A_2003 : i32 to index
      %get3A_2005 = arith.constant 144 : index
      %get3A_2006 = tpu.vector_load %arg8[%get3A_2004, %get3A_2005] {strides = array<i32>} : memref<16x200xi32, #tpu.memory_space<vmem>>, vector<16xi32>,
      %gather3A_2007 = tpu.vector_load_idx %arg6[%get3A_2006] : memref<100000xf32, #tpu.memory_space<vmem>>[vector<16xi32>], vector<16xf32>,
      %add3A_2008 = arith.addf %add3A_1984, %gather3A_2007 : vector<16xf32>
      %get3A_2009 = arith.constant 3 : i32
      %get3A_2010 = arith.index_cast %get3A_2009 : i32 to index
      %get3A_2011 = arith.constant 160 : index
      %get3A_2012 = tpu.vector_load %arg8[%get3A_2010, %get3A_2011] {strides = array<i32>} : memref<16x200xi32, #tpu.memory_space<vmem>>, vector<16xi32>,
      %gather3A_2013 = tpu.vector_load_idx %arg6[%get3A_2012] : memref<100000xf32, #tpu.memory_space<vmem>>[vector<16xi32>], vector<16xf32>,
      %add3A_2014 = arith.addf %add3A_1990, %gather3A_2013 : vector<16xf32>
      %get3A_2015 = arith.constant 3 : i32
      %get3A_2016 = arith.index_cast %get3A_2015 : i32 to index
      %get3A_2017 = arith.constant 176 : index
      %get3A_2018 = tpu.vector_load %arg8[%get3A_2016, %get3A_2017] {strides = array<i32>} : memref<16x200xi32, #tpu.memory_space<vmem>>, vector<16xi32>,
      %gather3A_2019 = tpu.vector_load_idx %arg6[%get3A_2018] : memref<100000xf32, #tpu.memory_space<vmem>>[vector<16xi32>], vector<16xf32>,
      %add3A_2020 = arith.addf %add3A_1996, %gather3A_2019 : vector<16xf32>
      %get3A_2021 = arith.constant 3 : i32
      %get3A_2022 = arith.index_cast %get3A_2021 : i32 to index
      %get3A_2023 = arith.constant 184 : index
      %get3A_2024 = tpu.vector_load %arg8[%get3A_2022, %get3A_2023] {strides = array<i32>} : memref<16x200xi32, #tpu.memory_space<vmem>>, vector<16xi32>,
      %gather3A_2025 = tpu.vector_load_idx %arg6[%get3A_2024] : memref<100000xf32, #tpu.memory_space<vmem>>[vector<16xi32>], vector<16xf32>,
      %mul3A_2026 = arith.mulf %gather3A_2025, %select_n3A : vector<16xf32>
      %add3A_2027 = arith.addf %add3A_2002, %add3A_2008 : vector<16xf32>
      %add3A_2028 = arith.addf %add3A_2014, %add3A_2020 : vector<16xf32>
      %add3A_2029 = arith.addf %add3A_2027, %add3A_2028 : vector<16xf32>
      %add3A_2030 = arith.addf %add3A_2029, %mul3A_2026 : vector<16xf32>
      %reduce_sum3A_2031 = arith.constant true
      %reduce_sum3A_2032 = vector.broadcast %reduce_sum3A_2031 : i1 to vector<16xi1>
      %reduce_sum3A_2033 = tpu.scan <sum>, %add3A_2030 masked %reduce_sum3A_2032 : vector<16xf32>, vector<16xi1> -> vector<16xf32>
      %reduce_sum3A_2034 = vector.extract %reduce_sum3A_2033[15] : f32 from vector<16xf32>
      %broadcast_in_dim3A_2035 = vector.broadcast %reduce_sum3A_2034 : f32 to vector<16xf32>
      %eq3A_2036 = arith.constant 3 : i32
      %eq3A_2037 = vector.broadcast %eq3A_2036 : i32 to vector<16xi32>
      %eq3A_2038 = arith.cmpi eq, %iota3A, %eq3A_2037 : vector<16xi32>
      %select_n3A_2039 = arith.select %eq3A_2038, %broadcast_in_dim3A_2035, %select_n3A_1940 : vector<16xi1>, vector<16xf32>
      %broadcast_in_dim3A_2040 = arith.constant 0.000000e+00 : f32
      %broadcast_in_dim3A_2041 = vector.broadcast %broadcast_in_dim3A_2040 : f32 to vector<16xf32>
      %broadcast_in_dim3A_2042 = arith.constant 0.000000e+00 : f32
      %broadcast_in_dim3A_2043 = vector.broadcast %broadcast_in_dim3A_2042 : f32 to vector<16xf32>
      %broadcast_in_dim3A_2044 = arith.constant 0.000000e+00 : f32
      %broadcast_in_dim3A_2045 = vector.broadcast %broadcast_in_dim3A_2044 : f32 to vector<16xf32>
      %broadcast_in_dim3A_2046 = arith.constant 0.000000e+00 : f32
      %broadcast_in_dim3A_2047 = vector.broadcast %broadcast_in_dim3A_2046 : f32 to vector<16xf32>
      %get3A_2048 = arith.constant 4 : i32
      %get3A_2049 = arith.index_cast %get3A_2048 : i32 to index
      %get3A_2050 = arith.constant 0 : index
      %get3A_2051 = tpu.vector_load %arg8[%get3A_2049, %get3A_2050] {strides = array<i32>} : memref<16x200xi32, #tpu.memory_space<vmem>>, vector<16xi32>,
      %gather3A_2052 = tpu.vector_load_idx %arg6[%get3A_2051] : memref<100000xf32, #tpu.memory_space<vmem>>[vector<16xi32>], vector<16xf32>,
      %add3A_2053 = arith.addf %broadcast_in_dim3A_2041, %gather3A_2052 : vector<16xf32>
      %get3A_2054 = arith.constant 4 : i32
      %get3A_2055 = arith.index_cast %get3A_2054 : i32 to index
      %get3A_2056 = arith.constant 16 : index
      %get3A_2057 = tpu.vector_load %arg8[%get3A_2055, %get3A_2056] {strides = array<i32>} : memref<16x200xi32, #tpu.memory_space<vmem>>, vector<16xi32>,
      %gather3A_2058 = tpu.vector_load_idx %arg6[%get3A_2057] : memref<100000xf32, #tpu.memory_space<vmem>>[vector<16xi32>], vector<16xf32>,
      %add3A_2059 = arith.addf %broadcast_in_dim3A_2043, %gather3A_2058 : vector<16xf32>
      %get3A_2060 = arith.constant 4 : i32
      %get3A_2061 = arith.index_cast %get3A_2060 : i32 to index
      %get3A_2062 = arith.constant 32 : index
      %get3A_2063 = tpu.vector_load %arg8[%get3A_2061, %get3A_2062] {strides = array<i32>} : memref<16x200xi32, #tpu.memory_space<vmem>>, vector<16xi32>,
      %gather3A_2064 = tpu.vector_load_idx %arg6[%get3A_2063] : memref<100000xf32, #tpu.memory_space<vmem>>[vector<16xi32>], vector<16xf32>,
      %add3A_2065 = arith.addf %broadcast_in_dim3A_2045, %gather3A_2064 : vector<16xf32>
      %get3A_2066 = arith.constant 4 : i32
      %get3A_2067 = arith.index_cast %get3A_2066 : i32 to index
      %get3A_2068 = arith.constant 48 : index
      %get3A_2069 = tpu.vector_load %arg8[%get3A_2067, %get3A_2068] {strides = array<i32>} : memref<16x200xi32, #tpu.memory_space<vmem>>, vector<16xi32>,
      %gather3A_2070 = tpu.vector_load_idx %arg6[%get3A_2069] : memref<100000xf32, #tpu.memory_space<vmem>>[vector<16xi32>], vector<16xf32>,
      %add3A_2071 = arith.addf %broadcast_in_dim3A_2047, %gather3A_2070 : vector<16xf32>
      %get3A_2072 = arith.constant 4 : i32
      %get3A_2073 = arith.index_cast %get3A_2072 : i32 to index
      %get3A_2074 = arith.constant 64 : index
      %get3A_2075 = tpu.vector_load %arg8[%get3A_2073, %get3A_2074] {strides = array<i32>} : memref<16x200xi32, #tpu.memory_space<vmem>>, vector<16xi32>,
      %gather3A_2076 = tpu.vector_load_idx %arg6[%get3A_2075] : memref<100000xf32, #tpu.memory_space<vmem>>[vector<16xi32>], vector<16xf32>,
      %add3A_2077 = arith.addf %add3A_2053, %gather3A_2076 : vector<16xf32>
      %get3A_2078 = arith.constant 4 : i32
      %get3A_2079 = arith.index_cast %get3A_2078 : i32 to index
      %get3A_2080 = arith.constant 80 : index
      %get3A_2081 = tpu.vector_load %arg8[%get3A_2079, %get3A_2080] {strides = array<i32>} : memref<16x200xi32, #tpu.memory_space<vmem>>, vector<16xi32>,
      %gather3A_2082 = tpu.vector_load_idx %arg6[%get3A_2081] : memref<100000xf32, #tpu.memory_space<vmem>>[vector<16xi32>], vector<16xf32>,
      %add3A_2083 = arith.addf %add3A_2059, %gather3A_2082 : vector<16xf32>
      %get3A_2084 = arith.constant 4 : i32
      %get3A_2085 = arith.index_cast %get3A_2084 : i32 to index
      %get3A_2086 = arith.constant 96 : index
      %get3A_2087 = tpu.vector_load %arg8[%get3A_2085, %get3A_2086] {strides = array<i32>} : memref<16x200xi32, #tpu.memory_space<vmem>>, vector<16xi32>,
      %gather3A_2088 = tpu.vector_load_idx %arg6[%get3A_2087] : memref<100000xf32, #tpu.memory_space<vmem>>[vector<16xi32>], vector<16xf32>,
      %add3A_2089 = arith.addf %add3A_2065, %gather3A_2088 : vector<16xf32>
      %get3A_2090 = arith.constant 4 : i32
      %get3A_2091 = arith.index_cast %get3A_2090 : i32 to index
      %get3A_2092 = arith.constant 112 : index
      %get3A_2093 = tpu.vector_load %arg8[%get3A_2091, %get3A_2092] {strides = array<i32>} : memref<16x200xi32, #tpu.memory_space<vmem>>, vector<16xi32>,
      %gather3A_2094 = tpu.vector_load_idx %arg6[%get3A_2093] : memref<100000xf32, #tpu.memory_space<vmem>>[vector<16xi32>], vector<16xf32>,
      %add3A_2095 = arith.addf %add3A_2071, %gather3A_2094 : vector<16xf32>
      %get3A_2096 = arith.constant 4 : i32
      %get3A_2097 = arith.index_cast %get3A_2096 : i32 to index
      %get3A_2098 = arith.constant 128 : index
      %get3A_2099 = tpu.vector_load %arg8[%get3A_2097, %get3A_2098] {strides = array<i32>} : memref<16x200xi32, #tpu.memory_space<vmem>>, vector<16xi32>,
      %gather3A_2100 = tpu.vector_load_idx %arg6[%get3A_2099] : memref<100000xf32, #tpu.memory_space<vmem>>[vector<16xi32>], vector<16xf32>,
      %add3A_2101 = arith.addf %add3A_2077, %gather3A_2100 : vector<16xf32>
      %get3A_2102 = arith.constant 4 : i32
      %get3A_2103 = arith.index_cast %get3A_2102 : i32 to index
      %get3A_2104 = arith.constant 144 : index
      %get3A_2105 = tpu.vector_load %arg8[%get3A_2103, %get3A_2104] {strides = array<i32>} : memref<16x200xi32, #tpu.memory_space<vmem>>, vector<16xi32>,
      %gather3A_2106 = tpu.vector_load_idx %arg6[%get3A_2105] : memref<100000xf32, #tpu.memory_space<vmem>>[vector<16xi32>], vector<16xf32>,
      %add3A_2107 = arith.addf %add3A_2083, %gather3A_2106 : vector<16xf32>
      %get3A_2108 = arith.constant 4 : i32
      %get3A_2109 = arith.index_cast %get3A_2108 : i32 to index
      %get3A_2110 = arith.constant 160 : index
      %get3A_2111 = tpu.vector_load %arg8[%get3A_2109, %get3A_2110] {strides = array<i32>} : memref<16x200xi32, #tpu.memory_space<vmem>>, vector<16xi32>,
      %gather3A_2112 = tpu.vector_load_idx %arg6[%get3A_2111] : memref<100000xf32, #tpu.memory_space<vmem>>[vector<16xi32>], vector<16xf32>,
      %add3A_2113 = arith.addf %add3A_2089, %gather3A_2112 : vector<16xf32>
      %get3A_2114 = arith.constant 4 : i32
      %get3A_2115 = arith.index_cast %get3A_2114 : i32 to index
      %get3A_2116 = arith.constant 176 : index
      %get3A_2117 = tpu.vector_load %arg8[%get3A_2115, %get3A_2116] {strides = array<i32>} : memref<16x200xi32, #tpu.memory_space<vmem>>, vector<16xi32>,
      %gather3A_2118 = tpu.vector_load_idx %arg6[%get3A_2117] : memref<100000xf32, #tpu.memory_space<vmem>>[vector<16xi32>], vector<16xf32>,
      %add3A_2119 = arith.addf %add3A_2095, %gather3A_2118 : vector<16xf32>
      %get3A_2120 = arith.constant 4 : i32
      %get3A_2121 = arith.index_cast %get3A_2120 : i32 to index
      %get3A_2122 = arith.constant 184 : index
      %get3A_2123 = tpu.vector_load %arg8[%get3A_2121, %get3A_2122] {strides = array<i32>} : memref<16x200xi32, #tpu.memory_space<vmem>>, vector<16xi32>,
      %gather3A_2124 = tpu.vector_load_idx %arg6[%get3A_2123] : memref<100000xf32, #tpu.memory_space<vmem>>[vector<16xi32>], vector<16xf32>,
      %mul3A_2125 = arith.mulf %gather3A_2124, %select_n3A : vector<16xf32>
      %add3A_2126 = arith.addf %add3A_2101, %add3A_2107 : vector<16xf32>
      %add3A_2127 = arith.addf %add3A_2113, %add3A_2119 : vector<16xf32>
      %add3A_2128 = arith.addf %add3A_2126, %add3A_2127 : vector<16xf32>
      %add3A_2129 = arith.addf %add3A_2128, %mul3A_2125 : vector<16xf32>
      %reduce_sum3A_2130 = arith.constant true
      %reduce_sum3A_2131 = vector.broadcast %reduce_sum3A_2130 : i1 to vector<16xi1>
      %reduce_sum3A_2132 = tpu.scan <sum>, %add3A_2129 masked %reduce_sum3A_2131 : vector<16xf32>, vector<16xi1> -> vector<16xf32>
      %reduce_sum3A_2133 = vector.extract %reduce_sum3A_2132[15] : f32 from vector<16xf32>
      %broadcast_in_dim3A_2134 = vector.broadcast %reduce_sum3A_2133 : f32 to vector<16xf32>
      %eq3A_2135 = arith.constant 4 : i32
      %eq3A_2136 = vector.broadcast %eq3A_2135 : i32 to vector<16xi32>
      %eq3A_2137 = arith.cmpi eq, %iota3A, %eq3A_2136 : vector<16xi32>
      %select_n3A_2138 = arith.select %eq3A_2137, %broadcast_in_dim3A_2134, %select_n3A_2039 : vector<16xi1>, vector<16xf32>
      %broadcast_in_dim3A_2139 = arith.constant 0.000000e+00 : f32
      %broadcast_in_dim3A_2140 = vector.broadcast %broadcast_in_dim3A_2139 : f32 to vector<16xf32>
      %broadcast_in_dim3A_2141 = arith.constant 0.000000e+00 : f32
      %broadcast_in_dim3A_2142 = vector.broadcast %broadcast_in_dim3A_2141 : f32 to vector<16xf32>
      %broadcast_in_dim3A_2143 = arith.constant 0.000000e+00 : f32
      %broadcast_in_dim3A_2144 = vector.broadcast %broadcast_in_dim3A_2143 : f32 to vector<16xf32>
      %broadcast_in_dim3A_2145 = arith.constant 0.000000e+00 : f32
      %broadcast_in_dim3A_2146 = vector.broadcast %broadcast_in_dim3A_2145 : f32 to vector<16xf32>
      %get3A_2147 = arith.constant 5 : i32
      %get3A_2148 = arith.index_cast %get3A_2147 : i32 to index
      %get3A_2149 = arith.constant 0 : index
      %get3A_2150 = tpu.vector_load %arg8[%get3A_2148, %get3A_2149] {strides = array<i32>} : memref<16x200xi32, #tpu.memory_space<vmem>>, vector<16xi32>,
      %gather3A_2151 = tpu.vector_load_idx %arg6[%get3A_2150] : memref<100000xf32, #tpu.memory_space<vmem>>[vector<16xi32>], vector<16xf32>,
      %add3A_2152 = arith.addf %broadcast_in_dim3A_2140, %gather3A_2151 : vector<16xf32>
      %get3A_2153 = arith.constant 5 : i32
      %get3A_2154 = arith.index_cast %get3A_2153 : i32 to index
      %get3A_2155 = arith.constant 16 : index
      %get3A_2156 = tpu.vector_load %arg8[%get3A_2154, %get3A_2155] {strides = array<i32>} : memref<16x200xi32, #tpu.memory_space<vmem>>, vector<16xi32>,
      %gather3A_2157 = tpu.vector_load_idx %arg6[%get3A_2156] : memref<100000xf32, #tpu.memory_space<vmem>>[vector<16xi32>], vector<16xf32>,
      %add3A_2158 = arith.addf %broadcast_in_dim3A_2142, %gather3A_2157 : vector<16xf32>
      %get3A_2159 = arith.constant 5 : i32
      %get3A_2160 = arith.index_cast %get3A_2159 : i32 to index
      %get3A_2161 = arith.constant 32 : index
      %get3A_2162 = tpu.vector_load %arg8[%get3A_2160, %get3A_2161] {strides = array<i32>} : memref<16x200xi32, #tpu.memory_space<vmem>>, vector<16xi32>,
      %gather3A_2163 = tpu.vector_load_idx %arg6[%get3A_2162] : memref<100000xf32, #tpu.memory_space<vmem>>[vector<16xi32>], vector<16xf32>,
      %add3A_2164 = arith.addf %broadcast_in_dim3A_2144, %gather3A_2163 : vector<16xf32>
      %get3A_2165 = arith.constant 5 : i32
      %get3A_2166 = arith.index_cast %get3A_2165 : i32 to index
      %get3A_2167 = arith.constant 48 : index
      %get3A_2168 = tpu.vector_load %arg8[%get3A_2166, %get3A_2167] {strides = array<i32>} : memref<16x200xi32, #tpu.memory_space<vmem>>, vector<16xi32>,
      %gather3A_2169 = tpu.vector_load_idx %arg6[%get3A_2168] : memref<100000xf32, #tpu.memory_space<vmem>>[vector<16xi32>], vector<16xf32>,
      %add3A_2170 = arith.addf %broadcast_in_dim3A_2146, %gather3A_2169 : vector<16xf32>
      %get3A_2171 = arith.constant 5 : i32
      %get3A_2172 = arith.index_cast %get3A_2171 : i32 to index
      %get3A_2173 = arith.constant 64 : index
      %get3A_2174 = tpu.vector_load %arg8[%get3A_2172, %get3A_2173] {strides = array<i32>} : memref<16x200xi32, #tpu.memory_space<vmem>>, vector<16xi32>,
      %gather3A_2175 = tpu.vector_load_idx %arg6[%get3A_2174] : memref<100000xf32, #tpu.memory_space<vmem>>[vector<16xi32>], vector<16xf32>,
      %add3A_2176 = arith.addf %add3A_2152, %gather3A_2175 : vector<16xf32>
      %get3A_2177 = arith.constant 5 : i32
      %get3A_2178 = arith.index_cast %get3A_2177 : i32 to index
      %get3A_2179 = arith.constant 80 : index
      %get3A_2180 = tpu.vector_load %arg8[%get3A_2178, %get3A_2179] {strides = array<i32>} : memref<16x200xi32, #tpu.memory_space<vmem>>, vector<16xi32>,
      %gather3A_2181 = tpu.vector_load_idx %arg6[%get3A_2180] : memref<100000xf32, #tpu.memory_space<vmem>>[vector<16xi32>], vector<16xf32>,
      %add3A_2182 = arith.addf %add3A_2158, %gather3A_2181 : vector<16xf32>
      %get3A_2183 = arith.constant 5 : i32
      %get3A_2184 = arith.index_cast %get3A_2183 : i32 to index
      %get3A_2185 = arith.constant 96 : index
      %get3A_2186 = tpu.vector_load %arg8[%get3A_2184, %get3A_2185] {strides = array<i32>} : memref<16x200xi32, #tpu.memory_space<vmem>>, vector<16xi32>,
      %gather3A_2187 = tpu.vector_load_idx %arg6[%get3A_2186] : memref<100000xf32, #tpu.memory_space<vmem>>[vector<16xi32>], vector<16xf32>,
      %add3A_2188 = arith.addf %add3A_2164, %gather3A_2187 : vector<16xf32>
      %get3A_2189 = arith.constant 5 : i32
      %get3A_2190 = arith.index_cast %get3A_2189 : i32 to index
      %get3A_2191 = arith.constant 112 : index
      %get3A_2192 = tpu.vector_load %arg8[%get3A_2190, %get3A_2191] {strides = array<i32>} : memref<16x200xi32, #tpu.memory_space<vmem>>, vector<16xi32>,
      %gather3A_2193 = tpu.vector_load_idx %arg6[%get3A_2192] : memref<100000xf32, #tpu.memory_space<vmem>>[vector<16xi32>], vector<16xf32>,
      %add3A_2194 = arith.addf %add3A_2170, %gather3A_2193 : vector<16xf32>
      %get3A_2195 = arith.constant 5 : i32
      %get3A_2196 = arith.index_cast %get3A_2195 : i32 to index
      %get3A_2197 = arith.constant 128 : index
      %get3A_2198 = tpu.vector_load %arg8[%get3A_2196, %get3A_2197] {strides = array<i32>} : memref<16x200xi32, #tpu.memory_space<vmem>>, vector<16xi32>,
      %gather3A_2199 = tpu.vector_load_idx %arg6[%get3A_2198] : memref<100000xf32, #tpu.memory_space<vmem>>[vector<16xi32>], vector<16xf32>,
      %add3A_2200 = arith.addf %add3A_2176, %gather3A_2199 : vector<16xf32>
      %get3A_2201 = arith.constant 5 : i32
      %get3A_2202 = arith.index_cast %get3A_2201 : i32 to index
      %get3A_2203 = arith.constant 144 : index
      %get3A_2204 = tpu.vector_load %arg8[%get3A_2202, %get3A_2203] {strides = array<i32>} : memref<16x200xi32, #tpu.memory_space<vmem>>, vector<16xi32>,
      %gather3A_2205 = tpu.vector_load_idx %arg6[%get3A_2204] : memref<100000xf32, #tpu.memory_space<vmem>>[vector<16xi32>], vector<16xf32>,
      %add3A_2206 = arith.addf %add3A_2182, %gather3A_2205 : vector<16xf32>
      %get3A_2207 = arith.constant 5 : i32
      %get3A_2208 = arith.index_cast %get3A_2207 : i32 to index
      %get3A_2209 = arith.constant 160 : index
      %get3A_2210 = tpu.vector_load %arg8[%get3A_2208, %get3A_2209] {strides = array<i32>} : memref<16x200xi32, #tpu.memory_space<vmem>>, vector<16xi32>,
      %gather3A_2211 = tpu.vector_load_idx %arg6[%get3A_2210] : memref<100000xf32, #tpu.memory_space<vmem>>[vector<16xi32>], vector<16xf32>,
      %add3A_2212 = arith.addf %add3A_2188, %gather3A_2211 : vector<16xf32>
      %get3A_2213 = arith.constant 5 : i32
      %get3A_2214 = arith.index_cast %get3A_2213 : i32 to index
      %get3A_2215 = arith.constant 176 : index
      %get3A_2216 = tpu.vector_load %arg8[%get3A_2214, %get3A_2215] {strides = array<i32>} : memref<16x200xi32, #tpu.memory_space<vmem>>, vector<16xi32>,
      %gather3A_2217 = tpu.vector_load_idx %arg6[%get3A_2216] : memref<100000xf32, #tpu.memory_space<vmem>>[vector<16xi32>], vector<16xf32>,
      %add3A_2218 = arith.addf %add3A_2194, %gather3A_2217 : vector<16xf32>
      %get3A_2219 = arith.constant 5 : i32
      %get3A_2220 = arith.index_cast %get3A_2219 : i32 to index
      %get3A_2221 = arith.constant 184 : index
      %get3A_2222 = tpu.vector_load %arg8[%get3A_2220, %get3A_2221] {strides = array<i32>} : memref<16x200xi32, #tpu.memory_space<vmem>>, vector<16xi32>,
      %gather3A_2223 = tpu.vector_load_idx %arg6[%get3A_2222] : memref<100000xf32, #tpu.memory_space<vmem>>[vector<16xi32>], vector<16xf32>,
      %mul3A_2224 = arith.mulf %gather3A_2223, %select_n3A : vector<16xf32>
      %add3A_2225 = arith.addf %add3A_2200, %add3A_2206 : vector<16xf32>
      %add3A_2226 = arith.addf %add3A_2212, %add3A_2218 : vector<16xf32>
      %add3A_2227 = arith.addf %add3A_2225, %add3A_2226 : vector<16xf32>
      %add3A_2228 = arith.addf %add3A_2227, %mul3A_2224 : vector<16xf32>
      %reduce_sum3A_2229 = arith.constant true
      %reduce_sum3A_2230 = vector.broadcast %reduce_sum3A_2229 : i1 to vector<16xi1>
      %reduce_sum3A_2231 = tpu.scan <sum>, %add3A_2228 masked %reduce_sum3A_2230 : vector<16xf32>, vector<16xi1> -> vector<16xf32>
      %reduce_sum3A_2232 = vector.extract %reduce_sum3A_2231[15] : f32 from vector<16xf32>
      %broadcast_in_dim3A_2233 = vector.broadcast %reduce_sum3A_2232 : f32 to vector<16xf32>
      %eq3A_2234 = arith.constant 5 : i32
      %eq3A_2235 = vector.broadcast %eq3A_2234 : i32 to vector<16xi32>
      %eq3A_2236 = arith.cmpi eq, %iota3A, %eq3A_2235 : vector<16xi32>
      %select_n3A_2237 = arith.select %eq3A_2236, %broadcast_in_dim3A_2233, %select_n3A_2138 : vector<16xi1>, vector<16xf32>
      %broadcast_in_dim3A_2238 = arith.constant 0.000000e+00 : f32
      %broadcast_in_dim3A_2239 = vector.broadcast %broadcast_in_dim3A_2238 : f32 to vector<16xf32>
      %broadcast_in_dim3A_2240 = arith.constant 0.000000e+00 : f32
      %broadcast_in_dim3A_2241 = vector.broadcast %broadcast_in_dim3A_2240 : f32 to vector<16xf32>
      %broadcast_in_dim3A_2242 = arith.constant 0.000000e+00 : f32
      %broadcast_in_dim3A_2243 = vector.broadcast %broadcast_in_dim3A_2242 : f32 to vector<16xf32>
      %broadcast_in_dim3A_2244 = arith.constant 0.000000e+00 : f32
      %broadcast_in_dim3A_2245 = vector.broadcast %broadcast_in_dim3A_2244 : f32 to vector<16xf32>
      %get3A_2246 = arith.constant 6 : i32
      %get3A_2247 = arith.index_cast %get3A_2246 : i32 to index
      %get3A_2248 = arith.constant 0 : index
      %get3A_2249 = tpu.vector_load %arg8[%get3A_2247, %get3A_2248] {strides = array<i32>} : memref<16x200xi32, #tpu.memory_space<vmem>>, vector<16xi32>,
      %gather3A_2250 = tpu.vector_load_idx %arg6[%get3A_2249] : memref<100000xf32, #tpu.memory_space<vmem>>[vector<16xi32>], vector<16xf32>,
      %add3A_2251 = arith.addf %broadcast_in_dim3A_2239, %gather3A_2250 : vector<16xf32>
      %get3A_2252 = arith.constant 6 : i32
      %get3A_2253 = arith.index_cast %get3A_2252 : i32 to index
      %get3A_2254 = arith.constant 16 : index
      %get3A_2255 = tpu.vector_load %arg8[%get3A_2253, %get3A_2254] {strides = array<i32>} : memref<16x200xi32, #tpu.memory_space<vmem>>, vector<16xi32>,
      %gather3A_2256 = tpu.vector_load_idx %arg6[%get3A_2255] : memref<100000xf32, #tpu.memory_space<vmem>>[vector<16xi32>], vector<16xf32>,
      %add3A_2257 = arith.addf %broadcast_in_dim3A_2241, %gather3A_2256 : vector<16xf32>
      %get3A_2258 = arith.constant 6 : i32
      %get3A_2259 = arith.index_cast %get3A_2258 : i32 to index
      %get3A_2260 = arith.constant 32 : index
      %get3A_2261 = tpu.vector_load %arg8[%get3A_2259, %get3A_2260] {strides = array<i32>} : memref<16x200xi32, #tpu.memory_space<vmem>>, vector<16xi32>,
      %gather3A_2262 = tpu.vector_load_idx %arg6[%get3A_2261] : memref<100000xf32, #tpu.memory_space<vmem>>[vector<16xi32>], vector<16xf32>,
      %add3A_2263 = arith.addf %broadcast_in_dim3A_2243, %gather3A_2262 : vector<16xf32>
      %get3A_2264 = arith.constant 6 : i32
      %get3A_2265 = arith.index_cast %get3A_2264 : i32 to index
      %get3A_2266 = arith.constant 48 : index
      %get3A_2267 = tpu.vector_load %arg8[%get3A_2265, %get3A_2266] {strides = array<i32>} : memref<16x200xi32, #tpu.memory_space<vmem>>, vector<16xi32>,
      %gather3A_2268 = tpu.vector_load_idx %arg6[%get3A_2267] : memref<100000xf32, #tpu.memory_space<vmem>>[vector<16xi32>], vector<16xf32>,
      %add3A_2269 = arith.addf %broadcast_in_dim3A_2245, %gather3A_2268 : vector<16xf32>
      %get3A_2270 = arith.constant 6 : i32
      %get3A_2271 = arith.index_cast %get3A_2270 : i32 to index
      %get3A_2272 = arith.constant 64 : index
      %get3A_2273 = tpu.vector_load %arg8[%get3A_2271, %get3A_2272] {strides = array<i32>} : memref<16x200xi32, #tpu.memory_space<vmem>>, vector<16xi32>,
      %gather3A_2274 = tpu.vector_load_idx %arg6[%get3A_2273] : memref<100000xf32, #tpu.memory_space<vmem>>[vector<16xi32>], vector<16xf32>,
      %add3A_2275 = arith.addf %add3A_2251, %gather3A_2274 : vector<16xf32>
      %get3A_2276 = arith.constant 6 : i32
      %get3A_2277 = arith.index_cast %get3A_2276 : i32 to index
      %get3A_2278 = arith.constant 80 : index
      %get3A_2279 = tpu.vector_load %arg8[%get3A_2277, %get3A_2278] {strides = array<i32>} : memref<16x200xi32, #tpu.memory_space<vmem>>, vector<16xi32>,
      %gather3A_2280 = tpu.vector_load_idx %arg6[%get3A_2279] : memref<100000xf32, #tpu.memory_space<vmem>>[vector<16xi32>], vector<16xf32>,
      %add3A_2281 = arith.addf %add3A_2257, %gather3A_2280 : vector<16xf32>
      %get3A_2282 = arith.constant 6 : i32
      %get3A_2283 = arith.index_cast %get3A_2282 : i32 to index
      %get3A_2284 = arith.constant 96 : index
      %get3A_2285 = tpu.vector_load %arg8[%get3A_2283, %get3A_2284] {strides = array<i32>} : memref<16x200xi32, #tpu.memory_space<vmem>>, vector<16xi32>,
      %gather3A_2286 = tpu.vector_load_idx %arg6[%get3A_2285] : memref<100000xf32, #tpu.memory_space<vmem>>[vector<16xi32>], vector<16xf32>,
      %add3A_2287 = arith.addf %add3A_2263, %gather3A_2286 : vector<16xf32>
      %get3A_2288 = arith.constant 6 : i32
      %get3A_2289 = arith.index_cast %get3A_2288 : i32 to index
      %get3A_2290 = arith.constant 112 : index
      %get3A_2291 = tpu.vector_load %arg8[%get3A_2289, %get3A_2290] {strides = array<i32>} : memref<16x200xi32, #tpu.memory_space<vmem>>, vector<16xi32>,
      %gather3A_2292 = tpu.vector_load_idx %arg6[%get3A_2291] : memref<100000xf32, #tpu.memory_space<vmem>>[vector<16xi32>], vector<16xf32>,
      %add3A_2293 = arith.addf %add3A_2269, %gather3A_2292 : vector<16xf32>
      %get3A_2294 = arith.constant 6 : i32
      %get3A_2295 = arith.index_cast %get3A_2294 : i32 to index
      %get3A_2296 = arith.constant 128 : index
      %get3A_2297 = tpu.vector_load %arg8[%get3A_2295, %get3A_2296] {strides = array<i32>} : memref<16x200xi32, #tpu.memory_space<vmem>>, vector<16xi32>,
      %gather3A_2298 = tpu.vector_load_idx %arg6[%get3A_2297] : memref<100000xf32, #tpu.memory_space<vmem>>[vector<16xi32>], vector<16xf32>,
      %add3A_2299 = arith.addf %add3A_2275, %gather3A_2298 : vector<16xf32>
      %get3A_2300 = arith.constant 6 : i32
      %get3A_2301 = arith.index_cast %get3A_2300 : i32 to index
      %get3A_2302 = arith.constant 144 : index
      %get3A_2303 = tpu.vector_load %arg8[%get3A_2301, %get3A_2302] {strides = array<i32>} : memref<16x200xi32, #tpu.memory_space<vmem>>, vector<16xi32>,
      %gather3A_2304 = tpu.vector_load_idx %arg6[%get3A_2303] : memref<100000xf32, #tpu.memory_space<vmem>>[vector<16xi32>], vector<16xf32>,
      %add3A_2305 = arith.addf %add3A_2281, %gather3A_2304 : vector<16xf32>
      %get3A_2306 = arith.constant 6 : i32
      %get3A_2307 = arith.index_cast %get3A_2306 : i32 to index
      %get3A_2308 = arith.constant 160 : index
      %get3A_2309 = tpu.vector_load %arg8[%get3A_2307, %get3A_2308] {strides = array<i32>} : memref<16x200xi32, #tpu.memory_space<vmem>>, vector<16xi32>,
      %gather3A_2310 = tpu.vector_load_idx %arg6[%get3A_2309] : memref<100000xf32, #tpu.memory_space<vmem>>[vector<16xi32>], vector<16xf32>,
      %add3A_2311 = arith.addf %add3A_2287, %gather3A_2310 : vector<16xf32>
      %get3A_2312 = arith.constant 6 : i32
      %get3A_2313 = arith.index_cast %get3A_2312 : i32 to index
      %get3A_2314 = arith.constant 176 : index
      %get3A_2315 = tpu.vector_load %arg8[%get3A_2313, %get3A_2314] {strides = array<i32>} : memref<16x200xi32, #tpu.memory_space<vmem>>, vector<16xi32>,
      %gather3A_2316 = tpu.vector_load_idx %arg6[%get3A_2315] : memref<100000xf32, #tpu.memory_space<vmem>>[vector<16xi32>], vector<16xf32>,
      %add3A_2317 = arith.addf %add3A_2293, %gather3A_2316 : vector<16xf32>
      %get3A_2318 = arith.constant 6 : i32
      %get3A_2319 = arith.index_cast %get3A_2318 : i32 to index
      %get3A_2320 = arith.constant 184 : index
      %get3A_2321 = tpu.vector_load %arg8[%get3A_2319, %get3A_2320] {strides = array<i32>} : memref<16x200xi32, #tpu.memory_space<vmem>>, vector<16xi32>,
      %gather3A_2322 = tpu.vector_load_idx %arg6[%get3A_2321] : memref<100000xf32, #tpu.memory_space<vmem>>[vector<16xi32>], vector<16xf32>,
      %mul3A_2323 = arith.mulf %gather3A_2322, %select_n3A : vector<16xf32>
      %add3A_2324 = arith.addf %add3A_2299, %add3A_2305 : vector<16xf32>
      %add3A_2325 = arith.addf %add3A_2311, %add3A_2317 : vector<16xf32>
      %add3A_2326 = arith.addf %add3A_2324, %add3A_2325 : vector<16xf32>
      %add3A_2327 = arith.addf %add3A_2326, %mul3A_2323 : vector<16xf32>
      %reduce_sum3A_2328 = arith.constant true
      %reduce_sum3A_2329 = vector.broadcast %reduce_sum3A_2328 : i1 to vector<16xi1>
      %reduce_sum3A_2330 = tpu.scan <sum>, %add3A_2327 masked %reduce_sum3A_2329 : vector<16xf32>, vector<16xi1> -> vector<16xf32>
      %reduce_sum3A_2331 = vector.extract %reduce_sum3A_2330[15] : f32 from vector<16xf32>
      %broadcast_in_dim3A_2332 = vector.broadcast %reduce_sum3A_2331 : f32 to vector<16xf32>
      %eq3A_2333 = arith.constant 6 : i32
      %eq3A_2334 = vector.broadcast %eq3A_2333 : i32 to vector<16xi32>
      %eq3A_2335 = arith.cmpi eq, %iota3A, %eq3A_2334 : vector<16xi32>
      %select_n3A_2336 = arith.select %eq3A_2335, %broadcast_in_dim3A_2332, %select_n3A_2237 : vector<16xi1>, vector<16xf32>
      %broadcast_in_dim3A_2337 = arith.constant 0.000000e+00 : f32
      %broadcast_in_dim3A_2338 = vector.broadcast %broadcast_in_dim3A_2337 : f32 to vector<16xf32>
      %broadcast_in_dim3A_2339 = arith.constant 0.000000e+00 : f32
      %broadcast_in_dim3A_2340 = vector.broadcast %broadcast_in_dim3A_2339 : f32 to vector<16xf32>
      %broadcast_in_dim3A_2341 = arith.constant 0.000000e+00 : f32
      %broadcast_in_dim3A_2342 = vector.broadcast %broadcast_in_dim3A_2341 : f32 to vector<16xf32>
      %broadcast_in_dim3A_2343 = arith.constant 0.000000e+00 : f32
      %broadcast_in_dim3A_2344 = vector.broadcast %broadcast_in_dim3A_2343 : f32 to vector<16xf32>
      %get3A_2345 = arith.constant 7 : i32
      %get3A_2346 = arith.index_cast %get3A_2345 : i32 to index
      %get3A_2347 = arith.constant 0 : index
      %get3A_2348 = tpu.vector_load %arg8[%get3A_2346, %get3A_2347] {strides = array<i32>} : memref<16x200xi32, #tpu.memory_space<vmem>>, vector<16xi32>,
      %gather3A_2349 = tpu.vector_load_idx %arg6[%get3A_2348] : memref<100000xf32, #tpu.memory_space<vmem>>[vector<16xi32>], vector<16xf32>,
      %add3A_2350 = arith.addf %broadcast_in_dim3A_2338, %gather3A_2349 : vector<16xf32>
      %get3A_2351 = arith.constant 7 : i32
      %get3A_2352 = arith.index_cast %get3A_2351 : i32 to index
      %get3A_2353 = arith.constant 16 : index
      %get3A_2354 = tpu.vector_load %arg8[%get3A_2352, %get3A_2353] {strides = array<i32>} : memref<16x200xi32, #tpu.memory_space<vmem>>, vector<16xi32>,
      %gather3A_2355 = tpu.vector_load_idx %arg6[%get3A_2354] : memref<100000xf32, #tpu.memory_space<vmem>>[vector<16xi32>], vector<16xf32>,
      %add3A_2356 = arith.addf %broadcast_in_dim3A_2340, %gather3A_2355 : vector<16xf32>
      %get3A_2357 = arith.constant 7 : i32
      %get3A_2358 = arith.index_cast %get3A_2357 : i32 to index
      %get3A_2359 = arith.constant 32 : index
      %get3A_2360 = tpu.vector_load %arg8[%get3A_2358, %get3A_2359] {strides = array<i32>} : memref<16x200xi32, #tpu.memory_space<vmem>>, vector<16xi32>,
      %gather3A_2361 = tpu.vector_load_idx %arg6[%get3A_2360] : memref<100000xf32, #tpu.memory_space<vmem>>[vector<16xi32>], vector<16xf32>,
      %add3A_2362 = arith.addf %broadcast_in_dim3A_2342, %gather3A_2361 : vector<16xf32>
      %get3A_2363 = arith.constant 7 : i32
      %get3A_2364 = arith.index_cast %get3A_2363 : i32 to index
      %get3A_2365 = arith.constant 48 : index
      %get3A_2366 = tpu.vector_load %arg8[%get3A_2364, %get3A_2365] {strides = array<i32>} : memref<16x200xi32, #tpu.memory_space<vmem>>, vector<16xi32>,
      %gather3A_2367 = tpu.vector_load_idx %arg6[%get3A_2366] : memref<100000xf32, #tpu.memory_space<vmem>>[vector<16xi32>], vector<16xf32>,
      %add3A_2368 = arith.addf %broadcast_in_dim3A_2344, %gather3A_2367 : vector<16xf32>
      %get3A_2369 = arith.constant 7 : i32
      %get3A_2370 = arith.index_cast %get3A_2369 : i32 to index
      %get3A_2371 = arith.constant 64 : index
      %get3A_2372 = tpu.vector_load %arg8[%get3A_2370, %get3A_2371] {strides = array<i32>} : memref<16x200xi32, #tpu.memory_space<vmem>>, vector<16xi32>,
      %gather3A_2373 = tpu.vector_load_idx %arg6[%get3A_2372] : memref<100000xf32, #tpu.memory_space<vmem>>[vector<16xi32>], vector<16xf32>,
      %add3A_2374 = arith.addf %add3A_2350, %gather3A_2373 : vector<16xf32>
      %get3A_2375 = arith.constant 7 : i32
      %get3A_2376 = arith.index_cast %get3A_2375 : i32 to index
      %get3A_2377 = arith.constant 80 : index
      %get3A_2378 = tpu.vector_load %arg8[%get3A_2376, %get3A_2377] {strides = array<i32>} : memref<16x200xi32, #tpu.memory_space<vmem>>, vector<16xi32>,
      %gather3A_2379 = tpu.vector_load_idx %arg6[%get3A_2378] : memref<100000xf32, #tpu.memory_space<vmem>>[vector<16xi32>], vector<16xf32>,
      %add3A_2380 = arith.addf %add3A_2356, %gather3A_2379 : vector<16xf32>
      %get3A_2381 = arith.constant 7 : i32
      %get3A_2382 = arith.index_cast %get3A_2381 : i32 to index
      %get3A_2383 = arith.constant 96 : index
      %get3A_2384 = tpu.vector_load %arg8[%get3A_2382, %get3A_2383] {strides = array<i32>} : memref<16x200xi32, #tpu.memory_space<vmem>>, vector<16xi32>,
      %gather3A_2385 = tpu.vector_load_idx %arg6[%get3A_2384] : memref<100000xf32, #tpu.memory_space<vmem>>[vector<16xi32>], vector<16xf32>,
      %add3A_2386 = arith.addf %add3A_2362, %gather3A_2385 : vector<16xf32>
      %get3A_2387 = arith.constant 7 : i32
      %get3A_2388 = arith.index_cast %get3A_2387 : i32 to index
      %get3A_2389 = arith.constant 112 : index
      %get3A_2390 = tpu.vector_load %arg8[%get3A_2388, %get3A_2389] {strides = array<i32>} : memref<16x200xi32, #tpu.memory_space<vmem>>, vector<16xi32>,
      %gather3A_2391 = tpu.vector_load_idx %arg6[%get3A_2390] : memref<100000xf32, #tpu.memory_space<vmem>>[vector<16xi32>], vector<16xf32>,
      %add3A_2392 = arith.addf %add3A_2368, %gather3A_2391 : vector<16xf32>
      %get3A_2393 = arith.constant 7 : i32
      %get3A_2394 = arith.index_cast %get3A_2393 : i32 to index
      %get3A_2395 = arith.constant 128 : index
      %get3A_2396 = tpu.vector_load %arg8[%get3A_2394, %get3A_2395] {strides = array<i32>} : memref<16x200xi32, #tpu.memory_space<vmem>>, vector<16xi32>,
      %gather3A_2397 = tpu.vector_load_idx %arg6[%get3A_2396] : memref<100000xf32, #tpu.memory_space<vmem>>[vector<16xi32>], vector<16xf32>,
      %add3A_2398 = arith.addf %add3A_2374, %gather3A_2397 : vector<16xf32>
      %get3A_2399 = arith.constant 7 : i32
      %get3A_2400 = arith.index_cast %get3A_2399 : i32 to index
      %get3A_2401 = arith.constant 144 : index
      %get3A_2402 = tpu.vector_load %arg8[%get3A_2400, %get3A_2401] {strides = array<i32>} : memref<16x200xi32, #tpu.memory_space<vmem>>, vector<16xi32>,
      %gather3A_2403 = tpu.vector_load_idx %arg6[%get3A_2402] : memref<100000xf32, #tpu.memory_space<vmem>>[vector<16xi32>], vector<16xf32>,
      %add3A_2404 = arith.addf %add3A_2380, %gather3A_2403 : vector<16xf32>
      %get3A_2405 = arith.constant 7 : i32
      %get3A_2406 = arith.index_cast %get3A_2405 : i32 to index
      %get3A_2407 = arith.constant 160 : index
      %get3A_2408 = tpu.vector_load %arg8[%get3A_2406, %get3A_2407] {strides = array<i32>} : memref<16x200xi32, #tpu.memory_space<vmem>>, vector<16xi32>,
      %gather3A_2409 = tpu.vector_load_idx %arg6[%get3A_2408] : memref<100000xf32, #tpu.memory_space<vmem>>[vector<16xi32>], vector<16xf32>,
      %add3A_2410 = arith.addf %add3A_2386, %gather3A_2409 : vector<16xf32>
      %get3A_2411 = arith.constant 7 : i32
      %get3A_2412 = arith.index_cast %get3A_2411 : i32 to index
      %get3A_2413 = arith.constant 176 : index
      %get3A_2414 = tpu.vector_load %arg8[%get3A_2412, %get3A_2413] {strides = array<i32>} : memref<16x200xi32, #tpu.memory_space<vmem>>, vector<16xi32>,
      %gather3A_2415 = tpu.vector_load_idx %arg6[%get3A_2414] : memref<100000xf32, #tpu.memory_space<vmem>>[vector<16xi32>], vector<16xf32>,
      %add3A_2416 = arith.addf %add3A_2392, %gather3A_2415 : vector<16xf32>
      %get3A_2417 = arith.constant 7 : i32
      %get3A_2418 = arith.index_cast %get3A_2417 : i32 to index
      %get3A_2419 = arith.constant 184 : index
      %get3A_2420 = tpu.vector_load %arg8[%get3A_2418, %get3A_2419] {strides = array<i32>} : memref<16x200xi32, #tpu.memory_space<vmem>>, vector<16xi32>,
      %gather3A_2421 = tpu.vector_load_idx %arg6[%get3A_2420] : memref<100000xf32, #tpu.memory_space<vmem>>[vector<16xi32>], vector<16xf32>,
      %mul3A_2422 = arith.mulf %gather3A_2421, %select_n3A : vector<16xf32>
      %add3A_2423 = arith.addf %add3A_2398, %add3A_2404 : vector<16xf32>
      %add3A_2424 = arith.addf %add3A_2410, %add3A_2416 : vector<16xf32>
      %add3A_2425 = arith.addf %add3A_2423, %add3A_2424 : vector<16xf32>
      %add3A_2426 = arith.addf %add3A_2425, %mul3A_2422 : vector<16xf32>
      %reduce_sum3A_2427 = arith.constant true
      %reduce_sum3A_2428 = vector.broadcast %reduce_sum3A_2427 : i1 to vector<16xi1>
      %reduce_sum3A_2429 = tpu.scan <sum>, %add3A_2426 masked %reduce_sum3A_2428 : vector<16xf32>, vector<16xi1> -> vector<16xf32>
      %reduce_sum3A_2430 = vector.extract %reduce_sum3A_2429[15] : f32 from vector<16xf32>
      %broadcast_in_dim3A_2431 = vector.broadcast %reduce_sum3A_2430 : f32 to vector<16xf32>
      %eq3A_2432 = arith.constant 7 : i32
      %eq3A_2433 = vector.broadcast %eq3A_2432 : i32 to vector<16xi32>
      %eq3A_2434 = arith.cmpi eq, %iota3A, %eq3A_2433 : vector<16xi32>
      %select_n3A_2435 = arith.select %eq3A_2434, %broadcast_in_dim3A_2431, %select_n3A_2336 : vector<16xi1>, vector<16xf32>
      %broadcast_in_dim3A_2436 = arith.constant 0.000000e+00 : f32
      %broadcast_in_dim3A_2437 = vector.broadcast %broadcast_in_dim3A_2436 : f32 to vector<16xf32>
      %broadcast_in_dim3A_2438 = arith.constant 0.000000e+00 : f32
      %broadcast_in_dim3A_2439 = vector.broadcast %broadcast_in_dim3A_2438 : f32 to vector<16xf32>
      %broadcast_in_dim3A_2440 = arith.constant 0.000000e+00 : f32
      %broadcast_in_dim3A_2441 = vector.broadcast %broadcast_in_dim3A_2440 : f32 to vector<16xf32>
      %broadcast_in_dim3A_2442 = arith.constant 0.000000e+00 : f32
      %broadcast_in_dim3A_2443 = vector.broadcast %broadcast_in_dim3A_2442 : f32 to vector<16xf32>
      %get3A_2444 = arith.constant 8 : i32
      %get3A_2445 = arith.index_cast %get3A_2444 : i32 to index
      %get3A_2446 = arith.constant 0 : index
      %get3A_2447 = tpu.vector_load %arg8[%get3A_2445, %get3A_2446] {strides = array<i32>} : memref<16x200xi32, #tpu.memory_space<vmem>>, vector<16xi32>,
      %gather3A_2448 = tpu.vector_load_idx %arg6[%get3A_2447] : memref<100000xf32, #tpu.memory_space<vmem>>[vector<16xi32>], vector<16xf32>,
      %add3A_2449 = arith.addf %broadcast_in_dim3A_2437, %gather3A_2448 : vector<16xf32>
      %get3A_2450 = arith.constant 8 : i32
      %get3A_2451 = arith.index_cast %get3A_2450 : i32 to index
      %get3A_2452 = arith.constant 16 : index
      %get3A_2453 = tpu.vector_load %arg8[%get3A_2451, %get3A_2452] {strides = array<i32>} : memref<16x200xi32, #tpu.memory_space<vmem>>, vector<16xi32>,
      %gather3A_2454 = tpu.vector_load_idx %arg6[%get3A_2453] : memref<100000xf32, #tpu.memory_space<vmem>>[vector<16xi32>], vector<16xf32>,
      %add3A_2455 = arith.addf %broadcast_in_dim3A_2439, %gather3A_2454 : vector<16xf32>
      %get3A_2456 = arith.constant 8 : i32
      %get3A_2457 = arith.index_cast %get3A_2456 : i32 to index
      %get3A_2458 = arith.constant 32 : index
      %get3A_2459 = tpu.vector_load %arg8[%get3A_2457, %get3A_2458] {strides = array<i32>} : memref<16x200xi32, #tpu.memory_space<vmem>>, vector<16xi32>,
      %gather3A_2460 = tpu.vector_load_idx %arg6[%get3A_2459] : memref<100000xf32, #tpu.memory_space<vmem>>[vector<16xi32>], vector<16xf32>,
      %add3A_2461 = arith.addf %broadcast_in_dim3A_2441, %gather3A_2460 : vector<16xf32>
      %get3A_2462 = arith.constant 8 : i32
      %get3A_2463 = arith.index_cast %get3A_2462 : i32 to index
      %get3A_2464 = arith.constant 48 : index
      %get3A_2465 = tpu.vector_load %arg8[%get3A_2463, %get3A_2464] {strides = array<i32>} : memref<16x200xi32, #tpu.memory_space<vmem>>, vector<16xi32>,
      %gather3A_2466 = tpu.vector_load_idx %arg6[%get3A_2465] : memref<100000xf32, #tpu.memory_space<vmem>>[vector<16xi32>], vector<16xf32>,
      %add3A_2467 = arith.addf %broadcast_in_dim3A_2443, %gather3A_2466 : vector<16xf32>
      %get3A_2468 = arith.constant 8 : i32
      %get3A_2469 = arith.index_cast %get3A_2468 : i32 to index
      %get3A_2470 = arith.constant 64 : index
      %get3A_2471 = tpu.vector_load %arg8[%get3A_2469, %get3A_2470] {strides = array<i32>} : memref<16x200xi32, #tpu.memory_space<vmem>>, vector<16xi32>,
      %gather3A_2472 = tpu.vector_load_idx %arg6[%get3A_2471] : memref<100000xf32, #tpu.memory_space<vmem>>[vector<16xi32>], vector<16xf32>,
      %add3A_2473 = arith.addf %add3A_2449, %gather3A_2472 : vector<16xf32>
      %get3A_2474 = arith.constant 8 : i32
      %get3A_2475 = arith.index_cast %get3A_2474 : i32 to index
      %get3A_2476 = arith.constant 80 : index
      %get3A_2477 = tpu.vector_load %arg8[%get3A_2475, %get3A_2476] {strides = array<i32>} : memref<16x200xi32, #tpu.memory_space<vmem>>, vector<16xi32>,
      %gather3A_2478 = tpu.vector_load_idx %arg6[%get3A_2477] : memref<100000xf32, #tpu.memory_space<vmem>>[vector<16xi32>], vector<16xf32>,
      %add3A_2479 = arith.addf %add3A_2455, %gather3A_2478 : vector<16xf32>
      %get3A_2480 = arith.constant 8 : i32
      %get3A_2481 = arith.index_cast %get3A_2480 : i32 to index
      %get3A_2482 = arith.constant 96 : index
      %get3A_2483 = tpu.vector_load %arg8[%get3A_2481, %get3A_2482] {strides = array<i32>} : memref<16x200xi32, #tpu.memory_space<vmem>>, vector<16xi32>,
      %gather3A_2484 = tpu.vector_load_idx %arg6[%get3A_2483] : memref<100000xf32, #tpu.memory_space<vmem>>[vector<16xi32>], vector<16xf32>,
      %add3A_2485 = arith.addf %add3A_2461, %gather3A_2484 : vector<16xf32>
      %get3A_2486 = arith.constant 8 : i32
      %get3A_2487 = arith.index_cast %get3A_2486 : i32 to index
      %get3A_2488 = arith.constant 112 : index
      %get3A_2489 = tpu.vector_load %arg8[%get3A_2487, %get3A_2488] {strides = array<i32>} : memref<16x200xi32, #tpu.memory_space<vmem>>, vector<16xi32>,
      %gather3A_2490 = tpu.vector_load_idx %arg6[%get3A_2489] : memref<100000xf32, #tpu.memory_space<vmem>>[vector<16xi32>], vector<16xf32>,
      %add3A_2491 = arith.addf %add3A_2467, %gather3A_2490 : vector<16xf32>
      %get3A_2492 = arith.constant 8 : i32
      %get3A_2493 = arith.index_cast %get3A_2492 : i32 to index
      %get3A_2494 = arith.constant 128 : index
      %get3A_2495 = tpu.vector_load %arg8[%get3A_2493, %get3A_2494] {strides = array<i32>} : memref<16x200xi32, #tpu.memory_space<vmem>>, vector<16xi32>,
      %gather3A_2496 = tpu.vector_load_idx %arg6[%get3A_2495] : memref<100000xf32, #tpu.memory_space<vmem>>[vector<16xi32>], vector<16xf32>,
      %add3A_2497 = arith.addf %add3A_2473, %gather3A_2496 : vector<16xf32>
      %get3A_2498 = arith.constant 8 : i32
      %get3A_2499 = arith.index_cast %get3A_2498 : i32 to index
      %get3A_2500 = arith.constant 144 : index
      %get3A_2501 = tpu.vector_load %arg8[%get3A_2499, %get3A_2500] {strides = array<i32>} : memref<16x200xi32, #tpu.memory_space<vmem>>, vector<16xi32>,
      %gather3A_2502 = tpu.vector_load_idx %arg6[%get3A_2501] : memref<100000xf32, #tpu.memory_space<vmem>>[vector<16xi32>], vector<16xf32>,
      %add3A_2503 = arith.addf %add3A_2479, %gather3A_2502 : vector<16xf32>
      %get3A_2504 = arith.constant 8 : i32
      %get3A_2505 = arith.index_cast %get3A_2504 : i32 to index
      %get3A_2506 = arith.constant 160 : index
      %get3A_2507 = tpu.vector_load %arg8[%get3A_2505, %get3A_2506] {strides = array<i32>} : memref<16x200xi32, #tpu.memory_space<vmem>>, vector<16xi32>,
      %gather3A_2508 = tpu.vector_load_idx %arg6[%get3A_2507] : memref<100000xf32, #tpu.memory_space<vmem>>[vector<16xi32>], vector<16xf32>,
      %add3A_2509 = arith.addf %add3A_2485, %gather3A_2508 : vector<16xf32>
      %get3A_2510 = arith.constant 8 : i32
      %get3A_2511 = arith.index_cast %get3A_2510 : i32 to index
      %get3A_2512 = arith.constant 176 : index
      %get3A_2513 = tpu.vector_load %arg8[%get3A_2511, %get3A_2512] {strides = array<i32>} : memref<16x200xi32, #tpu.memory_space<vmem>>, vector<16xi32>,
      %gather3A_2514 = tpu.vector_load_idx %arg6[%get3A_2513] : memref<100000xf32, #tpu.memory_space<vmem>>[vector<16xi32>], vector<16xf32>,
      %add3A_2515 = arith.addf %add3A_2491, %gather3A_2514 : vector<16xf32>
      %get3A_2516 = arith.constant 8 : i32
      %get3A_2517 = arith.index_cast %get3A_2516 : i32 to index
      %get3A_2518 = arith.constant 184 : index
      %get3A_2519 = tpu.vector_load %arg8[%get3A_2517, %get3A_2518] {strides = array<i32>} : memref<16x200xi32, #tpu.memory_space<vmem>>, vector<16xi32>,
      %gather3A_2520 = tpu.vector_load_idx %arg6[%get3A_2519] : memref<100000xf32, #tpu.memory_space<vmem>>[vector<16xi32>], vector<16xf32>,
      %mul3A_2521 = arith.mulf %gather3A_2520, %select_n3A : vector<16xf32>
      %add3A_2522 = arith.addf %add3A_2497, %add3A_2503 : vector<16xf32>
      %add3A_2523 = arith.addf %add3A_2509, %add3A_2515 : vector<16xf32>
      %add3A_2524 = arith.addf %add3A_2522, %add3A_2523 : vector<16xf32>
      %add3A_2525 = arith.addf %add3A_2524, %mul3A_2521 : vector<16xf32>
      %reduce_sum3A_2526 = arith.constant true
      %reduce_sum3A_2527 = vector.broadcast %reduce_sum3A_2526 : i1 to vector<16xi1>
      %reduce_sum3A_2528 = tpu.scan <sum>, %add3A_2525 masked %reduce_sum3A_2527 : vector<16xf32>, vector<16xi1> -> vector<16xf32>
      %reduce_sum3A_2529 = vector.extract %reduce_sum3A_2528[15] : f32 from vector<16xf32>
      %broadcast_in_dim3A_2530 = vector.broadcast %reduce_sum3A_2529 : f32 to vector<16xf32>
      %eq3A_2531 = arith.constant 8 : i32
      %eq3A_2532 = vector.broadcast %eq3A_2531 : i32 to vector<16xi32>
      %eq3A_2533 = arith.cmpi eq, %iota3A, %eq3A_2532 : vector<16xi32>
      %select_n3A_2534 = arith.select %eq3A_2533, %broadcast_in_dim3A_2530, %select_n3A_2435 : vector<16xi1>, vector<16xf32>
      %broadcast_in_dim3A_2535 = arith.constant 0.000000e+00 : f32
      %broadcast_in_dim3A_2536 = vector.broadcast %broadcast_in_dim3A_2535 : f32 to vector<16xf32>
      %broadcast_in_dim3A_2537 = arith.constant 0.000000e+00 : f32
      %broadcast_in_dim3A_2538 = vector.broadcast %broadcast_in_dim3A_2537 : f32 to vector<16xf32>
      %broadcast_in_dim3A_2539 = arith.constant 0.000000e+00 : f32
      %broadcast_in_dim3A_2540 = vector.broadcast %broadcast_in_dim3A_2539 : f32 to vector<16xf32>
      %broadcast_in_dim3A_2541 = arith.constant 0.000000e+00 : f32
      %broadcast_in_dim3A_2542 = vector.broadcast %broadcast_in_dim3A_2541 : f32 to vector<16xf32>
      %get3A_2543 = arith.constant 9 : i32
      %get3A_2544 = arith.index_cast %get3A_2543 : i32 to index
      %get3A_2545 = arith.constant 0 : index
      %get3A_2546 = tpu.vector_load %arg8[%get3A_2544, %get3A_2545] {strides = array<i32>} : memref<16x200xi32, #tpu.memory_space<vmem>>, vector<16xi32>,
      %gather3A_2547 = tpu.vector_load_idx %arg6[%get3A_2546] : memref<100000xf32, #tpu.memory_space<vmem>>[vector<16xi32>], vector<16xf32>,
      %add3A_2548 = arith.addf %broadcast_in_dim3A_2536, %gather3A_2547 : vector<16xf32>
      %get3A_2549 = arith.constant 9 : i32
      %get3A_2550 = arith.index_cast %get3A_2549 : i32 to index
      %get3A_2551 = arith.constant 16 : index
      %get3A_2552 = tpu.vector_load %arg8[%get3A_2550, %get3A_2551] {strides = array<i32>} : memref<16x200xi32, #tpu.memory_space<vmem>>, vector<16xi32>,
      %gather3A_2553 = tpu.vector_load_idx %arg6[%get3A_2552] : memref<100000xf32, #tpu.memory_space<vmem>>[vector<16xi32>], vector<16xf32>,
      %add3A_2554 = arith.addf %broadcast_in_dim3A_2538, %gather3A_2553 : vector<16xf32>
      %get3A_2555 = arith.constant 9 : i32
      %get3A_2556 = arith.index_cast %get3A_2555 : i32 to index
      %get3A_2557 = arith.constant 32 : index
      %get3A_2558 = tpu.vector_load %arg8[%get3A_2556, %get3A_2557] {strides = array<i32>} : memref<16x200xi32, #tpu.memory_space<vmem>>, vector<16xi32>,
      %gather3A_2559 = tpu.vector_load_idx %arg6[%get3A_2558] : memref<100000xf32, #tpu.memory_space<vmem>>[vector<16xi32>], vector<16xf32>,
      %add3A_2560 = arith.addf %broadcast_in_dim3A_2540, %gather3A_2559 : vector<16xf32>
      %get3A_2561 = arith.constant 9 : i32
      %get3A_2562 = arith.index_cast %get3A_2561 : i32 to index
      %get3A_2563 = arith.constant 48 : index
      %get3A_2564 = tpu.vector_load %arg8[%get3A_2562, %get3A_2563] {strides = array<i32>} : memref<16x200xi32, #tpu.memory_space<vmem>>, vector<16xi32>,
      %gather3A_2565 = tpu.vector_load_idx %arg6[%get3A_2564] : memref<100000xf32, #tpu.memory_space<vmem>>[vector<16xi32>], vector<16xf32>,
      %add3A_2566 = arith.addf %broadcast_in_dim3A_2542, %gather3A_2565 : vector<16xf32>
      %get3A_2567 = arith.constant 9 : i32
      %get3A_2568 = arith.index_cast %get3A_2567 : i32 to index
      %get3A_2569 = arith.constant 64 : index
      %get3A_2570 = tpu.vector_load %arg8[%get3A_2568, %get3A_2569] {strides = array<i32>} : memref<16x200xi32, #tpu.memory_space<vmem>>, vector<16xi32>,
      %gather3A_2571 = tpu.vector_load_idx %arg6[%get3A_2570] : memref<100000xf32, #tpu.memory_space<vmem>>[vector<16xi32>], vector<16xf32>,
      %add3A_2572 = arith.addf %add3A_2548, %gather3A_2571 : vector<16xf32>
      %get3A_2573 = arith.constant 9 : i32
      %get3A_2574 = arith.index_cast %get3A_2573 : i32 to index
      %get3A_2575 = arith.constant 80 : index
      %get3A_2576 = tpu.vector_load %arg8[%get3A_2574, %get3A_2575] {strides = array<i32>} : memref<16x200xi32, #tpu.memory_space<vmem>>, vector<16xi32>,
      %gather3A_2577 = tpu.vector_load_idx %arg6[%get3A_2576] : memref<100000xf32, #tpu.memory_space<vmem>>[vector<16xi32>], vector<16xf32>,
      %add3A_2578 = arith.addf %add3A_2554, %gather3A_2577 : vector<16xf32>
      %get3A_2579 = arith.constant 9 : i32
      %get3A_2580 = arith.index_cast %get3A_2579 : i32 to index
      %get3A_2581 = arith.constant 96 : index
      %get3A_2582 = tpu.vector_load %arg8[%get3A_2580, %get3A_2581] {strides = array<i32>} : memref<16x200xi32, #tpu.memory_space<vmem>>, vector<16xi32>,
      %gather3A_2583 = tpu.vector_load_idx %arg6[%get3A_2582] : memref<100000xf32, #tpu.memory_space<vmem>>[vector<16xi32>], vector<16xf32>,
      %add3A_2584 = arith.addf %add3A_2560, %gather3A_2583 : vector<16xf32>
      %get3A_2585 = arith.constant 9 : i32
      %get3A_2586 = arith.index_cast %get3A_2585 : i32 to index
      %get3A_2587 = arith.constant 112 : index
      %get3A_2588 = tpu.vector_load %arg8[%get3A_2586, %get3A_2587] {strides = array<i32>} : memref<16x200xi32, #tpu.memory_space<vmem>>, vector<16xi32>,
      %gather3A_2589 = tpu.vector_load_idx %arg6[%get3A_2588] : memref<100000xf32, #tpu.memory_space<vmem>>[vector<16xi32>], vector<16xf32>,
      %add3A_2590 = arith.addf %add3A_2566, %gather3A_2589 : vector<16xf32>
      %get3A_2591 = arith.constant 9 : i32
      %get3A_2592 = arith.index_cast %get3A_2591 : i32 to index
      %get3A_2593 = arith.constant 128 : index
      %get3A_2594 = tpu.vector_load %arg8[%get3A_2592, %get3A_2593] {strides = array<i32>} : memref<16x200xi32, #tpu.memory_space<vmem>>, vector<16xi32>,
      %gather3A_2595 = tpu.vector_load_idx %arg6[%get3A_2594] : memref<100000xf32, #tpu.memory_space<vmem>>[vector<16xi32>], vector<16xf32>,
      %add3A_2596 = arith.addf %add3A_2572, %gather3A_2595 : vector<16xf32>
      %get3A_2597 = arith.constant 9 : i32
      %get3A_2598 = arith.index_cast %get3A_2597 : i32 to index
      %get3A_2599 = arith.constant 144 : index
      %get3A_2600 = tpu.vector_load %arg8[%get3A_2598, %get3A_2599] {strides = array<i32>} : memref<16x200xi32, #tpu.memory_space<vmem>>, vector<16xi32>,
      %gather3A_2601 = tpu.vector_load_idx %arg6[%get3A_2600] : memref<100000xf32, #tpu.memory_space<vmem>>[vector<16xi32>], vector<16xf32>,
      %add3A_2602 = arith.addf %add3A_2578, %gather3A_2601 : vector<16xf32>
      %get3A_2603 = arith.constant 9 : i32
      %get3A_2604 = arith.index_cast %get3A_2603 : i32 to index
      %get3A_2605 = arith.constant 160 : index
      %get3A_2606 = tpu.vector_load %arg8[%get3A_2604, %get3A_2605] {strides = array<i32>} : memref<16x200xi32, #tpu.memory_space<vmem>>, vector<16xi32>,
      %gather3A_2607 = tpu.vector_load_idx %arg6[%get3A_2606] : memref<100000xf32, #tpu.memory_space<vmem>>[vector<16xi32>], vector<16xf32>,
      %add3A_2608 = arith.addf %add3A_2584, %gather3A_2607 : vector<16xf32>
      %get3A_2609 = arith.constant 9 : i32
      %get3A_2610 = arith.index_cast %get3A_2609 : i32 to index
      %get3A_2611 = arith.constant 176 : index
      %get3A_2612 = tpu.vector_load %arg8[%get3A_2610, %get3A_2611] {strides = array<i32>} : memref<16x200xi32, #tpu.memory_space<vmem>>, vector<16xi32>,
      %gather3A_2613 = tpu.vector_load_idx %arg6[%get3A_2612] : memref<100000xf32, #tpu.memory_space<vmem>>[vector<16xi32>], vector<16xf32>,
      %add3A_2614 = arith.addf %add3A_2590, %gather3A_2613 : vector<16xf32>
      %get3A_2615 = arith.constant 9 : i32
      %get3A_2616 = arith.index_cast %get3A_2615 : i32 to index
      %get3A_2617 = arith.constant 184 : index
      %get3A_2618 = tpu.vector_load %arg8[%get3A_2616, %get3A_2617] {strides = array<i32>} : memref<16x200xi32, #tpu.memory_space<vmem>>, vector<16xi32>,
      %gather3A_2619 = tpu.vector_load_idx %arg6[%get3A_2618] : memref<100000xf32, #tpu.memory_space<vmem>>[vector<16xi32>], vector<16xf32>,
      %mul3A_2620 = arith.mulf %gather3A_2619, %select_n3A : vector<16xf32>
      %add3A_2621 = arith.addf %add3A_2596, %add3A_2602 : vector<16xf32>
      %add3A_2622 = arith.addf %add3A_2608, %add3A_2614 : vector<16xf32>
      %add3A_2623 = arith.addf %add3A_2621, %add3A_2622 : vector<16xf32>
      %add3A_2624 = arith.addf %add3A_2623, %mul3A_2620 : vector<16xf32>
      %reduce_sum3A_2625 = arith.constant true
      %reduce_sum3A_2626 = vector.broadcast %reduce_sum3A_2625 : i1 to vector<16xi1>
      %reduce_sum3A_2627 = tpu.scan <sum>, %add3A_2624 masked %reduce_sum3A_2626 : vector<16xf32>, vector<16xi1> -> vector<16xf32>
      %reduce_sum3A_2628 = vector.extract %reduce_sum3A_2627[15] : f32 from vector<16xf32>
      %broadcast_in_dim3A_2629 = vector.broadcast %reduce_sum3A_2628 : f32 to vector<16xf32>
      %eq3A_2630 = arith.constant 9 : i32
      %eq3A_2631 = vector.broadcast %eq3A_2630 : i32 to vector<16xi32>
      %eq3A_2632 = arith.cmpi eq, %iota3A, %eq3A_2631 : vector<16xi32>
      %select_n3A_2633 = arith.select %eq3A_2632, %broadcast_in_dim3A_2629, %select_n3A_2534 : vector<16xi1>, vector<16xf32>
      %broadcast_in_dim3A_2634 = arith.constant 0.000000e+00 : f32
      %broadcast_in_dim3A_2635 = vector.broadcast %broadcast_in_dim3A_2634 : f32 to vector<16xf32>
      %broadcast_in_dim3A_2636 = arith.constant 0.000000e+00 : f32
      %broadcast_in_dim3A_2637 = vector.broadcast %broadcast_in_dim3A_2636 : f32 to vector<16xf32>
      %broadcast_in_dim3A_2638 = arith.constant 0.000000e+00 : f32
      %broadcast_in_dim3A_2639 = vector.broadcast %broadcast_in_dim3A_2638 : f32 to vector<16xf32>
      %broadcast_in_dim3A_2640 = arith.constant 0.000000e+00 : f32
      %broadcast_in_dim3A_2641 = vector.broadcast %broadcast_in_dim3A_2640 : f32 to vector<16xf32>
      %get3A_2642 = arith.constant 10 : i32
      %get3A_2643 = arith.index_cast %get3A_2642 : i32 to index
      %get3A_2644 = arith.constant 0 : index
      %get3A_2645 = tpu.vector_load %arg8[%get3A_2643, %get3A_2644] {strides = array<i32>} : memref<16x200xi32, #tpu.memory_space<vmem>>, vector<16xi32>,
      %gather3A_2646 = tpu.vector_load_idx %arg6[%get3A_2645] : memref<100000xf32, #tpu.memory_space<vmem>>[vector<16xi32>], vector<16xf32>,
      %add3A_2647 = arith.addf %broadcast_in_dim3A_2635, %gather3A_2646 : vector<16xf32>
      %get3A_2648 = arith.constant 10 : i32
      %get3A_2649 = arith.index_cast %get3A_2648 : i32 to index
      %get3A_2650 = arith.constant 16 : index
      %get3A_2651 = tpu.vector_load %arg8[%get3A_2649, %get3A_2650] {strides = array<i32>} : memref<16x200xi32, #tpu.memory_space<vmem>>, vector<16xi32>,
      %gather3A_2652 = tpu.vector_load_idx %arg6[%get3A_2651] : memref<100000xf32, #tpu.memory_space<vmem>>[vector<16xi32>], vector<16xf32>,
      %add3A_2653 = arith.addf %broadcast_in_dim3A_2637, %gather3A_2652 : vector<16xf32>
      %get3A_2654 = arith.constant 10 : i32
      %get3A_2655 = arith.index_cast %get3A_2654 : i32 to index
      %get3A_2656 = arith.constant 32 : index
      %get3A_2657 = tpu.vector_load %arg8[%get3A_2655, %get3A_2656] {strides = array<i32>} : memref<16x200xi32, #tpu.memory_space<vmem>>, vector<16xi32>,
      %gather3A_2658 = tpu.vector_load_idx %arg6[%get3A_2657] : memref<100000xf32, #tpu.memory_space<vmem>>[vector<16xi32>], vector<16xf32>,
      %add3A_2659 = arith.addf %broadcast_in_dim3A_2639, %gather3A_2658 : vector<16xf32>
      %get3A_2660 = arith.constant 10 : i32
      %get3A_2661 = arith.index_cast %get3A_2660 : i32 to index
      %get3A_2662 = arith.constant 48 : index
      %get3A_2663 = tpu.vector_load %arg8[%get3A_2661, %get3A_2662] {strides = array<i32>} : memref<16x200xi32, #tpu.memory_space<vmem>>, vector<16xi32>,
      %gather3A_2664 = tpu.vector_load_idx %arg6[%get3A_2663] : memref<100000xf32, #tpu.memory_space<vmem>>[vector<16xi32>], vector<16xf32>,
      %add3A_2665 = arith.addf %broadcast_in_dim3A_2641, %gather3A_2664 : vector<16xf32>
      %get3A_2666 = arith.constant 10 : i32
      %get3A_2667 = arith.index_cast %get3A_2666 : i32 to index
      %get3A_2668 = arith.constant 64 : index
      %get3A_2669 = tpu.vector_load %arg8[%get3A_2667, %get3A_2668] {strides = array<i32>} : memref<16x200xi32, #tpu.memory_space<vmem>>, vector<16xi32>,
      %gather3A_2670 = tpu.vector_load_idx %arg6[%get3A_2669] : memref<100000xf32, #tpu.memory_space<vmem>>[vector<16xi32>], vector<16xf32>,
      %add3A_2671 = arith.addf %add3A_2647, %gather3A_2670 : vector<16xf32>
      %get3A_2672 = arith.constant 10 : i32
      %get3A_2673 = arith.index_cast %get3A_2672 : i32 to index
      %get3A_2674 = arith.constant 80 : index
      %get3A_2675 = tpu.vector_load %arg8[%get3A_2673, %get3A_2674] {strides = array<i32>} : memref<16x200xi32, #tpu.memory_space<vmem>>, vector<16xi32>,
      %gather3A_2676 = tpu.vector_load_idx %arg6[%get3A_2675] : memref<100000xf32, #tpu.memory_space<vmem>>[vector<16xi32>], vector<16xf32>,
      %add3A_2677 = arith.addf %add3A_2653, %gather3A_2676 : vector<16xf32>
      %get3A_2678 = arith.constant 10 : i32
      %get3A_2679 = arith.index_cast %get3A_2678 : i32 to index
      %get3A_2680 = arith.constant 96 : index
      %get3A_2681 = tpu.vector_load %arg8[%get3A_2679, %get3A_2680] {strides = array<i32>} : memref<16x200xi32, #tpu.memory_space<vmem>>, vector<16xi32>,
      %gather3A_2682 = tpu.vector_load_idx %arg6[%get3A_2681] : memref<100000xf32, #tpu.memory_space<vmem>>[vector<16xi32>], vector<16xf32>,
      %add3A_2683 = arith.addf %add3A_2659, %gather3A_2682 : vector<16xf32>
      %get3A_2684 = arith.constant 10 : i32
      %get3A_2685 = arith.index_cast %get3A_2684 : i32 to index
      %get3A_2686 = arith.constant 112 : index
      %get3A_2687 = tpu.vector_load %arg8[%get3A_2685, %get3A_2686] {strides = array<i32>} : memref<16x200xi32, #tpu.memory_space<vmem>>, vector<16xi32>,
      %gather3A_2688 = tpu.vector_load_idx %arg6[%get3A_2687] : memref<100000xf32, #tpu.memory_space<vmem>>[vector<16xi32>], vector<16xf32>,
      %add3A_2689 = arith.addf %add3A_2665, %gather3A_2688 : vector<16xf32>
      %get3A_2690 = arith.constant 10 : i32
      %get3A_2691 = arith.index_cast %get3A_2690 : i32 to index
      %get3A_2692 = arith.constant 128 : index
      %get3A_2693 = tpu.vector_load %arg8[%get3A_2691, %get3A_2692] {strides = array<i32>} : memref<16x200xi32, #tpu.memory_space<vmem>>, vector<16xi32>,
      %gather3A_2694 = tpu.vector_load_idx %arg6[%get3A_2693] : memref<100000xf32, #tpu.memory_space<vmem>>[vector<16xi32>], vector<16xf32>,
      %add3A_2695 = arith.addf %add3A_2671, %gather3A_2694 : vector<16xf32>
      %get3A_2696 = arith.constant 10 : i32
      %get3A_2697 = arith.index_cast %get3A_2696 : i32 to index
      %get3A_2698 = arith.constant 144 : index
      %get3A_2699 = tpu.vector_load %arg8[%get3A_2697, %get3A_2698] {strides = array<i32>} : memref<16x200xi32, #tpu.memory_space<vmem>>, vector<16xi32>,
      %gather3A_2700 = tpu.vector_load_idx %arg6[%get3A_2699] : memref<100000xf32, #tpu.memory_space<vmem>>[vector<16xi32>], vector<16xf32>,
      %add3A_2701 = arith.addf %add3A_2677, %gather3A_2700 : vector<16xf32>
      %get3A_2702 = arith.constant 10 : i32
      %get3A_2703 = arith.index_cast %get3A_2702 : i32 to index
      %get3A_2704 = arith.constant 160 : index
      %get3A_2705 = tpu.vector_load %arg8[%get3A_2703, %get3A_2704] {strides = array<i32>} : memref<16x200xi32, #tpu.memory_space<vmem>>, vector<16xi32>,
      %gather3A_2706 = tpu.vector_load_idx %arg6[%get3A_2705] : memref<100000xf32, #tpu.memory_space<vmem>>[vector<16xi32>], vector<16xf32>,
      %add3A_2707 = arith.addf %add3A_2683, %gather3A_2706 : vector<16xf32>
      %get3A_2708 = arith.constant 10 : i32
      %get3A_2709 = arith.index_cast %get3A_2708 : i32 to index
      %get3A_2710 = arith.constant 176 : index
      %get3A_2711 = tpu.vector_load %arg8[%get3A_2709, %get3A_2710] {strides = array<i32>} : memref<16x200xi32, #tpu.memory_space<vmem>>, vector<16xi32>,
      %gather3A_2712 = tpu.vector_load_idx %arg6[%get3A_2711] : memref<100000xf32, #tpu.memory_space<vmem>>[vector<16xi32>], vector<16xf32>,
      %add3A_2713 = arith.addf %add3A_2689, %gather3A_2712 : vector<16xf32>
      %get3A_2714 = arith.constant 10 : i32
      %get3A_2715 = arith.index_cast %get3A_2714 : i32 to index
      %get3A_2716 = arith.constant 184 : index
      %get3A_2717 = tpu.vector_load %arg8[%get3A_2715, %get3A_2716] {strides = array<i32>} : memref<16x200xi32, #tpu.memory_space<vmem>>, vector<16xi32>,
      %gather3A_2718 = tpu.vector_load_idx %arg6[%get3A_2717] : memref<100000xf32, #tpu.memory_space<vmem>>[vector<16xi32>], vector<16xf32>,
      %mul3A_2719 = arith.mulf %gather3A_2718, %select_n3A : vector<16xf32>
      %add3A_2720 = arith.addf %add3A_2695, %add3A_2701 : vector<16xf32>
      %add3A_2721 = arith.addf %add3A_2707, %add3A_2713 : vector<16xf32>
      %add3A_2722 = arith.addf %add3A_2720, %add3A_2721 : vector<16xf32>
      %add3A_2723 = arith.addf %add3A_2722, %mul3A_2719 : vector<16xf32>
      %reduce_sum3A_2724 = arith.constant true
      %reduce_sum3A_2725 = vector.broadcast %reduce_sum3A_2724 : i1 to vector<16xi1>
      %reduce_sum3A_2726 = tpu.scan <sum>, %add3A_2723 masked %reduce_sum3A_2725 : vector<16xf32>, vector<16xi1> -> vector<16xf32>
      %reduce_sum3A_2727 = vector.extract %reduce_sum3A_2726[15] : f32 from vector<16xf32>
      %broadcast_in_dim3A_2728 = vector.broadcast %reduce_sum3A_2727 : f32 to vector<16xf32>
      %eq3A_2729 = arith.constant 10 : i32
      %eq3A_2730 = vector.broadcast %eq3A_2729 : i32 to vector<16xi32>
      %eq3A_2731 = arith.cmpi eq, %iota3A, %eq3A_2730 : vector<16xi32>
      %select_n3A_2732 = arith.select %eq3A_2731, %broadcast_in_dim3A_2728, %select_n3A_2633 : vector<16xi1>, vector<16xf32>
      %broadcast_in_dim3A_2733 = arith.constant 0.000000e+00 : f32
      %broadcast_in_dim3A_2734 = vector.broadcast %broadcast_in_dim3A_2733 : f32 to vector<16xf32>
      %broadcast_in_dim3A_2735 = arith.constant 0.000000e+00 : f32
      %broadcast_in_dim3A_2736 = vector.broadcast %broadcast_in_dim3A_2735 : f32 to vector<16xf32>
      %broadcast_in_dim3A_2737 = arith.constant 0.000000e+00 : f32
      %broadcast_in_dim3A_2738 = vector.broadcast %broadcast_in_dim3A_2737 : f32 to vector<16xf32>
      %broadcast_in_dim3A_2739 = arith.constant 0.000000e+00 : f32
      %broadcast_in_dim3A_2740 = vector.broadcast %broadcast_in_dim3A_2739 : f32 to vector<16xf32>
      %get3A_2741 = arith.constant 11 : i32
      %get3A_2742 = arith.index_cast %get3A_2741 : i32 to index
      %get3A_2743 = arith.constant 0 : index
      %get3A_2744 = tpu.vector_load %arg8[%get3A_2742, %get3A_2743] {strides = array<i32>} : memref<16x200xi32, #tpu.memory_space<vmem>>, vector<16xi32>,
      %gather3A_2745 = tpu.vector_load_idx %arg6[%get3A_2744] : memref<100000xf32, #tpu.memory_space<vmem>>[vector<16xi32>], vector<16xf32>,
      %add3A_2746 = arith.addf %broadcast_in_dim3A_2734, %gather3A_2745 : vector<16xf32>
      %get3A_2747 = arith.constant 11 : i32
      %get3A_2748 = arith.index_cast %get3A_2747 : i32 to index
      %get3A_2749 = arith.constant 16 : index
      %get3A_2750 = tpu.vector_load %arg8[%get3A_2748, %get3A_2749] {strides = array<i32>} : memref<16x200xi32, #tpu.memory_space<vmem>>, vector<16xi32>,
      %gather3A_2751 = tpu.vector_load_idx %arg6[%get3A_2750] : memref<100000xf32, #tpu.memory_space<vmem>>[vector<16xi32>], vector<16xf32>,
      %add3A_2752 = arith.addf %broadcast_in_dim3A_2736, %gather3A_2751 : vector<16xf32>
      %get3A_2753 = arith.constant 11 : i32
      %get3A_2754 = arith.index_cast %get3A_2753 : i32 to index
      %get3A_2755 = arith.constant 32 : index
      %get3A_2756 = tpu.vector_load %arg8[%get3A_2754, %get3A_2755] {strides = array<i32>} : memref<16x200xi32, #tpu.memory_space<vmem>>, vector<16xi32>,
      %gather3A_2757 = tpu.vector_load_idx %arg6[%get3A_2756] : memref<100000xf32, #tpu.memory_space<vmem>>[vector<16xi32>], vector<16xf32>,
      %add3A_2758 = arith.addf %broadcast_in_dim3A_2738, %gather3A_2757 : vector<16xf32>
      %get3A_2759 = arith.constant 11 : i32
      %get3A_2760 = arith.index_cast %get3A_2759 : i32 to index
      %get3A_2761 = arith.constant 48 : index
      %get3A_2762 = tpu.vector_load %arg8[%get3A_2760, %get3A_2761] {strides = array<i32>} : memref<16x200xi32, #tpu.memory_space<vmem>>, vector<16xi32>,
      %gather3A_2763 = tpu.vector_load_idx %arg6[%get3A_2762] : memref<100000xf32, #tpu.memory_space<vmem>>[vector<16xi32>], vector<16xf32>,
      %add3A_2764 = arith.addf %broadcast_in_dim3A_2740, %gather3A_2763 : vector<16xf32>
      %get3A_2765 = arith.constant 11 : i32
      %get3A_2766 = arith.index_cast %get3A_2765 : i32 to index
      %get3A_2767 = arith.constant 64 : index
      %get3A_2768 = tpu.vector_load %arg8[%get3A_2766, %get3A_2767] {strides = array<i32>} : memref<16x200xi32, #tpu.memory_space<vmem>>, vector<16xi32>,
      %gather3A_2769 = tpu.vector_load_idx %arg6[%get3A_2768] : memref<100000xf32, #tpu.memory_space<vmem>>[vector<16xi32>], vector<16xf32>,
      %add3A_2770 = arith.addf %add3A_2746, %gather3A_2769 : vector<16xf32>
      %get3A_2771 = arith.constant 11 : i32
      %get3A_2772 = arith.index_cast %get3A_2771 : i32 to index
      %get3A_2773 = arith.constant 80 : index
      %get3A_2774 = tpu.vector_load %arg8[%get3A_2772, %get3A_2773] {strides = array<i32>} : memref<16x200xi32, #tpu.memory_space<vmem>>, vector<16xi32>,
      %gather3A_2775 = tpu.vector_load_idx %arg6[%get3A_2774] : memref<100000xf32, #tpu.memory_space<vmem>>[vector<16xi32>], vector<16xf32>,
      %add3A_2776 = arith.addf %add3A_2752, %gather3A_2775 : vector<16xf32>
      %get3A_2777 = arith.constant 11 : i32
      %get3A_2778 = arith.index_cast %get3A_2777 : i32 to index
      %get3A_2779 = arith.constant 96 : index
      %get3A_2780 = tpu.vector_load %arg8[%get3A_2778, %get3A_2779] {strides = array<i32>} : memref<16x200xi32, #tpu.memory_space<vmem>>, vector<16xi32>,
      %gather3A_2781 = tpu.vector_load_idx %arg6[%get3A_2780] : memref<100000xf32, #tpu.memory_space<vmem>>[vector<16xi32>], vector<16xf32>,
      %add3A_2782 = arith.addf %add3A_2758, %gather3A_2781 : vector<16xf32>
      %get3A_2783 = arith.constant 11 : i32
      %get3A_2784 = arith.index_cast %get3A_2783 : i32 to index
      %get3A_2785 = arith.constant 112 : index
      %get3A_2786 = tpu.vector_load %arg8[%get3A_2784, %get3A_2785] {strides = array<i32>} : memref<16x200xi32, #tpu.memory_space<vmem>>, vector<16xi32>,
      %gather3A_2787 = tpu.vector_load_idx %arg6[%get3A_2786] : memref<100000xf32, #tpu.memory_space<vmem>>[vector<16xi32>], vector<16xf32>,
      %add3A_2788 = arith.addf %add3A_2764, %gather3A_2787 : vector<16xf32>
      %get3A_2789 = arith.constant 11 : i32
      %get3A_2790 = arith.index_cast %get3A_2789 : i32 to index
      %get3A_2791 = arith.constant 128 : index
      %get3A_2792 = tpu.vector_load %arg8[%get3A_2790, %get3A_2791] {strides = array<i32>} : memref<16x200xi32, #tpu.memory_space<vmem>>, vector<16xi32>,
      %gather3A_2793 = tpu.vector_load_idx %arg6[%get3A_2792] : memref<100000xf32, #tpu.memory_space<vmem>>[vector<16xi32>], vector<16xf32>,
      %add3A_2794 = arith.addf %add3A_2770, %gather3A_2793 : vector<16xf32>
      %get3A_2795 = arith.constant 11 : i32
      %get3A_2796 = arith.index_cast %get3A_2795 : i32 to index
      %get3A_2797 = arith.constant 144 : index
      %get3A_2798 = tpu.vector_load %arg8[%get3A_2796, %get3A_2797] {strides = array<i32>} : memref<16x200xi32, #tpu.memory_space<vmem>>, vector<16xi32>,
      %gather3A_2799 = tpu.vector_load_idx %arg6[%get3A_2798] : memref<100000xf32, #tpu.memory_space<vmem>>[vector<16xi32>], vector<16xf32>,
      %add3A_2800 = arith.addf %add3A_2776, %gather3A_2799 : vector<16xf32>
      %get3A_2801 = arith.constant 11 : i32
      %get3A_2802 = arith.index_cast %get3A_2801 : i32 to index
      %get3A_2803 = arith.constant 160 : index
      %get3A_2804 = tpu.vector_load %arg8[%get3A_2802, %get3A_2803] {strides = array<i32>} : memref<16x200xi32, #tpu.memory_space<vmem>>, vector<16xi32>,
      %gather3A_2805 = tpu.vector_load_idx %arg6[%get3A_2804] : memref<100000xf32, #tpu.memory_space<vmem>>[vector<16xi32>], vector<16xf32>,
      %add3A_2806 = arith.addf %add3A_2782, %gather3A_2805 : vector<16xf32>
      %get3A_2807 = arith.constant 11 : i32
      %get3A_2808 = arith.index_cast %get3A_2807 : i32 to index
      %get3A_2809 = arith.constant 176 : index
      %get3A_2810 = tpu.vector_load %arg8[%get3A_2808, %get3A_2809] {strides = array<i32>} : memref<16x200xi32, #tpu.memory_space<vmem>>, vector<16xi32>,
      %gather3A_2811 = tpu.vector_load_idx %arg6[%get3A_2810] : memref<100000xf32, #tpu.memory_space<vmem>>[vector<16xi32>], vector<16xf32>,
      %add3A_2812 = arith.addf %add3A_2788, %gather3A_2811 : vector<16xf32>
      %get3A_2813 = arith.constant 11 : i32
      %get3A_2814 = arith.index_cast %get3A_2813 : i32 to index
      %get3A_2815 = arith.constant 184 : index
      %get3A_2816 = tpu.vector_load %arg8[%get3A_2814, %get3A_2815] {strides = array<i32>} : memref<16x200xi32, #tpu.memory_space<vmem>>, vector<16xi32>,
      %gather3A_2817 = tpu.vector_load_idx %arg6[%get3A_2816] : memref<100000xf32, #tpu.memory_space<vmem>>[vector<16xi32>], vector<16xf32>,
      %mul3A_2818 = arith.mulf %gather3A_2817, %select_n3A : vector<16xf32>
      %add3A_2819 = arith.addf %add3A_2794, %add3A_2800 : vector<16xf32>
      %add3A_2820 = arith.addf %add3A_2806, %add3A_2812 : vector<16xf32>
      %add3A_2821 = arith.addf %add3A_2819, %add3A_2820 : vector<16xf32>
      %add3A_2822 = arith.addf %add3A_2821, %mul3A_2818 : vector<16xf32>
      %reduce_sum3A_2823 = arith.constant true
      %reduce_sum3A_2824 = vector.broadcast %reduce_sum3A_2823 : i1 to vector<16xi1>
      %reduce_sum3A_2825 = tpu.scan <sum>, %add3A_2822 masked %reduce_sum3A_2824 : vector<16xf32>, vector<16xi1> -> vector<16xf32>
      %reduce_sum3A_2826 = vector.extract %reduce_sum3A_2825[15] : f32 from vector<16xf32>
      %broadcast_in_dim3A_2827 = vector.broadcast %reduce_sum3A_2826 : f32 to vector<16xf32>
      %eq3A_2828 = arith.constant 11 : i32
      %eq3A_2829 = vector.broadcast %eq3A_2828 : i32 to vector<16xi32>
      %eq3A_2830 = arith.cmpi eq, %iota3A, %eq3A_2829 : vector<16xi32>
      %select_n3A_2831 = arith.select %eq3A_2830, %broadcast_in_dim3A_2827, %select_n3A_2732 : vector<16xi1>, vector<16xf32>
      %broadcast_in_dim3A_2832 = arith.constant 0.000000e+00 : f32
      %broadcast_in_dim3A_2833 = vector.broadcast %broadcast_in_dim3A_2832 : f32 to vector<16xf32>
      %broadcast_in_dim3A_2834 = arith.constant 0.000000e+00 : f32
      %broadcast_in_dim3A_2835 = vector.broadcast %broadcast_in_dim3A_2834 : f32 to vector<16xf32>
      %broadcast_in_dim3A_2836 = arith.constant 0.000000e+00 : f32
      %broadcast_in_dim3A_2837 = vector.broadcast %broadcast_in_dim3A_2836 : f32 to vector<16xf32>
      %broadcast_in_dim3A_2838 = arith.constant 0.000000e+00 : f32
      %broadcast_in_dim3A_2839 = vector.broadcast %broadcast_in_dim3A_2838 : f32 to vector<16xf32>
      %get3A_2840 = arith.constant 12 : i32
      %get3A_2841 = arith.index_cast %get3A_2840 : i32 to index
      %get3A_2842 = arith.constant 0 : index
      %get3A_2843 = tpu.vector_load %arg8[%get3A_2841, %get3A_2842] {strides = array<i32>} : memref<16x200xi32, #tpu.memory_space<vmem>>, vector<16xi32>,
      %gather3A_2844 = tpu.vector_load_idx %arg6[%get3A_2843] : memref<100000xf32, #tpu.memory_space<vmem>>[vector<16xi32>], vector<16xf32>,
      %add3A_2845 = arith.addf %broadcast_in_dim3A_2833, %gather3A_2844 : vector<16xf32>
      %get3A_2846 = arith.constant 12 : i32
      %get3A_2847 = arith.index_cast %get3A_2846 : i32 to index
      %get3A_2848 = arith.constant 16 : index
      %get3A_2849 = tpu.vector_load %arg8[%get3A_2847, %get3A_2848] {strides = array<i32>} : memref<16x200xi32, #tpu.memory_space<vmem>>, vector<16xi32>,
      %gather3A_2850 = tpu.vector_load_idx %arg6[%get3A_2849] : memref<100000xf32, #tpu.memory_space<vmem>>[vector<16xi32>], vector<16xf32>,
      %add3A_2851 = arith.addf %broadcast_in_dim3A_2835, %gather3A_2850 : vector<16xf32>
      %get3A_2852 = arith.constant 12 : i32
      %get3A_2853 = arith.index_cast %get3A_2852 : i32 to index
      %get3A_2854 = arith.constant 32 : index
      %get3A_2855 = tpu.vector_load %arg8[%get3A_2853, %get3A_2854] {strides = array<i32>} : memref<16x200xi32, #tpu.memory_space<vmem>>, vector<16xi32>,
      %gather3A_2856 = tpu.vector_load_idx %arg6[%get3A_2855] : memref<100000xf32, #tpu.memory_space<vmem>>[vector<16xi32>], vector<16xf32>,
      %add3A_2857 = arith.addf %broadcast_in_dim3A_2837, %gather3A_2856 : vector<16xf32>
      %get3A_2858 = arith.constant 12 : i32
      %get3A_2859 = arith.index_cast %get3A_2858 : i32 to index
      %get3A_2860 = arith.constant 48 : index
      %get3A_2861 = tpu.vector_load %arg8[%get3A_2859, %get3A_2860] {strides = array<i32>} : memref<16x200xi32, #tpu.memory_space<vmem>>, vector<16xi32>,
      %gather3A_2862 = tpu.vector_load_idx %arg6[%get3A_2861] : memref<100000xf32, #tpu.memory_space<vmem>>[vector<16xi32>], vector<16xf32>,
      %add3A_2863 = arith.addf %broadcast_in_dim3A_2839, %gather3A_2862 : vector<16xf32>
      %get3A_2864 = arith.constant 12 : i32
      %get3A_2865 = arith.index_cast %get3A_2864 : i32 to index
      %get3A_2866 = arith.constant 64 : index
      %get3A_2867 = tpu.vector_load %arg8[%get3A_2865, %get3A_2866] {strides = array<i32>} : memref<16x200xi32, #tpu.memory_space<vmem>>, vector<16xi32>,
      %gather3A_2868 = tpu.vector_load_idx %arg6[%get3A_2867] : memref<100000xf32, #tpu.memory_space<vmem>>[vector<16xi32>], vector<16xf32>,
      %add3A_2869 = arith.addf %add3A_2845, %gather3A_2868 : vector<16xf32>
      %get3A_2870 = arith.constant 12 : i32
      %get3A_2871 = arith.index_cast %get3A_2870 : i32 to index
      %get3A_2872 = arith.constant 80 : index
      %get3A_2873 = tpu.vector_load %arg8[%get3A_2871, %get3A_2872] {strides = array<i32>} : memref<16x200xi32, #tpu.memory_space<vmem>>, vector<16xi32>,
      %gather3A_2874 = tpu.vector_load_idx %arg6[%get3A_2873] : memref<100000xf32, #tpu.memory_space<vmem>>[vector<16xi32>], vector<16xf32>,
      %add3A_2875 = arith.addf %add3A_2851, %gather3A_2874 : vector<16xf32>
      %get3A_2876 = arith.constant 12 : i32
      %get3A_2877 = arith.index_cast %get3A_2876 : i32 to index
      %get3A_2878 = arith.constant 96 : index
      %get3A_2879 = tpu.vector_load %arg8[%get3A_2877, %get3A_2878] {strides = array<i32>} : memref<16x200xi32, #tpu.memory_space<vmem>>, vector<16xi32>,
      %gather3A_2880 = tpu.vector_load_idx %arg6[%get3A_2879] : memref<100000xf32, #tpu.memory_space<vmem>>[vector<16xi32>], vector<16xf32>,
      %add3A_2881 = arith.addf %add3A_2857, %gather3A_2880 : vector<16xf32>
      %get3A_2882 = arith.constant 12 : i32
      %get3A_2883 = arith.index_cast %get3A_2882 : i32 to index
      %get3A_2884 = arith.constant 112 : index
      %get3A_2885 = tpu.vector_load %arg8[%get3A_2883, %get3A_2884] {strides = array<i32>} : memref<16x200xi32, #tpu.memory_space<vmem>>, vector<16xi32>,
      %gather3A_2886 = tpu.vector_load_idx %arg6[%get3A_2885] : memref<100000xf32, #tpu.memory_space<vmem>>[vector<16xi32>], vector<16xf32>,
      %add3A_2887 = arith.addf %add3A_2863, %gather3A_2886 : vector<16xf32>
      %get3A_2888 = arith.constant 12 : i32
      %get3A_2889 = arith.index_cast %get3A_2888 : i32 to index
      %get3A_2890 = arith.constant 128 : index
      %get3A_2891 = tpu.vector_load %arg8[%get3A_2889, %get3A_2890] {strides = array<i32>} : memref<16x200xi32, #tpu.memory_space<vmem>>, vector<16xi32>,
      %gather3A_2892 = tpu.vector_load_idx %arg6[%get3A_2891] : memref<100000xf32, #tpu.memory_space<vmem>>[vector<16xi32>], vector<16xf32>,
      %add3A_2893 = arith.addf %add3A_2869, %gather3A_2892 : vector<16xf32>
      %get3A_2894 = arith.constant 12 : i32
      %get3A_2895 = arith.index_cast %get3A_2894 : i32 to index
      %get3A_2896 = arith.constant 144 : index
      %get3A_2897 = tpu.vector_load %arg8[%get3A_2895, %get3A_2896] {strides = array<i32>} : memref<16x200xi32, #tpu.memory_space<vmem>>, vector<16xi32>,
      %gather3A_2898 = tpu.vector_load_idx %arg6[%get3A_2897] : memref<100000xf32, #tpu.memory_space<vmem>>[vector<16xi32>], vector<16xf32>,
      %add3A_2899 = arith.addf %add3A_2875, %gather3A_2898 : vector<16xf32>
      %get3A_2900 = arith.constant 12 : i32
      %get3A_2901 = arith.index_cast %get3A_2900 : i32 to index
      %get3A_2902 = arith.constant 160 : index
      %get3A_2903 = tpu.vector_load %arg8[%get3A_2901, %get3A_2902] {strides = array<i32>} : memref<16x200xi32, #tpu.memory_space<vmem>>, vector<16xi32>,
      %gather3A_2904 = tpu.vector_load_idx %arg6[%get3A_2903] : memref<100000xf32, #tpu.memory_space<vmem>>[vector<16xi32>], vector<16xf32>,
      %add3A_2905 = arith.addf %add3A_2881, %gather3A_2904 : vector<16xf32>
      %get3A_2906 = arith.constant 12 : i32
      %get3A_2907 = arith.index_cast %get3A_2906 : i32 to index
      %get3A_2908 = arith.constant 176 : index
      %get3A_2909 = tpu.vector_load %arg8[%get3A_2907, %get3A_2908] {strides = array<i32>} : memref<16x200xi32, #tpu.memory_space<vmem>>, vector<16xi32>,
      %gather3A_2910 = tpu.vector_load_idx %arg6[%get3A_2909] : memref<100000xf32, #tpu.memory_space<vmem>>[vector<16xi32>], vector<16xf32>,
      %add3A_2911 = arith.addf %add3A_2887, %gather3A_2910 : vector<16xf32>
      %get3A_2912 = arith.constant 12 : i32
      %get3A_2913 = arith.index_cast %get3A_2912 : i32 to index
      %get3A_2914 = arith.constant 184 : index
      %get3A_2915 = tpu.vector_load %arg8[%get3A_2913, %get3A_2914] {strides = array<i32>} : memref<16x200xi32, #tpu.memory_space<vmem>>, vector<16xi32>,
      %gather3A_2916 = tpu.vector_load_idx %arg6[%get3A_2915] : memref<100000xf32, #tpu.memory_space<vmem>>[vector<16xi32>], vector<16xf32>,
      %mul3A_2917 = arith.mulf %gather3A_2916, %select_n3A : vector<16xf32>
      %add3A_2918 = arith.addf %add3A_2893, %add3A_2899 : vector<16xf32>
      %add3A_2919 = arith.addf %add3A_2905, %add3A_2911 : vector<16xf32>
      %add3A_2920 = arith.addf %add3A_2918, %add3A_2919 : vector<16xf32>
      %add3A_2921 = arith.addf %add3A_2920, %mul3A_2917 : vector<16xf32>
      %reduce_sum3A_2922 = arith.constant true
      %reduce_sum3A_2923 = vector.broadcast %reduce_sum3A_2922 : i1 to vector<16xi1>
      %reduce_sum3A_2924 = tpu.scan <sum>, %add3A_2921 masked %reduce_sum3A_2923 : vector<16xf32>, vector<16xi1> -> vector<16xf32>
      %reduce_sum3A_2925 = vector.extract %reduce_sum3A_2924[15] : f32 from vector<16xf32>
      %broadcast_in_dim3A_2926 = vector.broadcast %reduce_sum3A_2925 : f32 to vector<16xf32>
      %eq3A_2927 = arith.constant 12 : i32
      %eq3A_2928 = vector.broadcast %eq3A_2927 : i32 to vector<16xi32>
      %eq3A_2929 = arith.cmpi eq, %iota3A, %eq3A_2928 : vector<16xi32>
      %select_n3A_2930 = arith.select %eq3A_2929, %broadcast_in_dim3A_2926, %select_n3A_2831 : vector<16xi1>, vector<16xf32>
      %broadcast_in_dim3A_2931 = arith.constant 0.000000e+00 : f32
      %broadcast_in_dim3A_2932 = vector.broadcast %broadcast_in_dim3A_2931 : f32 to vector<16xf32>
      %broadcast_in_dim3A_2933 = arith.constant 0.000000e+00 : f32
      %broadcast_in_dim3A_2934 = vector.broadcast %broadcast_in_dim3A_2933 : f32 to vector<16xf32>
      %broadcast_in_dim3A_2935 = arith.constant 0.000000e+00 : f32
      %broadcast_in_dim3A_2936 = vector.broadcast %broadcast_in_dim3A_2935 : f32 to vector<16xf32>
      %broadcast_in_dim3A_2937 = arith.constant 0.000000e+00 : f32
      %broadcast_in_dim3A_2938 = vector.broadcast %broadcast_in_dim3A_2937 : f32 to vector<16xf32>
      %get3A_2939 = arith.constant 13 : i32
      %get3A_2940 = arith.index_cast %get3A_2939 : i32 to index
      %get3A_2941 = arith.constant 0 : index
      %get3A_2942 = tpu.vector_load %arg8[%get3A_2940, %get3A_2941] {strides = array<i32>} : memref<16x200xi32, #tpu.memory_space<vmem>>, vector<16xi32>,
      %gather3A_2943 = tpu.vector_load_idx %arg6[%get3A_2942] : memref<100000xf32, #tpu.memory_space<vmem>>[vector<16xi32>], vector<16xf32>,
      %add3A_2944 = arith.addf %broadcast_in_dim3A_2932, %gather3A_2943 : vector<16xf32>
      %get3A_2945 = arith.constant 13 : i32
      %get3A_2946 = arith.index_cast %get3A_2945 : i32 to index
      %get3A_2947 = arith.constant 16 : index
      %get3A_2948 = tpu.vector_load %arg8[%get3A_2946, %get3A_2947] {strides = array<i32>} : memref<16x200xi32, #tpu.memory_space<vmem>>, vector<16xi32>,
      %gather3A_2949 = tpu.vector_load_idx %arg6[%get3A_2948] : memref<100000xf32, #tpu.memory_space<vmem>>[vector<16xi32>], vector<16xf32>,
      %add3A_2950 = arith.addf %broadcast_in_dim3A_2934, %gather3A_2949 : vector<16xf32>
      %get3A_2951 = arith.constant 13 : i32
      %get3A_2952 = arith.index_cast %get3A_2951 : i32 to index
      %get3A_2953 = arith.constant 32 : index
      %get3A_2954 = tpu.vector_load %arg8[%get3A_2952, %get3A_2953] {strides = array<i32>} : memref<16x200xi32, #tpu.memory_space<vmem>>, vector<16xi32>,
      %gather3A_2955 = tpu.vector_load_idx %arg6[%get3A_2954] : memref<100000xf32, #tpu.memory_space<vmem>>[vector<16xi32>], vector<16xf32>,
      %add3A_2956 = arith.addf %broadcast_in_dim3A_2936, %gather3A_2955 : vector<16xf32>
      %get3A_2957 = arith.constant 13 : i32
      %get3A_2958 = arith.index_cast %get3A_2957 : i32 to index
      %get3A_2959 = arith.constant 48 : index
      %get3A_2960 = tpu.vector_load %arg8[%get3A_2958, %get3A_2959] {strides = array<i32>} : memref<16x200xi32, #tpu.memory_space<vmem>>, vector<16xi32>,
      %gather3A_2961 = tpu.vector_load_idx %arg6[%get3A_2960] : memref<100000xf32, #tpu.memory_space<vmem>>[vector<16xi32>], vector<16xf32>,
      %add3A_2962 = arith.addf %broadcast_in_dim3A_2938, %gather3A_2961 : vector<16xf32>
      %get3A_2963 = arith.constant 13 : i32
      %get3A_2964 = arith.index_cast %get3A_2963 : i32 to index
      %get3A_2965 = arith.constant 64 : index
      %get3A_2966 = tpu.vector_load %arg8[%get3A_2964, %get3A_2965] {strides = array<i32>} : memref<16x200xi32, #tpu.memory_space<vmem>>, vector<16xi32>,
      %gather3A_2967 = tpu.vector_load_idx %arg6[%get3A_2966] : memref<100000xf32, #tpu.memory_space<vmem>>[vector<16xi32>], vector<16xf32>,
      %add3A_2968 = arith.addf %add3A_2944, %gather3A_2967 : vector<16xf32>
      %get3A_2969 = arith.constant 13 : i32
      %get3A_2970 = arith.index_cast %get3A_2969 : i32 to index
      %get3A_2971 = arith.constant 80 : index
      %get3A_2972 = tpu.vector_load %arg8[%get3A_2970, %get3A_2971] {strides = array<i32>} : memref<16x200xi32, #tpu.memory_space<vmem>>, vector<16xi32>,
      %gather3A_2973 = tpu.vector_load_idx %arg6[%get3A_2972] : memref<100000xf32, #tpu.memory_space<vmem>>[vector<16xi32>], vector<16xf32>,
      %add3A_2974 = arith.addf %add3A_2950, %gather3A_2973 : vector<16xf32>
      %get3A_2975 = arith.constant 13 : i32
      %get3A_2976 = arith.index_cast %get3A_2975 : i32 to index
      %get3A_2977 = arith.constant 96 : index
      %get3A_2978 = tpu.vector_load %arg8[%get3A_2976, %get3A_2977] {strides = array<i32>} : memref<16x200xi32, #tpu.memory_space<vmem>>, vector<16xi32>,
      %gather3A_2979 = tpu.vector_load_idx %arg6[%get3A_2978] : memref<100000xf32, #tpu.memory_space<vmem>>[vector<16xi32>], vector<16xf32>,
      %add3A_2980 = arith.addf %add3A_2956, %gather3A_2979 : vector<16xf32>
      %get3A_2981 = arith.constant 13 : i32
      %get3A_2982 = arith.index_cast %get3A_2981 : i32 to index
      %get3A_2983 = arith.constant 112 : index
      %get3A_2984 = tpu.vector_load %arg8[%get3A_2982, %get3A_2983] {strides = array<i32>} : memref<16x200xi32, #tpu.memory_space<vmem>>, vector<16xi32>,
      %gather3A_2985 = tpu.vector_load_idx %arg6[%get3A_2984] : memref<100000xf32, #tpu.memory_space<vmem>>[vector<16xi32>], vector<16xf32>,
      %add3A_2986 = arith.addf %add3A_2962, %gather3A_2985 : vector<16xf32>
      %get3A_2987 = arith.constant 13 : i32
      %get3A_2988 = arith.index_cast %get3A_2987 : i32 to index
      %get3A_2989 = arith.constant 128 : index
      %get3A_2990 = tpu.vector_load %arg8[%get3A_2988, %get3A_2989] {strides = array<i32>} : memref<16x200xi32, #tpu.memory_space<vmem>>, vector<16xi32>,
      %gather3A_2991 = tpu.vector_load_idx %arg6[%get3A_2990] : memref<100000xf32, #tpu.memory_space<vmem>>[vector<16xi32>], vector<16xf32>,
      %add3A_2992 = arith.addf %add3A_2968, %gather3A_2991 : vector<16xf32>
      %get3A_2993 = arith.constant 13 : i32
      %get3A_2994 = arith.index_cast %get3A_2993 : i32 to index
      %get3A_2995 = arith.constant 144 : index
      %get3A_2996 = tpu.vector_load %arg8[%get3A_2994, %get3A_2995] {strides = array<i32>} : memref<16x200xi32, #tpu.memory_space<vmem>>, vector<16xi32>,
      %gather3A_2997 = tpu.vector_load_idx %arg6[%get3A_2996] : memref<100000xf32, #tpu.memory_space<vmem>>[vector<16xi32>], vector<16xf32>,
      %add3A_2998 = arith.addf %add3A_2974, %gather3A_2997 : vector<16xf32>
      %get3A_2999 = arith.constant 13 : i32
      %get3A_3000 = arith.index_cast %get3A_2999 : i32 to index
      %get3A_3001 = arith.constant 160 : index
      %get3A_3002 = tpu.vector_load %arg8[%get3A_3000, %get3A_3001] {strides = array<i32>} : memref<16x200xi32, #tpu.memory_space<vmem>>, vector<16xi32>,
      %gather3A_3003 = tpu.vector_load_idx %arg6[%get3A_3002] : memref<100000xf32, #tpu.memory_space<vmem>>[vector<16xi32>], vector<16xf32>,
      %add3A_3004 = arith.addf %add3A_2980, %gather3A_3003 : vector<16xf32>
      %get3A_3005 = arith.constant 13 : i32
      %get3A_3006 = arith.index_cast %get3A_3005 : i32 to index
      %get3A_3007 = arith.constant 176 : index
      %get3A_3008 = tpu.vector_load %arg8[%get3A_3006, %get3A_3007] {strides = array<i32>} : memref<16x200xi32, #tpu.memory_space<vmem>>, vector<16xi32>,
      %gather3A_3009 = tpu.vector_load_idx %arg6[%get3A_3008] : memref<100000xf32, #tpu.memory_space<vmem>>[vector<16xi32>], vector<16xf32>,
      %add3A_3010 = arith.addf %add3A_2986, %gather3A_3009 : vector<16xf32>
      %get3A_3011 = arith.constant 13 : i32
      %get3A_3012 = arith.index_cast %get3A_3011 : i32 to index
      %get3A_3013 = arith.constant 184 : index
      %get3A_3014 = tpu.vector_load %arg8[%get3A_3012, %get3A_3013] {strides = array<i32>} : memref<16x200xi32, #tpu.memory_space<vmem>>, vector<16xi32>,
      %gather3A_3015 = tpu.vector_load_idx %arg6[%get3A_3014] : memref<100000xf32, #tpu.memory_space<vmem>>[vector<16xi32>], vector<16xf32>,
      %mul3A_3016 = arith.mulf %gather3A_3015, %select_n3A : vector<16xf32>
      %add3A_3017 = arith.addf %add3A_2992, %add3A_2998 : vector<16xf32>
      %add3A_3018 = arith.addf %add3A_3004, %add3A_3010 : vector<16xf32>
      %add3A_3019 = arith.addf %add3A_3017, %add3A_3018 : vector<16xf32>
      %add3A_3020 = arith.addf %add3A_3019, %mul3A_3016 : vector<16xf32>
      %reduce_sum3A_3021 = arith.constant true
      %reduce_sum3A_3022 = vector.broadcast %reduce_sum3A_3021 : i1 to vector<16xi1>
      %reduce_sum3A_3023 = tpu.scan <sum>, %add3A_3020 masked %reduce_sum3A_3022 : vector<16xf32>, vector<16xi1> -> vector<16xf32>
      %reduce_sum3A_3024 = vector.extract %reduce_sum3A_3023[15] : f32 from vector<16xf32>
      %broadcast_in_dim3A_3025 = vector.broadcast %reduce_sum3A_3024 : f32 to vector<16xf32>
      %eq3A_3026 = arith.constant 13 : i32
      %eq3A_3027 = vector.broadcast %eq3A_3026 : i32 to vector<16xi32>
      %eq3A_3028 = arith.cmpi eq, %iota3A, %eq3A_3027 : vector<16xi32>
      %select_n3A_3029 = arith.select %eq3A_3028, %broadcast_in_dim3A_3025, %select_n3A_2930 : vector<16xi1>, vector<16xf32>
      %broadcast_in_dim3A_3030 = arith.constant 0.000000e+00 : f32
      %broadcast_in_dim3A_3031 = vector.broadcast %broadcast_in_dim3A_3030 : f32 to vector<16xf32>
      %broadcast_in_dim3A_3032 = arith.constant 0.000000e+00 : f32
      %broadcast_in_dim3A_3033 = vector.broadcast %broadcast_in_dim3A_3032 : f32 to vector<16xf32>
      %broadcast_in_dim3A_3034 = arith.constant 0.000000e+00 : f32
      %broadcast_in_dim3A_3035 = vector.broadcast %broadcast_in_dim3A_3034 : f32 to vector<16xf32>
      %broadcast_in_dim3A_3036 = arith.constant 0.000000e+00 : f32
      %broadcast_in_dim3A_3037 = vector.broadcast %broadcast_in_dim3A_3036 : f32 to vector<16xf32>
      %get3A_3038 = arith.constant 14 : i32
      %get3A_3039 = arith.index_cast %get3A_3038 : i32 to index
      %get3A_3040 = arith.constant 0 : index
      %get3A_3041 = tpu.vector_load %arg8[%get3A_3039, %get3A_3040] {strides = array<i32>} : memref<16x200xi32, #tpu.memory_space<vmem>>, vector<16xi32>,
      %gather3A_3042 = tpu.vector_load_idx %arg6[%get3A_3041] : memref<100000xf32, #tpu.memory_space<vmem>>[vector<16xi32>], vector<16xf32>,
      %add3A_3043 = arith.addf %broadcast_in_dim3A_3031, %gather3A_3042 : vector<16xf32>
      %get3A_3044 = arith.constant 14 : i32
      %get3A_3045 = arith.index_cast %get3A_3044 : i32 to index
      %get3A_3046 = arith.constant 16 : index
      %get3A_3047 = tpu.vector_load %arg8[%get3A_3045, %get3A_3046] {strides = array<i32>} : memref<16x200xi32, #tpu.memory_space<vmem>>, vector<16xi32>,
      %gather3A_3048 = tpu.vector_load_idx %arg6[%get3A_3047] : memref<100000xf32, #tpu.memory_space<vmem>>[vector<16xi32>], vector<16xf32>,
      %add3A_3049 = arith.addf %broadcast_in_dim3A_3033, %gather3A_3048 : vector<16xf32>
      %get3A_3050 = arith.constant 14 : i32
      %get3A_3051 = arith.index_cast %get3A_3050 : i32 to index
      %get3A_3052 = arith.constant 32 : index
      %get3A_3053 = tpu.vector_load %arg8[%get3A_3051, %get3A_3052] {strides = array<i32>} : memref<16x200xi32, #tpu.memory_space<vmem>>, vector<16xi32>,
      %gather3A_3054 = tpu.vector_load_idx %arg6[%get3A_3053] : memref<100000xf32, #tpu.memory_space<vmem>>[vector<16xi32>], vector<16xf32>,
      %add3A_3055 = arith.addf %broadcast_in_dim3A_3035, %gather3A_3054 : vector<16xf32>
      %get3A_3056 = arith.constant 14 : i32
      %get3A_3057 = arith.index_cast %get3A_3056 : i32 to index
      %get3A_3058 = arith.constant 48 : index
      %get3A_3059 = tpu.vector_load %arg8[%get3A_3057, %get3A_3058] {strides = array<i32>} : memref<16x200xi32, #tpu.memory_space<vmem>>, vector<16xi32>,
      %gather3A_3060 = tpu.vector_load_idx %arg6[%get3A_3059] : memref<100000xf32, #tpu.memory_space<vmem>>[vector<16xi32>], vector<16xf32>,
      %add3A_3061 = arith.addf %broadcast_in_dim3A_3037, %gather3A_3060 : vector<16xf32>
      %get3A_3062 = arith.constant 14 : i32
      %get3A_3063 = arith.index_cast %get3A_3062 : i32 to index
      %get3A_3064 = arith.constant 64 : index
      %get3A_3065 = tpu.vector_load %arg8[%get3A_3063, %get3A_3064] {strides = array<i32>} : memref<16x200xi32, #tpu.memory_space<vmem>>, vector<16xi32>,
      %gather3A_3066 = tpu.vector_load_idx %arg6[%get3A_3065] : memref<100000xf32, #tpu.memory_space<vmem>>[vector<16xi32>], vector<16xf32>,
      %add3A_3067 = arith.addf %add3A_3043, %gather3A_3066 : vector<16xf32>
      %get3A_3068 = arith.constant 14 : i32
      %get3A_3069 = arith.index_cast %get3A_3068 : i32 to index
      %get3A_3070 = arith.constant 80 : index
      %get3A_3071 = tpu.vector_load %arg8[%get3A_3069, %get3A_3070] {strides = array<i32>} : memref<16x200xi32, #tpu.memory_space<vmem>>, vector<16xi32>,
      %gather3A_3072 = tpu.vector_load_idx %arg6[%get3A_3071] : memref<100000xf32, #tpu.memory_space<vmem>>[vector<16xi32>], vector<16xf32>,
      %add3A_3073 = arith.addf %add3A_3049, %gather3A_3072 : vector<16xf32>
      %get3A_3074 = arith.constant 14 : i32
      %get3A_3075 = arith.index_cast %get3A_3074 : i32 to index
      %get3A_3076 = arith.constant 96 : index
      %get3A_3077 = tpu.vector_load %arg8[%get3A_3075, %get3A_3076] {strides = array<i32>} : memref<16x200xi32, #tpu.memory_space<vmem>>, vector<16xi32>,
      %gather3A_3078 = tpu.vector_load_idx %arg6[%get3A_3077] : memref<100000xf32, #tpu.memory_space<vmem>>[vector<16xi32>], vector<16xf32>,
      %add3A_3079 = arith.addf %add3A_3055, %gather3A_3078 : vector<16xf32>
      %get3A_3080 = arith.constant 14 : i32
      %get3A_3081 = arith.index_cast %get3A_3080 : i32 to index
      %get3A_3082 = arith.constant 112 : index
      %get3A_3083 = tpu.vector_load %arg8[%get3A_3081, %get3A_3082] {strides = array<i32>} : memref<16x200xi32, #tpu.memory_space<vmem>>, vector<16xi32>,
      %gather3A_3084 = tpu.vector_load_idx %arg6[%get3A_3083] : memref<100000xf32, #tpu.memory_space<vmem>>[vector<16xi32>], vector<16xf32>,
      %add3A_3085 = arith.addf %add3A_3061, %gather3A_3084 : vector<16xf32>
      %get3A_3086 = arith.constant 14 : i32
      %get3A_3087 = arith.index_cast %get3A_3086 : i32 to index
      %get3A_3088 = arith.constant 128 : index
      %get3A_3089 = tpu.vector_load %arg8[%get3A_3087, %get3A_3088] {strides = array<i32>} : memref<16x200xi32, #tpu.memory_space<vmem>>, vector<16xi32>,
      %gather3A_3090 = tpu.vector_load_idx %arg6[%get3A_3089] : memref<100000xf32, #tpu.memory_space<vmem>>[vector<16xi32>], vector<16xf32>,
      %add3A_3091 = arith.addf %add3A_3067, %gather3A_3090 : vector<16xf32>
      %get3A_3092 = arith.constant 14 : i32
      %get3A_3093 = arith.index_cast %get3A_3092 : i32 to index
      %get3A_3094 = arith.constant 144 : index
      %get3A_3095 = tpu.vector_load %arg8[%get3A_3093, %get3A_3094] {strides = array<i32>} : memref<16x200xi32, #tpu.memory_space<vmem>>, vector<16xi32>,
      %gather3A_3096 = tpu.vector_load_idx %arg6[%get3A_3095] : memref<100000xf32, #tpu.memory_space<vmem>>[vector<16xi32>], vector<16xf32>,
      %add3A_3097 = arith.addf %add3A_3073, %gather3A_3096 : vector<16xf32>
      %get3A_3098 = arith.constant 14 : i32
      %get3A_3099 = arith.index_cast %get3A_3098 : i32 to index
      %get3A_3100 = arith.constant 160 : index
      %get3A_3101 = tpu.vector_load %arg8[%get3A_3099, %get3A_3100] {strides = array<i32>} : memref<16x200xi32, #tpu.memory_space<vmem>>, vector<16xi32>,
      %gather3A_3102 = tpu.vector_load_idx %arg6[%get3A_3101] : memref<100000xf32, #tpu.memory_space<vmem>>[vector<16xi32>], vector<16xf32>,
      %add3A_3103 = arith.addf %add3A_3079, %gather3A_3102 : vector<16xf32>
      %get3A_3104 = arith.constant 14 : i32
      %get3A_3105 = arith.index_cast %get3A_3104 : i32 to index
      %get3A_3106 = arith.constant 176 : index
      %get3A_3107 = tpu.vector_load %arg8[%get3A_3105, %get3A_3106] {strides = array<i32>} : memref<16x200xi32, #tpu.memory_space<vmem>>, vector<16xi32>,
      %gather3A_3108 = tpu.vector_load_idx %arg6[%get3A_3107] : memref<100000xf32, #tpu.memory_space<vmem>>[vector<16xi32>], vector<16xf32>,
      %add3A_3109 = arith.addf %add3A_3085, %gather3A_3108 : vector<16xf32>
      %get3A_3110 = arith.constant 14 : i32
      %get3A_3111 = arith.index_cast %get3A_3110 : i32 to index
      %get3A_3112 = arith.constant 184 : index
      %get3A_3113 = tpu.vector_load %arg8[%get3A_3111, %get3A_3112] {strides = array<i32>} : memref<16x200xi32, #tpu.memory_space<vmem>>, vector<16xi32>,
      %gather3A_3114 = tpu.vector_load_idx %arg6[%get3A_3113] : memref<100000xf32, #tpu.memory_space<vmem>>[vector<16xi32>], vector<16xf32>,
      %mul3A_3115 = arith.mulf %gather3A_3114, %select_n3A : vector<16xf32>
      %add3A_3116 = arith.addf %add3A_3091, %add3A_3097 : vector<16xf32>
      %add3A_3117 = arith.addf %add3A_3103, %add3A_3109 : vector<16xf32>
      %add3A_3118 = arith.addf %add3A_3116, %add3A_3117 : vector<16xf32>
      %add3A_3119 = arith.addf %add3A_3118, %mul3A_3115 : vector<16xf32>
      %reduce_sum3A_3120 = arith.constant true
      %reduce_sum3A_3121 = vector.broadcast %reduce_sum3A_3120 : i1 to vector<16xi1>
      %reduce_sum3A_3122 = tpu.scan <sum>, %add3A_3119 masked %reduce_sum3A_3121 : vector<16xf32>, vector<16xi1> -> vector<16xf32>
      %reduce_sum3A_3123 = vector.extract %reduce_sum3A_3122[15] : f32 from vector<16xf32>
      %broadcast_in_dim3A_3124 = vector.broadcast %reduce_sum3A_3123 : f32 to vector<16xf32>
      %eq3A_3125 = arith.constant 14 : i32
      %eq3A_3126 = vector.broadcast %eq3A_3125 : i32 to vector<16xi32>
      %eq3A_3127 = arith.cmpi eq, %iota3A, %eq3A_3126 : vector<16xi32>
      %select_n3A_3128 = arith.select %eq3A_3127, %broadcast_in_dim3A_3124, %select_n3A_3029 : vector<16xi1>, vector<16xf32>
      %broadcast_in_dim3A_3129 = arith.constant 0.000000e+00 : f32
      %broadcast_in_dim3A_3130 = vector.broadcast %broadcast_in_dim3A_3129 : f32 to vector<16xf32>
      %broadcast_in_dim3A_3131 = arith.constant 0.000000e+00 : f32
      %broadcast_in_dim3A_3132 = vector.broadcast %broadcast_in_dim3A_3131 : f32 to vector<16xf32>
      %broadcast_in_dim3A_3133 = arith.constant 0.000000e+00 : f32
      %broadcast_in_dim3A_3134 = vector.broadcast %broadcast_in_dim3A_3133 : f32 to vector<16xf32>
      %broadcast_in_dim3A_3135 = arith.constant 0.000000e+00 : f32
      %broadcast_in_dim3A_3136 = vector.broadcast %broadcast_in_dim3A_3135 : f32 to vector<16xf32>
      %get3A_3137 = arith.constant 15 : i32
      %get3A_3138 = arith.index_cast %get3A_3137 : i32 to index
      %get3A_3139 = arith.constant 0 : index
      %get3A_3140 = tpu.vector_load %arg8[%get3A_3138, %get3A_3139] {strides = array<i32>} : memref<16x200xi32, #tpu.memory_space<vmem>>, vector<16xi32>,
      %gather3A_3141 = tpu.vector_load_idx %arg6[%get3A_3140] : memref<100000xf32, #tpu.memory_space<vmem>>[vector<16xi32>], vector<16xf32>,
      %add3A_3142 = arith.addf %broadcast_in_dim3A_3130, %gather3A_3141 : vector<16xf32>
      %get3A_3143 = arith.constant 15 : i32
      %get3A_3144 = arith.index_cast %get3A_3143 : i32 to index
      %get3A_3145 = arith.constant 16 : index
      %get3A_3146 = tpu.vector_load %arg8[%get3A_3144, %get3A_3145] {strides = array<i32>} : memref<16x200xi32, #tpu.memory_space<vmem>>, vector<16xi32>,
      %gather3A_3147 = tpu.vector_load_idx %arg6[%get3A_3146] : memref<100000xf32, #tpu.memory_space<vmem>>[vector<16xi32>], vector<16xf32>,
      %add3A_3148 = arith.addf %broadcast_in_dim3A_3132, %gather3A_3147 : vector<16xf32>
      %get3A_3149 = arith.constant 15 : i32
      %get3A_3150 = arith.index_cast %get3A_3149 : i32 to index
      %get3A_3151 = arith.constant 32 : index
      %get3A_3152 = tpu.vector_load %arg8[%get3A_3150, %get3A_3151] {strides = array<i32>} : memref<16x200xi32, #tpu.memory_space<vmem>>, vector<16xi32>,
      %gather3A_3153 = tpu.vector_load_idx %arg6[%get3A_3152] : memref<100000xf32, #tpu.memory_space<vmem>>[vector<16xi32>], vector<16xf32>,
      %add3A_3154 = arith.addf %broadcast_in_dim3A_3134, %gather3A_3153 : vector<16xf32>
      %get3A_3155 = arith.constant 15 : i32
      %get3A_3156 = arith.index_cast %get3A_3155 : i32 to index
      %get3A_3157 = arith.constant 48 : index
      %get3A_3158 = tpu.vector_load %arg8[%get3A_3156, %get3A_3157] {strides = array<i32>} : memref<16x200xi32, #tpu.memory_space<vmem>>, vector<16xi32>,
      %gather3A_3159 = tpu.vector_load_idx %arg6[%get3A_3158] : memref<100000xf32, #tpu.memory_space<vmem>>[vector<16xi32>], vector<16xf32>,
      %add3A_3160 = arith.addf %broadcast_in_dim3A_3136, %gather3A_3159 : vector<16xf32>
      %get3A_3161 = arith.constant 15 : i32
      %get3A_3162 = arith.index_cast %get3A_3161 : i32 to index
      %get3A_3163 = arith.constant 64 : index
      %get3A_3164 = tpu.vector_load %arg8[%get3A_3162, %get3A_3163] {strides = array<i32>} : memref<16x200xi32, #tpu.memory_space<vmem>>, vector<16xi32>,
      %gather3A_3165 = tpu.vector_load_idx %arg6[%get3A_3164] : memref<100000xf32, #tpu.memory_space<vmem>>[vector<16xi32>], vector<16xf32>,
      %add3A_3166 = arith.addf %add3A_3142, %gather3A_3165 : vector<16xf32>
      %get3A_3167 = arith.constant 15 : i32
      %get3A_3168 = arith.index_cast %get3A_3167 : i32 to index
      %get3A_3169 = arith.constant 80 : index
      %get3A_3170 = tpu.vector_load %arg8[%get3A_3168, %get3A_3169] {strides = array<i32>} : memref<16x200xi32, #tpu.memory_space<vmem>>, vector<16xi32>,
      %gather3A_3171 = tpu.vector_load_idx %arg6[%get3A_3170] : memref<100000xf32, #tpu.memory_space<vmem>>[vector<16xi32>], vector<16xf32>,
      %add3A_3172 = arith.addf %add3A_3148, %gather3A_3171 : vector<16xf32>
      %get3A_3173 = arith.constant 15 : i32
      %get3A_3174 = arith.index_cast %get3A_3173 : i32 to index
      %get3A_3175 = arith.constant 96 : index
      %get3A_3176 = tpu.vector_load %arg8[%get3A_3174, %get3A_3175] {strides = array<i32>} : memref<16x200xi32, #tpu.memory_space<vmem>>, vector<16xi32>,
      %gather3A_3177 = tpu.vector_load_idx %arg6[%get3A_3176] : memref<100000xf32, #tpu.memory_space<vmem>>[vector<16xi32>], vector<16xf32>,
      %add3A_3178 = arith.addf %add3A_3154, %gather3A_3177 : vector<16xf32>
      %get3A_3179 = arith.constant 15 : i32
      %get3A_3180 = arith.index_cast %get3A_3179 : i32 to index
      %get3A_3181 = arith.constant 112 : index
      %get3A_3182 = tpu.vector_load %arg8[%get3A_3180, %get3A_3181] {strides = array<i32>} : memref<16x200xi32, #tpu.memory_space<vmem>>, vector<16xi32>,
      %gather3A_3183 = tpu.vector_load_idx %arg6[%get3A_3182] : memref<100000xf32, #tpu.memory_space<vmem>>[vector<16xi32>], vector<16xf32>,
      %add3A_3184 = arith.addf %add3A_3160, %gather3A_3183 : vector<16xf32>
      %get3A_3185 = arith.constant 15 : i32
      %get3A_3186 = arith.index_cast %get3A_3185 : i32 to index
      %get3A_3187 = arith.constant 128 : index
      %get3A_3188 = tpu.vector_load %arg8[%get3A_3186, %get3A_3187] {strides = array<i32>} : memref<16x200xi32, #tpu.memory_space<vmem>>, vector<16xi32>,
      %gather3A_3189 = tpu.vector_load_idx %arg6[%get3A_3188] : memref<100000xf32, #tpu.memory_space<vmem>>[vector<16xi32>], vector<16xf32>,
      %add3A_3190 = arith.addf %add3A_3166, %gather3A_3189 : vector<16xf32>
      %get3A_3191 = arith.constant 15 : i32
      %get3A_3192 = arith.index_cast %get3A_3191 : i32 to index
      %get3A_3193 = arith.constant 144 : index
      %get3A_3194 = tpu.vector_load %arg8[%get3A_3192, %get3A_3193] {strides = array<i32>} : memref<16x200xi32, #tpu.memory_space<vmem>>, vector<16xi32>,
      %gather3A_3195 = tpu.vector_load_idx %arg6[%get3A_3194] : memref<100000xf32, #tpu.memory_space<vmem>>[vector<16xi32>], vector<16xf32>,
      %add3A_3196 = arith.addf %add3A_3172, %gather3A_3195 : vector<16xf32>
      %get3A_3197 = arith.constant 15 : i32
      %get3A_3198 = arith.index_cast %get3A_3197 : i32 to index
      %get3A_3199 = arith.constant 160 : index
      %get3A_3200 = tpu.vector_load %arg8[%get3A_3198, %get3A_3199] {strides = array<i32>} : memref<16x200xi32, #tpu.memory_space<vmem>>, vector<16xi32>,
      %gather3A_3201 = tpu.vector_load_idx %arg6[%get3A_3200] : memref<100000xf32, #tpu.memory_space<vmem>>[vector<16xi32>], vector<16xf32>,
      %add3A_3202 = arith.addf %add3A_3178, %gather3A_3201 : vector<16xf32>
      %get3A_3203 = arith.constant 15 : i32
      %get3A_3204 = arith.index_cast %get3A_3203 : i32 to index
      %get3A_3205 = arith.constant 176 : index
      %get3A_3206 = tpu.vector_load %arg8[%get3A_3204, %get3A_3205] {strides = array<i32>} : memref<16x200xi32, #tpu.memory_space<vmem>>, vector<16xi32>,
      %gather3A_3207 = tpu.vector_load_idx %arg6[%get3A_3206] : memref<100000xf32, #tpu.memory_space<vmem>>[vector<16xi32>], vector<16xf32>,
      %add3A_3208 = arith.addf %add3A_3184, %gather3A_3207 : vector<16xf32>
      %get3A_3209 = arith.constant 15 : i32
      %get3A_3210 = arith.index_cast %get3A_3209 : i32 to index
      %get3A_3211 = arith.constant 184 : index
      %get3A_3212 = tpu.vector_load %arg8[%get3A_3210, %get3A_3211] {strides = array<i32>} : memref<16x200xi32, #tpu.memory_space<vmem>>, vector<16xi32>,
      %gather3A_3213 = tpu.vector_load_idx %arg6[%get3A_3212] : memref<100000xf32, #tpu.memory_space<vmem>>[vector<16xi32>], vector<16xf32>,
      %mul3A_3214 = arith.mulf %gather3A_3213, %select_n3A : vector<16xf32>
      %add3A_3215 = arith.addf %add3A_3190, %add3A_3196 : vector<16xf32>
      %add3A_3216 = arith.addf %add3A_3202, %add3A_3208 : vector<16xf32>
      %add3A_3217 = arith.addf %add3A_3215, %add3A_3216 : vector<16xf32>
      %add3A_3218 = arith.addf %add3A_3217, %mul3A_3214 : vector<16xf32>
      %reduce_sum3A_3219 = arith.constant true
      %reduce_sum3A_3220 = vector.broadcast %reduce_sum3A_3219 : i1 to vector<16xi1>
      %reduce_sum3A_3221 = tpu.scan <sum>, %add3A_3218 masked %reduce_sum3A_3220 : vector<16xf32>, vector<16xi1> -> vector<16xf32>
      %reduce_sum3A_3222 = vector.extract %reduce_sum3A_3221[15] : f32 from vector<16xf32>
      %broadcast_in_dim3A_3223 = vector.broadcast %reduce_sum3A_3222 : f32 to vector<16xf32>
      %eq3A_3224 = arith.constant 15 : i32
      %eq3A_3225 = vector.broadcast %eq3A_3224 : i32 to vector<16xi32>
      %eq3A_3226 = arith.cmpi eq, %iota3A, %eq3A_3225 : vector<16xi32>
      %select_n3A_3227 = arith.select %eq3A_3226, %broadcast_in_dim3A_3223, %select_n3A_3128 : vector<16xi1>, vector<16xf32>
      %mul3A_3228 = arith.constant 16 : i32
      %mul3A_3229 = arith.muli %add3A_1634, %mul3A_3228 : i32
      %add3A_3230 = vector.broadcast %mul3A_3229 : i32 to vector<16xi32>
      %add3A_3231 = arith.addi %iota3A, %add3A_3230 : vector<16xi32>
      tpu.vector_store_idx %arg9[%add3A_3231], %select_n3A_3227 : memref<256xf32, #tpu.memory_space<vmem>>[vector<16xi32>], vector<16xf32>,
      %add3A_3232 = arith.constant 2 : i32
      %add3A_3233 = arith.addi %add3A_1634, %add3A_3232 : i32
      %lt3A_3234 = arith.constant 16 : i32
      %lt3A_3235 = arith.cmpi slt, %add3A_3233, %lt3A_3234 : i32
      %convert_element_type3A_3236 = arith.extui %lt3A_3235 : i1 to i32
      %cond3A_3237 = arith.constant 0 : i32
      %cond3A_3238 = arith.cmpi ne, %convert_element_type3A_3236, %cond3A_3237 : i32
      scf.if %cond3A_3238 {
        %add3A_3239 = arith.constant 2 : i32
        %add3A_3240 = arith.addi %add3A_1634, %add3A_3239 : i32
        %mul3A_3241 = arith.constant 16 : i32
        %mul3A_3242 = arith.muli %add3A_3240, %mul3A_3241 : i32
        %add3A_3243 = arith.addi %mul3A_0, %mul3A_3242 : i32
        %dma_start3A_3244 = arith.constant 0 : i32
        %dma_start3A_3245 = tpu.memref_slice %arg4[%add3A_3243, %dma_start3A_3244] : memref<4096x200xi32, #tpu.memory_space<hbm>> -> memref<16x200xi32, #tpu.memory_space<hbm>>
        %dma_start3A_3246 = arith.constant 0 : i32
        %dma_start3A_3247 = tpu.memref_slice %arg4[%add3A_3243, %dma_start3A_3246] : memref<4096x200xi32, #tpu.memory_space<hbm>> -> memref<16x200xi32, #tpu.memory_space<hbm>>
        tpu.enqueue_dma source(%dma_start3A_3247 : memref<16x200xi32, #tpu.memory_space<hbm>>) target(%arg8 : memref<16x200xi32, #tpu.memory_space<vmem>>) target_semaphore(%arg12 : memref<!tpu.dma_semaphore, #tpu.memory_space<semaphore_mem>>)
      } else {
      }
    }
    %scan3A_26 = arith.constant 8 : i32
    %mul3A_27 = arith.constant 4096 : i32
    %mul3A_28 = arith.muli %arg0, %mul3A_27 : i32
    %add3A_29 = arith.addi %mul3A_28, %mul3A_0 : i32
    "tpu.region"() ({
      %run_scoped3A = tpu.sem_alloc : memref<!tpu.dma_semaphore, #tpu.memory_space<semaphore_mem>>
      %dma_start3A_30 = tpu.memref_slice %arg5[%add3A_29] : memref<8192xf32, #tpu.memory_space<hbm>> -> memref<256xf32, #tpu.memory_space<hbm>>
      %dma_start3A_31 = tpu.memref_slice %arg5[%add3A_29] : memref<8192xf32, #tpu.memory_space<hbm>> -> memref<256xf32, #tpu.memory_space<hbm>>
      tpu.enqueue_dma source(%arg9 : memref<256xf32, #tpu.memory_space<vmem>>) target(%dma_start3A_31 : memref<256xf32, #tpu.memory_space<hbm>>) target_semaphore(%run_scoped3A : memref<!tpu.dma_semaphore, #tpu.memory_space<semaphore_mem>>)
      %dma_wait3A = tpu.memref_slice %arg5[%add3A_29] : memref<8192xf32, #tpu.memory_space<hbm>> -> memref<256xf32, #tpu.memory_space<hbm>>
      %dma_wait3A_32 = tpu.memref_slice %arg5[%add3A_29] : memref<8192xf32, #tpu.memory_space<hbm>> -> memref<256xf32, #tpu.memory_space<hbm>>
      tpu.wait_dma2 semaphore(%run_scoped3A : memref<!tpu.dma_semaphore, #tpu.memory_space<semaphore_mem>>) src(%arg9 : memref<256xf32, #tpu.memory_space<vmem>>) dst(%dma_wait3A_32 : memref<256xf32, #tpu.memory_space<hbm>>)
      tpu.yield
    }) : () -> ()
    return
  }
}

module attributes {stable_mosaic.version = 14 : i64} {
  func.func @_loss_body(%arg0: memref<8192xf32, #tpu.memory_space<vmem>>, %arg1: memref<2xf32, #tpu.memory_space<smem>>, %arg2: memref<1x1xf32, #tpu.memory_space<smem>>) attributes {dimension_semantics = [], scalar_prefetch = 0 : i64, scratch_operands = 0 : i64, tpu.core_type = #tpu.core_type<tc>} {
    %get3A = arith.constant 0 : index
    %get3A_0 = vector.load %arg0[%get3A] : memref<8192xf32, #tpu.memory_space<vmem>>, vector<4096xf32>
    %get3A_1 = arith.constant 0 : index
    %get3A_2 = memref.load %arg1[%get3A_1] : memref<2xf32, #tpu.memory_space<smem>>
    %add3A = vector.broadcast %get3A_2 : f32 to vector<4096xf32>
    %add3A_3 = arith.addf %get3A_0, %add3A : vector<4096xf32>
    %get3A_4 = arith.constant 4096 : index
    %get3A_5 = vector.load %arg0[%get3A_4] : memref<8192xf32, #tpu.memory_space<vmem>>, vector<4096xf32>
    %get3A_6 = arith.constant 1 : index
    %get3A_7 = memref.load %arg1[%get3A_6] : memref<2xf32, #tpu.memory_space<smem>>
    %add3A_8 = vector.broadcast %get3A_7 : f32 to vector<4096xf32>
    %add3A_9 = arith.addf %get3A_5, %add3A_8 : vector<4096xf32>
    %max3A = arith.maximumf %add3A_3, %add3A_9 : vector<4096xf32>
    %sub3A = arith.subf %add3A_3, %max3A : vector<4096xf32>
    %exp3A = math.exp %sub3A : vector<4096xf32>
    %sub3A_10 = arith.subf %add3A_9, %max3A : vector<4096xf32>
    %exp3A_11 = math.exp %sub3A_10 : vector<4096xf32>
    %add3A_12 = arith.addf %exp3A, %exp3A_11 : vector<4096xf32>
    %log3A = math.log %add3A_12 : vector<4096xf32>
    %add3A_13 = arith.addf %max3A, %log3A : vector<4096xf32>
    %sub3A_14 = arith.subf %add3A_13, %add3A_3 : vector<4096xf32>
    %reduce_sum3A = vector.shape_cast %sub3A_14 : vector<4096xf32> to vector<1x4096xf32>
    %reduce_sum3A_15 = arith.constant dense<0.000000e+00> : vector<1xf32>
    %reduce_sum3A_16 = vector.multi_reduction <add>, %reduce_sum3A, %reduce_sum3A_15 [1] : vector<1x4096xf32> to vector<1xf32>
    %reduce_sum3A_17 = vector.shape_cast %reduce_sum3A_16 : vector<1xf32> to vector<1x1xf32>
    %reduce_sum3A_18 = vector.extract %reduce_sum3A_17[0, 0] : f32 from vector<1x1xf32>
    %div3A = arith.constant 4.096000e+03 : f32
    %div3A_19 = arith.divf %reduce_sum3A_18, %div3A : f32
    %swap3A = arith.constant 0 : index
    %swap3A_20 = arith.constant 0 : index
    %swap3A_21 = memref.load %arg2[%swap3A, %swap3A_20] : memref<1x1xf32, #tpu.memory_space<smem>>
    memref.store %div3A_19, %arg2[%swap3A, %swap3A_20] : memref<1x1xf32, #tpu.memory_space<smem>>
    return
  }
}

module attributes {stable_mosaic.version = 14 : i64} {
  func.func @_proj_body(%arg0: i32, %arg1: memref<20480x128xf32, #tpu.memory_space<vmem>>, %arg2: memref<2x128xf32, #tpu.memory_space<vmem>>, %arg3: memref<20480xf32, #tpu.memory_space<vmem>>, %arg4: memref<20480xf32, #tpu.memory_space<vmem>>) attributes {dimension_semantics = [#tpu.dimension_semantics<arbitrary>], iteration_bounds = array<i64: 5>, scalar_prefetch = 0 : i64, scratch_operands = 0 : i64, tpu.core_type = #tpu.core_type<tc>, window_params = [{transform_indices = @transform_0, window_bounds = array<i64: 20480, 128>}, {pipeline_mode = #tpu.pipeline_mode<synchronous>, transform_indices = @transform_1, window_bounds = array<i64: 2, 128>}, {transform_indices = @transform_2, window_bounds = array<i64: 20480>}, {transform_indices = @transform_3, window_bounds = array<i64: 20480>}]} {
    %get3A = arith.constant 0 : index
    %get3A_0 = arith.constant 0 : index
    %get3A_1 = vector.load %arg2[%get3A, %get3A_0] : memref<2x128xf32, #tpu.memory_space<vmem>>, vector<2x128xf32>
    %get3A_2 = arith.constant 0 : index
    %get3A_3 = arith.constant 0 : index
    %get3A_4 = vector.load %arg1[%get3A_2, %get3A_3] : memref<20480x128xf32, #tpu.memory_space<vmem>>, vector<20480x128xf32>
    %dot_general3A = arith.constant dense<0.000000e+00> : vector<2x20480xf32>
    %dot_general3A_5 = tpu.matmul %get3A_1, %get3A_4, %dot_general3A {dimension_numbers = #tpu.dot_dimension_numbers<[1], [1], [0], [0], [0, 0, 1, 0], [], []>, transpose_lhs_hint = false} : vector<2x128xf32>, vector<20480x128xf32>, vector<2x20480xf32> -> vector<2x20480xf32>
    %slice3A = vector.extract_strided_slice %dot_general3A_5 {offsets = [0, 0], sizes = [1, 20480], strides = [1, 1]} : vector<2x20480xf32> to vector<1x20480xf32>
    %squeeze3A = vector.shape_cast %slice3A : vector<1x20480xf32> to vector<20480xf32>
    %swap3A = arith.constant 0 : index
    %swap3A_6 = vector.load %arg3[%swap3A] : memref<20480xf32, #tpu.memory_space<vmem>>, vector<20480xf32>
    tpu.vector_store %arg3[%swap3A], %squeeze3A {strides = array<i32>} : memref<20480xf32, #tpu.memory_space<vmem>>, vector<20480xf32>,
    %slice3A_7 = vector.extract_strided_slice %dot_general3A_5 {offsets = [1, 0], sizes = [1, 20480], strides = [1, 1]} : vector<2x20480xf32> to vector<1x20480xf32>
    %squeeze3A_8 = vector.shape_cast %slice3A_7 : vector<1x20480xf32> to vector<20480xf32>
    %swap3A_9 = arith.constant 0 : index
    %swap3A_10 = vector.load %arg4[%swap3A_9] : memref<20480xf32, #tpu.memory_space<vmem>>, vector<20480xf32>
    tpu.vector_store %arg4[%swap3A_9], %squeeze3A_8 {strides = array<i32>} : memref<20480xf32, #tpu.memory_space<vmem>>, vector<20480xf32>,
    return
  }
  func.func @transform_0(%arg0: i32) -> (i32, i32) {
    %c0_i32 = arith.constant 0 : i32
    %c0_i32_0 = arith.constant 0 : i32
    return %arg0, %c0_i32 : i32, i32
  }
  func.func @transform_1(%arg0: i32) -> (i32, i32) {
    %c0_i32 = arith.constant 0 : i32
    %c0_i32_0 = arith.constant 0 : i32
    %c0_i32_1 = arith.constant 0 : i32
    return %c0_i32, %c0_i32_0 : i32, i32
  }
  func.func @transform_2(%arg0: i32) -> i32 {
    %c0_i32 = arith.constant 0 : i32
    return %arg0 : i32
  }
  func.func @transform_3(%arg0: i32) -> i32 {
    %c0_i32 = arith.constant 0 : i32
    return %arg0 : i32
  }
}

</mosaic_0001>

<sc_bundles>
// kernel: kernel.5.cloned.1.call-start
scs
__scs_entry_jumppad:
0x0: {  	(pc) =	sbr.rel $0x88, $3  }
0x1: {  	(tag) =	ssettag $0x0;
	lr =	simm.s32 $0x1  }
0x2: {  	[smem:$0x3F9D] =	sst lr;
	_ =	strace $0xD0000000  }
0x3: {  	_ = 	snop  }
0x4: {  	_ = 	snop  }
0x5: {  	_ = 	snop  }
0x6: {  	_ = 	snop  }
0x7: {  	_ = 	snop  }
__scs_overlays_trampoline_lowered:
0x8: {  	[smem:$0x3FAC] =	sst s0  }
0x9: {  	[smem:$0x3FAD] =	sst s1  }
0xa: {  	[smem:$0x3FAE] =	sst s2  }
0xb: {  	[smem:$0x3FAF] =	sst s3  }
0xc: {  	[smem:$0x3FB0] =	sst s4  }
0xd: {  	[smem:$0x3FB1] =	sst s5  }
0xe: {  	[smem:$0x3FB2] =	sst s6  }
0xf: {  	[smem:$0x3FB3] =	sst s7  }
0x10: {  	[smem:$0x3FB4] =	sst s8  }
0x11: {  	[smem:$0x3FB5] =	sst s9;
	s0 =	simm.s32 @!p0 $0x0  }
0x12: {  	s1 =	sld [smem:$0x3F9B];
	s0 =	simm.s32 @p0 $0x1  }
0x13: {  	[smem:$0x3FB6] =	sst s0;
	s0 =	simm.s32 @!p1 $0x0  }
0x14: {  	s2 =	sld [smem:$0x3F9A];
	s0 =	simm.s32 @p1 $0x1  }
0x15: {  	[smem:$0x3FB7] =	sst s0;
	s0 =	simm.s32 @!p2 $0x0  }
0x16: {  	s3 =	sld [smem:$0x3FDB];
	s0 =	simm.s32 @p2 $0x1  }
0x17: {  	s4 =	simm.s32 $0x1BF5;
	[smem:$0x3FB9] =	sst s0  }
0x18: {  	s0 =	sld [smem:$0x3F9C];
	_ =	swait.ge [sflag:s4], $0x0  }
0x19: {  	s7 =	sld [smem:$0x3F9D]  }
0x1a: {  	s8 =	sadd.s32 $0xFFFFE003, lr  }
0x1b: {  	s9 =	sadd.s32 $0xFFFFFEF7, lr;
	s5 =	simm.s32 $0xFFFFFFFF;
	p2 =	slt.u32 s8, $0xFFFFF086  }
0x1c: {  	p1 =	slt.u32 s9, $0xF7A;
	s5 =	simm.s32 @!p2 $0x0  }
0x1d: {  	s5 =	simm.s32 @p1 $0x1;
	p0 =	seq.s32 s7, s2  }
0x1e: {  	s7 =	smul.u32 @!p0 $0xF7A, s2;
	p2 =	seq.s32 @!p0 s5, $0x0  }
0x1f: {  	s9 =	smul.u32 $0xF7A, s1;
	s8 =	simm.s32 @!p0 $0x1BF5;
	p2 =	por !p2, p0  }
0x20: {  	[sflag:s8] =	ssyncset.s32 @!p0 $0xFFFFF086;
	s6 =	sadd.s32 @!p0 s3, s7;
	s7 =	simm.s32 @!p0 $0x108  }
0x21: {  	s3 =	sadd.s32 s3, s9;
	s6 =	sadd.s32 @!p0 $0x88, s6;
	s7 =	simm.s32 @p2 $0x1082  }
0x22: {  	[simem:s7], [sflag:s8] =	dma.local @!p0 [hbm:s6], $0xF7A  }
0x23: {  	s9 =	sor.u32 $0xD0000000, s2;
	s6 =	simm.s32 $0x108;
	_ =	swait.ge @!p0 [sflag:s8], $0x0  }
0x24: {  	s3 =	sadd.s32 $0x88, s3;
	s6 =	simm.s32 @!p1 $0x1082;
	[sflag:s4] =	ssyncset.s32 $0xFFFFF086  }
0x25: {  	[simem:s6], [sflag:s4] =	dma.local [hbm:s3], $0xF7A  }
0x26: {  	[smem:$0x3F9D] =	sst s1;
	(tag) =	ssettag s2;
	_ =	strace s9  }
0x27: {  	s1 =	sld [smem:$0x3FAD]  }
0x28: {  	s2 =	sld [smem:$0x3FAE]  }
0x29: {  	s4 =	sld [smem:$0x3FB0]  }
0x2a: {  	p0 =	seq.s32 s5, $0x0;
	s5 =	sld [smem:$0x3FB1]  }
0x2b: {  	s6 =	sld [smem:$0x3FB2]  }
0x2c: {  	s7 =	sld [smem:$0x3FB3]  }
0x2d: {  	s3 =	simm.s32 $0x108;
	s8 =	sld [smem:$0x3FB4]  }
0x2e: {  	s3 =	simm.s32 @!p0 $0x1082;
	s9 =	sld [smem:$0x3FB5]  }
0x2f: {  	lr =	sadd.s32 s0, s3;
	s0 =	sld [smem:$0x3FAC]  }
0x30: {  	s3 =	sld [smem:$0x3FAF]  }
0x31: {  	[smem:$0x3FB8] =	sst s10  }
0x32: {  	s10 =	sld [smem:$0x3FB6];
	_ =	sdelay $0x3  }
0x33: {  	p0 =	seq.s32 s10, $0x1;
	s10 =	sld [smem:$0x3FB8];
	_ =	sdelay $0x3  }
0x34: {  	[smem:$0x3FB8] =	sst s10  }
0x35: {  	s10 =	sld [smem:$0x3FB7];
	_ =	sdelay $0x3  }
0x36: {  	p1 =	seq.s32 s10, $0x1;
	s10 =	sld [smem:$0x3FB8];
	_ =	sdelay $0x3  }
0x37: {  	[smem:$0x3FB8] =	sst s10  }
0x38: {  	s10 =	sld [smem:$0x3FB9]  }
0x39: {  	_ = 	snop;
	(pc) =	sbr.ind lr, $3  }
0x3a: {  	_ = 	snop  }
0x3b: {  	_ = 	snop  }
0x3c: {  	p2 =	seq.s32 s10, $0x1;
	s10 =	sld [smem:$0x3FB8]  }
0x3d: {  	_ =	shalt  }
0x3e: {  	_ =	shalt  }
0x3f: {  	_ =	shalt  }
0x40: {  	_ =	shalt  }
0x41: {  	_ =	shalt  }
0x42: {  	_ =	shalt  }
0x43: {  	_ =	shalt  }
0x44: {  	_ =	shalt  }
0x45: {  	_ =	shalt  }
0x46: {  	_ =	shalt  }
0x47: {  	_ =	shalt  }
0x48: {  	_ =	shalt  }
0x49: {  	_ =	shalt  }
0x4a: {  	_ =	shalt  }
0x4b: {  	_ =	shalt  }
0x4c: {  	_ =	shalt  }
0x4d: {  	_ =	shalt  }
0x4e: {  	_ =	shalt  }
0x4f: {  	_ =	shalt  }
0x50: {  	_ =	shalt  }
0x51: {  	_ =	shalt  }
0x52: {  	_ =	shalt  }
0x53: {  	_ =	shalt  }
0x54: {  	_ =	shalt  }
0x55: {  	_ =	shalt  }
0x56: {  	_ =	shalt  }
0x57: {  	_ =	shalt  }
0x58: {  	_ =	shalt  }
0x59: {  	_ =	shalt  }
0x5a: {  	_ =	shalt  }
0x5b: {  	_ =	shalt  }
0x5c: {  	_ =	shalt  }
0x5d: {  	_ =	shalt  }
0x5e: {  	_ =	shalt  }
0x5f: {  	_ =	shalt  }
0x60: {  	_ =	shalt  }
0x61: {  	_ =	shalt  }
0x62: {  	_ =	shalt  }
0x63: {  	_ =	shalt  }
0x64: {  	_ =	shalt  }
0x65: {  	_ =	shalt  }
0x66: {  	_ =	shalt  }
0x67: {  	_ =	shalt  }
0x68: {  	_ =	shalt  }
0x69: {  	_ =	shalt  }
0x6a: {  	_ =	shalt  }
0x6b: {  	_ =	shalt  }
0x6c: {  	_ =	shalt  }
0x6d: {  	_ =	shalt  }
0x6e: {  	_ =	shalt  }
0x6f: {  	_ =	shalt  }
0x70: {  	_ =	shalt  }
0x71: {  	_ =	shalt  }
0x72: {  	_ =	shalt  }
0x73: {  	_ =	shalt  }
0x74: {  	_ =	shalt  }
0x75: {  	_ =	shalt  }
0x76: {  	_ =	shalt  }
0x77: {  	_ =	shalt  }
0x78: {  	_ =	shalt  }
0x79: {  	_ =	shalt  }
0x7a: {  	_ =	shalt  }
0x7b: {  	_ =	shalt  }
0x7c: {  	_ =	shalt  }
0x7d: {  	_ =	shalt  }
0x7e: {  	_ =	shalt  }
0x7f: {  	_ =	shalt  }
0x80: {  	_ =	shalt  }
0x81: {  	_ =	shalt  }
0x82: {  	_ =	shalt  }
0x83: {  	_ =	shalt  }
0x84: {  	_ =	shalt  }
0x85: {  	_ =	shalt  }
0x86: {  	_ =	shalt  }
0x87: {  	_ =	shalt  }
.Lfunc_end0:
.L_simem_size_0:
called_computation_lowered:
.L_overlay_start_0:
0x88: {  	s2 =	sld [smem:$0x3FD9]  }
0x89: {  	s3 =	sld [smem:$0x3FFE];
	_ =	sdelay $0x1  }
0x8a: {  	s1 =	srdreg.scid  }
0x8b: {  	s0 =	sand.u32 $0x1, s1  }
0x8c: {  	s16 =	sshll.u32 s0, $0xA;
	s2 =	sadd.s32 s3, s2  }
0x8d: {  	s2 =	sadd.s32 s2, s16  }
0x8e: {  	[smem:$0x3FC4] =	sst s2  }
0x8f: {  	_ = 	snop  }
0x90: {  	(tm) =	ssettm $0x1  }
0x91: {  	s17 =	sld [smem:$0x3FFB];
	_ =	sdelay $0x3  }
0x92: {  	_ =	strace s17  }
0x93: {  	s2 =	sld [smem:$0x3FFC];
	_ =	sdelay $0x3  }
0x94: {  	_ =	strace s2  }
0x95: {  	s2 =	sld [smem:$0x3FFD];
	_ =	sdelay $0x3  }
0x96: {  	_ =	strace s2  }
0x97: {  	_ =	strace $0x8FFFFFFF  }
0x98: {  	s18 =	sld [smem:$0x3FDB];
	_ =	sdelay $0x1  }
0x99: {  	s19 =	simm.s32 $_scs_section_size  }
0x9a: {  	s4 =	simm.s32 $_size__tile_overlayer_lowered;
	s5 =	simm.s32 $_tile_overlayer_lowered  }
0x9b: {  	s22 =	simm.s32 $0x1BFF;
	s21 =	sshll.u32 s5, $0x1;
	s2 =	sadd.s32 s19, s18  }
0x9c: {  	s6 =	simm.s32 $0x0;
	s20 =	sshll.u32 s4, $0x1;
	s4 =	sadd.s32 s21, s2  }
0x9d: {  	[timem:s6], [sflag:s22] =	dma.local [hbm:s4], s20  }
0x9e: {  	_ =	swait.ge [sflag:s22], s20  }
0x9f: {  	s3 =	ssub.s32 $0x0, s20;
	[sflag:s22] =	ssyncset.done $0x0  }
0xa0: {  	[sflag:s22] =	ssyncadd.s32 s3;
	_ =	sdelay $0x1  }
0xa1: {  	s23 =	simm.s32 $0x1B8B  }
0xa2: {  	_ =	swait.ge [sflag:s23], $0x1  }
0xa3: {  	[sflag:s23] =	ssyncset.done $0x0  }
0xa4: {  	s25 =	simm.s32 $0x1B8E;
	s24 =	sld [smem:$0x3FFE];
	[sflag:s23] =	ssyncadd.s32 $0xFFFFFFFF  }
0xa5: {  	s26 =	simm.s32 $execute0_lowered;
	[smem:$0x3FD2] =	sst s25  }
0xa6: {  	s4 =	sshll.u32 s26, $0x1;
	_ =	strace $0x80000046;
	[dreg:$0x1] =	wrdreg $0xFFFFFFFF  }
0xa7: {  	s28 =	simm.s32 $_size_execute0_lowered;
	s2 =	sadd.s32 s2, s4;
	[dreg:$0x0] =	wrdreg $0x0  }
0xa8: {  	s4 =	sshll.u32 s28, $0x1;
	[dreg:$0x2] =	wrdreg s2  }
0xa9: {  	[dreg:$0x3] =	wrdreg s4  }
0xaa: {  	[dreg:$0x4] =	wrdreg $0xC0  }
0xab: {  	_ =	task [dreg:s6], $0x5FFFF  }
0xac: {  	[dreg:$0x1] =	wrdreg $0xFFFFFFFF  }
0xad: {  	[dreg:$0x0] =	wrdreg $0x60  }
0xae: {  	[dreg:$0x2] =	wrdreg s24  }
0xaf: {  	[dreg:$0x3] =	wrdreg $0x9  }
0xb0: {  	_ =	task.clear_ibuf [dreg:s6], $0x4FFFF;
	_ =	strace $0x90000046  }
0xb1: {  	s29 =	simm.s32 $0x9;
	_ =	strace $0x80000048  }
0xb2: {  	_ =	swait.ge [sflag:s29], $0x1  }
0xb3: {  	[sflag:s29] =	ssyncadd.s32 $0xFFFFFFFF  }
0xb4: {  	_ =	strace $0x90000048  }
0xb5: {  	_ =	sfence  }
0xb6: {  	s30 =	sld [smem:$0x0];
	_ =	sdelay $0x2  }
0xb7: {  	s31 =	sshll.u32 s1, $0xD;
	s1 =	sshrl.u32 s1, $0x2  }
0xb8: {  	s3 =	sand.u32 $0x4000, s31;
	s1 =	sadd.s32 s1, s30  }
0xb9: {  	s0 =	sor.u32 s3, s0;
	s1 =	sshll.u32 s1, $0x11  }
0xba: {  	s0 =	sor.u32 s1, s0  }
0xbb: {  	s0 =	sadd.s32 $0x8F2B, s0  }
0xbc: {  	[sflag:s0] =	ssyncadd.remote.s32 $0x1  }
0xbd: {  	_ =	sfence.sel $0xFFFF  }
0xbe: {  	[dreg:$0x0] =	wrdreg $0xFFFFFFFF;
	(pc) =	sbr.abs _section_cstart, $3  }
0xbf: {  	[dreg:$0x1] =	wrdreg $0xFFFFFFFF  }
0xc0: {  	_ =	task.clear_ibuf [dreg:s6], $0x2FFFF;
	_ =	strace $0x9FFFFFFF  }
0xc1: {  	(tm) =	ssettm $0x7FFFFFFF  }
tec
execute0_lowered:
.L_overlay_start_1:
0x0: {  	(tag) =	ssettag $0x1  }
0x1: {  	s7 =	rddreg [dreg:$0x0]  }
0x2: {  	s0 =	rddreg [dreg:$0x1]  }
0x3: {  	s2 =	simm.s32 $0x0;
	s3 =	srdreg.scid;
	s1 =	stileid.u32  }
0x4: {  	s10 =	simm.s32 $0x24200;
	s11 =	simm.s32 $0x1;
	s12 =	simm.s32 $0x2  }
0x5: {  	s13 =	simm.s32 $0x1A700;
	s14 =	simm.s32 $0x3;
	s15 =	simm.s32 $0x4  }
0x6: {  	s16 =	simm.s32 $0x0;
	[smem:$0x7FF] =	sst s2;
	s4 =	sand.u32 $0x1, s3  }
0x7: {  	s29 =	sshll.u32 s1, $0xD;
	s30 =	sshll.u32 s1, $0x5;
	_ =	strace $0x80000047  }
0x8: {  	v0 =	vimm.f32 $1.000000000e+00;
	vm0 =	vcmask $0x1F00;
	vm1 =	vmmov $0x3;
	s5 =	ssub.s32 $0x2, s4;
	s8 =	sadd.s32 s29, s7;
	s9 =	sadd.s32 s30, s7  }
.Ltmp0:
0x9: {  	vm2 =	vmmov $0x7;
	vm3 =	vmmov $0xf;
	vm4 =	vmmov $0x1f;
	p0 =	seq.s32 s4, $0x1;
	s31 =	sshll.u32 s4, $0x9;
	(pc) =	sbr.rel .LBB2_1-.Ltmp0, $4  }
0xa: {  	vm5 =	vmmov $0x3f;
	vm6 =	vmmov $0x7f;
	vm7 =	vmmov $0xff;
	s6 =	sshrl.u32 s5, $0x1;
	s3 =	sadd.s32 $0x1000, s8;
	s4 =	sadd.s32 $0x1200, s8  }
0xb: {  	vm8 =	vmmov $0x1ff;
	vm9 =	vmmov $0x3ff;
	vm10 =	vmmov $0x7ff;
	s10 =	simm.s32 @!p0 $0x21000;
	s8 =	sadd.s32 $0x1600, s8;
	s6 =	ssub.s32 s5, s6  }
0xc: {  	vm11 =	vmmov $0xfff;
	vm12 =	vmmov $0x1fff;
	vm13 =	vmmov $0x3fff;
	s5 =	sadd.s32 s31, s9;
	s7 =	sadd.s32 s10, s7;
	s9 =	simm.s32 $0x18700  }
0xd: {  	vm14 =	vmmov $0x7fff;
	v52 =	vsel vm0, $0x0, v0;
	vm0 =	vmmov $0x1;
	s10 =	simm.s32 $0x19700;
	s5 =	sadd.s32 $0x27400, s5;
	s6 =	smax.u32 s6, $0x1  }
.LBB2_4:
0xe: {  	s16 =	sadd.s32 $0x1, s16  }
0xf: {  	p0 =	sne.s32 s16, s6  }
.Ltmp1:
0x10: {  	_ = 	snop;
	(pc) =	sbr.rel @!p0 .LBB2_5-.Ltmp1, $4  }
0x11: {  	[hbm4b:s5+s2] =	stream.linear.scatter [tilespmem:s13], [sflag:$0x4], $0x100, $0x38;
	[tilespmem:$0x1A800] =	vst v63  }
0x12: {  	_ =	swait.ge [sflag:s15], $0x100  }
0x13: {  	[sflag:s15] =	ssyncset.done $0x0  }
0x14: {  	[sflag:s15] =	ssyncadd.s32 $0xFFFFFF00  }
.LBB2_1:
0x15: {  	[tilespmem:s2], [sflag:$0x1] =	stream.linear.gather [hbm4b:s7+s2], $0x18700, $0x38;
	[tilespmem:$0x1A800] =	vst v63  }
0x16: {  	_ = 	snop  }
0x17: {  	[tilespmem:s9], [sflag:$0x2] =	stream.linear.gather [hbm4b:s3+s2], $0x1000, $0x38;
	[tilespmem:$0x1A800] =	vst v63  }
0x18: {  	_ = 	snop  }
0x19: {  	[tilespmem:s10], [sflag:$0x3] =	stream.linear.gather [hbm4b:s4+s2], $0x1000, $0x38;
	[tilespmem:$0x1A800] =	vst v63  }
0x1a: {  	_ =	swait.ge [sflag:s11], $0x18700  }
0x1b: {  	[sflag:s11] =	ssyncset.done $0x0  }
0x1c: {  	s17 =	simm.s32 $0x10;
	s18 =	smov.u32 s8;
	[sflag:s11] =	ssyncadd.s32 $0xFFFE7900  }
.LBB2_2:
0x1d: {  	_ =	swait.ge [sflag:s12], $0x1000  }
0x1e: {  	[sflag:s12] =	ssyncset.done $0x0  }
0x1f: {  	[sflag:s12] =	ssyncadd.s32 $0xFFFFF000  }
0x20: {  	v1 =	vld [tilespmem:$0x18700]  }
0x21: {  	v2 =	vld [tilespmem:$0x18710]  }
0x22: {  	v3 =	vld [tilespmem:$0x18720]  }
0x23: {  	v4 =	vld [tilespmem:$0x18730]  }
0x24: {  	v5 =	vld [tilespmem:$0x18740]  }
0x25: {  	v6 =	vld [tilespmem:$0x18750]  }
0x26: {  	v55 =	vld [tilespmem:$0x18760]  }
0x27: {  	v56 =	vld [tilespmem:$0x18770]  }
0x28: {  	v57 =	vld [tilespmem:$0x18B00]  }
0x29: {  	v58 =	vld [tilespmem:$0x18B10]  }
0x2a: {  	v59 =	vld [tilespmem:$0x18B20]  }
0x2b: {  	v60 =	vld [tilespmem:$0x18B30]  }
0x2c: {  	v61 =	vld [tilespmem:$0x18B38]  }
0x2d: {  	v62 =	vld [tilespmem:$0x18780]  }
0x2e: {  	v63 =	vld [tilespmem:$0x18790]  }
0x2f: {  	v11 =	vld [tilespmem:$0x187A0]  }
0x30: {  	v28 =	vld [tilespmem:$0x187B0]  }
0x31: {  	v29 =	vld [tilespmem:$0x187C0]  }
0x32: {  	v30 =	vld [tilespmem:$0x187D0]  }
0x33: {  	v31 =	vld [tilespmem:$0x187E0]  }
0x34: {  	v32 =	vld [tilespmem:$0x187F0]  }
0x35: {  	v33 =	vld [tilespmem:$0x18B80]  }
0x36: {  	v34 =	vld [tilespmem:$0x18B90]  }
0x37: {  	v35 =	vld [tilespmem:$0x18BA0]  }
0x38: {  	v39 =	vld [tilespmem:$0x18BB0]  }
0x39: {  	v40 =	vld [tilespmem:$0x18BB8]  }
0x3a: {  	v43 =	vld [tilespmem:$0x18800]  }
0x3b: {  	v44 =	vld [tilespmem:$0x18810]  }
0x3c: {  	v45 =	vld [tilespmem:$0x18820]  }
0x3d: {  	v46 =	vld [tilespmem:$0x18830]  }
0x3e: {  	v48 =	vld [tilespmem:$0x18840]  }
0x3f: {  	v50 =	vld [tilespmem:$0x18850]  }
0x40: {  	v13 =	vld [tilespmem:$0x18C20]  }
0x41: {  	v21 =	vld [tilespmem:$0x18C30]  }
0x42: {  	v7 =	vld [tilespmem:$0x18880]  }
0x43: {  	v8 =	vld.idx.msk [tilespmem:v1+s2+$0x0], $0xffff  }
0x44: {  	v9 =	vld.idx.msk [tilespmem:v2+s2+$0x0], $0xffff  }
0x45: {  	v15 =	vld.idx.msk [tilespmem:v3+s2+$0x0], $0xffff  }
0x46: {  	v16 =	vld.idx.msk [tilespmem:v4+s2+$0x0], $0xffff  }
0x47: {  	v10 =	vld.idx.msk [tilespmem:v5+s2+$0x0], $0xffff  }
0x48: {  	v17 =	vld.idx.msk [tilespmem:v55+s2+$0x0], $0xffff  }
0x49: {  	v18 =	vld.idx.msk [tilespmem:v56+s2+$0x0], $0xffff  }
0x4a: {  	v23 =	vld.idx.msk [tilespmem:v57+s2+$0x0], $0xffff  }
0x4b: {  	v26 =	vld.idx.msk [tilespmem:v58+s2+$0x0], $0xffff  }
0x4c: {  	v49 =	vld.idx.msk [tilespmem:v59+s2+$0x0], $0xffff  }
0x4d: {  	v56 =	vld.idx.msk [tilespmem:v60+s2+$0x0], $0xffff  }
0x4e: {  	v14 =	vld.idx.msk [tilespmem:v61+s2+$0x0], $0xffff  }
0x4f: {  	v20 =	vld.idx.msk [tilespmem:v62+s2+$0x0], $0xffff  }
0x50: {  	v25 =	vld.idx.msk [tilespmem:v63+s2+$0x0], $0xffff  }
0x51: {  	v24 =	vld.idx.msk [tilespmem:v11+s2+$0x0], $0xffff  }
0x52: {  	v0 =	vld.idx.msk [tilespmem:v28+s2+$0x0], $0xffff  }
0x53: {  	v57 =	vld.idx.msk [tilespmem:v29+s2+$0x0], $0xffff  }
0x54: {  	v36 =	vld.idx.msk [tilespmem:v30+s2+$0x0], $0xffff  }
0x55: {  	v37 =	vld.idx.msk [tilespmem:v31+s2+$0x0], $0xffff  }
0x56: {  	v38 =	vld.idx.msk [tilespmem:v32+s2+$0x0], $0xffff  }
0x57: {  	v63 =	vld.idx.msk [tilespmem:v33+s2+$0x0], $0xffff  }
0x58: {  	v41 =	vld.idx.msk [tilespmem:v34+s2+$0x0], $0xffff  }
0x59: {  	v42 =	vld.idx.msk [tilespmem:v35+s2+$0x0], $0xffff  }
0x5a: {  	v47 =	vld.idx.msk [tilespmem:v39+s2+$0x0], $0xffff  }
0x5b: {  	v19 =	vld.idx.msk [tilespmem:v40+s2+$0x0], $0xffff  }
0x5c: {  	v51 =	vld.idx.msk [tilespmem:v43+s2+$0x0], $0xffff  }
0x5d: {  	v53 =	vld.idx.msk [tilespmem:v44+s2+$0x0], $0xffff  }
0x5e: {  	v54 =	vld.idx.msk [tilespmem:v45+s2+$0x0], $0xffff  }
0x5f: {  	v55 =	vld.idx.msk [tilespmem:v46+s2+$0x0], $0xffff  }
0x60: {  	v58 =	vld [tilespmem:$0x18860]  }
0x61: {  	v59 =	vld [tilespmem:$0x18870]  }
0x62: {  	v60 =	vld.idx.msk [tilespmem:v48+s2+$0x0], $0xffff  }
0x63: {  	v61 =	vld.idx.msk [tilespmem:v50+s2+$0x0], $0xffff  }
0x64: {  	v62 =	vld [tilespmem:$0x18C00]  }
0x65: {  	v11 =	vld [tilespmem:$0x18C10]  }
0x66: {  	v28 =	vld [tilespmem:$0x18C38]  }
0x67: {  	v30 =	vld.idx.msk [tilespmem:v13+s2+$0x0], $0xffff  }
0x68: {  	v31 =	vld.idx.msk [tilespmem:v21+s2+$0x0], $0xffff  }
0x69: {  	v32 =	vld [tilespmem:$0x18890]  }
0x6a: {  	v33 =	vld [tilespmem:$0x188A0]  }
0x6b: {  	v35 =	vld.idx.msk [tilespmem:v7+s2+$0x0], $0xffff  }
0x6c: {  	v39 =	vld [tilespmem:$0x188E0]  }
0x6d: {  	v43 =	vld [tilespmem:$0x18C80]  }
0x6e: {  	v48 =	vld [tilespmem:$0x18C90]  }
0x6f: {  	v50 =	vld [tilespmem:$0x18CA0]  }
0x70: {  	[tilespmem:$0x1F550] =	vst v36;
	v36 =	vld [tilespmem:$0x188B0]  }
0x71: {  	[tilespmem:$0x1F560] =	vst v37;
	v37 =	vld [tilespmem:$0x188C0]  }
0x72: {  	[tilespmem:$0x1F570] =	vst v38;
	v38 =	vld [tilespmem:$0x188D0]  }
0x73: {  	[tilespmem:$0x1F590] =	vst v42;
	v42 =	vld [tilespmem:$0x188F0]  }
0x74: {  	[tilespmem:$0x1F5D0] =	vst v54;
	v54 =	vld [tilespmem:$0x18CB0]  }
0x75: {  	[tilespmem:$0x1F5E0] =	vst v55;
	v55 =	vld [tilespmem:$0x18CB8]  }
0x76: {  	[tilespmem:$0x1F5F0] =	vst v60;
	v60 =	vld [tilespmem:$0x18920]  }
0x77: {  	[tilespmem:$0x1F600] =	vst v61;
	v61 =	vld [tilespmem:$0x18930]  }
0x78: {  	[tilespmem:$0x1F640] =	vst v30;
	v30 =	vld [tilespmem:$0x18950]  }
0x79: {  	[tilespmem:$0x1F660] =	vst v35;
	v35 =	vld [tilespmem:$0x18D00]  }
0x7a: {  	v22 =	vld.idx.msk [tilespmem:v58+s2+$0x0], $0xffff  }
0x7b: {  	v27 =	vld.idx.msk [tilespmem:v59+s2+$0x0], $0xffff  }
0x7c: {  	v29 =	vld.idx.msk [tilespmem:v62+s2+$0x0], $0xffff  }
0x7d: {  	v62 =	vld.idx.msk [tilespmem:v11+s2+$0x0], $0xffff  }
0x7e: {  	v34 =	vld.idx.msk [tilespmem:v28+s2+$0x0], $0xffff  }
0x7f: {  	v40 =	vld.idx.msk [tilespmem:v32+s2+$0x0], $0xffff  }
0x80: {  	[tilespmem:$0x1F580] =	vst v41;
	v41 =	vld.idx.msk [tilespmem:v33+s2+$0x0], $0xffff  }
0x81: {  	[tilespmem:$0x1F5A0] =	vst v47;
	v47 =	vld.idx.msk [tilespmem:v39+s2+$0x0], $0xffff  }
0x82: {  	[tilespmem:$0x1F5C0] =	vst v53;
	v53 =	vld.idx.msk [tilespmem:v43+s2+$0x0], $0xffff  }
0x83: {  	v58 =	vld [tilespmem:$0x18900]  }
0x84: {  	v59 =	vld [tilespmem:$0x18910]  }
0x85: {  	v28 =	vld.idx.msk [tilespmem:v48+s2+$0x0], $0xffff  }
0x86: {  	v11 =	vld.idx.msk [tilespmem:v50+s2+$0x0], $0xffff  }
0x87: {  	v33 =	vld [tilespmem:$0x18960]  }
0x88: {  	v39 =	vld [tilespmem:$0x18D20]  }
0x89: {  	v43 =	vld [tilespmem:$0x18D38]  }
0x8a: {  	v48 =	vld [tilespmem:$0x189A0]  }
0x8b: {  	v50 =	vld [tilespmem:$0x189B0]  }
0x8c: {  	v44 =	vld.idx.msk [tilespmem:v36+s2+$0x0], $0xffff  }
0x8d: {  	v45 =	vld.idx.msk [tilespmem:v37+s2+$0x0], $0xffff  }
0x8e: {  	v46 =	vld.idx.msk [tilespmem:v38+s2+$0x0], $0xffff  }
0x8f: {  	[tilespmem:$0x1F5B0] =	vst v51;
	v51 =	vld.idx.msk [tilespmem:v42+s2+$0x0], $0xffff  }
0x90: {  	v13 =	vld.idx.msk [tilespmem:v54+s2+$0x0], $0xffff  }
0x91: {  	v21 =	vld.idx.msk [tilespmem:v55+s2+$0x0], $0xffff  }
0x92: {  	[tilespmem:$0x1F630] =	vst v29;
	v29 =	vld [tilespmem:$0x18940]  }
0x93: {  	[tilespmem:$0x1F650] =	vst v31;
	v31 =	vld.idx.msk [tilespmem:v60+s2+$0x0], $0xffff  }
0x94: {  	v32 =	vld.idx.msk [tilespmem:v61+s2+$0x0], $0xffff  }
0x95: {  	[tilespmem:$0x1F770] =	vst v34;
	v34 =	vld [tilespmem:$0x18970]  }
0x96: {  	v36 =	vld [tilespmem:$0x18D10]  }
0x97: {  	v38 =	vld.idx.msk [tilespmem:v30+s2+$0x0], $0xffff  }
0x98: {  	[tilespmem:$0x1F670] =	vst v40;
	v40 =	vld [tilespmem:$0x18D30]  }
0x99: {  	[tilespmem:$0x1F680] =	vst v41;
	v41 =	vld.idx.msk [tilespmem:v35+s2+$0x0], $0xffff  }
0x9a: {  	[tilespmem:$0x1F6C0] =	vst v47;
	v47 =	vld [tilespmem:$0x18990]  }
0x9b: {  	[tilespmem:$0x1F6E0] =	vst v53;
	v53 =	vld [tilespmem:$0x189C0]  }
0x9c: {  	v30 =	vld [tilespmem:$0x18D80]  }
0x9d: {  	v35 =	vld [tilespmem:$0x18DB0]  }
0x9e: {  	[tilespmem:$0x1F610] =	vst v22;
	v22 =	vld.idx.msk [tilespmem:v58+s2+$0x0], $0xffff  }
0x9f: {  	[tilespmem:$0x1F620] =	vst v27;
	v27 =	vld.idx.msk [tilespmem:v59+s2+$0x0], $0xffff  }
0xa0: {  	v54 =	vld.idx.msk [tilespmem:v43+s2+$0x0], $0xffff  }
0xa1: {  	v58 =	vld [tilespmem:$0x189D0]  }
0xa2: {  	v59 =	vld [tilespmem:$0x189E0]  }
0xa3: {  	[tilespmem:$0x1F6D0] =	vst v51;
	v51 =	vld.idx.msk [tilespmem:v33+s2+$0x0], $0xffff  }
0xa4: {  	[tilespmem:$0x1F690] =	vst v44;
	v44 =	vld [tilespmem:$0x18980]  }
0xa5: {  	[tilespmem:$0x1F6A0] =	vst v45;
	v45 =	vld.idx.msk [tilespmem:v39+s2+$0x0], $0xffff  }
0xa6: {  	[tilespmem:$0x1F810] =	vst v21;
	v21 =	vld.idx.msk [tilespmem:v48+s2+$0x0], $0xffff  }
0xa7: {  	v33 =	vld [tilespmem:$0x18D90]  }
0xa8: {  	[tilespmem:$0x1F740] =	vst v38;
	v38 =	vld [tilespmem:$0x18A10]  }
0xa9: {  	[tilespmem:$0x1F750] =	vst v41;
	v41 =	vld [tilespmem:$0x18A30]  }
0xaa: {  	v37 =	vld.idx.msk [tilespmem:v29+s2+$0x0], $0xffff  }
0xab: {  	v61 =	vld.idx.msk [tilespmem:v34+s2+$0x0], $0xffff  }
0xac: {  	v42 =	vld.idx.msk [tilespmem:v36+s2+$0x0], $0xffff  }
0xad: {  	[tilespmem:$0x1F6B0] =	vst v46;
	v46 =	vld.idx.msk [tilespmem:v40+s2+$0x0], $0xffff  }
0xae: {  	v60 =	vld.idx.msk [tilespmem:v47+s2+$0x0], $0xffff  }
0xaf: {  	[tilespmem:$0x1F6F0] =	vst v22;
	v22 =	vld.idx.msk [tilespmem:v50+s2+$0x0], $0xffff  }
0xb0: {  	[tilespmem:$0x1F700] =	vst v27;
	v27 =	vld.idx.msk [tilespmem:v53+s2+$0x0], $0xffff  }
0xb1: {  	v29 =	vld [tilespmem:$0x189F0]  }
0xb2: {  	v34 =	vld [tilespmem:$0x18DA0]  }
0xb3: {  	v36 =	vld [tilespmem:$0x18DB8]  }
0xb4: {  	[tilespmem:$0x1F8F0] =	vst v54;
	v54 =	vld.idx.msk [tilespmem:v30+s2+$0x0], $0xffff  }
0xb5: {  	v48 =	vld.idx.msk [tilespmem:v35+s2+$0x0], $0xffff  }
0xb6: {  	v40 =	vld [tilespmem:$0x18A20]  }
0xb7: {  	v47 =	vld [tilespmem:$0x18A60]  }
0xb8: {  	v50 =	vld [tilespmem:$0x18A70]  }
0xb9: {  	v35 =	vld [tilespmem:$0x18E38]  }
0xba: {  	[tilespmem:$0x1F710] =	vst v31;
	v31 =	vld.idx.msk [tilespmem:v58+s2+$0x0], $0xffff  }
0xbb: {  	[tilespmem:$0x1F720] =	vst v32;
	v32 =	vld.idx.msk [tilespmem:v59+s2+$0x0], $0xffff  }
0xbc: {  	v59 =	vld [tilespmem:$0x18E00]  }
0xbd: {  	v55 =	vld.idx.msk [tilespmem:v44+s2+$0x0], $0xffff  }
0xbe: {  	[tilespmem:$0x1F730] =	vst v37;
	v37 =	vld [tilespmem:$0x18A00]  }
0xbf: {  	v30 =	vld.idx.msk [tilespmem:v33+s2+$0x0], $0xffff  }
0xc0: {  	v43 =	vld.idx.msk [tilespmem:v38+s2+$0x0], $0xffff  }
0xc1: {  	v44 =	vld [tilespmem:$0x18A40]  }
0xc2: {  	[tilespmem:$0x1F790] =	vst v46;
	v46 =	vld [tilespmem:$0x18A50]  }
0xc3: {  	v58 =	vld.idx.msk [tilespmem:v41+s2+$0x0], $0xffff  }
0xc4: {  	[tilespmem:$0x1F7B0] =	vst v60;
	v60 =	vld [tilespmem:$0x18E10]  }
0xc5: {  	[tilespmem:$0x1F780] =	vst v45;
	v45 =	vld.idx.msk [tilespmem:v29+s2+$0x0], $0xffff  }
0xc6: {  	[tilespmem:$0x1F540] =	vst v0;
	v39 =	vld.idx.msk [tilespmem:v36+s2+$0x0], $0xffff  }
0xc7: {  	[tilespmem:$0x1F7C0] =	vst v21;
	v53 =	vld.idx.msk [tilespmem:v40+s2+$0x0], $0xffff  }
0xc8: {  	[tilespmem:$0x1F7E0] =	vst v27;
	v27 =	vld.idx.msk [tilespmem:v47+s2+$0x0], $0xffff  }
0xc9: {  	[tilespmem:$0x1F760] =	vst v42;
	v29 =	vld.idx.msk [tilespmem:v50+s2+$0x0], $0xffff  }
0xca: {  	[tilespmem:$0x1F7F0] =	vst v31;
	v31 =	vld [tilespmem:$0x18E20]  }
0xcb: {  	[tilespmem:$0x1F800] =	vst v32;
	v32 =	vld [tilespmem:$0x18E30]  }
0xcc: {  	[tilespmem:$0x1F7D0] =	vst v22;
	v36 =	vld [tilespmem:$0x18A80]  }
0xcd: {  	[tilespmem:$0x1F7A0] =	vst v55;
	v55 =	vld.idx.msk [tilespmem:v34+s2+$0x0], $0xffff  }
0xce: {  	[tilespmem:$0x1F830] =	vst v43;
	v33 =	vld.idx.msk [tilespmem:v59+s2+$0x0], $0xffff  }
0xcf: {  	[tilespmem:$0x1F850] =	vst v58;
	v42 =	vld.idx.msk [tilespmem:v37+s2+$0x0], $0xffff  }
0xd0: {  	[tilespmem:$0x1F900] =	vst v39;
	v21 =	vld.idx.msk [tilespmem:v44+s2+$0x0], $0xffff  }
0xd1: {  	[tilespmem:$0x1F840] =	vst v53;
	v22 =	vld.idx.msk [tilespmem:v46+s2+$0x0], $0xffff  }
0xd2: {  	[tilespmem:$0x1F880] =	vst v27;
	v34 =	vld.idx.msk [tilespmem:v60+s2+$0x0], $0xffff  }
0xd3: {  	[tilespmem:$0x1F890] =	vst v29;
	v37 =	vld [tilespmem:$0x18A90]  }
0xd4: {  	[tilespmem:$0x1F8A0] =	vst v33;
	v39 =	vld.idx.msk [tilespmem:v32+s2+$0x0], $0xffff  }
0xd5: {  	v38 =	vld [tilespmem:$0x18AA0];
	[tilespmem:$0x1F820] =	vst v42  }
0xd6: {  	v12 =	vld.idx.msk [tilespmem:v6+s2+$0x0], $0xffff;
	[tilespmem:$0x1F860] =	vst v21  }
0xd7: {  	v41 =	vld [tilespmem:$0x18AC0];
	[tilespmem:$0x1F870] =	vst v22  }
0xd8: {  	v40 =	vld [tilespmem:$0x18AB0];
	[tilespmem:$0x1F8B0] =	vst v34  }
0xd9: {  	v53 =	vld.idx.msk [tilespmem:v31+s2+$0x0], $0xffff;
	[tilespmem:$0x1F8C0] =	vst v39  }
0xda: {  	v0 =	vld.idx.msk [tilespmem:v35+s2+$0x0], $0xffff  }
0xdb: {  	v59 =	vld.idx.msk [tilespmem:v36+s2+$0x0], $0xffff  }
0xdc: {  	v60 =	vld.idx.msk [tilespmem:v37+s2+$0x0], $0xffff  }
0xdd: {  	v42 =	vld.idx.msk [tilespmem:v38+s2+$0x0], $0xffff  }
0xde: {  	v2 =	vld [tilespmem:$0x18AD0]  }
0xdf: {  	v43 =	vld [tilespmem:$0x18AE0]  }
0xe0: {  	v50 =	vld.idx.msk [tilespmem:v40+s2+$0x0], $0xffff  }
0xe1: {  	v44 =	vld.idx.msk [tilespmem:v41+s2+$0x0], $0xffff  }
0xe2: {  	v46 =	vld [tilespmem:$0x18AF0]  }
0xe3: {  	v47 =	vld [tilespmem:$0x18E80]  }
0xe4: {  	v58 =	vld [tilespmem:$0x18E90]  }
0xe5: {  	v27 =	vld [tilespmem:$0x18EA0]  }
0xe6: {  	v29 =	vld [tilespmem:$0x18EB0]  }
0xe7: {  	v31 =	vld [tilespmem:$0x18EB8]  }
0xe8: {  	v32 =	vld [tilespmem:$0x18F00]  }
0xe9: {  	v33 =	vld [tilespmem:$0x18F10]  }
0xea: {  	v35 =	vld [tilespmem:$0x18F20]  }
0xeb: {  	v36 =	vld [tilespmem:$0x18F30]  }
0xec: {  	v41 =	vld [tilespmem:$0x18F40]  }
0xed: {  	v7 =	vadd.f32 $0.0e+00, v9;
	v5 =	vld [tilespmem:$0x18FE0]  }
0xee: {  	v4 =	vld [tilespmem:$0x193A0]  }
0xef: {  	v3 =	vadd.f32 $0.0e+00, v15;
	v15 =	vadd.f32 v12, v7;
	v7 =	vld [tilespmem:$0x19000]  }
0xf0: {  	v9 =	vld [tilespmem:$0x19010]  }
0xf1: {  	v3 =	vadd.f32 v17, v3;
	v6 =	vadd.f32 v26, v15;
	v26 =	vld [tilespmem:$0x1F540]  }
0xf2: {  	v1 =	vld [tilespmem:$0x19050]  }
0xf3: {  	v3 =	vadd.f32 v49, v3;
	v49 =	vld [tilespmem:$0x1F550]  }
0xf4: {  	v12 =	vld [tilespmem:$0x1F580]  }
0xf5: {  	v15 =	vld [tilespmem:$0x1F590]  }
0xf6: {  	[tilespmem:$0x1F9B0] =	vst v0;
	v0 =	vld [tilespmem:$0x19030]  }
0xf7: {  	v39 =	vld.idx.msk [tilespmem:v2+s2+$0x0], $0xffff  }
0xf8: {  	[tilespmem:$0x1F8D0] =	vst v42;
	v42 =	vld.idx.msk [tilespmem:v43+s2+$0x0], $0xffff  }
0xf9: {  	v21 =	vld.idx.msk [tilespmem:v46+s2+$0x0], $0xffff  }
0xfa: {  	v37 =	vld.idx.msk [tilespmem:v47+s2+$0x0], $0xffff  }
0xfb: {  	v38 =	vld.idx.msk [tilespmem:v58+s2+$0x0], $0xffff  }
0xfc: {  	v40 =	vld.idx.msk [tilespmem:v27+s2+$0x0], $0xffff  }
0xfd: {  	v22 =	vld.idx.msk [tilespmem:v29+s2+$0x0], $0xffff  }
0xfe: {  	v34 =	vld.idx.msk [tilespmem:v31+s2+$0x0], $0xffff  }
0xff: {  	v43 =	vld [tilespmem:$0x18F50]  }
0x100: {  	[tilespmem:$0x1F8E0] =	vst v44;
	v44 =	vld.idx.msk [tilespmem:v32+s2+$0x0], $0xffff  }
0x101: {  	v46 =	vld.idx.msk [tilespmem:v33+s2+$0x0], $0xffff  }
0x102: {  	v47 =	vld [tilespmem:$0x18F60]  }
0x103: {  	v58 =	vld [tilespmem:$0x18F70]  }
0x104: {  	v27 =	vld.idx.msk [tilespmem:v35+s2+$0x0], $0xffff  }
0x105: {  	v29 =	vld.idx.msk [tilespmem:v36+s2+$0x0], $0xffff  }
0x106: {  	v31 =	vld.idx.msk [tilespmem:v41+s2+$0x0], $0xffff  }
0x107: {  	v33 =	vld [tilespmem:$0x19300]  }
0x108: {  	v41 =	vld [tilespmem:$0x19320]  }
0x109: {  	v2 =	vld [tilespmem:$0x193B0]  }
0x10a: {  	[tilespmem:$0x1F9C0] =	vst v34;
	v34 =	vld [tilespmem:$0x19310]  }
0x10b: {  	[tilespmem:$0x1F930] =	vst v27;
	v27 =	vld [tilespmem:$0x18F80]  }
0x10c: {  	[tilespmem:$0x1F910] =	vst v44;
	v44 =	vld [tilespmem:$0x19380]  }
0x10d: {  	v32 =	vld.idx.msk [tilespmem:v43+s2+$0x0], $0xffff  }
0x10e: {  	v35 =	vld.idx.msk [tilespmem:v47+s2+$0x0], $0xffff  }
0x10f: {  	v36 =	vld.idx.msk [tilespmem:v58+s2+$0x0], $0xffff  }
0x110: {  	v43 =	vld [tilespmem:$0x19330]  }
0x111: {  	v58 =	vld [tilespmem:$0x19338]  }
0x112: {  	[tilespmem:$0x1F940] =	vst v29;
	v29 =	vld.idx.msk [tilespmem:v33+s2+$0x0], $0xffff  }
0x113: {  	v33 =	vld [tilespmem:$0x18FA0]  }
0x114: {  	[tilespmem:$0x1F920] =	vst v46;
	v46 =	vld.idx.msk [tilespmem:v41+s2+$0x0], $0xffff  }
0x115: {  	[tilespmem:$0x1F950] =	vst v31;
	v31 =	vld.idx.msk [tilespmem:v34+s2+$0x0], $0xffff  }
0x116: {  	[tilespmem:$0x1F960] =	vst v32;
	v32 =	vld [tilespmem:$0x18F90]  }
0x117: {  	[tilespmem:$0x1F970] =	vst v35;
	v35 =	vld [tilespmem:$0x18FB0]  }
0x118: {  	[tilespmem:$0x1F990] =	vst v29;
	v29 =	vld [tilespmem:$0x18FD0]  }
0x119: {  	[tilespmem:$0x1F980] =	vst v36;
	v36 =	vld [tilespmem:$0x18FF0]  }
0x11a: {  	v47 =	vld.idx.msk [tilespmem:v43+s2+$0x0], $0xffff  }
0x11b: {  	v34 =	vld.idx.msk [tilespmem:v58+s2+$0x0], $0xffff  }
0x11c: {  	v58 =	vld.idx.msk [tilespmem:v27+s2+$0x0], $0xffff  }
0x11d: {  	v27 =	vld [tilespmem:$0x18FC0]  }
0x11e: {  	v43 =	vld.idx.msk [tilespmem:v33+s2+$0x0], $0xffff  }
0x11f: {  	v33 =	vld.idx.msk [tilespmem:v5+s2+$0x0], $0xffff  }
0x120: {  	v5 =	vld [tilespmem:$0x193B8]  }
0x121: {  	v41 =	vld.idx.msk [tilespmem:v32+s2+$0x0], $0xffff  }
0x122: {  	v32 =	vld.idx.msk [tilespmem:v35+s2+$0x0], $0xffff  }
0x123: {  	[tilespmem:$0x1F9A0] =	vst v31;
	v31 =	vld.idx.msk [tilespmem:v29+s2+$0x0], $0xffff  }
0x124: {  	[tilespmem:$0x1F9D0] =	vst v34;
	v34 =	vld.idx.msk [tilespmem:v36+s2+$0x0], $0xffff  }
0x125: {  	v16 =	vadd.f32 $0.0e+00, v16;
	v36 =	vld.idx.msk [tilespmem:v44+s2+$0x0], $0xffff  }
0x126: {  	v44 =	vadd.f32 $0.0e+00, v8;
	v29 =	vld.idx.msk [tilespmem:v4+s2+$0x0], $0xffff  }
0x127: {  	v8 =	vadd.f32 v18, v16;
	v18 =	vadd.f32 $0.0e+00, v25;
	v25 =	vld.idx.msk [tilespmem:v9+s2+$0x0], $0xffff  }
0x128: {  	v9 =	vld [tilespmem:$0x19420]  }
0x129: {  	v43 =	vadd.f32 $0.0e+00, v43;
	v44 =	vadd.f32 v10, v44;
	v10 =	vld [tilespmem:$0x19020]  }
0x12a: {  	v8 =	vadd.f32 v56, v8;
	v56 =	vld [tilespmem:$0x1F560]  }
0x12b: {  	v33 =	vadd.f32 v33, v43;
	v43 =	vld [tilespmem:$0x1F9B0]  }
0x12c: {  	v35 =	vld.idx.msk [tilespmem:v27+s2+$0x0], $0xffff  }
0x12d: {  	v27 =	vld [tilespmem:$0x19390]  }
0x12e: {  	v16 =	vld.idx.msk [tilespmem:v5+s2+$0x0], $0xffff  }
0x12f: {  	v5 =	vadd.f32 v49, v18;
	v18 =	vld [tilespmem:$0x1F5C0]  }
0x130: {  	v49 =	vld [tilespmem:$0x1F5D0]  }
0x131: {  	v4 =	vadd.f32 v23, v44;
	v23 =	vld.idx.msk [tilespmem:v2+s2+$0x0], $0xffff  }
0x132: {  	v44 =	vadd.f32 $0.0e+00, v26;
	v26 =	vld.idx.msk [tilespmem:v7+s2+$0x0], $0xffff  }
0x133: {  	v17 =	vadd.f32 $0.0e+00, v20;
	v5 =	vadd.f32 v12, v5;
	v12 =	vld [tilespmem:$0x1F600]  }
0x134: {  	v2 =	vadd.f32 v6, v4;
	v6 =	vld [tilespmem:$0x19040]  }
0x135: {  	v20 =	vadd.f32 $0.0e+00, v24;
	v4 =	vadd.f32 v57, v17;
	v57 =	vld [tilespmem:$0x1F570]  }
0x136: {  	v17 =	vld [tilespmem:$0x1F5B0]  }
0x137: {  	v41 =	vadd.f32 $0.0e+00, v41;
	v7 =	vadd.f32 v56, v20;
	v20 =	vld.idx.msk [tilespmem:v0+s2+$0x0], $0xffff  }
0x138: {  	v3 =	vadd.f32 v8, v3;
	v56 =	vld [tilespmem:$0x19400]  }
0x139: {  	v32 =	vadd.f32 $0.0e+00, v32;
	v31 =	vadd.f32 v31, v41;
	v41 =	vld [tilespmem:$0x191F0]  }
0x13a: {  	[tilespmem:$0x1F9E0] =	vst v16;
	v16 =	vld [tilespmem:$0x1F5A0]  }
0x13b: {  	v32 =	vadd.f32 v34, v32;
	v0 =	vadd.f32 v3, v2;
	v2 =	vld [tilespmem:$0x19060]  }
0x13c: {  	v7 =	vadd.f32 v15, v7;
	v15 =	vld [tilespmem:$0x1F610]  }
0x13d: {  	v4 =	vadd.f32 v63, v4;
	v23 =	vadd.f32 v23, v32;
	v32 =	vld [tilespmem:$0x19180]  }
0x13e: {  	v24 =	vld.idx.msk [tilespmem:v10+s2+$0x0], $0xffff  }
0x13f: {  	v3 =	vadd.f32 v5, v4;
	v5 =	vld [tilespmem:$0x19070]  }
0x140: {  	v10 =	vld [tilespmem:$0x1F5F0]  }
0x141: {  	v27 =	vld.idx.msk [tilespmem:v27+s2+$0x0], $0xffff;
	v8 =	vadd.f32 v57, v44  }
0x142: {  	v57 =	vld [tilespmem:$0x1F5E0]  }
0x143: {  	v8 =	vadd.f32 v16, v8;
	v16 =	vld [tilespmem:$0x1F620]  }
0x144: {  	v44 =	vadd.f32 $0.0e+00, v18;
	v18 =	vld.idx.msk [tilespmem:v6+s2+$0x0], $0xffff  }
0x145: {  	v6 =	vadd.f32 $0.0e+00, v49;
	v49 =	vmul.f32 v52, v14;
	v14 =	vld [tilespmem:$0x1F660]  }
0x146: {  	v4 =	vadd.f32 v8, v7;
	v7 =	vadd.f32 $0.0e+00, v17;
	v17 =	vld.idx.msk [tilespmem:v1+s2+$0x0], $0xffff  }
0x147: {  	v8 =	vld [tilespmem:$0x19410]  }
0x148: {  	v56 =	vld.idx.msk [tilespmem:v56+s2+$0x0], $0xffff  }
0x149: {  	v6 =	vadd.f32 v15, v6;
	v15 =	vld [tilespmem:$0x1F670]  }
0x14a: {  	v0 =	vadd.f32 v49, v0;
	v49 =	vld [tilespmem:$0x1F690]  }
0x14b: {  	v1 =	vadd.f32 v10, v7;
	v7 =	vadd.f32 v12, v44;
	v44 =	vld [tilespmem:$0x1F630]  }
0x14c: {  	v63 =	vadd.f32 $0.0e+00, v57;
	v12 =	vld [tilespmem:$0x1F650]  }
0x14d: {  	v10 =	vld [tilespmem:$0x19430]  }
0x14e: {  	v57 =	vadd.f32 v16, v63;
	v63 =	vld [tilespmem:$0x1F640]  }
0x14f: {  	v16 =	vld.idx.msk [tilespmem:v5+s2+$0x0], $0xffff  }
0x150: {  	v7 =	vadd.f32 v62, v7;
	v62 =	vld.idx.msk [tilespmem:v2+s2+$0x0], $0xffff  }
0x151: {  	[tilespmem:$0x1F9F0] =	vst v0;
	v0 =	vadd.f32 v4, v3;
	v3 =	vadd.f32 $0.0e+00, v14;
	v14 =	vld.idx.msk [tilespmem:v9+s2+$0x0], $0xffff  }
0x152: {  	v1 =	vadd.f32 v44, v1;
	v44 =	vld [tilespmem:$0x1F680]  }
0x153: {  	v9 =	vld [tilespmem:$0x1F750]  }
0x154: {  	v6 =	vadd.f32 v63, v6;
	v63 =	vld [tilespmem:$0x1F6A0]  }
0x155: {  	v57 =	vadd.f32 v12, v57;
	v12 =	vld [tilespmem:$0x1F710]  }
0x156: {  	v4 =	vadd.f32 $0.0e+00, v15;
	v15 =	vld.idx.msk [tilespmem:v8+s2+$0x0], $0xffff  }
0x157: {  	v5 =	vadd.f32 $0.0e+00, v44;
	v44 =	vld [tilespmem:$0x1F6B0]  }
0x158: {  	v8 =	vld [tilespmem:$0x1F740]  }
0x159: {  	v3 =	vadd.f32 v63, v3;
	v63 =	vld [tilespmem:$0x1F6D0]  }
0x15a: {  	v2 =	vadd.f32 v57, v6;
	v57 =	vld [tilespmem:$0x19080]  }
0x15b: {  	v20 =	vadd.f32 $0.0e+00, v20;
	v6 =	vadd.f32 $0.0e+00, v49;
	v49 =	vld [tilespmem:$0x1F6C0]  }
0x15c: {  	v4 =	vadd.f32 v44, v4;
	v44 =	vld [tilespmem:$0x1F6E0]  }
0x15d: {  	v16 =	vadd.f32 v16, v20;
	v20 =	vld.idx.msk [tilespmem:v32+s2+$0x0], $0xffff  }
0x15e: {  	v6 =	vadd.f32 v63, v6;
	v63 =	vld.idx.msk [tilespmem:v10+s2+$0x0], $0xffff  }
0x15f: {  	v10 =	vld [tilespmem:$0x1F6F0]  }
0x160: {  	v1 =	vadd.f32 v7, v1;
	v7 =	vld [tilespmem:$0x19090];
	v5 =	vadd.f32 v49, v5  }
0x161: {  	v3 =	vadd.f32 v44, v3;
	v44 =	vld [tilespmem:$0x1F730]  }
0x162: {  	v49 =	vmul.f32 v52, v19;
	v5 =	vadd.f32 v11, v5;
	v11 =	vld [tilespmem:$0x1F700]  }
0x163: {  	v19 =	vld [tilespmem:$0x1F720];
	v6 =	vadd.f32 v13, v6  }
0x164: {  	v49 =	vadd.f32 v49, v0;
	v13 =	vld.idx.msk [tilespmem:v57+s2+$0x0], $0xffff;
	v10 =	vadd.f32 $0.0e+00, v10  }
0x165: {  	v0 =	vadd.f32 v2, v1;
	v5 =	vadd.f32 v6, v5;
	v6 =	vld [tilespmem:$0x190B0]  }
0x166: {  	v4 =	vadd.f32 v28, v4;
	v10 =	vadd.f32 v44, v10;
	v44 =	vld [tilespmem:$0x1F780]  }
0x167: {  	v57 =	vadd.f32 $0.0e+00, v12;
	v28 =	vadd.f32 $0.0e+00, v11;
	v11 =	vld [tilespmem:$0x1F760]  }
0x168: {  	v2 =	vadd.f32 v4, v3;
	v3 =	vadd.f32 $0.0e+00, v19;
	v19 =	vld [tilespmem:$0x1F770]  }
0x169: {  	v1 =	vld [tilespmem:$0x190A0];
	v51 =	vadd.f32 v51, v57  }
0x16a: {  	v12 =	vld.idx.msk [tilespmem:v7+s2+$0x0], $0xffff;
	v28 =	vadd.f32 v8, v28  }
0x16b: {  	v51 =	vadd.f32 v44, v51;
	v44 =	vld [tilespmem:$0x1F7B0]  }
0x16c: {  	v7 =	vld [tilespmem:$0x190E0];
	v28 =	vadd.f32 v11, v28;
	v10 =	vadd.f32 v9, v10  }
0x16d: {  	v3 =	vadd.f32 v61, v3;
	v61 =	vmul.f32 v52, v19;
	v19 =	vld [tilespmem:$0x1F790]  }
0x16e: {  	v10 =	vadd.f32 v28, v10;
	v28 =	vld [tilespmem:$0x1F7A0]  }
0x16f: {  	v11 =	vld.idx.msk [tilespmem:v6+s2+$0x0], $0xffff  }
0x170: {  	v6 =	vadd.f32 $0.0e+00, v44;
	v44 =	vld [tilespmem:$0x1F7E0]  }
0x171: {  	v4 =	vld [tilespmem:$0x190C0]  }
0x172: {  	v5 =	vadd.f32 v5, v2;
	v2 =	vld [tilespmem:$0x19490];
	v3 =	vadd.f32 v19, v3  }
0x173: {  	v19 =	vadd.f32 v61, v0;
	v61 =	vld.idx.msk [tilespmem:v1+s2+$0x0], $0xffff;
	v1 =	vadd.f32 $0.0e+00, v28  }
0x174: {  	v9 =	vld [tilespmem:$0x1F7D0]  }
0x175: {  	v1 =	vadd.f32 v44, v1;
	v44 =	vld [tilespmem:$0x1F7F0]  }
0x176: {  	v57 =	vld [tilespmem:$0x190D0]  }
0x177: {  	v8 =	vld [tilespmem:$0x190F0]  }
0x178: {  	v3 =	vadd.f32 v3, v51;
	v51 =	vld [tilespmem:$0x1F7C0]  }
0x179: {  	v0 =	vadd.f32 $0.0e+00, v9;
	v9 =	vld.idx.msk [tilespmem:v4+s2+$0x0], $0xffff  }
0x17a: {  	v6 =	vadd.f32 v44, v6;
	v44 =	vld [tilespmem:$0x1F800]  }
0x17b: {  	v4 =	vld.idx.msk [tilespmem:v2+s2+$0x0], $0xffff  }
0x17c: {  	v1 =	vadd.f32 v54, v1;
	v54 =	vld [tilespmem:$0x1F810]  }
0x17d: {  	v2 =	vld [tilespmem:$0x19120];
	v51 =	vadd.f32 $0.0e+00, v51  }
0x17e: {  	v28 =	vld [tilespmem:$0x19480];
	v0 =	vadd.f32 v45, v0  }
0x17f: {  	v45 =	vld.idx.msk [tilespmem:v57+s2+$0x0], $0xffff;
	v51 =	vadd.f32 v44, v51  }
0x180: {  	v0 =	vadd.f32 v48, v0;
	v48 =	vld.idx.msk [tilespmem:v8+s2+$0x0], $0xffff  }
0x181: {  	v57 =	vmul.f32 v52, v54;
	v44 =	vadd.f32 v55, v51;
	v55 =	vld [tilespmem:$0x1F820]  }
0x182: {  	v3 =	vadd.f32 v3, v10;
	v10 =	vld [tilespmem:$0x1F830];
	v6 =	vadd.f32 v30, v6  }
0x183: {  	v30 =	vadd.f32 v57, v5;
	v5 =	vld [tilespmem:$0x194A0]  }
0x184: {  	v1 =	vadd.f32 v6, v1;
	v6 =	vld [tilespmem:$0x194B0]  }
0x185: {  	v0 =	vadd.f32 v0, v44;
	v44 =	vld [tilespmem:$0x1F850]  }
0x186: {  	v12 =	vadd.f32 $0.0e+00, v12;
	v57 =	vadd.f32 $0.0e+00, v55;
	v55 =	vld.idx.msk [tilespmem:v28+s2+$0x0], $0xffff  }
0x187: {  	v11 =	vadd.f32 $0.0e+00, v11;
	v28 =	vld [tilespmem:$0x1F840]  }
0x188: {  	v12 =	vadd.f32 v45, v12;
	v45 =	vld [tilespmem:$0x19580]  }
0x189: {  	v11 =	vadd.f32 v48, v11;
	v48 =	vld [tilespmem:$0x195A0]  }
0x18a: {  	v51 =	vld [tilespmem:$0x1F860]  }
0x18b: {  	v8 =	vadd.f32 $0.0e+00, v10;
	v54 =	vld.idx.msk [tilespmem:v7+s2+$0x0], $0xffff  }
0x18c: {  	v10 =	vadd.f32 $0.0e+00, v28;
	v28 =	vadd.f32 $0.0e+00, v44;
	v44 =	vld [tilespmem:$0x1F880]  }
0x18d: {  	v5 =	vld.idx.msk [tilespmem:v5+s2+$0x0], $0xffff  }
0x18e: {  	v6 =	vld.idx.msk [tilespmem:v6+s2+$0x0], $0xffff  }
0x18f: {  	v29 =	vadd.f32 v29, v33;
	v7 =	vadd.f32 v51, v57;
	v57 =	vld [tilespmem:$0x1F870]  }
0x190: {  	v16 =	vadd.f32 v63, v16;
	v63 =	vadd.f32 $0.0e+00, v61;
	v51 =	vld [tilespmem:$0x19100]  }
0x191: {  	v10 =	vadd.f32 v44, v10;
	v44 =	vld [tilespmem:$0x1F8A0]  }
0x192: {  	v23 =	vadd.f32 v23, v29;
	v2 =	vld.idx.msk [tilespmem:v2+s2+$0x0], $0xffff;
	v29 =	vadd.f32 v54, v63  }
0x193: {  	v61 =	vld.idx.msk [tilespmem:v45+s2+$0x0], $0xffff  }
0x194: {  	v45 =	vld [tilespmem:$0x19220];
	v5 =	vadd.f32 v5, v29  }
0x195: {  	v6 =	vadd.f32 v6, v11;
	v8 =	vadd.f32 v57, v8;
	v57 =	vld [tilespmem:$0x1F890]  }
0x196: {  	v50 =	vadd.f32 $0.0e+00, v50;
	v7 =	vadd.f32 v44, v7;
	v44 =	vld [tilespmem:$0x1F8B0]  }
0x197: {  	v5 =	vadd.f32 v6, v5;
	v6 =	vld.idx.msk [tilespmem:v48+s2+$0x0], $0xffff  }
0x198: {  	v21 =	vadd.f32 v21, v50;
	v50 =	vld.idx.msk [tilespmem:v51+s2+$0x0], $0xffff  }
0x199: {  	v51 =	vld [tilespmem:$0x1F8F0]  }
0x19a: {  	v0 =	vadd.f32 v0, v1;
	v1 =	vadd.f32 v53, v10;
	v10 =	vld [tilespmem:$0x19130]  }
0x19b: {  	v8 =	vadd.f32 v44, v8;
	v44 =	vld [tilespmem:$0x1F8C0]  }
0x19c: {  	v53 =	vadd.f32 $0.0e+00, v60;
	v60 =	vld [tilespmem:$0x19140]  }
0x19d: {  	v13 =	vadd.f32 $0.0e+00, v13;
	v48 =	vld [tilespmem:$0x19250]  }
0x19e: {  	v28 =	vadd.f32 v57, v28;
	v57 =	vld [tilespmem:$0x19110]  }
0x19f: {  	v9 =	vadd.f32 v9, v13;
	v39 =	vadd.f32 v39, v53;
	v53 =	vld [tilespmem:$0x19150]  }
0x1a0: {  	v21 =	vadd.f32 v22, v21;
	v28 =	vadd.f32 v44, v28;
	v44 =	vld [tilespmem:$0x1F8D0]  }
0x1a1: {  	v9 =	vadd.f32 v55, v9;
	v22 =	vmul.f32 v52, v51;
	v51 =	vld [tilespmem:$0x1F930];
	v55 =	vadd.f32 $0.0e+00, v50  }
0x1a2: {  	v50 =	vld [tilespmem:$0x19270];
	v7 =	vadd.f32 v8, v7;
	v1 =	vadd.f32 v28, v1  }
0x1a3: {  	v10 =	vld.idx.msk [tilespmem:v10+s2+$0x0], $0xffff  }
0x1a4: {  	v1 =	vadd.f32 v1, v7;
	v7 =	vld.idx.msk [tilespmem:v60+s2+$0x0], $0xffff  }
0x1a5: {  	v8 =	vadd.f32 $0.0e+00, v59;
	v60 =	vld [tilespmem:$0x1F970];
	v59 =	vadd.f32 $0.0e+00, v44  }
0x1a6: {  	v44 =	vld [tilespmem:$0x1F8E0]  }
0x1a7: {  	v42 =	vadd.f32 v42, v59;
	v59 =	vadd.f32 v38, v39;
	v38 =	vld.idx.msk [tilespmem:v57+s2+$0x0], $0xffff  }
0x1a8: {  	v57 =	vld [tilespmem:$0x1F900]  }
0x1a9: {  	v39 =	vld [tilespmem:$0x19160]  }
0x1aa: {  	v7 =	vadd.f32 v7, v55;
	v55 =	vld [tilespmem:$0x19630]  }
0x1ab: {  	v8 =	vadd.f32 v44, v8;
	v44 =	vadd.f32 v40, v42;
	v42 =	vld [tilespmem:$0x1F910]  }
0x1ac: {  	v40 =	vadd.f32 $0.0e+00, v51;
	v51 =	vld [tilespmem:$0x19500]  }
0x1ad: {  	v8 =	vadd.f32 v37, v8;
	v37 =	vld.idx.msk [tilespmem:v53+s2+$0x0], $0xffff  }
0x1ae: {  	v53 =	vld [tilespmem:$0x1F940]  }
0x1af: {  	v28 =	vmul.f32 v52, v57;
	v57 =	vld [tilespmem:$0x1F950]  }
0x1b0: {  	v40 =	vadd.f32 v60, v40;
	v60 =	vld [tilespmem:$0x1F9A0];
	v8 =	vadd.f32 v59, v8  }
0x1b1: {  	v59 =	vadd.f32 v21, v44;
	v21 =	vadd.f32 v28, v0;
	v0 =	vld [tilespmem:$0x19170]  }
0x1b2: {  	v44 =	vld [tilespmem:$0x1F920]  }
0x1b3: {  	v40 =	vadd.f32 v46, v40;
	v46 =	vld [tilespmem:$0x1F9C0]  }
0x1b4: {  	v22 =	vadd.f32 v22, v3;
	v39 =	vld.idx.msk [tilespmem:v39+s2+$0x0], $0xffff  }
0x1b5: {  	v3 =	vadd.f32 v59, v8;
	v8 =	vadd.f32 $0.0e+00, v42;
	v59 =	vld [tilespmem:$0x1F960]  }
0x1b6: {  	v42 =	vadd.f32 $0.0e+00, v53;
	v53 =	vld [tilespmem:$0x19510]  }
0x1b7: {  	v8 =	vadd.f32 v57, v8;
	v57 =	vld [tilespmem:$0x19438]  }
0x1b8: {  	v34 =	vld.idx.msk [tilespmem:v51+s2+$0x0], $0xffff  }
0x1b9: {  	v28 =	vadd.f32 $0.0e+00, v44;
	v44 =	vld [tilespmem:$0x1F980]  }
0x1ba: {  	v33 =	vmul.f32 v52, v46;
	v46 =	vld [tilespmem:$0x1F9E0]  }
0x1bb: {  	v28 =	vadd.f32 v59, v28;
	v59 =	vld [tilespmem:$0x1F990]  }
0x1bc: {  	v0 =	vld.idx.msk [tilespmem:v0+s2+$0x0], $0xffff  }
0x1bd: {  	v28 =	vadd.f32 v60, v28;
	v60 =	vld [tilespmem:$0x19530]  }
0x1be: {  	v42 =	vadd.f32 v44, v42;
	v44 =	vld [tilespmem:$0x194B8]  }
0x1bf: {  	v29 =	vmul.f32 v52, v46;
	v46 =	vld [tilespmem:$0x19230]  }
0x1c0: {  	v27 =	vadd.f32 v27, v31;
	v31 =	vld.idx.msk [tilespmem:v53+s2+$0x0], $0xffff  }
0x1c1: {  	v53 =	vld [tilespmem:$0x19190];
	v8 =	vadd.f32 v59, v8  }
0x1c2: {  	v42 =	vadd.f32 v47, v42;
	v59 =	vadd.f32 $0.0e+00, v58;
	v47 =	vld [tilespmem:$0x19520]  }
0x1c3: {  	v58 =	vld [tilespmem:$0x191A0]  }
0x1c4: {  	v35 =	vadd.f32 v35, v59;
	v59 =	vld [tilespmem:$0x191B0]  }
0x1c5: {  	v51 =	vadd.f32 v42, v40;
	v40 =	vld [tilespmem:$0x191E0]  }
0x1c6: {  	v35 =	vadd.f32 v36, v35;
	v36 =	vmul.f32 v52, v43;
	v43 =	vld [tilespmem:$0x1F9D0]  }
0x1c7: {  	v8 =	vadd.f32 v28, v8;
	v28 =	vld.idx.msk [tilespmem:v60+s2+$0x0], $0xffff  }
0x1c8: {  	v25 =	vadd.f32 $0.0e+00, v25;
	v60 =	vld [tilespmem:$0x191C0]  }
0x1c9: {  	v4 =	vadd.f32 v4, v12;
	v27 =	vadd.f32 v27, v35;
	v35 =	vld [tilespmem:$0x19538]  }
0x1ca: {  	v17 =	vadd.f32 v17, v25;
	v1 =	vadd.f32 v36, v1;
	v36 =	vld [tilespmem:$0x191D0]  }
0x1cb: {  	v24 =	vadd.f32 $0.0e+00, v24;
	v4 =	vadd.f32 v4, v9;
	v9 =	vld.idx.msk [tilespmem:v46+s2+$0x0], $0xffff  }
0x1cc: {  	v15 =	vadd.f32 v15, v17;
	v17 =	vld.idx.msk [tilespmem:v53+s2+$0x0], $0xffff  }
0x1cd: {  	v24 =	vadd.f32 v62, v24;
	v53 =	vld [tilespmem:$0x195B0]  }
0x1ce: {  	v23 =	vadd.f32 v23, v27;
	v27 =	vld.idx.msk [tilespmem:v47+s2+$0x0], $0xffff  }
0x1cf: {  	v14 =	vadd.f32 v14, v24;
	v24 =	vld.idx.msk [tilespmem:v58+s2+$0x0], $0xffff  }
0x1d0: {  	v26 =	vadd.f32 $0.0e+00, v26;
	v47 =	vld [tilespmem:$0x19590]  }
0x1d1: {  	v58 =	vld.idx.msk [tilespmem:v41+s2+$0x0], $0xffff  }
0x1d2: {  	v18 =	vadd.f32 v18, v26;
	v25 =	vmul.f32 v52, v43;
	v43 =	vld [tilespmem:$0x19200]  }
0x1d3: {  	v26 =	vld.idx.msk [tilespmem:v59+s2+$0x0], $0xffff  }
0x1d4: {  	v18 =	vadd.f32 v56, v18;
	v56 =	vadd.f32 $0.0e+00, v38;
	v13 =	vld.idx.msk [tilespmem:v40+s2+$0x0], $0xffff  }
0x1d5: {  	v8 =	vadd.f32 v51, v8;
	v51 =	vadd.f32 v29, v23;
	v29 =	vld.idx.msk [tilespmem:v57+s2+$0x0], $0xffff  }
0x1d6: {  	v59 =	vadd.f32 v37, v56;
	v56 =	vld [tilespmem:$0x19280]  }
0x1d7: {  	v57 =	vld [tilespmem:$0x19290]  }
0x1d8: {  	v8 =	vadd.f32 v25, v8;
	v25 =	vld.idx.msk [tilespmem:v55+s2+$0x0], $0xffff  }
0x1d9: {  	v62 =	vadd.f32 v31, v59;
	v31 =	vld.idx.msk [tilespmem:v44+s2+$0x0], $0xffff  }
0x1da: {  	v2 =	vadd.f32 $0.0e+00, v2;
	v44 =	vld [tilespmem:$0x19210]  }
0x1db: {  	v59 =	vld [tilespmem:$0x192B0]  }
0x1dc: {  	v2 =	vadd.f32 v39, v2;
	v42 =	vld.idx.msk [tilespmem:v60+s2+$0x0], $0xffff  }
0x1dd: {  	v60 =	vld [tilespmem:$0x195B8]  }
0x1de: {  	v10 =	vadd.f32 $0.0e+00, v10;
	v2 =	vadd.f32 v27, v2;
	v27 =	vld [tilespmem:$0x1F9F0]  }
0x1df: {  	v7 =	vadd.f32 v34, v7;
	v54 =	vld.idx.msk [tilespmem:v36+s2+$0x0], $0xffff  }
0x1e0: {  	v0 =	vadd.f32 v0, v10;
	v32 =	vld.idx.msk [tilespmem:v35+s2+$0x0], $0xffff  }
0x1e1: {  	v7 =	vadd.f32 v62, v7;
	v62 =	vld [tilespmem:$0x192D0]  }
0x1e2: {  	v15 =	vadd.f32 v15, v18;
	v0 =	vadd.f32 v28, v0;
	v18 =	vld.idx.msk [tilespmem:v53+s2+$0x0], $0xffff  }
0x1e3: {  	v53 =	vld [tilespmem:$0x19610]  }
0x1e4: {  	v0 =	vadd.f32 v0, v2;
	v63 =	vld.idx.msk [tilespmem:v47+s2+$0x0], $0xffff  }
0x1e5: {  	v26 =	vadd.f32 $0.0e+00, v26;
	v47 =	vld [tilespmem:$0x19240]  }
0x1e6: {  	v0 =	vadd.f32 v0, v7;
	v7 =	vld.idx.msk [tilespmem:v45+s2+$0x0], $0xffff  }
0x1e7: {  	v3 =	vadd.f32 v33, v3;
	v33 =	vadd.f32 v58, v26;
	v58 =	vld [tilespmem:$0x192A0]  }
0x1e8: {  	v26 =	vld.idx.msk [tilespmem:v56+s2+$0x0], $0xffff  }
0x1e9: {  	v28 =	vadd.f32 $0.0e+00, v20;
	v17 =	vadd.f32 $0.0e+00, v17;
	(xrf2) =	vadd.scan.msk.f32 $0xffff, v27;
	v27 =	vld.idx.msk [tilespmem:v57+s2+$0x0], $0xffff  }
0x1ea: {  	v4 =	vadd.f32 v5, v4;
	(xrf2) =	vadd.scan.msk.f32 $0xffff, v49;
	v49 =	vld [tilespmem:$0x19260]  }
0x1eb: {  	v12 =	vadd.f32 v42, v28;
	v5 =	vadd.f32 v54, v17;
	v54 =	vld [tilespmem:$0x19620]  }
0x1ec: {  	(xrf2) =	vadd.scan.msk.f32 $0xffff, v19;
	v19 =	vld.idx.msk [tilespmem:v48+s2+$0x0], $0xffff  }
0x1ed: {  	v10 =	vadd.f32 v61, v12;
	v61 =	vld [tilespmem:$0x192C0]  }
0x1ee: {  	v36 =	vmul.f32 v52, v29;
	v29 =	vld.idx.msk [tilespmem:v59+s2+$0x0], $0xffff  }
0x1ef: {  	v34 =	vld.idx.msk [tilespmem:v60+s2+$0x0], $0xffff  }
0x1f0: {  	v40 =	vmul.f32 v52, v32;
	v60 =	vld [tilespmem:$0x19638]  }
0x1f1: {  	v5 =	vadd.f32 v63, v5;
	v63 =	vld [tilespmem:$0x192E0]  }
0x1f2: {  	v24 =	vadd.f32 $0.0e+00, v24;
	(xrf2) =	vadd.scan.msk.f32 $0xffff, v30;
	v0 =	vadd.f32 v40, v0;
	v40 =	vld [tilespmem:$0x192F0]  }
0x1f3: {  	(xrf2) =	vadd.scan.msk.f32 $0xffff, v22;
	v32 =	vld.idx.msk [tilespmem:v62+s2+$0x0], $0xffff  }
0x1f4: {  	v13 =	vadd.f32 v13, v24;
	(xrf2) =	vadd.scan.msk.f32 $0xffff, v21;
	v21 =	vld.idx.msk [tilespmem:v50+s2+$0x0], $0xffff  }
0x1f5: {  	v14 =	vadd.f32 v16, v14;
	v23 =	vld.idx.msk [tilespmem:v53+s2+$0x0], $0xffff  }
0x1f6: {  	v6 =	vadd.f32 v6, v13;
	v35 =	vadd.f32 v18, v33;
	(xrf2) =	vadd.scan.msk.f32 $0xffff, v1;
	v11 =	vld.idx.msk [tilespmem:v47+s2+$0x0], $0xffff  }
0x1f7: {  	v14 =	vadd.f32 v14, v15;
	v47 =	vld [tilespmem:$0x196B8];
	(xrf2) =	vadd.scan.msk.f32 $0xffff, v3  }
0x1f8: {  	v39 =	vadd.f32 v35, v6;
	v38 =	vadd.f32 v5, v10;
	v28 =	vld.idx.msk [tilespmem:v58+s2+$0x0], $0xffff;
	(xrf2) =	vadd.scan.msk.f32 $0xffff, v8  }
0x1f9: {  	v37 =	vmul.f32 v52, v31;
	v1 =	vadd.f32 v36, v14;
	(xrf2) =	vadd.scan.msk.f32 $0xffff, v51;
	v51 =	vld [tilespmem:$0x19600]  }
0x1fa: {  	v3 =	vadd.f32 v39, v38;
	v41 =	vmul.f32 v52, v34;
	v20 =	vld.idx.msk [tilespmem:v49+s2+$0x0], $0xffff  }
0x1fb: {  	v2 =	vadd.f32 v37, v4;
	v24 =	vld.idx.msk [tilespmem:v54+s2+$0x0], $0xffff  }
0x1fc: {  	v5, _, _ =	vpop (xrf2);
	(xrf2) =	vadd.scan.msk.f32 $0xffff, v1;
	v42 =	vadd.f32 v41, v3;
	v41 =	vld [tilespmem:$0x19680]  }
0x1fd: {  	v1, _, _ =	vpop (xrf2);
	(xrf2) =	vadd.scan.msk.f32 $0xffff, v2;
	v2 =	vld.idx.msk [tilespmem:v44+s2+$0x0], $0xffff  }
0x1fe: {  	v44 =	vld [tilespmem:$0x196B0]  }
0x1ff: {  	v3, _, _ =	vpop (xrf2);
	(xrf2) =	vadd.scan.msk.f32 $0xffff, v0;
	v0 =	vld.idx.msk [tilespmem:v43+s2+$0x0], $0xffff  }
0x200: {  	v43 =	vld [tilespmem:$0x196A0]  }
0x201: {  	v9 =	vadd.f32 $0.0e+00, v9;
	v4, _, _ =	vpop (xrf2);
	(xrf2) =	vadd.scan.msk.f32 $0xffff, v42;
	v42 =	vld [tilespmem:$0x19690]  }
0x202: {  	v7 =	vadd.f32 $0.0e+00, v7;
	v31 =	vld.idx.msk [tilespmem:v61+s2+$0x0], $0xffff  }
0x203: {  	v53 =	vadd.f32 $0.0e+00, v26;
	v9 =	vadd.f32 v21, v9;
	v45 =	vld.idx.msk [tilespmem:v63+s2+$0x0], $0xffff  }
0x204: {  	v58 =	vadd.f32 $0.0e+00, v29;
	v46 =	vld.idx.msk [tilespmem:v40+s2+$0x0], $0xffff;
	v7 =	vadd.f32 v20, v7  }
0x205: {  	v54 =	vadd.f32 $0.0e+00, v27;
	v9 =	vadd.f32 v25, v9;
	v22 =	vld.idx.msk [tilespmem:v51+s2+$0x0], $0xffff  }
0x206: {  	v2 =	vadd.f32 $0.0e+00, v2;
	v7 =	vadd.f32 v24, v7;
	v48 =	vld.idx.msk [tilespmem:v41+s2+$0x0], $0xffff  }
0x207: {  	v57 =	vadd.f32 $0.0e+00, v28;
	v0 =	vadd.f32 $0.0e+00, v0;
	v55 =	vld.idx.msk [tilespmem:v44+s2+$0x0], $0xffff  }
0x208: {  	v2 =	vadd.f32 v19, v2;
	v50 =	vadd.f32 v9, v7;
	v51 =	vld.idx.msk [tilespmem:v43+s2+$0x0], $0xffff  }
0x209: {  	v9 =	vadd.f32 v31, v53;
	v0 =	vadd.f32 v11, v0;
	v49 =	vld.idx.msk [tilespmem:v42+s2+$0x0], $0xffff  }
0x20a: {  	v56 =	vld.idx.msk [tilespmem:v60+s2+$0x0], $0xffff;
	v19 =	vadd.f32 v46, v58;
	v11 =	vadd.f32 v45, v57  }
0x20b: {  	v2 =	vadd.f32 v23, v2;
	v0 =	vadd.f32 v22, v0  }
0x20c: {  	v23 =	vadd.f32 v32, v54;
	v9 =	vadd.f32 v48, v9  }
0x20d: {  	v20 =	vld.idx.msk [tilespmem:v47+s2+$0x0], $0xffff;
	v0 =	vadd.f32 v2, v0;
	v60 =	vadd.f32 v55, v19  }
0x20e: {  	v7 =	vadd.f32 v51, v11;
	v59 =	vadd.f32 v49, v23  }
0x20f: {  	v6, _, _ =	vpop (xrf2);
	v61 =	vmul.f32 v52, v56;
	v0 =	vadd.f32 v50, v0  }
0x210: {  	v8, _, _ =	vpop (xrf2);
	v7 =	vadd.f32 v60, v7;
	v62 =	vadd.f32 v59, v9  }
0x211: {  	v5 =	vbroadcast v5, $0xF;
	v1 =	vbroadcast v1, $0xF;
	v10, _, _ =	vpop (xrf2);
	v0 =	vadd.f32 v61, v0  }
0x212: {  	v3 =	vbroadcast v3, $0xF;
	v12, _, _ =	vpop (xrf2);
	v63 =	vmul.f32 v52, v20;
	v2 =	vadd.f32 v7, v62  }
0x213: {  	v1 =	vsel vm0, v5, v1;
	v4 =	vbroadcast v4, $0xF;
	v13, _, _ =	vpop (xrf2);
	(xrf2) =	vadd.scan.msk.f32 $0xffff, v0  }
0x214: {  	v5 =	vsel vm1, v1, v3;
	v7 =	vbroadcast v6, $0xF;
	v2 =	vadd.f32 v63, v2  }
0x215: {  	v9 =	vbroadcast v8, $0xF;
	v0 =	vsel vm2, v5, v4  }
0x216: {  	v14, _, _ =	vpop (xrf2);
	v11 =	vbroadcast v10, $0xF;
	v0 =	vsel vm3, v0, v7;
	(xrf2) =	vadd.scan.msk.f32 $0xffff, v2  }
0x217: {  	v12 =	vbroadcast v12, $0xF;
	v0 =	vsel vm4, v0, v9  }
0x218: {  	v19 =	vbroadcast v13, $0xF;
	v0 =	vsel vm5, v0, v11  }
0x219: {  	v15, _, _ =	vpop (xrf2);
	v20 =	vbroadcast v14, $0xF;
	v0 =	vsel vm6, v0, v12  }
0x21a: {  	v16, _, _ =	vpop (xrf2);
	v21 =	vbroadcast v15, $0xF;
	v0 =	vsel vm7, v0, v19  }
0x21b: {  	v17, _, _ =	vpop (xrf2);
	v22 =	vbroadcast v16, $0xF;
	v0 =	vsel vm8, v0, v20  }
0x21c: {  	s19 =	sadd.s32 $0xFFFFFFF0, s17;
	v26 =	vlaneseq.u32;
	v18, _, _ =	vpop (xrf2);
	v23 =	vbroadcast v17, $0xF;
	v0 =	vsel vm9, v0, v21  }
0x21d: {  	v24 =	vbroadcast v18, $0xF;
	v4 =	vor.u32 s19, v26;
	v0 =	vsel vm10, v0, v22;
	v25, _, _ =	vpop (xrf2)  }
0x21e: {  	v0 =	vsel vm11, v0, v23;
	v27 =	vbroadcast v25, $0xF  }
0x21f: {  	v0 =	vsel vm12, v0, v24  }
0x220: {  	v0 =	vsel vm13, v0, v27;
	v28, _, _ =	vpop (xrf2)  }
0x221: {  	p0 =	seq.s32 s17, $0xF0;
	v0 =	vsel vm14, v0, v28  }
0x222: {  	s20 =	simm.s32 @!p0 $0x0;
	s21 =	simm.s32 @!p0 $0x18700;
	s19 =	sadd.s32 @!p0 $0xFFFFFE00, s18;
	[tilespmem:v4+s13+$0x0] =	vst.idx.msk $0xffff, v0  }
0x223: {  	[tilespmem:s21], [sflag:$0x2] =	stream.linear.gather @!p0 [hbm4b:s19+s20], $0x1000, $0x38;
	[tilespmem:$0x1A800] =	vst v63  }
0x224: {  	_ =	swait.ge [sflag:s14], $0x1000  }
0x225: {  	[sflag:s14] =	ssyncset.done $0x0  }
0x226: {  	[sflag:s14] =	ssyncadd.s32 $0xFFFFF000  }
0x227: {  	v29 =	vld [tilespmem:$0x19700]  }
0x228: {  	v30 =	vld [tilespmem:$0x19710]  }
0x229: {  	v31 =	vld [tilespmem:$0x19720]  }
0x22a: {  	v32 =	vld [tilespmem:$0x19730]  }
0x22b: {  	v33 =	vld [tilespmem:$0x19740]  }
0x22c: {  	v34 =	vld [tilespmem:$0x19750]  }
0x22d: {  	v35 =	vld [tilespmem:$0x19760]  }
0x22e: {  	v36 =	vld [tilespmem:$0x19770]  }
0x22f: {  	v37 =	vld [tilespmem:$0x19B00]  }
0x230: {  	v38 =	vld [tilespmem:$0x19B10]  }
0x231: {  	v39 =	vld [tilespmem:$0x19B20]  }
0x232: {  	v40 =	vld [tilespmem:$0x19B30]  }
0x233: {  	v41 =	vld [tilespmem:$0x19B38]  }
0x234: {  	v42 =	vld [tilespmem:$0x19780]  }
0x235: {  	v43 =	vld [tilespmem:$0x19790]  }
0x236: {  	v44 =	vld [tilespmem:$0x197A0]  }
0x237: {  	v45 =	vld [tilespmem:$0x197B0]  }
0x238: {  	v46 =	vld [tilespmem:$0x197C0]  }
0x239: {  	v47 =	vld [tilespmem:$0x197D0]  }
0x23a: {  	v48 =	vld [tilespmem:$0x197E0]  }
0x23b: {  	v49 =	vld [tilespmem:$0x197F0]  }
0x23c: {  	v50 =	vld [tilespmem:$0x19B80]  }
0x23d: {  	v51 =	vld [tilespmem:$0x19B90]  }
0x23e: {  	v53 =	vld [tilespmem:$0x19BA0]  }
0x23f: {  	v54 =	vld [tilespmem:$0x19BB0]  }
0x240: {  	v55 =	vld [tilespmem:$0x19BB8]  }
0x241: {  	v56 =	vld [tilespmem:$0x19800]  }
0x242: {  	v57 =	vld [tilespmem:$0x19810]  }
0x243: {  	v59 =	vld [tilespmem:$0x19820]  }
0x244: {  	v60 =	vld [tilespmem:$0x19830]  }
0x245: {  	v61 =	vld [tilespmem:$0x19840]  }
0x246: {  	v62 =	vld [tilespmem:$0x19850]  }
0x247: {  	v14 =	vld [tilespmem:$0x19860]  }
0x248: {  	v17 =	vld [tilespmem:$0x19870]  }
0x249: {  	v7 =	vld.idx.msk [tilespmem:v29+s2+$0x0], $0xffff  }
0x24a: {  	v8 =	vld.idx.msk [tilespmem:v30+s2+$0x0], $0xffff  }
0x24b: {  	v9 =	vld.idx.msk [tilespmem:v31+s2+$0x0], $0xffff  }
0x24c: {  	v10 =	vld.idx.msk [tilespmem:v32+s2+$0x0], $0xffff  }
0x24d: {  	v11 =	vld.idx.msk [tilespmem:v33+s2+$0x0], $0xffff  }
0x24e: {  	v12 =	vld.idx.msk [tilespmem:v34+s2+$0x0], $0xffff  }
0x24f: {  	v13 =	vld.idx.msk [tilespmem:v35+s2+$0x0], $0xffff  }
0x250: {  	v18 =	vld.idx.msk [tilespmem:v36+s2+$0x0], $0xffff  }
0x251: {  	v22 =	vld.idx.msk [tilespmem:v37+s2+$0x0], $0xffff  }
0x252: {  	v23 =	vld.idx.msk [tilespmem:v38+s2+$0x0], $0xffff  }
0x253: {  	v24 =	vld.idx.msk [tilespmem:v39+s2+$0x0], $0xffff  }
0x254: {  	v25 =	vld.idx.msk [tilespmem:v40+s2+$0x0], $0xffff  }
0x255: {  	v15 =	vld.idx.msk [tilespmem:v41+s2+$0x0], $0xffff  }
0x256: {  	v19 =	vld.idx.msk [tilespmem:v42+s2+$0x0], $0xffff  }
0x257: {  	v21 =	vld.idx.msk [tilespmem:v43+s2+$0x0], $0xffff  }
0x258: {  	v20 =	vld.idx.msk [tilespmem:v44+s2+$0x0], $0xffff  }
0x259: {  	v28 =	vld.idx.msk [tilespmem:v45+s2+$0x0], $0xffff  }
0x25a: {  	v26 =	vld.idx.msk [tilespmem:v46+s2+$0x0], $0xffff  }
0x25b: {  	v2 =	vld.idx.msk [tilespmem:v47+s2+$0x0], $0xffff  }
0x25c: {  	v31 =	vld.idx.msk [tilespmem:v48+s2+$0x0], $0xffff  }
0x25d: {  	v42 =	vld.idx.msk [tilespmem:v49+s2+$0x0], $0xffff  }
0x25e: {  	v27 =	vld.idx.msk [tilespmem:v50+s2+$0x0], $0xffff  }
0x25f: {  	v0 =	vld.idx.msk [tilespmem:v51+s2+$0x0], $0xffff  }
0x260: {  	v58 =	vld.idx.msk [tilespmem:v53+s2+$0x0], $0xffff  }
0x261: {  	v16 =	vld.idx.msk [tilespmem:v55+s2+$0x0], $0xffff  }
0x262: {  	v63 =	vld.idx.msk [tilespmem:v57+s2+$0x0], $0xffff  }
0x263: {  	v4 =	vld.idx.msk [tilespmem:v59+s2+$0x0], $0xffff  }
0x264: {  	v6 =	vld.idx.msk [tilespmem:v60+s2+$0x0], $0xffff  }
0x265: {  	v29 =	vld.idx.msk [tilespmem:v62+s2+$0x0], $0xffff  }
0x266: {  	v30 =	vld [tilespmem:$0x19C00]  }
0x267: {  	v32 =	vld [tilespmem:$0x19C10]  }
0x268: {  	v33 =	vld [tilespmem:$0x19C20]  }
0x269: {  	v34 =	vld [tilespmem:$0x19C30]  }
0x26a: {  	v35 =	vld.idx.msk [tilespmem:v17+s2+$0x0], $0xffff  }
0x26b: {  	v36 =	vld [tilespmem:$0x19C38]  }
0x26c: {  	v37 =	vld [tilespmem:$0x19880]  }
0x26d: {  	v41 =	vld [tilespmem:$0x19890]  }
0x26e: {  	v43 =	vld [tilespmem:$0x198A0]  }
0x26f: {  	v44 =	vld [tilespmem:$0x198B0]  }
0x270: {  	v45 =	vld [tilespmem:$0x198C0]  }
0x271: {  	v46 =	vld [tilespmem:$0x198D0]  }
0x272: {  	v47 =	vld [tilespmem:$0x198E0]  }
0x273: {  	v50 =	vld [tilespmem:$0x198F0]  }
0x274: {  	v51 =	vld [tilespmem:$0x19C80]  }
0x275: {  	v57 =	vld [tilespmem:$0x19CA0]  }
0x276: {  	v60 =	vld [tilespmem:$0x19CB0]  }
0x277: {  	v62 =	vld [tilespmem:$0x19900]  }
0x278: {  	[tilespmem:$0x1FA00] =	vst v2;
	v2 =	vld.idx.msk [tilespmem:v54+s2+$0x0], $0xffff  }
0x279: {  	[tilespmem:$0x1FA10] =	vst v0;
	v0 =	vld.idx.msk [tilespmem:v56+s2+$0x0], $0xffff  }
0x27a: {  	v56 =	vld [tilespmem:$0x19C90]  }
0x27b: {  	[tilespmem:$0x1FA40] =	vst v63;
	v63 =	vld [tilespmem:$0x19910]  }
0x27c: {  	[tilespmem:$0x1FAA0] =	vst v35;
	v35 =	vld [tilespmem:$0x19940]  }
0x27d: {  	v38 =	vld.idx.msk [tilespmem:v32+s2+$0x0], $0xffff  }
0x27e: {  	v39 =	vld.idx.msk [tilespmem:v33+s2+$0x0], $0xffff  }
0x27f: {  	v40 =	vld.idx.msk [tilespmem:v34+s2+$0x0], $0xffff  }
0x280: {  	v49 =	vld.idx.msk [tilespmem:v37+s2+$0x0], $0xffff  }
0x281: {  	[tilespmem:$0x1FA50] =	vst v4;
	v48 =	vld.idx.msk [tilespmem:v43+s2+$0x0], $0xffff  }
0x282: {  	[tilespmem:$0x1FA60] =	vst v6;
	v53 =	vld.idx.msk [tilespmem:v45+s2+$0x0], $0xffff  }
0x283: {  	[tilespmem:$0x1FA20] =	vst v2;
	v2 =	vld.idx.msk [tilespmem:v61+s2+$0x0], $0xffff  }
0x284: {  	[tilespmem:$0x1FA80] =	vst v29;
	v54 =	vld.idx.msk [tilespmem:v46+s2+$0x0], $0xffff  }
0x285: {  	v55 =	vld.idx.msk [tilespmem:v47+s2+$0x0], $0xffff;
	[tilespmem:$0x1FA30] =	vst v0  }
0x286: {  	v59 =	vld.idx.msk [tilespmem:v51+s2+$0x0], $0xffff;
	[tilespmem:$0x1FAC0] =	vst v38  }
0x287: {  	v0 =	vld.idx.msk [tilespmem:v14+s2+$0x0], $0xffff;
	[tilespmem:$0x1FAD0] =	vst v39  }
0x288: {  	[tilespmem:$0x1FA70] =	vst v2;
	v2 =	vld.idx.msk [tilespmem:v30+s2+$0x0], $0xffff  }
0x289: {  	[tilespmem:$0x1FAE0] =	vst v40;
	v30 =	vld [tilespmem:$0x19920]  }
0x28a: {  	v29 =	vld.idx.msk [tilespmem:v57+s2+$0x0], $0xffff;
	[tilespmem:$0x1FB00] =	vst v48  }
0x28b: {  	v32 =	vld [tilespmem:$0x19930];
	[tilespmem:$0x1FB20] =	vst v53  }
0x28c: {  	[tilespmem:$0x1FA90] =	vst v0;
	v0 =	vld.idx.msk [tilespmem:v44+s2+$0x0], $0xffff  }
0x28d: {  	[tilespmem:$0x1FAB0] =	vst v2;
	v2 =	vld.idx.msk [tilespmem:v41+s2+$0x0], $0xffff  }
0x28e: {  	v33 =	vld.idx.msk [tilespmem:v62+s2+$0x0], $0xffff;
	[tilespmem:$0x1FB30] =	vst v54  }
0x28f: {  	v61 =	vld [tilespmem:$0x19CB8];
	[tilespmem:$0x1FB40] =	vst v55  }
0x290: {  	[tilespmem:$0x1FB60] =	vst v59;
	v34 =	vld.idx.msk [tilespmem:v63+s2+$0x0], $0xffff  }
0x291: {  	[tilespmem:$0x1FB10] =	vst v0;
	v0 =	vld.idx.msk [tilespmem:v30+s2+$0x0], $0xffff  }
0x292: {  	[tilespmem:$0x1FAF0] =	vst v2;
	v2 =	vld.idx.msk [tilespmem:v50+s2+$0x0], $0xffff  }
0x293: {  	[tilespmem:$0x1FB70] =	vst v29;
	v37 =	vld.idx.msk [tilespmem:v32+s2+$0x0], $0xffff  }
0x294: {  	v17 =	vld.idx.msk [tilespmem:v36+s2+$0x0], $0xffff;
	[tilespmem:$0x1FB80] =	vst v33  }
0x295: {  	v36 =	vld [tilespmem:$0x19950];
	[tilespmem:$0x1FB90] =	vst v34  }
0x296: {  	v14 =	vld.idx.msk [tilespmem:v56+s2+$0x0], $0xffff;
	[tilespmem:$0x1FBA0] =	vst v0  }
0x297: {  	v44 =	vld.idx.msk [tilespmem:v61+s2+$0x0], $0xffff;
	[tilespmem:$0x1FB50] =	vst v2  }
0x298: {  	v50 =	vld.idx.msk [tilespmem:v60+s2+$0x0], $0xffff;
	[tilespmem:$0x1FBB0] =	vst v37  }
0x299: {  	v0 =	vld [tilespmem:$0x19960]  }
0x29a: {  	v38 =	vld [tilespmem:$0x19970]  }
0x29b: {  	v39 =	vld [tilespmem:$0x19D00]  }
0x29c: {  	v40 =	vld [tilespmem:$0x19D10]  }
0x29d: {  	v2 =	vld.idx.msk [tilespmem:v35+s2+$0x0], $0xffff  }
0x29e: {  	v41 =	vld.idx.msk [tilespmem:v36+s2+$0x0], $0xffff  }
0x29f: {  	v43 =	vld [tilespmem:$0x19D20]  }
0x2a0: {  	v45 =	vld [tilespmem:$0x19D30]  }
0x2a1: {  	v51 =	vld [tilespmem:$0x19D38]  }
0x2a2: {  	v53 =	vld [tilespmem:$0x19980]  }
0x2a3: {  	v55 =	vld [tilespmem:$0x19990]  }
0x2a4: {  	v56 =	vld [tilespmem:$0x199A0]  }
0x2a5: {  	v57 =	vld [tilespmem:$0x199B0]  }
0x2a6: {  	v59 =	vld [tilespmem:$0x199C0]  }
0x2a7: {  	v62 =	vld [tilespmem:$0x199D0]  }
0x2a8: {  	v6 =	vld [tilespmem:$0x199E0]  }
0x2a9: {  	v33 =	vld [tilespmem:$0x199F0]  }
0x2aa: {  	v34 =	vld [tilespmem:$0x19D80]  }
0x2ab: {  	v36 =	vld [tilespmem:$0x19D90]  }
0x2ac: {  	v37 =	vld [tilespmem:$0x19DA0]  }
0x2ad: {  	[tilespmem:$0x1FBD0] =	vst v41;
	v41 =	vld [tilespmem:$0x19A00]  }
0x2ae: {  	v0 =	vld.idx.msk [tilespmem:v0+s2+$0x0], $0xffff  }
0x2af: {  	v46 =	vld.idx.msk [tilespmem:v38+s2+$0x0], $0xffff  }
0x2b0: {  	v47 =	vld.idx.msk [tilespmem:v39+s2+$0x0], $0xffff  }
0x2b1: {  	v48 =	vld.idx.msk [tilespmem:v40+s2+$0x0], $0xffff  }
0x2b2: {  	[tilespmem:$0x1FBC0] =	vst v2;
	v2 =	vld.idx.msk [tilespmem:v43+s2+$0x0], $0xffff  }
0x2b3: {  	v54 =	vld.idx.msk [tilespmem:v45+s2+$0x0], $0xffff  }
0x2b4: {  	v63 =	vld.idx.msk [tilespmem:v51+s2+$0x0], $0xffff  }
0x2b5: {  	v61 =	vld.idx.msk [tilespmem:v53+s2+$0x0], $0xffff  }
0x2b6: {  	v29 =	vld.idx.msk [tilespmem:v56+s2+$0x0], $0xffff  }
0x2b7: {  	v30 =	vld.idx.msk [tilespmem:v57+s2+$0x0], $0xffff  }
0x2b8: {  	v32 =	vld.idx.msk [tilespmem:v59+s2+$0x0], $0xffff  }
0x2b9: {  	v35 =	vld.idx.msk [tilespmem:v6+s2+$0x0], $0xffff  }
0x2ba: {  	v38 =	vld [tilespmem:$0x19DB0]  }
0x2bb: {  	v39 =	vld [tilespmem:$0x19DB8]  }
0x2bc: {  	v51 =	vld.idx.msk [tilespmem:v33+s2+$0x0], $0xffff  }
0x2bd: {  	v40 =	vld.idx.msk [tilespmem:v34+s2+$0x0], $0xffff  }
0x2be: {  	v43 =	vld [tilespmem:$0x19A10]  }
0x2bf: {  	v53 =	vld [tilespmem:$0x19A30]  }
0x2c0: {  	v56 =	vld [tilespmem:$0x19A50]  }
0x2c1: {  	v57 =	vld [tilespmem:$0x19A60]  }
0x2c2: {  	v59 =	vld [tilespmem:$0x19A70]  }
0x2c3: {  	v33 =	vld [tilespmem:$0x19E20]  }
0x2c4: {  	v34 =	vld [tilespmem:$0x19E30]  }
0x2c5: {  	[tilespmem:$0x1FC20] =	vst v2;
	v2 =	vld.idx.msk [tilespmem:v55+s2+$0x0], $0xffff  }
0x2c6: {  	[tilespmem:$0x1FBE0] =	vst v0;
	v0 =	vld.idx.msk [tilespmem:v62+s2+$0x0], $0xffff  }
0x2c7: {  	[tilespmem:$0x1FC60] =	vst v29;
	v29 =	vld.idx.msk [tilespmem:v36+s2+$0x0], $0xffff  }
0x2c8: {  	[tilespmem:$0x1FBF0] =	vst v46;
	v46 =	vld.idx.msk [tilespmem:v37+s2+$0x0], $0xffff  }
0x2c9: {  	[tilespmem:$0x1FC10] =	vst v48;
	v48 =	vld [tilespmem:$0x19A20]  }
0x2ca: {  	v55 =	vld [tilespmem:$0x19A40]  }
0x2cb: {  	[tilespmem:$0x1FC40] =	vst v61;
	v61 =	vld [tilespmem:$0x19E00]  }
0x2cc: {  	v62 =	vld [tilespmem:$0x19E10]  }
0x2cd: {  	v36 =	vld [tilespmem:$0x19E38]  }
0x2ce: {  	v37 =	vld [tilespmem:$0x19A80]  }
0x2cf: {  	[tilespmem:$0x1FCB0] =	vst v40;
	v40 =	vld [tilespmem:$0x19EB8]  }
0x2d0: {  	[tilespmem:$0x1FC00] =	vst v47;
	v47 =	vld.idx.msk [tilespmem:v38+s2+$0x0], $0xffff  }
0x2d1: {  	v45 =	vld.idx.msk [tilespmem:v39+s2+$0x0], $0xffff  }
0x2d2: {  	[tilespmem:$0x1FC30] =	vst v54;
	v54 =	vld.idx.msk [tilespmem:v43+s2+$0x0], $0xffff  }
0x2d3: {  	v60 =	vld.idx.msk [tilespmem:v53+s2+$0x0], $0xffff  }
0x2d4: {  	v6 =	vld.idx.msk [tilespmem:v56+s2+$0x0], $0xffff  }
0x2d5: {  	[tilespmem:$0x1FC70] =	vst v30;
	v30 =	vld.idx.msk [tilespmem:v57+s2+$0x0], $0xffff  }
0x2d6: {  	[tilespmem:$0x1FC80] =	vst v32;
	v32 =	vld.idx.msk [tilespmem:v59+s2+$0x0], $0xffff  }
0x2d7: {  	v38 =	vld [tilespmem:$0x19A90]  }
0x2d8: {  	v39 =	vld [tilespmem:$0x19AA0]  }
0x2d9: {  	v43 =	vld.idx.msk [tilespmem:v33+s2+$0x0], $0xffff  }
0x2da: {  	v59 =	vld.idx.msk [tilespmem:v34+s2+$0x0], $0xffff  }
0x2db: {  	v57 =	vld [tilespmem:$0x19AF0]  }
0x2dc: {  	v33 =	vld [tilespmem:$0x19EA0]  }
0x2dd: {  	[tilespmem:$0x1FC50] =	vst v2;
	v2 =	vld.idx.msk [tilespmem:v41+s2+$0x0], $0xffff  }
0x2de: {  	v41 =	vld [tilespmem:$0x19AB0]  }
0x2df: {  	[tilespmem:$0x1FCC0] =	vst v46;
	v46 =	vld [tilespmem:$0x19AC0]  }
0x2e0: {  	[tilespmem:$0x1FC90] =	vst v0;
	v0 =	vld.idx.msk [tilespmem:v48+s2+$0x0], $0xffff  }
0x2e1: {  	[tilespmem:$0x1FCA0] =	vst v35;
	v35 =	vld.idx.msk [tilespmem:v62+s2+$0x0], $0xffff  }
0x2e2: {  	[tilespmem:$0x1FCD0] =	vst v47;
	v47 =	vld.idx.msk [tilespmem:v37+s2+$0x0], $0xffff  }
0x2e3: {  	[tilespmem:$0x1FCF0] =	vst v54;
	v54 =	vld [tilespmem:$0x19AD0]  }
0x2e4: {  	[tilespmem:$0x1FD40] =	vst v30;
	v30 =	vld [tilespmem:$0x19E80]  }
0x2e5: {  	[tilespmem:$0x1FD50] =	vst v32;
	v32 =	vld [tilespmem:$0x19E90]  }
0x2e6: {  	v37 =	vld [tilespmem:$0x1A310]  }
0x2e7: {  	[tilespmem:$0x1FCE0] =	vst v2;
	v2 =	vld.idx.msk [tilespmem:v55+s2+$0x0], $0xffff  }
0x2e8: {  	v55 =	vld [tilespmem:$0x19AE0]  }
0x2e9: {  	v48 =	vld.idx.msk [tilespmem:v38+s2+$0x0], $0xffff  }
0x2ea: {  	v53 =	vld.idx.msk [tilespmem:v39+s2+$0x0], $0xffff  }
0x2eb: {  	v38 =	vld.idx.msk [tilespmem:v57+s2+$0x0], $0xffff  }
0x2ec: {  	v57 =	vld [tilespmem:$0x19F50]  }
0x2ed: {  	[tilespmem:$0x1FD00] =	vst v0;
	v0 =	vld.idx.msk [tilespmem:v61+s2+$0x0], $0xffff  }
0x2ee: {  	v56 =	vld.idx.msk [tilespmem:v46+s2+$0x0], $0xffff  }
0x2ef: {  	[tilespmem:$0x1FD70] =	vst v35;
	v35 =	vld [tilespmem:$0x19EB0]  }
0x2f0: {  	v46 =	vld [tilespmem:$0x19F00]  }
0x2f1: {  	[tilespmem:$0x1FD80] =	vst v47;
	v47 =	vld [tilespmem:$0x19F10]  }
0x2f2: {  	[tilespmem:$0x1FD20] =	vst v2;
	v2 =	vld.idx.msk [tilespmem:v41+s2+$0x0], $0xffff  }
0x2f3: {  	v41 =	vld.idx.msk [tilespmem:v33+s2+$0x0], $0xffff  }
0x2f4: {  	[tilespmem:$0x1FD10] =	vst v60;
	v60 =	vld.idx.msk [tilespmem:v54+s2+$0x0], $0xffff  }
0x2f5: {  	v61 =	vld.idx.msk [tilespmem:v30+s2+$0x0], $0xffff  }
0x2f6: {  	v62 =	vld.idx.msk [tilespmem:v32+s2+$0x0], $0xffff  }
0x2f7: {  	[tilespmem:$0x1FDA0] =	vst v53;
	v53 =	vld.idx.msk [tilespmem:v40+s2+$0x0], $0xffff  }
0x2f8: {  	v54 =	vld [tilespmem:$0x19F20]  }
0x2f9: {  	v30 =	vld [tilespmem:$0x19F60]  }
0x2fa: {  	v32 =	vld [tilespmem:$0x19F70]  }
0x2fb: {  	v40 =	vld [tilespmem:$0x1A320]  }
0x2fc: {  	[tilespmem:$0x1FD60] =	vst v0;
	v0 =	vld.idx.msk [tilespmem:v36+s2+$0x0], $0xffff  }
0x2fd: {  	v34 =	vld.idx.msk [tilespmem:v55+s2+$0x0], $0xffff  }
0x2fe: {  	v55 =	vld [tilespmem:$0x19F30]  }
0x2ff: {  	[tilespmem:$0x1FDC0] =	vst v56;
	v56 =	vld [tilespmem:$0x19F40]  }
0x300: {  	v36 =	vld [tilespmem:$0x1A300]  }
0x301: {  	[tilespmem:$0x1FDE0] =	vst v41;
	v41 =	vld [tilespmem:$0x1A330]  }
0x302: {  	[tilespmem:$0x1FD90] =	vst v48;
	v48 =	vld.idx.msk [tilespmem:v35+s2+$0x0], $0xffff  }
0x303: {  	[tilespmem:$0x1FDB0] =	vst v2;
	v2 =	vld.idx.msk [tilespmem:v46+s2+$0x0], $0xffff  }
0x304: {  	[tilespmem:$0x1FD30] =	vst v6;
	v6 =	vld.idx.msk [tilespmem:v47+s2+$0x0], $0xffff  }
0x305: {  	v35 =	vld.idx.msk [tilespmem:v57+s2+$0x0], $0xffff  }
0x306: {  	v46 =	vld [tilespmem:$0x1A338]  }
0x307: {  	v47 =	vld [tilespmem:$0x19F80]  }
0x308: {  	v57 =	vld [tilespmem:$0x19F90]  }
0x309: {  	[tilespmem:$0x1FEF0] =	vst v53;
	v53 =	vld [tilespmem:$0x1A380]  }
0x30a: {  	[tilespmem:$0x1FE70] =	vst v0;
	v0 =	vld.idx.msk [tilespmem:v54+s2+$0x0], $0xffff  }
0x30b: {  	v39 =	vld.idx.msk [tilespmem:v32+s2+$0x0], $0xffff  }
0x30c: {  	v54 =	vld.idx.msk [tilespmem:v40+s2+$0x0], $0xffff  }
0x30d: {  	v40 =	vld [tilespmem:$0x19FE0]  }
0x30e: {  	v33 =	vld.idx.msk [tilespmem:v55+s2+$0x0], $0xffff  }
0x30f: {  	[tilespmem:$0x1FDD0] =	vst v34;
	v34 =	vld.idx.msk [tilespmem:v56+s2+$0x0], $0xffff  }
0x310: {  	[tilespmem:$0x1FDF0] =	vst v2;
	v2 =	vld.idx.msk [tilespmem:v30+s2+$0x0], $0xffff  }
0x311: {  	[tilespmem:$0x1FE40] =	vst v35;
	v35 =	vld.idx.msk [tilespmem:v37+s2+$0x0], $0xffff  }
0x312: {  	[tilespmem:$0x1FE00] =	vst v6;
	v6 =	vld [tilespmem:$0x19FA0]  }
0x313: {  	v55 =	vld.idx.msk [tilespmem:v41+s2+$0x0], $0xffff  }
0x314: {  	v41 =	vld [tilespmem:$0x19FF0]  }
0x315: {  	v32 =	vld.idx.msk [tilespmem:v47+s2+$0x0], $0xffff  }
0x316: {  	[tilespmem:$0x1FE60] =	vst v39;
	v39 =	vld [tilespmem:$0x19FD0]  }
0x317: {  	[tilespmem:$0x1FE30] =	vst v34;
	v34 =	vld.idx.msk [tilespmem:v36+s2+$0x0], $0xffff  }
0x318: {  	[tilespmem:$0x1FE20] =	vst v33;
	v33 =	vld [tilespmem:$0x19FB0]  }
0x319: {  	v36 =	vld [tilespmem:$0x19FC0]  }
0x31a: {  	v30 =	vld.idx.msk [tilespmem:v46+s2+$0x0], $0xffff  }
0x31b: {  	[tilespmem:$0x1FE10] =	vst v0;
	v0 =	vld.idx.msk [tilespmem:v57+s2+$0x0], $0xffff  }
0x31c: {  	v37 =	vld.idx.msk [tilespmem:v6+s2+$0x0], $0xffff  }
0x31d: {  	[tilespmem:$0x1FE80] =	vst v32;
	v32 =	vld [tilespmem:$0x1A390]  }
0x31e: {  	v56 =	vld.idx.msk [tilespmem:v39+s2+$0x0], $0xffff  }
0x31f: {  	v39 =	vld.idx.msk [tilespmem:v53+s2+$0x0], $0xffff  }
0x320: {  	v47 =	vld.idx.msk [tilespmem:v33+s2+$0x0], $0xffff  }
0x321: {  	[tilespmem:$0x1FF80] =	vst v30;
	v30 =	vld.idx.msk [tilespmem:v36+s2+$0x0], $0xffff  }
0x322: {  	v33 =	vld [tilespmem:$0x1A3A0]  }
0x323: {  	v36 =	vld.idx.msk [tilespmem:v40+s2+$0x0], $0xffff  }
0x324: {  	[tilespmem:$0x1FEA0] =	vst v37;
	v37 =	vld.idx.msk [tilespmem:v41+s2+$0x0], $0xffff  }
0x325: {  	v40 =	vld [tilespmem:$0x1A3B0]  }
0x326: {  	v41 =	vld [tilespmem:$0x1A3B8]  }
0x327: {  	v53 =	vld [tilespmem:$0x1A000]  }
0x328: {  	v57 =	vld.idx.msk [tilespmem:v32+s2+$0x0], $0xffff  }
0x329: {  	[tilespmem:$0x1FEC0] =	vst v36;
	v36 =	vld [tilespmem:$0x1A020]  }
0x32a: {  	[tilespmem:$0x1FED0] =	vst v37;
	v37 =	vld [tilespmem:$0x1A030]  }
0x32b: {  	v46 =	vld.idx.msk [tilespmem:v33+s2+$0x0], $0xffff  }
0x32c: {  	v33 =	vld [tilespmem:$0x1A010]  }
0x32d: {  	[tilespmem:$0x1FEB0] =	vst v30;
	v30 =	vld.idx.msk [tilespmem:v40+s2+$0x0], $0xffff  }
0x32e: {  	[tilespmem:$0x1FEE0] =	vst v39;
	v39 =	vld.idx.msk [tilespmem:v41+s2+$0x0], $0xffff  }
0x32f: {  	v40 =	vld [tilespmem:$0x1A040]  }
0x330: {  	v41 =	vld [tilespmem:$0x1A050]  }
0x331: {  	[tilespmem:$0x1FF00] =	vst v46;
	v46 =	vld.idx.msk [tilespmem:v53+s2+$0x0], $0xffff  }
0x332: {  	v4 =	vld.idx.msk [tilespmem:v36+s2+$0x0], $0xffff  }
0x333: {  	v32 =	vld.idx.msk [tilespmem:v37+s2+$0x0], $0xffff  }
0x334: {  	v36 =	vld [tilespmem:$0x1A070]  }
0x335: {  	v53 =	vld.idx.msk [tilespmem:v33+s2+$0x0], $0xffff  }
0x336: {  	v33 =	vld [tilespmem:$0x1A060]  }
0x337: {  	v37 =	vld.idx.msk [tilespmem:v40+s2+$0x0], $0xffff;
	_ =	sdelay $0x2  }
0x338: {  	v6 =	vld [tilespmem:$0x1A430]  }
0x339: {  	[tilespmem:$0x1FFC0] =	vst v39;
	v39 =	vld.idx.msk [tilespmem:v41+s2+$0x0], $0xffff  }
0x33a: {  	[tilespmem:$0x1FF50] =	vst v37;
	v37 =	vld [tilespmem:$0x1A420]  }
0x33b: {  	[tilespmem:$0x1FF40] =	vst v32;
	v32 =	vld.idx.msk [tilespmem:v36+s2+$0x0], $0xffff  }
0x33c: {  	[tilespmem:$0x1FF20] =	vst v53;
	v53 =	vld.idx.msk [tilespmem:v33+s2+$0x0], $0xffff  }
0x33d: {  	v33 =	vld [tilespmem:$0x1A438]  }
0x33e: {  	v36 =	vld [tilespmem:$0x1A080];
	_ =	sdelay $0x1  }
0x33f: {  	v3 =	vld [tilespmem:$0x1A0C0]  }
0x340: {  	[tilespmem:$0x1FF30] =	vst v4;
	v4 =	vld [tilespmem:$0x1A0A0]  }
0x341: {  	v5 =	vld [tilespmem:$0x1A0D0]  }
0x342: {  	[tilespmem:$0x1FF60] =	vst v39;
	v39 =	vld.idx.msk [tilespmem:v6+s2+$0x0], $0xffff  }
0x343: {  	v37 =	vld.idx.msk [tilespmem:v37+s2+$0x0], $0xffff  }
0x344: {  	[tilespmem:$0x1FF70] =	vst v32;
	v32 =	vld.idx.msk [tilespmem:v33+s2+$0x0], $0xffff  }
0x345: {  	[tilespmem:$0x1FE50] =	vst v2;
	v33 =	vld.idx.msk [tilespmem:v36+s2+$0x0], $0xffff  }
0x346: {  	v2 =	vld [tilespmem:$0x1A0B0];
	[tilespmem:$0x1FE90] =	vst v0  }
0x347: {  	v0 =	vld [tilespmem:$0x1A130];
	[tilespmem:$0x1FFA0] =	vst v39  }
0x348: {  	v39 =	vld.idx.msk [tilespmem:v4+s2+$0x0], $0xffff;
	[tilespmem:$0x1FF90] =	vst v37;
	v37 =	vadd.f32 $0.0e+00, v8  }
0x349: {  	v9 =	vadd.f32 $0.0e+00, v9;
	v36 =	vadd.f32 $0.0e+00, v7;
	v8 =	vld [tilespmem:$0x1A0E0]  }
0x34a: {  	v10 =	vadd.f32 $0.0e+00, v10;
	[tilespmem:$0x1FFB0] =	vst v33;
	v33 =	vadd.f32 v12, v37;
	v12 =	vld [tilespmem:$0x1A0F0]  }
0x34b: {  	[tilespmem:$0x1FFD0] =	vst v32;
	v32 =	vadd.f32 v11, v36;
	v36 =	vadd.f32 v13, v9;
	v13 =	vld [tilespmem:$0x1A480]  }
0x34c: {  	v11 =	vld [tilespmem:$0x1FA00]  }
0x34d: {  	v37 =	vadd.f32 v18, v10;
	v9 =	vld [tilespmem:$0x1A4B0]  }
0x34e: {  	v4 =	vadd.f32 v24, v36;
	v36 =	vld.idx.msk [tilespmem:v2+s2+$0x0], $0xffff  }
0x34f: {  	v7 =	vadd.f32 v25, v37;
	v37 =	vld.idx.msk [tilespmem:v3+s2+$0x0], $0xffff  }
0x350: {  	v19 =	vadd.f32 $0.0e+00, v19;
	v6 =	vadd.f32 v23, v33;
	v33 =	vld.idx.msk [tilespmem:v5+s2+$0x0], $0xffff  }
0x351: {  	v25 =	vld [tilespmem:$0x1A490]  }
0x352: {  	v3 =	vadd.f32 v26, v19;
	v2 =	vld [tilespmem:$0x1A4B8]  }
0x353: {  	v1 =	vadd.f32 v22, v32;
	v23 =	vadd.f32 $0.0e+00, v20;
	v20 =	vld [tilespmem:$0x1FA40]  }
0x354: {  	v24 =	vadd.f32 $0.0e+00, v28;
	v3 =	vadd.f32 v27, v3;
	v27 =	vld [tilespmem:$0x1FA60]  }
0x355: {  	v18 =	vadd.f32 v7, v4;
	v7 =	vld [tilespmem:$0x1FA80]  }
0x356: {  	v1 =	vadd.f32 v6, v1;
	v6 =	vadd.f32 v42, v24;
	v24 =	vld [tilespmem:$0x1FAC0]  }
0x357: {  	v22 =	vadd.f32 $0.0e+00, v21;
	v32 =	vld.idx.msk [tilespmem:v8+s2+$0x0], $0xffff  }
0x358: {  	v8 =	vld [tilespmem:$0x1A4A0]  }
0x359: {  	v4 =	vadd.f32 v11, v22;
	v11 =	vld [tilespmem:$0x1A110]  }
0x35a: {  	v5 =	vadd.f32 v31, v23;
	v22 =	vld [tilespmem:$0x1FA50]  }
0x35b: {  	v1 =	vadd.f32 v18, v1;
	v18 =	vld [tilespmem:$0x1FA30]  }
0x35c: {  	v5 =	vadd.f32 v58, v5;
	v58 =	vld [tilespmem:$0x1FA70]  }
0x35d: {  	v31 =	vld.idx.msk [tilespmem:v12+s2+$0x0], $0xffff  }
0x35e: {  	v12 =	vld [tilespmem:$0x1FA10]  }
0x35f: {  	v28 =	vld.idx.msk [tilespmem:v13+s2+$0x0], $0xffff  }
0x360: {  	v13 =	vld [tilespmem:$0x1FA20]  }
0x361: {  	v21 =	vadd.f32 $0.0e+00, v20;
	v42 =	vadd.f32 $0.0e+00, v27;
	v27 =	vld.idx.msk [tilespmem:v25+s2+$0x0], $0xffff  }
0x362: {  	v25 =	vmul.f32 v52, v15;
	v15 =	vadd.f32 $0.0e+00, v49;
	v49 =	vld [tilespmem:$0x1FB40]  }
0x363: {  	v19 =	vadd.f32 $0.0e+00, v18;
	v18 =	vadd.f32 v7, v21;
	v21 =	vld [tilespmem:$0x1FAA0]  }
0x364: {  	v26 =	vld.idx.msk [tilespmem:v8+s2+$0x0], $0xffff  }
0x365: {  	v4 =	vadd.f32 v12, v4;
	v12 =	vld [tilespmem:$0x1A120]  }
0x366: {  	v7 =	vadd.f32 v24, v18;
	v18 =	vld [tilespmem:$0x1FAF0]  }
0x367: {  	v6 =	vadd.f32 v13, v6;
	v24 =	vld.idx.msk [tilespmem:v11+s2+$0x0], $0xffff  }
0x368: {  	v13 =	vld [tilespmem:$0x1FB60];
	v3 =	vadd.f32 v4, v3  }
0x369: {  	v4 =	vadd.f32 v6, v5;
	v6 =	vadd.f32 v58, v19;
	v19 =	vld [tilespmem:$0x1FA90]  }
0x36a: {  	v5 =	vld [tilespmem:$0x1A100]  }
0x36b: {  	v58 =	vld [tilespmem:$0x1FAE0]  }
0x36c: {  	v23 =	vadd.f32 $0.0e+00, v22;
	v22 =	vadd.f32 v21, v42;
	v42 =	vld [tilespmem:$0x1FAD0]  }
0x36d: {  	v21 =	vld [tilespmem:$0x1FB20]  }
0x36e: {  	v20 =	vadd.f32 v19, v23;
	v23 =	vld [tilespmem:$0x1FAB0]  }
0x36f: {  	v19 =	vld [tilespmem:$0x1FB00]  }
0x370: {  	v1 =	vadd.f32 v25, v1;
	v10 =	vadd.f32 v58, v22;
	v22 =	vld [tilespmem:$0x1FB30]  }
0x371: {  	v58 =	vld [tilespmem:$0x1FB50]  }
0x372: {  	[tilespmem:$0x1FFE0] =	vst v1;
	v1 =	vadd.f32 v4, v3;
	v4 =	vadd.f32 v21, v15;
	v21 =	vld.idx.msk [tilespmem:v0+s2+$0x0], $0xffff  }
0x373: {  	v15 =	vmul.f32 v52, v16;
	v16 =	vld [tilespmem:$0x1FB70]  }
0x374: {  	v8 =	vadd.f32 v42, v20;
	v42 =	vld.idx.msk [tilespmem:v2+s2+$0x0], $0xffff  }
0x375: {  	v20 =	vld [tilespmem:$0x1FB10]  }
0x376: {  	v25 =	vld.idx.msk [tilespmem:v5+s2+$0x0], $0xffff  }
0x377: {  	v4 =	vadd.f32 v13, v4;
	v13 =	vld [tilespmem:$0x1FBD0]  }
0x378: {  	v1 =	vadd.f32 v15, v1;
	v15 =	vld [tilespmem:$0x1FBF0]  }
0x379: {  	v3 =	vadd.f32 v10, v8;
	v8 =	vld [tilespmem:$0x1A140]  }
0x37a: {  	v10 =	vld [tilespmem:$0x1A510]  }
0x37b: {  	v5 =	vadd.f32 $0.0e+00, v18;
	v6 =	vadd.f32 v23, v6;
	v23 =	vld.idx.msk [tilespmem:v9+s2+$0x0], $0xffff  }
0x37c: {  	v9 =	vld [tilespmem:$0x1A150]  }
0x37d: {  	v5 =	vadd.f32 v22, v5;
	v22 =	vld.idx.msk [tilespmem:v12+s2+$0x0], $0xffff  }
0x37e: {  	v12 =	vld [tilespmem:$0x1FBC0]  }
0x37f: {  	v2 =	vadd.f32 v7, v6;
	v6 =	vadd.f32 $0.0e+00, v19;
	v19 =	vld [tilespmem:$0x1FB80]  }
0x380: {  	v7 =	vadd.f32 $0.0e+00, v20;
	v20 =	vld [tilespmem:$0x1FB90]  }
0x381: {  	v5 =	vadd.f32 v14, v5;
	v14 =	vld [tilespmem:$0x1FBE0]  }
0x382: {  	[tilespmem:$0x1FFF0] =	vst v1;
	v7 =	vadd.f32 v58, v7;
	v1 =	vadd.f32 v3, v2;
	v2 =	vld [tilespmem:$0x1A170]  }
0x383: {  	v6 =	vadd.f32 v49, v6;
	v49 =	vld [tilespmem:$0x1FBA0]  }
0x384: {  	v18 =	vadd.f32 v50, v7;
	v50 =	vld [tilespmem:$0x1FBB0]  }
0x385: {  	v3 =	vadd.f32 v5, v4;
	v4 =	vld [tilespmem:$0x1A500]  }
0x386: {  	v7 =	vld [tilespmem:$0x1A160]  }
0x387: {  	v0 =	vadd.f32 v16, v6;
	v16 =	vld [tilespmem:$0x1FC00]  }
0x388: {  	v11 =	vadd.f32 $0.0e+00, v49;
	v49 =	vld [tilespmem:$0x1FC20]  }
0x389: {  	v6 =	vadd.f32 $0.0e+00, v20;
	v20 =	vld.idx.msk [tilespmem:v8+s2+$0x0], $0xffff;
	v58 =	vadd.f32 $0.0e+00, v50  }
0x38a: {  	v5 =	vadd.f32 $0.0e+00, v19;
	v19 =	vld.idx.msk [tilespmem:v9+s2+$0x0], $0xffff  }
0x38b: {  	v8 =	vadd.f32 v14, v11;
	v9 =	vadd.f32 v15, v58;
	v58 =	vld [tilespmem:$0x1FC30]  }
0x38c: {  	v15 =	vld [tilespmem:$0x1FC40]  }
0x38d: {  	v8 =	vadd.f32 v49, v8;
	v49 =	vld [tilespmem:$0x1FC50]  }
0x38e: {  	v0 =	vadd.f32 v18, v0;
	v18 =	vld [tilespmem:$0x1FC10];
	v5 =	vadd.f32 v12, v5  }
0x38f: {  	v11 =	vld [tilespmem:$0x1A520]  }
0x390: {  	v5 =	vadd.f32 v16, v5;
	v16 =	vld.idx.msk [tilespmem:v4+s2+$0x0], $0xffff  }
0x391: {  	v6 =	vadd.f32 v13, v6;
	v4 =	vadd.f32 $0.0e+00, v15;
	v15 =	vld.idx.msk [tilespmem:v10+s2+$0x0], $0xffff  }
0x392: {  	v50 =	vmul.f32 v52, v17;
	v9 =	vadd.f32 v58, v9;
	v58 =	vadd.f32 $0.0e+00, v49;
	v49 =	vld [tilespmem:$0x1FC90]  }
0x393: {  	v10 =	vld [tilespmem:$0x1FC70]  }
0x394: {  	v14 =	vld [tilespmem:$0x1FC80];
	v6 =	vadd.f32 v18, v6;
	v50 =	vadd.f32 v50, v1  }
0x395: {  	v1 =	vadd.f32 v0, v3;
	v3 =	vadd.f32 v9, v8;
	v9 =	vld [tilespmem:$0x1FC60]  }
0x396: {  	v17 =	vld.idx.msk [tilespmem:v2+s2+$0x0], $0xffff  }
0x397: {  	v2 =	vadd.f32 v6, v5;
	v5 =	vadd.f32 v49, v58;
	v58 =	vld [tilespmem:$0x1FCA0]  }
0x398: {  	v12 =	vld [tilespmem:$0x1A530];
	v13 =	vadd.f32 $0.0e+00, v10  }
0x399: {  	v44 =	vmul.f32 v52, v44;
	v4 =	vadd.f32 v14, v4;
	v14 =	vld.idx.msk [tilespmem:v11+s2+$0x0], $0xffff  }
0x39a: {  	v6 =	vadd.f32 $0.0e+00, v9;
	v51 =	vadd.f32 v51, v13;
	v13 =	vld [tilespmem:$0x1FCB0]  }
0x39b: {  	v11 =	vadd.f32 v29, v5;
	v29 =	vadd.f32 v44, v1;
	v44 =	vld [tilespmem:$0x1FD00]  }
0x39c: {  	v6 =	vadd.f32 v58, v6;
	v58 =	vld [tilespmem:$0x1FCD0]  }
0x39d: {  	v49 =	vld [tilespmem:$0x1FCC0]  }
0x39e: {  	v18 =	vld.idx.msk [tilespmem:v7+s2+$0x0], $0xffff  }
0x39f: {  	v9 =	vld [tilespmem:$0x1FCF0]  }
0x3a0: {  	v8 =	vld [tilespmem:$0x1FCE0];
	v4 =	vadd.f32 v13, v4  }
0x3a1: {  	v7 =	vadd.f32 v58, v51;
	v58 =	vadd.f32 $0.0e+00, v44;
	v44 =	vld [tilespmem:$0x1FD30]  }
0x3a2: {  	v13 =	vld.idx.msk [tilespmem:v12+s2+$0x0], $0xffff;
	v6 =	vadd.f32 v49, v6  }
0x3a3: {  	v1 =	vadd.f32 v3, v2;
	v12 =	vld [tilespmem:$0x1A1B0];
	v3 =	vadd.f32 v11, v4  }
0x3a4: {  	v11 =	vadd.f32 v7, v6;
	v6 =	vadd.f32 $0.0e+00, v9;
	v9 =	vld [tilespmem:$0x1FD20]  }
0x3a5: {  	v49 =	vld [tilespmem:$0x1FD10]  }
0x3a6: {  	v6 =	vadd.f32 v44, v6;
	v44 =	vld [tilespmem:$0x1FD60]  }
0x3a7: {  	v4 =	vadd.f32 $0.0e+00, v8;
	v8 =	vld [tilespmem:$0x1FD50]  }
0x3a8: {  	v51 =	vld [tilespmem:$0x1A190]  }
0x3a9: {  	v7 =	vld [tilespmem:$0x1FD40];
	v4 =	vadd.f32 v9, v4  }
0x3aa: {  	v0 =	vld [tilespmem:$0x1A180]  }
0x3ab: {  	v49 =	vadd.f32 $0.0e+00, v49;
	v4 =	vadd.f32 v44, v4;
	v44 =	vld [tilespmem:$0x1FD70];
	_ =	sdelay $0x1  }
0x3ac: {  	v2 =	vld [tilespmem:$0x1A1A0];
	v49 =	vadd.f32 v8, v49  }
0x3ad: {  	v5 =	vld [tilespmem:$0x1A1C0];
	v58 =	vadd.f32 v7, v58  }
0x3ae: {  	v11 =	vadd.f32 v11, v3;
	v3 =	vld.idx.msk [tilespmem:v12+s2+$0x0], $0xffff;
	v49 =	vadd.f32 v59, v49  }
0x3af: {  	v59 =	vld.idx.msk [tilespmem:v51+s2+$0x0], $0xffff;
	v58 =	vadd.f32 v43, v58;
	v6 =	vadd.f32 v44, v6  }
0x3b0: {  	v51 =	vld [tilespmem:$0x1FD90]  }
0x3b1: {  	v4 =	vadd.f32 v6, v4;
	v6 =	vadd.f32 v49, v58;
	v49 =	vld [tilespmem:$0x1FD80]  }
0x3b2: {  	v63 =	vmul.f32 v52, v63;
	v9 =	vld.idx.msk [tilespmem:v0+s2+$0x0], $0xffff  }
0x3b3: {  	v0 =	vld [tilespmem:$0x1A1D0]  }
0x3b4: {  	v43 =	vadd.f32 v63, v1;
	v63 =	vld [tilespmem:$0x1FDB0]  }
0x3b5: {  	v44 =	vld [tilespmem:$0x1FDC0]  }
0x3b6: {  	v58 =	vld [tilespmem:$0x1FDA0];
	v12 =	vadd.f32 $0.0e+00, v49;
	v49 =	vadd.f32 $0.0e+00, v51;
	_ =	sdelay $0x1  }
0x3b7: {  	v49 =	vadd.f32 v60, v49;
	v60 =	vld [tilespmem:$0x1FDD0]  }
0x3b8: {  	v40 =	vld [tilespmem:$0x1A400]  }
0x3b9: {  	v8 =	vld.idx.msk [tilespmem:v2+s2+$0x0], $0xffff;
	v51 =	vadd.f32 $0.0e+00, v63  }
0x3ba: {  	v2 =	vld.idx.msk [tilespmem:v5+s2+$0x0], $0xffff;
	v5 =	vadd.f32 $0.0e+00, v58;
	v12 =	vadd.f32 v44, v12  }
0x3bb: {  	v45 =	vmul.f32 v52, v45;
	v41 =	vld [tilespmem:$0x1A410];
	v38 =	vadd.f32 v38, v51;
	v44 =	vadd.f32 v62, v49  }
0x3bc: {  	v5 =	vadd.f32 v60, v5;
	v60 =	vld.idx.msk [tilespmem:v0+s2+$0x0], $0xffff;
	v0 =	vadd.f32 v61, v12  }
0x3bd: {  	v62 =	vadd.f32 v48, v38;
	v38 =	vadd.f32 v45, v11;
	v45 =	vld [tilespmem:$0x1FE00]  }
0x3be: {  	v0 =	vadd.f32 v44, v0;
	v44 =	vld [tilespmem:$0x1FDF0]  }
0x3bf: {  	v51 =	vld [tilespmem:$0x1FDE0]  }
0x3c0: {  	[tilespmem:$0x1FF10] =	vst v46;
	v46 =	vld.idx.msk [tilespmem:v40+s2+$0x0], $0xffff  }
0x3c1: {  	v40 =	vld [tilespmem:$0x1A090]  }
0x3c2: {  	v12 =	vadd.f32 $0.0e+00, v45;
	v45 =	vld [tilespmem:$0x1FE40]  }
0x3c3: {  	v11 =	vadd.f32 $0.0e+00, v44;
	v44 =	vld [tilespmem:$0x1FE30]  }
0x3c4: {  	v4 =	vadd.f32 v6, v4;
	v6 =	vld [tilespmem:$0x1A5A0];
	v5 =	vadd.f32 v51, v5  }
0x3c5: {  	v48 =	vld [tilespmem:$0x1FE10]  }
0x3c6: {  	v5 =	vadd.f32 v62, v5;
	v62 =	vld [tilespmem:$0x1FE20]  }
0x3c7: {  	v12 =	vadd.f32 v45, v12;
	v45 =	vld [tilespmem:$0x1FE60]  }
0x3c8: {  	v11 =	vadd.f32 v44, v11;
	v44 =	vld [tilespmem:$0x1FE50];
	_ =	sdelay $0x2  }
0x3c9: {  	v48 =	vadd.f32 $0.0e+00, v48;
	v62 =	vadd.f32 $0.0e+00, v62;
	_ =	sdelay $0x1  }
0x3ca: {  	v62 =	vadd.f32 v45, v62;
	v48 =	vadd.f32 v44, v48  }
0x3cb: {  	v41 =	vld.idx.msk [tilespmem:v41+s2+$0x0], $0xffff;
	v12 =	vadd.f32 v35, v12;
	v11 =	vadd.f32 v34, v11  }
0x3cc: {  	v40 =	vld.idx.msk [tilespmem:v40+s2+$0x0], $0xffff;
	v45 =	vadd.f32 v55, v62;
	v48 =	vadd.f32 v54, v48  }
0x3cd: {  	v0 =	vadd.f32 v5, v0;
	v5 =	vld.idx.msk [tilespmem:v6+s2+$0x0], $0xffff  }
0x3ce: {  	v6 =	vadd.f32 v12, v11;
	v11 =	vadd.f32 v45, v48;
	v48 =	vld [tilespmem:$0x1FE80]  }
0x3cf: {  	v49 =	vld [tilespmem:$0x1A5B8]  }
0x3d0: {  	v39 =	vadd.f32 $0.0e+00, v39;
	v62 =	vld [tilespmem:$0x1FEB0]  }
0x3d1: {  	v44 =	vld [tilespmem:$0x1FE70]  }
0x3d2: {  	v32 =	vadd.f32 v32, v39;
	v39 =	vld [tilespmem:$0x1A280]  }
0x3d3: {  	v55 =	vld [tilespmem:$0x1FEA0];
	v12 =	vadd.f32 $0.0e+00, v48  }
0x3d4: {  	v26 =	vadd.f32 v26, v32;
	v32 =	vld [tilespmem:$0x1A2E0]  }
0x3d5: {  	v12 =	vadd.f32 v62, v12;
	v62 =	vld [tilespmem:$0x1FEC0]  }
0x3d6: {  	v10 =	vld [tilespmem:$0x1A538];
	v34 =	vmul.f32 v52, v44  }
0x3d7: {  	v21 =	vadd.f32 $0.0e+00, v21;
	v54 =	vld [tilespmem:$0x1FE90]  }
0x3d8: {  	v4 =	vadd.f32 v34, v4;
	v34 =	vld.idx.msk [tilespmem:v49+s2+$0x0], $0xffff;
	v49 =	vadd.f32 $0.0e+00, v55  }
0x3d9: {  	v17 =	vadd.f32 v17, v21;
	v21 =	vld [tilespmem:$0x1A638]  }
0x3da: {  	v49 =	vadd.f32 v62, v49;
	v62 =	vld [tilespmem:$0x1FED0]  }
0x3db: {  	v13 =	vadd.f32 v13, v17;
	v17 =	vld.idx.msk [tilespmem:v39+s2+$0x0], $0xffff  }
0x3dc: {  	v39 =	vld [tilespmem:$0x1A2F0]  }
0x3dd: {  	v7 =	vld [tilespmem:$0x1A1E0];
	v48 =	vadd.f32 $0.0e+00, v54;
	v54 =	vadd.f32 $0.0e+00, v47  }
0x3de: {  	v1 =	vld [tilespmem:$0x1A200]  }
0x3df: {  	v54 =	vadd.f32 v62, v54;
	v62 =	vld [tilespmem:$0x1FEE0]  }
0x3e0: {  	v10 =	vld.idx.msk [tilespmem:v10+s2+$0x0], $0xffff  }
0x3e1: {  	v58 =	vld [tilespmem:$0x1A1F0];
	v48 =	vadd.f32 v56, v48  }
0x3e2: {  	v63 =	vld [tilespmem:$0x1A580]  }
0x3e3: {  	v25 =	vadd.f32 $0.0e+00, v25;
	v48 =	vadd.f32 v57, v48;
	v57 =	vld [tilespmem:$0x1FEF0]  }
0x3e4: {  	v12 =	vadd.f32 v62, v12;
	v62 =	vld [tilespmem:$0x1FF00]  }
0x3e5: {  	v20 =	vadd.f32 v20, v25;
	v25 =	vld.idx.msk [tilespmem:v39+s2+$0x0], $0xffff  }
0x3e6: {  	v1 =	vld.idx.msk [tilespmem:v1+s2+$0x0], $0xffff  }
0x3e7: {  	v61 =	vld.idx.msk [tilespmem:v7+s2+$0x0], $0xffff  }
0x3e8: {  	v36 =	vadd.f32 $0.0e+00, v36;
	v7 =	vld [tilespmem:$0x1A5B0];
	v57 =	vmul.f32 v52, v57  }
0x3e9: {  	v58 =	vld.idx.msk [tilespmem:v58+s2+$0x0], $0xffff;
	v54 =	vadd.f32 v30, v54;
	v49 =	vadd.f32 v62, v49  }
0x3ea: {  	v63 =	vld.idx.msk [tilespmem:v63+s2+$0x0], $0xffff;
	v30 =	vadd.f32 v57, v0;
	v0 =	vadd.f32 v11, v6  }
0x3eb: {  	v11 =	vadd.f32 v48, v12;
	v12 =	vadd.f32 v54, v49;
	v54 =	vld [tilespmem:$0x1FF10]  }
0x3ec: {  	v31 =	vadd.f32 v31, v36;
	v59 =	vadd.f32 $0.0e+00, v59;
	v51 =	vld [tilespmem:$0x1A590]  }
0x3ed: {  	v47 =	vld [tilespmem:$0x1FF50]  }
0x3ee: {  	v23 =	vadd.f32 v23, v31;
	v31 =	vadd.f32 v60, v59;
	v59 =	vld [tilespmem:$0x1FFF0]  }
0x3ef: {  	v44 =	vld [tilespmem:$0x1FF30]  }
0x3f0: {  	v57 =	vld [tilespmem:$0x1FF20];
	v49 =	vadd.f32 $0.0e+00, v54  }
0x3f1: {  	v35 =	vld [tilespmem:$0x1A210]  }
0x3f2: {  	v49 =	vadd.f32 v47, v49;
	v47 =	vld [tilespmem:$0x1FF60]  }
0x3f3: {  	v7 =	vld.idx.msk [tilespmem:v7+s2+$0x0], $0xffff  }
0x3f4: {  	v55 =	vld [tilespmem:$0x1A220]  }
0x3f5: {  	v51 =	vld.idx.msk [tilespmem:v51+s2+$0x0], $0xffff;
	v45 =	vadd.f32 $0.0e+00, v44;
	v54 =	vadd.f32 $0.0e+00, v57  }
0x3f6: {  	v44 =	vld [tilespmem:$0x1FF40]  }
0x3f7: {  	v45 =	vadd.f32 v53, v45;
	v53 =	vld [tilespmem:$0x1FF70];
	v54 =	vadd.f32 v47, v54  }
0x3f8: {  	v47 =	vld [tilespmem:$0x1A600]  }
0x3f9: {  	v41 =	vadd.f32 v41, v54;
	v54 =	vld [tilespmem:$0x1FF80]  }
0x3fa: {  	v35 =	vld.idx.msk [tilespmem:v35+s2+$0x0], $0xffff  }
0x3fb: {  	v56 =	vld [tilespmem:$0x1A230];
	v44 =	vadd.f32 $0.0e+00, v44  }
0x3fc: {  	v55 =	vld.idx.msk [tilespmem:v55+s2+$0x0], $0xffff  }
0x3fd: {  	v44 =	vadd.f32 v53, v44;
	v53 =	vld [tilespmem:$0x1A610]  }
0x3fe: {  	v46 =	vadd.f32 v46, v49;
	v49 =	vmul.f32 v52, v54;
	v54 =	vld [tilespmem:$0x1FF90]  }
0x3ff: {  	v6 =	vld [tilespmem:$0x1A250]  }
0x400: {  	v57 =	vld [tilespmem:$0x1A270]  }
0x401: {  	v36 =	vld.idx.msk [tilespmem:v47+s2+$0x0], $0xffff  }
0x402: {  	v47 =	vld [tilespmem:$0x1A2B0]  }
0x403: {  	v45 =	vadd.f32 v54, v45;
	v54 =	vld [tilespmem:$0x1FFA0]  }
0x404: {  	v62 =	vld [tilespmem:$0x1A240]  }
0x405: {  	v0 =	vadd.f32 v49, v0;
	v49 =	vld [tilespmem:$0x1FFB0]  }
0x406: {  	v56 =	vld.idx.msk [tilespmem:v56+s2+$0x0], $0xffff  }
0x407: {  	v48 =	vld [tilespmem:$0x1A260]  }
0x408: {  	v22 =	vadd.f32 $0.0e+00, v22;
	v6 =	vld.idx.msk [tilespmem:v6+s2+$0x0], $0xffff;
	v44 =	vadd.f32 v54, v44  }
0x409: {  	v11 =	vadd.f32 v12, v11;
	v12 =	vadd.f32 v41, v46;
	v46 =	vld.idx.msk [tilespmem:v57+s2+$0x0], $0xffff  }
0x40a: {  	v57 =	vld [tilespmem:$0x1A620];
	v41 =	vadd.f32 v44, v45;
	v45 =	vadd.f32 $0.0e+00, v49  }
0x40b: {  	v18 =	vadd.f32 v18, v22;
	v22 =	vld.idx.msk [tilespmem:v47+s2+$0x0], $0xffff  }
0x40c: {  	v54 =	vld.idx.msk [tilespmem:v62+s2+$0x0], $0xffff;
	v37 =	vadd.f32 v37, v45  }
0x40d: {  	v62 =	vld [tilespmem:$0x1A630]  }
0x40e: {  	v24 =	vadd.f32 $0.0e+00, v24;
	v28 =	vadd.f32 v28, v37;
	v37 =	vld [tilespmem:$0x1FFC0]  }
0x40f: {  	v40 =	vadd.f32 $0.0e+00, v40;
	v49 =	vld [tilespmem:$0x1FFD0]  }
0x410: {  	v19 =	vadd.f32 v19, v24;
	v12 =	vadd.f32 v41, v12;
	v41 =	vld [tilespmem:$0x1A290]  }
0x411: {  	v33 =	vadd.f32 v33, v40;
	v16 =	vadd.f32 v16, v20;
	v45 =	vld [tilespmem:$0x1A2A0]  }
0x412: {  	v15 =	vadd.f32 v15, v19;
	v14 =	vadd.f32 v14, v18;
	v47 =	vld [tilespmem:$0x1A6A0]  }
0x413: {  	v27 =	vadd.f32 v27, v33;
	v23 =	vadd.f32 v23, v26;
	v33 =	vmul.f32 v52, v37;
	v37 =	vld.idx.msk [tilespmem:v53+s2+$0x0], $0xffff  }
0x414: {  	v15 =	vadd.f32 v15, v16;
	v13 =	vadd.f32 v13, v14;
	v53 =	vld [tilespmem:$0x1A2C0]  }
0x415: {  	v8 =	vadd.f32 $0.0e+00, v8;
	v9 =	vadd.f32 $0.0e+00, v9;
	v44 =	vld.idx.msk [tilespmem:v48+s2+$0x0], $0xffff  }
0x416: {  	v13 =	vadd.f32 v13, v15;
	v3 =	vadd.f32 $0.0e+00, v3;
	v20 =	vmul.f32 v52, v49;
	v24 =	vld.idx.msk [tilespmem:v62+s2+$0x0], $0xffff  }
0x417: {  	v2 =	vadd.f32 v2, v9;
	v8 =	vadd.f32 v61, v8;
	v62 =	vld [tilespmem:$0x1A2D0]  }
0x418: {  	v3 =	vadd.f32 v58, v3;
	v12 =	vadd.f32 v20, v12;
	v20 =	vld.idx.msk [tilespmem:v41+s2+$0x0], $0xffff  }
0x419: {  	v10 =	vmul.f32 v52, v10;
	v2 =	vadd.f32 v63, v2;
	v5 =	vadd.f32 v5, v8;
	v14 =	vld.idx.msk [tilespmem:v45+s2+$0x0], $0xffff  }
0x41a: {  	v3 =	vadd.f32 v7, v3;
	v9 =	vadd.f32 v51, v31;
	v41 =	vld [tilespmem:$0x1A680]  }
0x41b: {  	v10 =	vadd.f32 v10, v13;
	v1 =	vadd.f32 $0.0e+00, v1;
	v45 =	vld [tilespmem:$0x1A690]  }
0x41c: {  	v3 =	vadd.f32 v3, v5;
	v2 =	vadd.f32 v9, v2;
	v19 =	vld.idx.msk [tilespmem:v53+s2+$0x0], $0xffff  }
0x41d: {  	v27 =	vadd.f32 v27, v28;
	v53 =	vadd.f32 $0.0e+00, v56;
	v56 =	vld [tilespmem:$0x1FFE0]  }
0x41e: {  	v63 =	vadd.f32 $0.0e+00, v17;
	v2 =	vadd.f32 v3, v2;
	v49 =	vld [tilespmem:$0x1A6B0]  }
0x41f: {  	v40 =	vmul.f32 v52, v42;
	v11 =	vadd.f32 v33, v11;
	v33 =	vld.idx.msk [tilespmem:v57+s2+$0x0], $0xffff;
	v57 =	vadd.f32 v23, v27  }
0x420: {  	v60 =	vld [tilespmem:$0x1A6B8];
	v51 =	vadd.f32 $0.0e+00, v55;
	v48 =	vadd.f32 $0.0e+00, v35  }
0x421: {  	v55 =	vld.idx.msk [tilespmem:v32+s2+$0x0], $0xffff;
	v1 =	vadd.f32 v54, v1;
	v42 =	vadd.f32 v40, v57  }
0x422: {  	v5 =	vld.idx.msk [tilespmem:v47+s2+$0x0], $0xffff;
	v57 =	vadd.f32 v44, v51;
	v58 =	vadd.f32 v46, v53;
	(xrf2) =	vadd.scan.msk.f32 $0xffff, v56  }
0x423: {  	v6 =	vadd.f32 v6, v48;
	v1 =	vadd.f32 v36, v1;
	v23 =	vld.idx.msk [tilespmem:v62+s2+$0x0], $0xffff;
	(xrf2) =	vadd.scan.msk.f32 $0xffff, v59  }
0x424: {  	v16 =	vadd.f32 v33, v57;
	v7 =	vld.idx.msk [tilespmem:v41+s2+$0x0], $0xffff;
	v24 =	vadd.f32 v24, v58;
	(xrf2) =	vadd.scan.msk.f32 $0xffff, v50  }
0x425: {  	v28 =	vadd.f32 $0.0e+00, v22;
	v6 =	vadd.f32 v37, v6;
	v61 =	vld.idx.msk [tilespmem:v45+s2+$0x0], $0xffff;
	(xrf2) =	vadd.scan.msk.f32 $0xffff, v29  }
0x426: {  	v20 =	vadd.f32 $0.0e+00, v20;
	v62 =	vadd.f32 v24, v16;
	v24 =	vld.idx.msk [tilespmem:v49+s2+$0x0], $0xffff;
	(xrf2) =	vadd.scan.msk.f32 $0xffff, v43  }
0x427: {  	v26 =	vld.idx.msk [tilespmem:v21+s2+$0x0], $0xffff;
	v14 =	vadd.f32 $0.0e+00, v14;
	v1 =	vadd.f32 v6, v1;
	(xrf2) =	vadd.scan.msk.f32 $0xffff, v38  }
0x428: {  	v15 =	vadd.f32 v23, v20;
	v13 =	vadd.f32 v19, v63;
	(xrf2) =	vadd.scan.msk.f32 $0xffff, v4  }
0x429: {  	v31 =	vmul.f32 v52, v34;
	v29 =	vadd.f32 v55, v14;
	(xrf2) =	vadd.scan.msk.f32 $0xffff, v30;
	v30 =	vadd.f32 v25, v28  }
0x42a: {  	v32 =	vld.idx.msk [tilespmem:v60+s2+$0x0], $0xffff;
	v3 =	vadd.f32 v61, v15;
	v7 =	vadd.f32 v7, v13;
	(xrf2) =	vadd.scan.msk.f32 $0xffff, v0  }
0x42b: {  	v0 =	vadd.f32 v5, v29;
	(xrf2) =	vadd.scan.msk.f32 $0xffff, v11;
	v33 =	vadd.f32 v24, v30  }
0x42c: {  	v2 =	vadd.f32 v31, v2;
	v1 =	vadd.f32 v62, v1;
	v4 =	vmul.f32 v52, v26;
	v34, _, _ =	vpop (xrf2);
	(xrf2) =	vadd.scan.msk.f32 $0xffff, v12  }
0x42d: {  	v3 =	vadd.f32 v3, v7;
	v35, _, _ =	vpop (xrf2);
	(xrf2) =	vadd.scan.msk.f32 $0xffff, v42;
	v0 =	vadd.f32 v33, v0  }
0x42e: {  	v1 =	vadd.f32 v4, v1;
	v37 =	vbroadcast v34, $0xF;
	v36, _, _ =	vpop (xrf2);
	(xrf2) =	vadd.scan.msk.f32 $0xffff, v10;
	v6 =	vbroadcast v35, $0xF  }
0x42f: {  	v40 =	vmul.f32 v52, v32;
	v38, _, _ =	vpop (xrf2);
	(xrf2) =	vadd.scan.msk.f32 $0xffff, v2;
	v0 =	vadd.f32 v0, v3;
	v39 =	vbroadcast v36, $0xF  }
0x430: {  	v41 =	vsel vm0, v37, v6;
	v4 =	vbroadcast v38, $0xF;
	v42, _, _ =	vpop (xrf2);
	(xrf2) =	vadd.scan.msk.f32 $0xffff, v1  }
0x431: {  	v43, _, _ =	vpop (xrf2);
	v2 =	vsel vm1, v41, v39;
	v44 =	vbroadcast v42, $0xF;
	v0 =	vadd.f32 v40, v0  }
0x432: {  	v45, _, _ =	vpop (xrf2);
	v2 =	vsel vm2, v2, v4;
	v1 =	vbroadcast v43, $0xF  }
0x433: {  	v2 =	vsel vm3, v2, v44;
	v3 =	vbroadcast v45, $0xF;
	v46, _, _ =	vpop (xrf2);
	(xrf2) =	vadd.scan.msk.f32 $0xffff, v0  }
0x434: {  	v47, _, _ =	vpop (xrf2);
	v1 =	vsel vm4, v2, v1;
	v48 =	vbroadcast v46, $0xF  }
0x435: {  	v49, _, _ =	vpop (xrf2);
	v1 =	vsel vm5, v1, v3;
	v0 =	vbroadcast v47, $0xF  }
0x436: {  	v50, _, _ =	vpop (xrf2);
	v1 =	vsel vm6, v1, v48;
	v51 =	vbroadcast v49, $0xF  }
0x437: {  	v53, _, _ =	vpop (xrf2);
	v0 =	vsel vm7, v1, v0;
	v54 =	vbroadcast v50, $0xF  }
0x438: {  	v55, _, _ =	vpop (xrf2);
	v0 =	vsel vm8, v0, v51;
	v56 =	vbroadcast v53, $0xF  }
0x439: {  	v61 =	vlaneseq.u32;
	v57, _, _ =	vpop (xrf2);
	v0 =	vsel vm9, v0, v54;
	v58 =	vbroadcast v55, $0xF  }
0x43a: {  	v4 =	vor.u32 s17, v61;
	v59, _, _ =	vpop (xrf2);
	v0 =	vsel vm10, v0, v56;
	v60 =	vbroadcast v57, $0xF  }
.Ltmp2:
0x43b: {  	v0 =	vsel vm11, v0, v58;
	v62 =	vbroadcast v59, $0xF;
	(pc) =	sbr.rel @p0 .LBB2_4-.Ltmp2, $4  }
0x43c: {  	v0 =	vsel vm12, v0, v60  }
0x43d: {  	v0 =	vsel vm13, v0, v62;
	v63, _, _ =	vpop (xrf2)  }
0x43e: {  	v0 =	vsel vm14, v0, v63  }
0x43f: {  	[tilespmem:v4+s13+$0x0] =	vst.idx.msk $0xffff, v0  }
.Ltmp3:
0x440: {  	(pc) =	sbr.rel .LBB2_2-.Ltmp3, $3  }
0x441: {  	_ =	sdelay $0x1  }
0x442: {  	[tilespmem:s10], [sflag:$0x3] =	stream.linear.gather [hbm4b:s18+s2], $0x1000, $0x38;
	[tilespmem:$0x1A800] =	vst v63  }
0x443: {  	s17 =	sadd.s32 $0x20, s17;
	s18 =	sadd.s32 $0x400, s18  }
.LBB2_5:
0x444: {  	_ =	sfence.sel $0x180000  }
0x445: {  	[bflag:$0x0] =	sbarrier.arrive $0xFFFF  }
0x446: {  	p0 =	sne.s32 s1, $0x0;
	_ =	strace $0x90000047  }
0x447: {  	s0 =	sadd.s32 @!p0 $0x100000, s0;
	[bflag:$0x2] =	sbarrier.arrive $0xFFFF  }
0x448: {  	[sflag:s0] =	ssyncadd.tile.s32 @!p0 $0x1;
	_ =	shalt  }
.Lfunc_end2:
_tile_overlayer_lowered:
.L_overlay_start_2:
0x449: {  	(tag) =	ssettag $0x2  }
0x44a: {  	s0 =	rddreg [dreg:$0x0];
	s2 =	stileid.u32  }
0x44b: {  	s1 =	rddreg [dreg:$0x1];
	p0 =	sne.s32 s2, $0x0  }
0x44c: {  	s3 =	rddreg [dreg:$0x2];
	[bflag:$0x3] =	sbarrier.arrive $0xFFFF;
	s2 =	simm.s32 @!p0 $0x1C04  }
0x44d: {  	[timem:s3], [sflag:s2] =	dma.local @!p0 [hbm:s0], s1  }
0x44e: {  	s0 =	simm.s32 @!p0 $0x4  }
0x44f: {  	_ =	swait.ge @!p0 [sflag:s0], s1  }
0x450: {  	s1 =	ssub.s32 @!p0 $0x0, s1;
	[sflag:s0] =	ssyncset.done @!p0 $0x0  }
0x451: {  	[sflag:s0] =	ssyncadd.s32 @!p0 s1  }
0x452: {  	[bflag:$0x3] =	sbarrier.arrive $0xFFFF  }
0x453: {  	_ =	shalt  }

</sc_bundles>
